<compile_context>
chip_gen: v7x
topology: tpu7x:2x2x1
jax: 0.10.2.dev20260603
libtpu: 0.0.44.dev20260713+nightly
codegen_flags: <defaults>
</compile_context>

<pallas_src>
import functools

import jax
import jax.numpy as jnp
from jax import lax
from jax.experimental import pallas as pl
from jax.experimental.pallas import tpu as pltpu
from jax.experimental.pallas import tpu_sc as plsc

N = 10000
C = 256
CW = C // 2
K = 16
NC = 2
NS = 16
NPAD = 10240
NPW0 = 512
NPW1 = 128
CHUNK = 16
NBUF = 2
L = 16


def _sc_gather_sum(x_packed, idx_flat):
    mesh = plsc.VectorSubcoreMesh(core_axis_name="c", subcore_axis_name="s")

    @functools.partial(
        pl.kernel,
        mesh=mesh,
        compiler_params=pltpu.CompilerParams(needs_layout_passes=False),
        out_type=jax.ShapeDtypeStruct((NPAD, CW), jnp.int32),
        scratch_types=[
            pltpu.VMEM((NPW0 * K,), jnp.int32),
            pltpu.VMEM((NBUF, CHUNK * K, CW), jnp.int32),
            pltpu.VMEM((NBUF, CHUNK, CW), jnp.int32),
            pltpu.SemaphoreType.DMA,
            pltpu.SemaphoreType.DMA,
            pltpu.SemaphoreType.DMA,
            pltpu.SemaphoreType.DMA,
        ],
    )
    def k(xt_hbm, idx_hbm, out_hbm, idx_v, gbuf, obuf, gs0, gs1, os0, os1):
        gsems = [gs0, gs1]
        osems = [os0, os1]
        s = lax.axis_index("s")
        c = lax.axis_index("c")
        fast = c == 0
        base = jnp.where(fast, s * NPW0, NS * NPW0 + s * NPW1)
        nchunks = jnp.where(fast, NPW0 // CHUNK, NPW1 // CHUNK)
        if True:
            pltpu.sync_copy(
                idx_hbm.at[pl.ds(base * K, NPW0 * K)],
                idx_v,
            )

            def gather(chunk_i, buf_i):
                pltpu.async_copy(
                    xt_hbm.at[
                        idx_v.at[pl.ds(chunk_i * (CHUNK * K), CHUNK * K)]],
                    gbuf.at[buf_i],
                    gsems[buf_i],
                )

            def flush(chunk_i, buf_i):
                pltpu.async_copy(
                    obuf.at[buf_i],
                    out_hbm.at[pl.ds(base + chunk_i * CHUNK, CHUNK)],
                    osems[buf_i],
                )

            def flush_wait(buf_i):
                pltpu.make_async_copy(
                    obuf.at[buf_i],
                    out_hbm.at[pl.ds(base, CHUNK)],
                    osems[buf_i],
                ).wait()

            @pl.when(nchunks > 0)
            def _():
                for b in range(NBUF):
                    gather(b, b)

            def body(i, _):
                for b in range(NBUF):
                    ci = i * NBUF + b
                    pltpu.make_async_copy(
                        xt_hbm.at[idx_v.at[pl.ds(0, CHUNK * K)]],
                        gbuf.at[b],
                        gsems[b],
                    ).wait()

                    @pl.when(ci >= NBUF)
                    def _():
                        flush_wait(b)

                    def node_body(node, _):
                        r0 = node * K
                        for j in range(CW // L):
                            v = [
                                plsc.bitcast(
                                    gbuf[b, r0 + r, pl.ds(j * L, L)],
                                    jnp.bfloat16,
                                )
                                for r in range(K)
                            ]
                            while len(v) > 1:
                                v = [v[i] + v[i + 1]
                                     for i in range(0, len(v), 2)]
                            obuf[b, node, pl.ds(j * L, L)] = plsc.bitcast(
                                v[0], jnp.int32)
                        return 0

                    lax.fori_loop(0, CHUNK, node_body, 0)

                    flush(ci, b)
                    nxt = ci + NBUF

                    @pl.when(nxt < nchunks)
                    def _():
                        gather(nxt, b)
                return 0

            lax.fori_loop(0, nchunks // NBUF, body, 0)

            @pl.when(nchunks > 0)
            def _():
                for b in range(NBUF):
                    flush_wait(b)

    return k(x_packed, idx_flat)


def _tc_conv(x, agg, w, b2):
    TILE = 512

    def body(x_ref, a_ref, w_ref, b_ref, out_ref):
        h = x_ref[...] + a_ref[...].astype(jnp.float32)
        acc = lax.dot_general(
            w_ref[...], h, (((1,), (1,)), ((), ())),
            preferred_element_type=jnp.float32,
        )
        out_ref[...] = jnp.maximum(acc + b_ref[...], 0.0)

    return pl.pallas_call(
        body,
        grid=(NPAD // TILE,),
        in_specs=[
            pl.BlockSpec((TILE, C), lambda i: (i, 0)),
            pl.BlockSpec((TILE, C), lambda i: (i, 0)),
            pl.BlockSpec((C, C), lambda i: (0, 0)),
            pl.BlockSpec((C, 1), lambda i: (0, 0)),
        ],
        out_specs=pl.BlockSpec((C, TILE), lambda i: (0, i)),
        out_shape=jax.ShapeDtypeStruct((C, NPAD), jnp.float32),
    )(x, agg, w, b2)


def kernel(x, x_0, edge_index, W, b):
    del x_0
    x_flat = x[0, :, :, 0]
    x_t = jnp.transpose(x_flat)
    x_t_pad = jnp.pad(x_t, ((0, NPAD - N), (0, 0)))
    x_bf = x_t_pad.astype(jnp.bfloat16)
    y = x_bf.reshape(NPAD, CW // L, 2, L).transpose(0, 1, 3, 2)
    x_packed = lax.bitcast_convert_type(y, jnp.int32).reshape(NPAD, CW)
    idx = edge_index[0, 0]
    idx_pad = jnp.pad(
        idx, ((0, NPAD + NPW0 - NPW1 - N), (0, 0))
    ).reshape((NPAD + NPW0 - NPW1) * K)
    agg_w = _sc_gather_sum(x_packed, idx_pad)
    agg = lax.bitcast_convert_type(
        agg_w.reshape(NPAD, CW // L, L), jnp.bfloat16
    ).transpose(0, 1, 3, 2).reshape(NPAD, C)
    out = _tc_conv(x_t_pad, agg, W, jnp.reshape(b, (C, 1)))
    return out[:, :N][None, :, :, None]

# --- scband reference (transcript-rebuilt; emitter-appended) ---
"""Pipeline reference for scband-ginconv2d-6150393168694 (READ-ONLY COPY).

The authoritative reference and input builder live on the scoring server;
editing this copy changes nothing except your own understanding.
"""

import jax, jax.numpy as jnp
import numpy as np

EPS = 0.0  # initial_eps, train_eps=False -> constant buffer

B, C_IN, C_OUT, N, K = 1, 256, 256, 10000, 16


def setup_inputs(seed: int = 0) -> dict:
    key = jax.random.key(seed)
    k1, k2, k3, k4, k5 = jax.random.split(key, 5)
    x = jax.random.normal(k1, (B, C_IN, N, 1), dtype=jnp.float32)
    x_0 = jax.random.normal(k2, (B, C_IN, N, 1), dtype=jnp.float32)
    # dense KNN edge_index: [2, B, N, K]; row 0 = neighbor (source) indices
    edge_index = jax.random.randint(k3, (2, B, N, K), 0, N, dtype=jnp.int32)
    # BasicConv2([in, out], 'relu', None, bias=True) == 1x1 Conv2d + ReLU
    W = jax.random.normal(k4, (C_OUT, C_IN), dtype=jnp.float32) * (1.0 / np.sqrt(C_IN))
    b = jax.random.normal(k5, (C_OUT,), dtype=jnp.float32) * 0.01
    return {"x": x, "x_0": x_0, "edge_index": edge_index, "W": W, "b": b}


def _batched_index_select(x_flat, idx):
    # x_flat: [B, C, N]; idx: [B, N, K] -> [B, C, N, K]
    return jax.vmap(lambda xf, id_: xf[:, id_])(x_flat, idx)


def reference(x, x_0, edge_index, W, b):
    # remove_self_loops: identity for dense KNN format (inputs generated without
    # structural self-loops); edge_index passed through unchanged.
    idx = edge_index[0]              # [B, N, K] neighbor indices
    x_flat = x[..., 0]               # [B, C, N]
    x_j = _batched_index_select(x_flat, idx)        # [B, C, N, K]
    agg = jnp.sum(x_j, axis=-1, keepdims=True)      # [B, C, N, 1]
    h = (1.0 + EPS) * x + agg                        # [B, C, N, 1]
    # 1x1 conv == channel matmul
    out = jnp.einsum('oi,bins->bons', W, h) + b[None, :, None, None]
    return jax.nn.relu(out)

if __name__ == "__main__":
    import jax
    _d = setup_inputs()
    print(jax.jit(kernel)(*tuple(_d.values())))

</pallas_src>

<mosaic_0001>
#map = affine_map<(d0, d1) -> (0, 0)>
#map1 = affine_map<(d0, d1) -> (0)>
module attributes {stable_mosaic.version = 14 : i64} {
  func.func @k(%arg0: i32, %arg1: i32, %arg2: memref<10240x128xi32, #tpu.memory_space<hbm>>, %arg3: memref<169984xi32, #tpu.memory_space<hbm>>, %arg4: memref<10240x128xi32, #tpu.memory_space<hbm>>, %arg5: memref<8192xi32, #tpu.memory_space<vmem>>, %arg6: memref<2x256x128xi32, #tpu.memory_space<vmem>>, %arg7: memref<2x16x128xi32, #tpu.memory_space<vmem>>, %arg8: memref<!tpu.dma_semaphore, #tpu.memory_space<semaphore_mem>>, %arg9: memref<!tpu.dma_semaphore, #tpu.memory_space<semaphore_mem>>, %arg10: memref<!tpu.dma_semaphore, #tpu.memory_space<semaphore_mem>>, %arg11: memref<!tpu.dma_semaphore, #tpu.memory_space<semaphore_mem>>) attributes {dimension_semantics = [#tpu.dimension_semantics<core_parallel>, #tpu.dimension_semantics<subcore_parallel>], iteration_bounds = array<i64: 2, 16>, scalar_prefetch = 0 : i64, scratch_operands = 7 : i64, tpu.core_type = #tpu.core_type<sc_vector_subcore>, window_params = [{transform_indices = #map}, {transform_indices = #map1}, {transform_indices = #map}]} {
    %eq3A = arith.constant 0 : i32
    %eq3A_0 = arith.cmpi eq, %arg0, %eq3A : i32
    %mul3A = arith.constant 512 : i32
    %mul3A_1 = arith.muli %arg1, %mul3A : i32
    %mul3A_2 = arith.constant 128 : i32
    %mul3A_3 = arith.muli %arg1, %mul3A_2 : i32
    %add3A = arith.constant 8192 : i32
    %add3A_4 = arith.addi %add3A, %mul3A_3 : i32
    %select_n3A = arith.select %eq3A_0, %mul3A_1, %add3A_4 : i32
    %jit3A = arith.constant 32 : i32
    %jit3A_5 = arith.constant 8 : i32
    %select_n3A_6 = arith.select %eq3A_0, %jit3A, %jit3A_5 : i32
    %mul3A_7 = arith.constant 16 : i32
    %mul3A_8 = arith.muli %select_n3A, %mul3A_7 : i32
    "tpu.region"() ({
      %run_scoped3A = tpu.sem_alloc : memref<!tpu.dma_semaphore, #tpu.memory_space<semaphore_mem>>
      %dma_start3A = tpu.memref_slice %arg3[%mul3A_8] : memref<169984xi32, #tpu.memory_space<hbm>> -> memref<8192xi32, #tpu.memory_space<hbm>>
      %dma_start3A_45 = tpu.memref_slice %arg3[%mul3A_8] : memref<169984xi32, #tpu.memory_space<hbm>> -> memref<8192xi32, #tpu.memory_space<hbm>>
      tpu.enqueue_dma source(%dma_start3A_45 : memref<8192xi32, #tpu.memory_space<hbm>>) target(%arg5 : memref<8192xi32, #tpu.memory_space<vmem>>) target_semaphore(%run_scoped3A : memref<!tpu.dma_semaphore, #tpu.memory_space<semaphore_mem>>)
      %dma_wait3A = tpu.memref_slice %arg3[%mul3A_8] : memref<169984xi32, #tpu.memory_space<hbm>> -> memref<8192xi32, #tpu.memory_space<hbm>>
      %dma_wait3A_46 = tpu.memref_slice %arg3[%mul3A_8] : memref<169984xi32, #tpu.memory_space<hbm>> -> memref<8192xi32, #tpu.memory_space<hbm>>
      tpu.wait_dma2 semaphore(%run_scoped3A : memref<!tpu.dma_semaphore, #tpu.memory_space<semaphore_mem>>) src(%dma_wait3A_46 : memref<8192xi32, #tpu.memory_space<hbm>>) dst(%arg5 : memref<8192xi32, #tpu.memory_space<vmem>>)
      tpu.yield
    }) : () -> ()
    %gt3A = arith.constant 0 : i32
    %gt3A_9 = arith.cmpi sgt, %select_n3A_6, %gt3A : i32
    %convert_element_type3A = arith.extui %gt3A_9 : i1 to i32
    %cond3A = arith.constant 0 : i32
    %cond3A_10 = arith.cmpi ne, %convert_element_type3A, %cond3A : i32
    scf.if %cond3A_10 {
      %dma_start3A = arith.constant 0 : i32
      %dma_start3A_45 = arith.constant 0 : i32
      %dma_start3A_46 = arith.constant 0 : i32
      %dma_start3A_47 = tpu.memref_slice %arg6[%dma_start3A, %dma_start3A_45, %dma_start3A_46] : memref<2x256x128xi32, #tpu.memory_space<vmem>> -> memref<1x256x128xi32, #tpu.memory_space<vmem>>
      %dma_start3A_48 = tpu.memref_squeeze %dma_start3A_47 : memref<1x256x128xi32, #tpu.memory_space<vmem>> -> memref<256x128xi32, #tpu.memory_space<vmem>>
      %dma_start3A_49 = arith.constant 0 : i32
      %dma_start3A_50 = tpu.memref_slice %arg5[%dma_start3A_49] : memref<8192xi32, #tpu.memory_space<vmem>> -> memref<256xi32, #tpu.memory_space<vmem>>
      %dma_start3A_51 = arith.constant 0 : i32
      %dma_start3A_52 = arith.constant 0 : i32
      %dma_start3A_53 = tpu.memref_slice %arg2[%dma_start3A_51, %dma_start3A_52] : memref<10240x128xi32, #tpu.memory_space<hbm>> -> memref<10240x128xi32, #tpu.memory_space<hbm>>
      tpu.enqueue_indirect_dma source(%dma_start3A_53 : memref<10240x128xi32, #tpu.memory_space<hbm>>) target(%dma_start3A_48 : memref<256x128xi32, #tpu.memory_space<vmem>>) offsets(%dma_start3A_50 : memref<256xi32, #tpu.memory_space<vmem>>) semaphore(%arg8 : memref<!tpu.dma_semaphore, #tpu.memory_space<semaphore_mem>>)
      %dma_start3A_54 = arith.constant 1 : i32
      %dma_start3A_55 = arith.constant 0 : i32
      %dma_start3A_56 = arith.constant 0 : i32
      %dma_start3A_57 = tpu.memref_slice %arg6[%dma_start3A_54, %dma_start3A_55, %dma_start3A_56] : memref<2x256x128xi32, #tpu.memory_space<vmem>> -> memref<1x256x128xi32, #tpu.memory_space<vmem>>
      %dma_start3A_58 = tpu.memref_squeeze %dma_start3A_57 : memref<1x256x128xi32, #tpu.memory_space<vmem>> -> memref<256x128xi32, #tpu.memory_space<vmem>>
      %dma_start3A_59 = arith.constant 256 : i32
      %dma_start3A_60 = tpu.memref_slice %arg5[%dma_start3A_59] : memref<8192xi32, #tpu.memory_space<vmem>> -> memref<256xi32, #tpu.memory_space<vmem>>
      %dma_start3A_61 = arith.constant 0 : i32
      %dma_start3A_62 = arith.constant 0 : i32
      %dma_start3A_63 = tpu.memref_slice %arg2[%dma_start3A_61, %dma_start3A_62] : memref<10240x128xi32, #tpu.memory_space<hbm>> -> memref<10240x128xi32, #tpu.memory_space<hbm>>
      tpu.enqueue_indirect_dma source(%dma_start3A_63 : memref<10240x128xi32, #tpu.memory_space<hbm>>) target(%dma_start3A_58 : memref<256x128xi32, #tpu.memory_space<vmem>>) offsets(%dma_start3A_60 : memref<256xi32, #tpu.memory_space<vmem>>) semaphore(%arg9 : memref<!tpu.dma_semaphore, #tpu.memory_space<semaphore_mem>>)
    } else {
    }
    %jit3A_11 = arith.constant 2 : i32
    %div3A = arith.divsi %select_n3A_6, %jit3A_11 : i32
    %sign3A = arith.constant 0 : i32
    %sign3A_12 = arith.cmpi sgt, %select_n3A_6, %sign3A : i32
    %sign3A_13 = arith.extui %sign3A_12 : i1 to i32
    %sign3A_14 = arith.constant 0 : i32
    %sign3A_15 = arith.cmpi slt, %select_n3A_6, %sign3A_14 : i32
    %sign3A_16 = arith.extui %sign3A_15 : i1 to i32
    %sign3A_17 = arith.subi %sign3A_13, %sign3A_16 : i32
    %sign3A_18 = arith.constant 0 : i32
    %sign3A_19 = arith.cmpi sgt, %jit3A_11, %sign3A_18 : i32
    %sign3A_20 = arith.extui %sign3A_19 : i1 to i32
    %sign3A_21 = arith.constant 0 : i32
    %sign3A_22 = arith.cmpi slt, %jit3A_11, %sign3A_21 : i32
    %sign3A_23 = arith.extui %sign3A_22 : i1 to i32
    %sign3A_24 = arith.subi %sign3A_20, %sign3A_23 : i32
    %ne3A = arith.cmpi ne, %sign3A_17, %sign3A_24 : i32
    %rem3A = arith.remsi %select_n3A_6, %jit3A_11 : i32
    %ne3A_25 = arith.constant 0 : i32
    %ne3A_26 = arith.cmpi ne, %rem3A, %ne3A_25 : i32
    %and3A = arith.andi %ne3A, %ne3A_26 : i1
    %sub3A = arith.constant 1 : i32
    %sub3A_27 = arith.subi %div3A, %sub3A : i32
    %select_n3A_28 = arith.select %and3A, %sub3A_27, %div3A : i32
    %while3A = arith.constant 0 : i32
    %while3A_29 = arith.constant 0 : i32
    %while3A_30 = arith.subi %select_n3A_28, %while3A : i32
    %while3A_31 = arith.addi %while3A, %while3A_30 : i32
    %while3A_32 = arith.constant 1 : i32
    %while3A_33 = arith.divsi %while3A_30, %while3A_32 : i32
    %while3A_34 = arith.muli %while3A_33, %while3A_32 : i32
    %while3A_35 = arith.addi %while3A, %while3A_34 : i32
    %while3A_36 = arith.constant 1 : i32
    %while3A_37 = scf.for %while3A_45 = %while3A to %while3A_35 step %while3A_36 iter_args(%while3A_46 = %while3A_29) -> (i32)  : i32 {
      %mul3A_47 = arith.constant 2 : i32
      %mul3A_48 = arith.muli %while3A_45, %mul3A_47 : i32
      %add3A_49 = arith.constant 0 : i32
      %add3A_50 = arith.addi %mul3A_48, %add3A_49 : i32
      %dma_wait3A = arith.constant 0 : i32
      %dma_wait3A_51 = arith.constant 0 : i32
      %dma_wait3A_52 = arith.constant 0 : i32
      %dma_wait3A_53 = tpu.memref_slice %arg6[%dma_wait3A, %dma_wait3A_51, %dma_wait3A_52] : memref<2x256x128xi32, #tpu.memory_space<vmem>> -> memref<1x256x128xi32, #tpu.memory_space<vmem>>
      %dma_wait3A_54 = tpu.memref_squeeze %dma_wait3A_53 : memref<1x256x128xi32, #tpu.memory_space<vmem>> -> memref<256x128xi32, #tpu.memory_space<vmem>>
      %dma_wait3A_55 = arith.constant 0 : i32
      %dma_wait3A_56 = tpu.memref_slice %arg5[%dma_wait3A_55] : memref<8192xi32, #tpu.memory_space<vmem>> -> memref<256xi32, #tpu.memory_space<vmem>>
      %dma_wait3A_57 = arith.constant 0 : i32
      %dma_wait3A_58 = arith.constant 0 : i32
      %dma_wait3A_59 = tpu.memref_slice %arg2[%dma_wait3A_57, %dma_wait3A_58] : memref<10240x128xi32, #tpu.memory_space<hbm>> -> memref<10240x128xi32, #tpu.memory_space<hbm>>
      tpu.wait_indirect_dma semaphore(%arg8 : memref<!tpu.dma_semaphore, #tpu.memory_space<semaphore_mem>>) src(%dma_wait3A_59 : memref<10240x128xi32, #tpu.memory_space<hbm>>) dst(%dma_wait3A_54 : memref<256x128xi32, #tpu.memory_space<vmem>>)
      %ge3A = arith.constant 2 : i32
      %ge3A_60 = arith.cmpi sge, %add3A_50, %ge3A : i32
      %convert_element_type3A_61 = arith.extui %ge3A_60 : i1 to i32
      %cond3A_62 = arith.constant 0 : i32
      %cond3A_63 = arith.cmpi ne, %convert_element_type3A_61, %cond3A_62 : i32
      scf.if %cond3A_63 {
        %dma_wait3A_139 = arith.constant 0 : i32
        %dma_wait3A_140 = arith.constant 0 : i32
        %dma_wait3A_141 = arith.constant 0 : i32
        %dma_wait3A_142 = tpu.memref_slice %arg7[%dma_wait3A_139, %dma_wait3A_140, %dma_wait3A_141] : memref<2x16x128xi32, #tpu.memory_space<vmem>> -> memref<1x16x128xi32, #tpu.memory_space<vmem>>
        %dma_wait3A_143 = tpu.memref_squeeze %dma_wait3A_142 : memref<1x16x128xi32, #tpu.memory_space<vmem>> -> memref<16x128xi32, #tpu.memory_space<vmem>>
        %dma_wait3A_144 = arith.constant 0 : i32
        %dma_wait3A_145 = tpu.memref_slice %arg4[%select_n3A, %dma_wait3A_144] : memref<10240x128xi32, #tpu.memory_space<hbm>> -> memref<16x128xi32, #tpu.memory_space<hbm>>
        %dma_wait3A_146 = arith.constant 0 : i32
        %dma_wait3A_147 = tpu.memref_slice %arg4[%select_n3A, %dma_wait3A_146] : memref<10240x128xi32, #tpu.memory_space<hbm>> -> memref<16x128xi32, #tpu.memory_space<hbm>>
        %dma_wait3A_148 = arith.constant 0 : i32
        %dma_wait3A_149 = arith.constant 0 : i32
        %dma_wait3A_150 = tpu.memref_slice %arg7[%dma_wait3A_139, %dma_wait3A_148, %dma_wait3A_149] : memref<2x16x128xi32, #tpu.memory_space<vmem>> -> memref<1x16x128xi32, #tpu.memory_space<vmem>>
        %dma_wait3A_151 = tpu.memref_squeeze %dma_wait3A_150 : memref<1x16x128xi32, #tpu.memory_space<vmem>> -> memref<16x128xi32, #tpu.memory_space<vmem>>
        tpu.wait_dma2 semaphore(%arg10 : memref<!tpu.dma_semaphore, #tpu.memory_space<semaphore_mem>>) src(%dma_wait3A_151 : memref<16x128xi32, #tpu.memory_space<vmem>>) dst(%dma_wait3A_147 : memref<16x128xi32, #tpu.memory_space<hbm>>)
      } else {
      }
      %scan3A = arith.constant 0 : i32
      %scan3A_64 = arith.constant 0 : i32
      %scan3A_65 = arith.constant 16 : i32
      %scan3A_66 = arith.addi %scan3A_64, %scan3A_65 : i32
      %scan3A_67 = arith.constant 1 : i32
      %scan3A_68 = scf.for %scan3A_139 = %scan3A_64 to %scan3A_66 step %scan3A_67 iter_args(%scan3A_140 = %scan3A) -> (i32)  : i32 {
        %mul3A_141 = arith.constant 16 : i32
        %mul3A_142 = arith.muli %scan3A_139, %mul3A_141 : i32
        %add3A_143 = arith.constant 0 : i32
        %add3A_144 = arith.addi %mul3A_142, %add3A_143 : i32
        %get3A = arith.constant 0 : i32
        %get3A_145 = arith.index_cast %get3A : i32 to index
        %get3A_146 = arith.index_cast %add3A_144 : i32 to index
        %get3A_147 = arith.constant 0 : index
        %get3A_148 = tpu.vector_load %arg6[%get3A_145, %get3A_146, %get3A_147] {strides = array<i32>} : memref<2x256x128xi32, #tpu.memory_space<vmem>>, vector<16xi32>,
        %bitcast3A = vector.bitcast %get3A_148 : vector<16xi32> to vector<32xbf16>
        %add3A_149 = arith.constant 1 : i32
        %add3A_150 = arith.addi %mul3A_142, %add3A_149 : i32
        %get3A_151 = arith.constant 0 : i32
        %get3A_152 = arith.index_cast %get3A_151 : i32 to index
        %get3A_153 = arith.index_cast %add3A_150 : i32 to index
        %get3A_154 = arith.constant 0 : index
        %get3A_155 = tpu.vector_load %arg6[%get3A_152, %get3A_153, %get3A_154] {strides = array<i32>} : memref<2x256x128xi32, #tpu.memory_space<vmem>>, vector<16xi32>,
        %bitcast3A_156 = vector.bitcast %get3A_155 : vector<16xi32> to vector<32xbf16>
        %add3A_157 = arith.constant 2 : i32
        %add3A_158 = arith.addi %mul3A_142, %add3A_157 : i32
        %get3A_159 = arith.constant 0 : i32
        %get3A_160 = arith.index_cast %get3A_159 : i32 to index
        %get3A_161 = arith.index_cast %add3A_158 : i32 to index
        %get3A_162 = arith.constant 0 : index
        %get3A_163 = tpu.vector_load %arg6[%get3A_160, %get3A_161, %get3A_162] {strides = array<i32>} : memref<2x256x128xi32, #tpu.memory_space<vmem>>, vector<16xi32>,
        %bitcast3A_164 = vector.bitcast %get3A_163 : vector<16xi32> to vector<32xbf16>
        %add3A_165 = arith.constant 3 : i32
        %add3A_166 = arith.addi %mul3A_142, %add3A_165 : i32
        %get3A_167 = arith.constant 0 : i32
        %get3A_168 = arith.index_cast %get3A_167 : i32 to index
        %get3A_169 = arith.index_cast %add3A_166 : i32 to index
        %get3A_170 = arith.constant 0 : index
        %get3A_171 = tpu.vector_load %arg6[%get3A_168, %get3A_169, %get3A_170] {strides = array<i32>} : memref<2x256x128xi32, #tpu.memory_space<vmem>>, vector<16xi32>,
        %bitcast3A_172 = vector.bitcast %get3A_171 : vector<16xi32> to vector<32xbf16>
        %add3A_173 = arith.constant 4 : i32
        %add3A_174 = arith.addi %mul3A_142, %add3A_173 : i32
        %get3A_175 = arith.constant 0 : i32
        %get3A_176 = arith.index_cast %get3A_175 : i32 to index
        %get3A_177 = arith.index_cast %add3A_174 : i32 to index
        %get3A_178 = arith.constant 0 : index
        %get3A_179 = tpu.vector_load %arg6[%get3A_176, %get3A_177, %get3A_178] {strides = array<i32>} : memref<2x256x128xi32, #tpu.memory_space<vmem>>, vector<16xi32>,
        %bitcast3A_180 = vector.bitcast %get3A_179 : vector<16xi32> to vector<32xbf16>
        %add3A_181 = arith.constant 5 : i32
        %add3A_182 = arith.addi %mul3A_142, %add3A_181 : i32
        %get3A_183 = arith.constant 0 : i32
        %get3A_184 = arith.index_cast %get3A_183 : i32 to index
        %get3A_185 = arith.index_cast %add3A_182 : i32 to index
        %get3A_186 = arith.constant 0 : index
        %get3A_187 = tpu.vector_load %arg6[%get3A_184, %get3A_185, %get3A_186] {strides = array<i32>} : memref<2x256x128xi32, #tpu.memory_space<vmem>>, vector<16xi32>,
        %bitcast3A_188 = vector.bitcast %get3A_187 : vector<16xi32> to vector<32xbf16>
        %add3A_189 = arith.constant 6 : i32
        %add3A_190 = arith.addi %mul3A_142, %add3A_189 : i32
        %get3A_191 = arith.constant 0 : i32
        %get3A_192 = arith.index_cast %get3A_191 : i32 to index
        %get3A_193 = arith.index_cast %add3A_190 : i32 to index
        %get3A_194 = arith.constant 0 : index
        %get3A_195 = tpu.vector_load %arg6[%get3A_192, %get3A_193, %get3A_194] {strides = array<i32>} : memref<2x256x128xi32, #tpu.memory_space<vmem>>, vector<16xi32>,
        %bitcast3A_196 = vector.bitcast %get3A_195 : vector<16xi32> to vector<32xbf16>
        %add3A_197 = arith.constant 7 : i32
        %add3A_198 = arith.addi %mul3A_142, %add3A_197 : i32
        %get3A_199 = arith.constant 0 : i32
        %get3A_200 = arith.index_cast %get3A_199 : i32 to index
        %get3A_201 = arith.index_cast %add3A_198 : i32 to index
        %get3A_202 = arith.constant 0 : index
        %get3A_203 = tpu.vector_load %arg6[%get3A_200, %get3A_201, %get3A_202] {strides = array<i32>} : memref<2x256x128xi32, #tpu.memory_space<vmem>>, vector<16xi32>,
        %bitcast3A_204 = vector.bitcast %get3A_203 : vector<16xi32> to vector<32xbf16>
        %add3A_205 = arith.constant 8 : i32
        %add3A_206 = arith.addi %mul3A_142, %add3A_205 : i32
        %get3A_207 = arith.constant 0 : i32
        %get3A_208 = arith.index_cast %get3A_207 : i32 to index
        %get3A_209 = arith.index_cast %add3A_206 : i32 to index
        %get3A_210 = arith.constant 0 : index
        %get3A_211 = tpu.vector_load %arg6[%get3A_208, %get3A_209, %get3A_210] {strides = array<i32>} : memref<2x256x128xi32, #tpu.memory_space<vmem>>, vector<16xi32>,
        %bitcast3A_212 = vector.bitcast %get3A_211 : vector<16xi32> to vector<32xbf16>
        %add3A_213 = arith.constant 9 : i32
        %add3A_214 = arith.addi %mul3A_142, %add3A_213 : i32
        %get3A_215 = arith.constant 0 : i32
        %get3A_216 = arith.index_cast %get3A_215 : i32 to index
        %get3A_217 = arith.index_cast %add3A_214 : i32 to index
        %get3A_218 = arith.constant 0 : index
        %get3A_219 = tpu.vector_load %arg6[%get3A_216, %get3A_217, %get3A_218] {strides = array<i32>} : memref<2x256x128xi32, #tpu.memory_space<vmem>>, vector<16xi32>,
        %bitcast3A_220 = vector.bitcast %get3A_219 : vector<16xi32> to vector<32xbf16>
        %add3A_221 = arith.constant 10 : i32
        %add3A_222 = arith.addi %mul3A_142, %add3A_221 : i32
        %get3A_223 = arith.constant 0 : i32
        %get3A_224 = arith.index_cast %get3A_223 : i32 to index
        %get3A_225 = arith.index_cast %add3A_222 : i32 to index
        %get3A_226 = arith.constant 0 : index
        %get3A_227 = tpu.vector_load %arg6[%get3A_224, %get3A_225, %get3A_226] {strides = array<i32>} : memref<2x256x128xi32, #tpu.memory_space<vmem>>, vector<16xi32>,
        %bitcast3A_228 = vector.bitcast %get3A_227 : vector<16xi32> to vector<32xbf16>
        %add3A_229 = arith.constant 11 : i32
        %add3A_230 = arith.addi %mul3A_142, %add3A_229 : i32
        %get3A_231 = arith.constant 0 : i32
        %get3A_232 = arith.index_cast %get3A_231 : i32 to index
        %get3A_233 = arith.index_cast %add3A_230 : i32 to index
        %get3A_234 = arith.constant 0 : index
        %get3A_235 = tpu.vector_load %arg6[%get3A_232, %get3A_233, %get3A_234] {strides = array<i32>} : memref<2x256x128xi32, #tpu.memory_space<vmem>>, vector<16xi32>,
        %bitcast3A_236 = vector.bitcast %get3A_235 : vector<16xi32> to vector<32xbf16>
        %add3A_237 = arith.constant 12 : i32
        %add3A_238 = arith.addi %mul3A_142, %add3A_237 : i32
        %get3A_239 = arith.constant 0 : i32
        %get3A_240 = arith.index_cast %get3A_239 : i32 to index
        %get3A_241 = arith.index_cast %add3A_238 : i32 to index
        %get3A_242 = arith.constant 0 : index
        %get3A_243 = tpu.vector_load %arg6[%get3A_240, %get3A_241, %get3A_242] {strides = array<i32>} : memref<2x256x128xi32, #tpu.memory_space<vmem>>, vector<16xi32>,
        %bitcast3A_244 = vector.bitcast %get3A_243 : vector<16xi32> to vector<32xbf16>
        %add3A_245 = arith.constant 13 : i32
        %add3A_246 = arith.addi %mul3A_142, %add3A_245 : i32
        %get3A_247 = arith.constant 0 : i32
        %get3A_248 = arith.index_cast %get3A_247 : i32 to index
        %get3A_249 = arith.index_cast %add3A_246 : i32 to index
        %get3A_250 = arith.constant 0 : index
        %get3A_251 = tpu.vector_load %arg6[%get3A_248, %get3A_249, %get3A_250] {strides = array<i32>} : memref<2x256x128xi32, #tpu.memory_space<vmem>>, vector<16xi32>,
        %bitcast3A_252 = vector.bitcast %get3A_251 : vector<16xi32> to vector<32xbf16>
        %add3A_253 = arith.constant 14 : i32
        %add3A_254 = arith.addi %mul3A_142, %add3A_253 : i32
        %get3A_255 = arith.constant 0 : i32
        %get3A_256 = arith.index_cast %get3A_255 : i32 to index
        %get3A_257 = arith.index_cast %add3A_254 : i32 to index
        %get3A_258 = arith.constant 0 : index
        %get3A_259 = tpu.vector_load %arg6[%get3A_256, %get3A_257, %get3A_258] {strides = array<i32>} : memref<2x256x128xi32, #tpu.memory_space<vmem>>, vector<16xi32>,
        %bitcast3A_260 = vector.bitcast %get3A_259 : vector<16xi32> to vector<32xbf16>
        %add3A_261 = arith.constant 15 : i32
        %add3A_262 = arith.addi %mul3A_142, %add3A_261 : i32
        %get3A_263 = arith.constant 0 : i32
        %get3A_264 = arith.index_cast %get3A_263 : i32 to index
        %get3A_265 = arith.index_cast %add3A_262 : i32 to index
        %get3A_266 = arith.constant 0 : index
        %get3A_267 = tpu.vector_load %arg6[%get3A_264, %get3A_265, %get3A_266] {strides = array<i32>} : memref<2x256x128xi32, #tpu.memory_space<vmem>>, vector<16xi32>,
        %bitcast3A_268 = vector.bitcast %get3A_267 : vector<16xi32> to vector<32xbf16>
        %add3A_269 = arith.addf %bitcast3A, %bitcast3A_156 : vector<32xbf16>
        %add3A_270 = arith.addf %bitcast3A_164, %bitcast3A_172 : vector<32xbf16>
        %add3A_271 = arith.addf %bitcast3A_180, %bitcast3A_188 : vector<32xbf16>
        %add3A_272 = arith.addf %bitcast3A_196, %bitcast3A_204 : vector<32xbf16>
        %add3A_273 = arith.addf %bitcast3A_212, %bitcast3A_220 : vector<32xbf16>
        %add3A_274 = arith.addf %bitcast3A_228, %bitcast3A_236 : vector<32xbf16>
        %add3A_275 = arith.addf %bitcast3A_244, %bitcast3A_252 : vector<32xbf16>
        %add3A_276 = arith.addf %bitcast3A_260, %bitcast3A_268 : vector<32xbf16>
        %add3A_277 = arith.addf %add3A_269, %add3A_270 : vector<32xbf16>
        %add3A_278 = arith.addf %add3A_271, %add3A_272 : vector<32xbf16>
        %add3A_279 = arith.addf %add3A_273, %add3A_274 : vector<32xbf16>
        %add3A_280 = arith.addf %add3A_275, %add3A_276 : vector<32xbf16>
        %add3A_281 = arith.addf %add3A_277, %add3A_278 : vector<32xbf16>
        %add3A_282 = arith.addf %add3A_279, %add3A_280 : vector<32xbf16>
        %add3A_283 = arith.addf %add3A_281, %add3A_282 : vector<32xbf16>
        %bitcast3A_284 = vector.bitcast %add3A_283 : vector<32xbf16> to vector<16xi32>
        %swap3A = arith.constant 0 : i32
        %swap3A_285 = arith.index_cast %swap3A : i32 to index
        %swap3A_286 = arith.index_cast %scan3A_139 : i32 to index
        %swap3A_287 = arith.constant 0 : index
        %swap3A_288 = tpu.vector_load %arg7[%swap3A_285, %swap3A_286, %swap3A_287] {strides = array<i32>} : memref<2x16x128xi32, #tpu.memory_space<vmem>>, vector<16xi32>,
        tpu.vector_store %arg7[%swap3A_285, %swap3A_286, %swap3A_287], %bitcast3A_284 {strides = array<i32>} : memref<2x16x128xi32, #tpu.memory_space<vmem>>, vector<16xi32>,
        %add3A_289 = arith.constant 0 : i32
        %add3A_290 = arith.addi %mul3A_142, %add3A_289 : i32
        %get3A_291 = arith.constant 0 : i32
        %get3A_292 = arith.index_cast %get3A_291 : i32 to index
        %get3A_293 = arith.index_cast %add3A_290 : i32 to index
        %get3A_294 = arith.constant 16 : index
        %get3A_295 = tpu.vector_load %arg6[%get3A_292, %get3A_293, %get3A_294] {strides = array<i32>} : memref<2x256x128xi32, #tpu.memory_space<vmem>>, vector<16xi32>,
        %bitcast3A_296 = vector.bitcast %get3A_295 : vector<16xi32> to vector<32xbf16>
        %add3A_297 = arith.constant 1 : i32
        %add3A_298 = arith.addi %mul3A_142, %add3A_297 : i32
        %get3A_299 = arith.constant 0 : i32
        %get3A_300 = arith.index_cast %get3A_299 : i32 to index
        %get3A_301 = arith.index_cast %add3A_298 : i32 to index
        %get3A_302 = arith.constant 16 : index
        %get3A_303 = tpu.vector_load %arg6[%get3A_300, %get3A_301, %get3A_302] {strides = array<i32>} : memref<2x256x128xi32, #tpu.memory_space<vmem>>, vector<16xi32>,
        %bitcast3A_304 = vector.bitcast %get3A_303 : vector<16xi32> to vector<32xbf16>
        %add3A_305 = arith.constant 2 : i32
        %add3A_306 = arith.addi %mul3A_142, %add3A_305 : i32
        %get3A_307 = arith.constant 0 : i32
        %get3A_308 = arith.index_cast %get3A_307 : i32 to index
        %get3A_309 = arith.index_cast %add3A_306 : i32 to index
        %get3A_310 = arith.constant 16 : index
        %get3A_311 = tpu.vector_load %arg6[%get3A_308, %get3A_309, %get3A_310] {strides = array<i32>} : memref<2x256x128xi32, #tpu.memory_space<vmem>>, vector<16xi32>,
        %bitcast3A_312 = vector.bitcast %get3A_311 : vector<16xi32> to vector<32xbf16>
        %add3A_313 = arith.constant 3 : i32
        %add3A_314 = arith.addi %mul3A_142, %add3A_313 : i32
        %get3A_315 = arith.constant 0 : i32
        %get3A_316 = arith.index_cast %get3A_315 : i32 to index
        %get3A_317 = arith.index_cast %add3A_314 : i32 to index
        %get3A_318 = arith.constant 16 : index
        %get3A_319 = tpu.vector_load %arg6[%get3A_316, %get3A_317, %get3A_318] {strides = array<i32>} : memref<2x256x128xi32, #tpu.memory_space<vmem>>, vector<16xi32>,
        %bitcast3A_320 = vector.bitcast %get3A_319 : vector<16xi32> to vector<32xbf16>
        %add3A_321 = arith.constant 4 : i32
        %add3A_322 = arith.addi %mul3A_142, %add3A_321 : i32
        %get3A_323 = arith.constant 0 : i32
        %get3A_324 = arith.index_cast %get3A_323 : i32 to index
        %get3A_325 = arith.index_cast %add3A_322 : i32 to index
        %get3A_326 = arith.constant 16 : index
        %get3A_327 = tpu.vector_load %arg6[%get3A_324, %get3A_325, %get3A_326] {strides = array<i32>} : memref<2x256x128xi32, #tpu.memory_space<vmem>>, vector<16xi32>,
        %bitcast3A_328 = vector.bitcast %get3A_327 : vector<16xi32> to vector<32xbf16>
        %add3A_329 = arith.constant 5 : i32
        %add3A_330 = arith.addi %mul3A_142, %add3A_329 : i32
        %get3A_331 = arith.constant 0 : i32
        %get3A_332 = arith.index_cast %get3A_331 : i32 to index
        %get3A_333 = arith.index_cast %add3A_330 : i32 to index
        %get3A_334 = arith.constant 16 : index
        %get3A_335 = tpu.vector_load %arg6[%get3A_332, %get3A_333, %get3A_334] {strides = array<i32>} : memref<2x256x128xi32, #tpu.memory_space<vmem>>, vector<16xi32>,
        %bitcast3A_336 = vector.bitcast %get3A_335 : vector<16xi32> to vector<32xbf16>
        %add3A_337 = arith.constant 6 : i32
        %add3A_338 = arith.addi %mul3A_142, %add3A_337 : i32
        %get3A_339 = arith.constant 0 : i32
        %get3A_340 = arith.index_cast %get3A_339 : i32 to index
        %get3A_341 = arith.index_cast %add3A_338 : i32 to index
        %get3A_342 = arith.constant 16 : index
        %get3A_343 = tpu.vector_load %arg6[%get3A_340, %get3A_341, %get3A_342] {strides = array<i32>} : memref<2x256x128xi32, #tpu.memory_space<vmem>>, vector<16xi32>,
        %bitcast3A_344 = vector.bitcast %get3A_343 : vector<16xi32> to vector<32xbf16>
        %add3A_345 = arith.constant 7 : i32
        %add3A_346 = arith.addi %mul3A_142, %add3A_345 : i32
        %get3A_347 = arith.constant 0 : i32
        %get3A_348 = arith.index_cast %get3A_347 : i32 to index
        %get3A_349 = arith.index_cast %add3A_346 : i32 to index
        %get3A_350 = arith.constant 16 : index
        %get3A_351 = tpu.vector_load %arg6[%get3A_348, %get3A_349, %get3A_350] {strides = array<i32>} : memref<2x256x128xi32, #tpu.memory_space<vmem>>, vector<16xi32>,
        %bitcast3A_352 = vector.bitcast %get3A_351 : vector<16xi32> to vector<32xbf16>
        %add3A_353 = arith.constant 8 : i32
        %add3A_354 = arith.addi %mul3A_142, %add3A_353 : i32
        %get3A_355 = arith.constant 0 : i32
        %get3A_356 = arith.index_cast %get3A_355 : i32 to index
        %get3A_357 = arith.index_cast %add3A_354 : i32 to index
        %get3A_358 = arith.constant 16 : index
        %get3A_359 = tpu.vector_load %arg6[%get3A_356, %get3A_357, %get3A_358] {strides = array<i32>} : memref<2x256x128xi32, #tpu.memory_space<vmem>>, vector<16xi32>,
        %bitcast3A_360 = vector.bitcast %get3A_359 : vector<16xi32> to vector<32xbf16>
        %add3A_361 = arith.constant 9 : i32
        %add3A_362 = arith.addi %mul3A_142, %add3A_361 : i32
        %get3A_363 = arith.constant 0 : i32
        %get3A_364 = arith.index_cast %get3A_363 : i32 to index
        %get3A_365 = arith.index_cast %add3A_362 : i32 to index
        %get3A_366 = arith.constant 16 : index
        %get3A_367 = tpu.vector_load %arg6[%get3A_364, %get3A_365, %get3A_366] {strides = array<i32>} : memref<2x256x128xi32, #tpu.memory_space<vmem>>, vector<16xi32>,
        %bitcast3A_368 = vector.bitcast %get3A_367 : vector<16xi32> to vector<32xbf16>
        %add3A_369 = arith.constant 10 : i32
        %add3A_370 = arith.addi %mul3A_142, %add3A_369 : i32
        %get3A_371 = arith.constant 0 : i32
        %get3A_372 = arith.index_cast %get3A_371 : i32 to index
        %get3A_373 = arith.index_cast %add3A_370 : i32 to index
        %get3A_374 = arith.constant 16 : index
        %get3A_375 = tpu.vector_load %arg6[%get3A_372, %get3A_373, %get3A_374] {strides = array<i32>} : memref<2x256x128xi32, #tpu.memory_space<vmem>>, vector<16xi32>,
        %bitcast3A_376 = vector.bitcast %get3A_375 : vector<16xi32> to vector<32xbf16>
        %add3A_377 = arith.constant 11 : i32
        %add3A_378 = arith.addi %mul3A_142, %add3A_377 : i32
        %get3A_379 = arith.constant 0 : i32
        %get3A_380 = arith.index_cast %get3A_379 : i32 to index
        %get3A_381 = arith.index_cast %add3A_378 : i32 to index
        %get3A_382 = arith.constant 16 : index
        %get3A_383 = tpu.vector_load %arg6[%get3A_380, %get3A_381, %get3A_382] {strides = array<i32>} : memref<2x256x128xi32, #tpu.memory_space<vmem>>, vector<16xi32>,
        %bitcast3A_384 = vector.bitcast %get3A_383 : vector<16xi32> to vector<32xbf16>
        %add3A_385 = arith.constant 12 : i32
        %add3A_386 = arith.addi %mul3A_142, %add3A_385 : i32
        %get3A_387 = arith.constant 0 : i32
        %get3A_388 = arith.index_cast %get3A_387 : i32 to index
        %get3A_389 = arith.index_cast %add3A_386 : i32 to index
        %get3A_390 = arith.constant 16 : index
        %get3A_391 = tpu.vector_load %arg6[%get3A_388, %get3A_389, %get3A_390] {strides = array<i32>} : memref<2x256x128xi32, #tpu.memory_space<vmem>>, vector<16xi32>,
        %bitcast3A_392 = vector.bitcast %get3A_391 : vector<16xi32> to vector<32xbf16>
        %add3A_393 = arith.constant 13 : i32
        %add3A_394 = arith.addi %mul3A_142, %add3A_393 : i32
        %get3A_395 = arith.constant 0 : i32
        %get3A_396 = arith.index_cast %get3A_395 : i32 to index
        %get3A_397 = arith.index_cast %add3A_394 : i32 to index
        %get3A_398 = arith.constant 16 : index
        %get3A_399 = tpu.vector_load %arg6[%get3A_396, %get3A_397, %get3A_398] {strides = array<i32>} : memref<2x256x128xi32, #tpu.memory_space<vmem>>, vector<16xi32>,
        %bitcast3A_400 = vector.bitcast %get3A_399 : vector<16xi32> to vector<32xbf16>
        %add3A_401 = arith.constant 14 : i32
        %add3A_402 = arith.addi %mul3A_142, %add3A_401 : i32
        %get3A_403 = arith.constant 0 : i32
        %get3A_404 = arith.index_cast %get3A_403 : i32 to index
        %get3A_405 = arith.index_cast %add3A_402 : i32 to index
        %get3A_406 = arith.constant 16 : index
        %get3A_407 = tpu.vector_load %arg6[%get3A_404, %get3A_405, %get3A_406] {strides = array<i32>} : memref<2x256x128xi32, #tpu.memory_space<vmem>>, vector<16xi32>,
        %bitcast3A_408 = vector.bitcast %get3A_407 : vector<16xi32> to vector<32xbf16>
        %add3A_409 = arith.constant 15 : i32
        %add3A_410 = arith.addi %mul3A_142, %add3A_409 : i32
        %get3A_411 = arith.constant 0 : i32
        %get3A_412 = arith.index_cast %get3A_411 : i32 to index
        %get3A_413 = arith.index_cast %add3A_410 : i32 to index
        %get3A_414 = arith.constant 16 : index
        %get3A_415 = tpu.vector_load %arg6[%get3A_412, %get3A_413, %get3A_414] {strides = array<i32>} : memref<2x256x128xi32, #tpu.memory_space<vmem>>, vector<16xi32>,
        %bitcast3A_416 = vector.bitcast %get3A_415 : vector<16xi32> to vector<32xbf16>
        %add3A_417 = arith.addf %bitcast3A_296, %bitcast3A_304 : vector<32xbf16>
        %add3A_418 = arith.addf %bitcast3A_312, %bitcast3A_320 : vector<32xbf16>
        %add3A_419 = arith.addf %bitcast3A_328, %bitcast3A_336 : vector<32xbf16>
        %add3A_420 = arith.addf %bitcast3A_344, %bitcast3A_352 : vector<32xbf16>
        %add3A_421 = arith.addf %bitcast3A_360, %bitcast3A_368 : vector<32xbf16>
        %add3A_422 = arith.addf %bitcast3A_376, %bitcast3A_384 : vector<32xbf16>
        %add3A_423 = arith.addf %bitcast3A_392, %bitcast3A_400 : vector<32xbf16>
        %add3A_424 = arith.addf %bitcast3A_408, %bitcast3A_416 : vector<32xbf16>
        %add3A_425 = arith.addf %add3A_417, %add3A_418 : vector<32xbf16>
        %add3A_426 = arith.addf %add3A_419, %add3A_420 : vector<32xbf16>
        %add3A_427 = arith.addf %add3A_421, %add3A_422 : vector<32xbf16>
        %add3A_428 = arith.addf %add3A_423, %add3A_424 : vector<32xbf16>
        %add3A_429 = arith.addf %add3A_425, %add3A_426 : vector<32xbf16>
        %add3A_430 = arith.addf %add3A_427, %add3A_428 : vector<32xbf16>
        %add3A_431 = arith.addf %add3A_429, %add3A_430 : vector<32xbf16>
        %bitcast3A_432 = vector.bitcast %add3A_431 : vector<32xbf16> to vector<16xi32>
        %swap3A_433 = arith.constant 0 : i32
        %swap3A_434 = arith.index_cast %swap3A_433 : i32 to index
        %swap3A_435 = arith.index_cast %scan3A_139 : i32 to index
        %swap3A_436 = arith.constant 16 : index
        %swap3A_437 = tpu.vector_load %arg7[%swap3A_434, %swap3A_435, %swap3A_436] {strides = array<i32>} : memref<2x16x128xi32, #tpu.memory_space<vmem>>, vector<16xi32>,
        tpu.vector_store %arg7[%swap3A_434, %swap3A_435, %swap3A_436], %bitcast3A_432 {strides = array<i32>} : memref<2x16x128xi32, #tpu.memory_space<vmem>>, vector<16xi32>,
        %add3A_438 = arith.constant 0 : i32
        %add3A_439 = arith.addi %mul3A_142, %add3A_438 : i32
        %get3A_440 = arith.constant 0 : i32
        %get3A_441 = arith.index_cast %get3A_440 : i32 to index
        %get3A_442 = arith.index_cast %add3A_439 : i32 to index
        %get3A_443 = arith.constant 32 : index
        %get3A_444 = tpu.vector_load %arg6[%get3A_441, %get3A_442, %get3A_443] {strides = array<i32>} : memref<2x256x128xi32, #tpu.memory_space<vmem>>, vector<16xi32>,
        %bitcast3A_445 = vector.bitcast %get3A_444 : vector<16xi32> to vector<32xbf16>
        %add3A_446 = arith.constant 1 : i32
        %add3A_447 = arith.addi %mul3A_142, %add3A_446 : i32
        %get3A_448 = arith.constant 0 : i32
        %get3A_449 = arith.index_cast %get3A_448 : i32 to index
        %get3A_450 = arith.index_cast %add3A_447 : i32 to index
        %get3A_451 = arith.constant 32 : index
        %get3A_452 = tpu.vector_load %arg6[%get3A_449, %get3A_450, %get3A_451] {strides = array<i32>} : memref<2x256x128xi32, #tpu.memory_space<vmem>>, vector<16xi32>,
        %bitcast3A_453 = vector.bitcast %get3A_452 : vector<16xi32> to vector<32xbf16>
        %add3A_454 = arith.constant 2 : i32
        %add3A_455 = arith.addi %mul3A_142, %add3A_454 : i32
        %get3A_456 = arith.constant 0 : i32
        %get3A_457 = arith.index_cast %get3A_456 : i32 to index
        %get3A_458 = arith.index_cast %add3A_455 : i32 to index
        %get3A_459 = arith.constant 32 : index
        %get3A_460 = tpu.vector_load %arg6[%get3A_457, %get3A_458, %get3A_459] {strides = array<i32>} : memref<2x256x128xi32, #tpu.memory_space<vmem>>, vector<16xi32>,
        %bitcast3A_461 = vector.bitcast %get3A_460 : vector<16xi32> to vector<32xbf16>
        %add3A_462 = arith.constant 3 : i32
        %add3A_463 = arith.addi %mul3A_142, %add3A_462 : i32
        %get3A_464 = arith.constant 0 : i32
        %get3A_465 = arith.index_cast %get3A_464 : i32 to index
        %get3A_466 = arith.index_cast %add3A_463 : i32 to index
        %get3A_467 = arith.constant 32 : index
        %get3A_468 = tpu.vector_load %arg6[%get3A_465, %get3A_466, %get3A_467] {strides = array<i32>} : memref<2x256x128xi32, #tpu.memory_space<vmem>>, vector<16xi32>,
        %bitcast3A_469 = vector.bitcast %get3A_468 : vector<16xi32> to vector<32xbf16>
        %add3A_470 = arith.constant 4 : i32
        %add3A_471 = arith.addi %mul3A_142, %add3A_470 : i32
        %get3A_472 = arith.constant 0 : i32
        %get3A_473 = arith.index_cast %get3A_472 : i32 to index
        %get3A_474 = arith.index_cast %add3A_471 : i32 to index
        %get3A_475 = arith.constant 32 : index
        %get3A_476 = tpu.vector_load %arg6[%get3A_473, %get3A_474, %get3A_475] {strides = array<i32>} : memref<2x256x128xi32, #tpu.memory_space<vmem>>, vector<16xi32>,
        %bitcast3A_477 = vector.bitcast %get3A_476 : vector<16xi32> to vector<32xbf16>
        %add3A_478 = arith.constant 5 : i32
        %add3A_479 = arith.addi %mul3A_142, %add3A_478 : i32
        %get3A_480 = arith.constant 0 : i32
        %get3A_481 = arith.index_cast %get3A_480 : i32 to index
        %get3A_482 = arith.index_cast %add3A_479 : i32 to index
        %get3A_483 = arith.constant 32 : index
        %get3A_484 = tpu.vector_load %arg6[%get3A_481, %get3A_482, %get3A_483] {strides = array<i32>} : memref<2x256x128xi32, #tpu.memory_space<vmem>>, vector<16xi32>,
        %bitcast3A_485 = vector.bitcast %get3A_484 : vector<16xi32> to vector<32xbf16>
        %add3A_486 = arith.constant 6 : i32
        %add3A_487 = arith.addi %mul3A_142, %add3A_486 : i32
        %get3A_488 = arith.constant 0 : i32
        %get3A_489 = arith.index_cast %get3A_488 : i32 to index
        %get3A_490 = arith.index_cast %add3A_487 : i32 to index
        %get3A_491 = arith.constant 32 : index
        %get3A_492 = tpu.vector_load %arg6[%get3A_489, %get3A_490, %get3A_491] {strides = array<i32>} : memref<2x256x128xi32, #tpu.memory_space<vmem>>, vector<16xi32>,
        %bitcast3A_493 = vector.bitcast %get3A_492 : vector<16xi32> to vector<32xbf16>
        %add3A_494 = arith.constant 7 : i32
        %add3A_495 = arith.addi %mul3A_142, %add3A_494 : i32
        %get3A_496 = arith.constant 0 : i32
        %get3A_497 = arith.index_cast %get3A_496 : i32 to index
        %get3A_498 = arith.index_cast %add3A_495 : i32 to index
        %get3A_499 = arith.constant 32 : index
        %get3A_500 = tpu.vector_load %arg6[%get3A_497, %get3A_498, %get3A_499] {strides = array<i32>} : memref<2x256x128xi32, #tpu.memory_space<vmem>>, vector<16xi32>,
        %bitcast3A_501 = vector.bitcast %get3A_500 : vector<16xi32> to vector<32xbf16>
        %add3A_502 = arith.constant 8 : i32
        %add3A_503 = arith.addi %mul3A_142, %add3A_502 : i32
        %get3A_504 = arith.constant 0 : i32
        %get3A_505 = arith.index_cast %get3A_504 : i32 to index
        %get3A_506 = arith.index_cast %add3A_503 : i32 to index
        %get3A_507 = arith.constant 32 : index
        %get3A_508 = tpu.vector_load %arg6[%get3A_505, %get3A_506, %get3A_507] {strides = array<i32>} : memref<2x256x128xi32, #tpu.memory_space<vmem>>, vector<16xi32>,
        %bitcast3A_509 = vector.bitcast %get3A_508 : vector<16xi32> to vector<32xbf16>
        %add3A_510 = arith.constant 9 : i32
        %add3A_511 = arith.addi %mul3A_142, %add3A_510 : i32
        %get3A_512 = arith.constant 0 : i32
        %get3A_513 = arith.index_cast %get3A_512 : i32 to index
        %get3A_514 = arith.index_cast %add3A_511 : i32 to index
        %get3A_515 = arith.constant 32 : index
        %get3A_516 = tpu.vector_load %arg6[%get3A_513, %get3A_514, %get3A_515] {strides = array<i32>} : memref<2x256x128xi32, #tpu.memory_space<vmem>>, vector<16xi32>,
        %bitcast3A_517 = vector.bitcast %get3A_516 : vector<16xi32> to vector<32xbf16>
        %add3A_518 = arith.constant 10 : i32
        %add3A_519 = arith.addi %mul3A_142, %add3A_518 : i32
        %get3A_520 = arith.constant 0 : i32
        %get3A_521 = arith.index_cast %get3A_520 : i32 to index
        %get3A_522 = arith.index_cast %add3A_519 : i32 to index
        %get3A_523 = arith.constant 32 : index
        %get3A_524 = tpu.vector_load %arg6[%get3A_521, %get3A_522, %get3A_523] {strides = array<i32>} : memref<2x256x128xi32, #tpu.memory_space<vmem>>, vector<16xi32>,
        %bitcast3A_525 = vector.bitcast %get3A_524 : vector<16xi32> to vector<32xbf16>
        %add3A_526 = arith.constant 11 : i32
        %add3A_527 = arith.addi %mul3A_142, %add3A_526 : i32
        %get3A_528 = arith.constant 0 : i32
        %get3A_529 = arith.index_cast %get3A_528 : i32 to index
        %get3A_530 = arith.index_cast %add3A_527 : i32 to index
        %get3A_531 = arith.constant 32 : index
        %get3A_532 = tpu.vector_load %arg6[%get3A_529, %get3A_530, %get3A_531] {strides = array<i32>} : memref<2x256x128xi32, #tpu.memory_space<vmem>>, vector<16xi32>,
        %bitcast3A_533 = vector.bitcast %get3A_532 : vector<16xi32> to vector<32xbf16>
        %add3A_534 = arith.constant 12 : i32
        %add3A_535 = arith.addi %mul3A_142, %add3A_534 : i32
        %get3A_536 = arith.constant 0 : i32
        %get3A_537 = arith.index_cast %get3A_536 : i32 to index
        %get3A_538 = arith.index_cast %add3A_535 : i32 to index
        %get3A_539 = arith.constant 32 : index
        %get3A_540 = tpu.vector_load %arg6[%get3A_537, %get3A_538, %get3A_539] {strides = array<i32>} : memref<2x256x128xi32, #tpu.memory_space<vmem>>, vector<16xi32>,
        %bitcast3A_541 = vector.bitcast %get3A_540 : vector<16xi32> to vector<32xbf16>
        %add3A_542 = arith.constant 13 : i32
        %add3A_543 = arith.addi %mul3A_142, %add3A_542 : i32
        %get3A_544 = arith.constant 0 : i32
        %get3A_545 = arith.index_cast %get3A_544 : i32 to index
        %get3A_546 = arith.index_cast %add3A_543 : i32 to index
        %get3A_547 = arith.constant 32 : index
        %get3A_548 = tpu.vector_load %arg6[%get3A_545, %get3A_546, %get3A_547] {strides = array<i32>} : memref<2x256x128xi32, #tpu.memory_space<vmem>>, vector<16xi32>,
        %bitcast3A_549 = vector.bitcast %get3A_548 : vector<16xi32> to vector<32xbf16>
        %add3A_550 = arith.constant 14 : i32
        %add3A_551 = arith.addi %mul3A_142, %add3A_550 : i32
        %get3A_552 = arith.constant 0 : i32
        %get3A_553 = arith.index_cast %get3A_552 : i32 to index
        %get3A_554 = arith.index_cast %add3A_551 : i32 to index
        %get3A_555 = arith.constant 32 : index
        %get3A_556 = tpu.vector_load %arg6[%get3A_553, %get3A_554, %get3A_555] {strides = array<i32>} : memref<2x256x128xi32, #tpu.memory_space<vmem>>, vector<16xi32>,
        %bitcast3A_557 = vector.bitcast %get3A_556 : vector<16xi32> to vector<32xbf16>
        %add3A_558 = arith.constant 15 : i32
        %add3A_559 = arith.addi %mul3A_142, %add3A_558 : i32
        %get3A_560 = arith.constant 0 : i32
        %get3A_561 = arith.index_cast %get3A_560 : i32 to index
        %get3A_562 = arith.index_cast %add3A_559 : i32 to index
        %get3A_563 = arith.constant 32 : index
        %get3A_564 = tpu.vector_load %arg6[%get3A_561, %get3A_562, %get3A_563] {strides = array<i32>} : memref<2x256x128xi32, #tpu.memory_space<vmem>>, vector<16xi32>,
        %bitcast3A_565 = vector.bitcast %get3A_564 : vector<16xi32> to vector<32xbf16>
        %add3A_566 = arith.addf %bitcast3A_445, %bitcast3A_453 : vector<32xbf16>
        %add3A_567 = arith.addf %bitcast3A_461, %bitcast3A_469 : vector<32xbf16>
        %add3A_568 = arith.addf %bitcast3A_477, %bitcast3A_485 : vector<32xbf16>
        %add3A_569 = arith.addf %bitcast3A_493, %bitcast3A_501 : vector<32xbf16>
        %add3A_570 = arith.addf %bitcast3A_509, %bitcast3A_517 : vector<32xbf16>
        %add3A_571 = arith.addf %bitcast3A_525, %bitcast3A_533 : vector<32xbf16>
        %add3A_572 = arith.addf %bitcast3A_541, %bitcast3A_549 : vector<32xbf16>
        %add3A_573 = arith.addf %bitcast3A_557, %bitcast3A_565 : vector<32xbf16>
        %add3A_574 = arith.addf %add3A_566, %add3A_567 : vector<32xbf16>
        %add3A_575 = arith.addf %add3A_568, %add3A_569 : vector<32xbf16>
        %add3A_576 = arith.addf %add3A_570, %add3A_571 : vector<32xbf16>
        %add3A_577 = arith.addf %add3A_572, %add3A_573 : vector<32xbf16>
        %add3A_578 = arith.addf %add3A_574, %add3A_575 : vector<32xbf16>
        %add3A_579 = arith.addf %add3A_576, %add3A_577 : vector<32xbf16>
        %add3A_580 = arith.addf %add3A_578, %add3A_579 : vector<32xbf16>
        %bitcast3A_581 = vector.bitcast %add3A_580 : vector<32xbf16> to vector<16xi32>
        %swap3A_582 = arith.constant 0 : i32
        %swap3A_583 = arith.index_cast %swap3A_582 : i32 to index
        %swap3A_584 = arith.index_cast %scan3A_139 : i32 to index
        %swap3A_585 = arith.constant 32 : index
        %swap3A_586 = tpu.vector_load %arg7[%swap3A_583, %swap3A_584, %swap3A_585] {strides = array<i32>} : memref<2x16x128xi32, #tpu.memory_space<vmem>>, vector<16xi32>,
        tpu.vector_store %arg7[%swap3A_583, %swap3A_584, %swap3A_585], %bitcast3A_581 {strides = array<i32>} : memref<2x16x128xi32, #tpu.memory_space<vmem>>, vector<16xi32>,
        %add3A_587 = arith.constant 0 : i32
        %add3A_588 = arith.addi %mul3A_142, %add3A_587 : i32
        %get3A_589 = arith.constant 0 : i32
        %get3A_590 = arith.index_cast %get3A_589 : i32 to index
        %get3A_591 = arith.index_cast %add3A_588 : i32 to index
        %get3A_592 = arith.constant 48 : index
        %get3A_593 = tpu.vector_load %arg6[%get3A_590, %get3A_591, %get3A_592] {strides = array<i32>} : memref<2x256x128xi32, #tpu.memory_space<vmem>>, vector<16xi32>,
        %bitcast3A_594 = vector.bitcast %get3A_593 : vector<16xi32> to vector<32xbf16>
        %add3A_595 = arith.constant 1 : i32
        %add3A_596 = arith.addi %mul3A_142, %add3A_595 : i32
        %get3A_597 = arith.constant 0 : i32
        %get3A_598 = arith.index_cast %get3A_597 : i32 to index
        %get3A_599 = arith.index_cast %add3A_596 : i32 to index
        %get3A_600 = arith.constant 48 : index
        %get3A_601 = tpu.vector_load %arg6[%get3A_598, %get3A_599, %get3A_600] {strides = array<i32>} : memref<2x256x128xi32, #tpu.memory_space<vmem>>, vector<16xi32>,
        %bitcast3A_602 = vector.bitcast %get3A_601 : vector<16xi32> to vector<32xbf16>
        %add3A_603 = arith.constant 2 : i32
        %add3A_604 = arith.addi %mul3A_142, %add3A_603 : i32
        %get3A_605 = arith.constant 0 : i32
        %get3A_606 = arith.index_cast %get3A_605 : i32 to index
        %get3A_607 = arith.index_cast %add3A_604 : i32 to index
        %get3A_608 = arith.constant 48 : index
        %get3A_609 = tpu.vector_load %arg6[%get3A_606, %get3A_607, %get3A_608] {strides = array<i32>} : memref<2x256x128xi32, #tpu.memory_space<vmem>>, vector<16xi32>,
        %bitcast3A_610 = vector.bitcast %get3A_609 : vector<16xi32> to vector<32xbf16>
        %add3A_611 = arith.constant 3 : i32
        %add3A_612 = arith.addi %mul3A_142, %add3A_611 : i32
        %get3A_613 = arith.constant 0 : i32
        %get3A_614 = arith.index_cast %get3A_613 : i32 to index
        %get3A_615 = arith.index_cast %add3A_612 : i32 to index
        %get3A_616 = arith.constant 48 : index
        %get3A_617 = tpu.vector_load %arg6[%get3A_614, %get3A_615, %get3A_616] {strides = array<i32>} : memref<2x256x128xi32, #tpu.memory_space<vmem>>, vector<16xi32>,
        %bitcast3A_618 = vector.bitcast %get3A_617 : vector<16xi32> to vector<32xbf16>
        %add3A_619 = arith.constant 4 : i32
        %add3A_620 = arith.addi %mul3A_142, %add3A_619 : i32
        %get3A_621 = arith.constant 0 : i32
        %get3A_622 = arith.index_cast %get3A_621 : i32 to index
        %get3A_623 = arith.index_cast %add3A_620 : i32 to index
        %get3A_624 = arith.constant 48 : index
        %get3A_625 = tpu.vector_load %arg6[%get3A_622, %get3A_623, %get3A_624] {strides = array<i32>} : memref<2x256x128xi32, #tpu.memory_space<vmem>>, vector<16xi32>,
        %bitcast3A_626 = vector.bitcast %get3A_625 : vector<16xi32> to vector<32xbf16>
        %add3A_627 = arith.constant 5 : i32
        %add3A_628 = arith.addi %mul3A_142, %add3A_627 : i32
        %get3A_629 = arith.constant 0 : i32
        %get3A_630 = arith.index_cast %get3A_629 : i32 to index
        %get3A_631 = arith.index_cast %add3A_628 : i32 to index
        %get3A_632 = arith.constant 48 : index
        %get3A_633 = tpu.vector_load %arg6[%get3A_630, %get3A_631, %get3A_632] {strides = array<i32>} : memref<2x256x128xi32, #tpu.memory_space<vmem>>, vector<16xi32>,
        %bitcast3A_634 = vector.bitcast %get3A_633 : vector<16xi32> to vector<32xbf16>
        %add3A_635 = arith.constant 6 : i32
        %add3A_636 = arith.addi %mul3A_142, %add3A_635 : i32
        %get3A_637 = arith.constant 0 : i32
        %get3A_638 = arith.index_cast %get3A_637 : i32 to index
        %get3A_639 = arith.index_cast %add3A_636 : i32 to index
        %get3A_640 = arith.constant 48 : index
        %get3A_641 = tpu.vector_load %arg6[%get3A_638, %get3A_639, %get3A_640] {strides = array<i32>} : memref<2x256x128xi32, #tpu.memory_space<vmem>>, vector<16xi32>,
        %bitcast3A_642 = vector.bitcast %get3A_641 : vector<16xi32> to vector<32xbf16>
        %add3A_643 = arith.constant 7 : i32
        %add3A_644 = arith.addi %mul3A_142, %add3A_643 : i32
        %get3A_645 = arith.constant 0 : i32
        %get3A_646 = arith.index_cast %get3A_645 : i32 to index
        %get3A_647 = arith.index_cast %add3A_644 : i32 to index
        %get3A_648 = arith.constant 48 : index
        %get3A_649 = tpu.vector_load %arg6[%get3A_646, %get3A_647, %get3A_648] {strides = array<i32>} : memref<2x256x128xi32, #tpu.memory_space<vmem>>, vector<16xi32>,
        %bitcast3A_650 = vector.bitcast %get3A_649 : vector<16xi32> to vector<32xbf16>
        %add3A_651 = arith.constant 8 : i32
        %add3A_652 = arith.addi %mul3A_142, %add3A_651 : i32
        %get3A_653 = arith.constant 0 : i32
        %get3A_654 = arith.index_cast %get3A_653 : i32 to index
        %get3A_655 = arith.index_cast %add3A_652 : i32 to index
        %get3A_656 = arith.constant 48 : index
        %get3A_657 = tpu.vector_load %arg6[%get3A_654, %get3A_655, %get3A_656] {strides = array<i32>} : memref<2x256x128xi32, #tpu.memory_space<vmem>>, vector<16xi32>,
        %bitcast3A_658 = vector.bitcast %get3A_657 : vector<16xi32> to vector<32xbf16>
        %add3A_659 = arith.constant 9 : i32
        %add3A_660 = arith.addi %mul3A_142, %add3A_659 : i32
        %get3A_661 = arith.constant 0 : i32
        %get3A_662 = arith.index_cast %get3A_661 : i32 to index
        %get3A_663 = arith.index_cast %add3A_660 : i32 to index
        %get3A_664 = arith.constant 48 : index
        %get3A_665 = tpu.vector_load %arg6[%get3A_662, %get3A_663, %get3A_664] {strides = array<i32>} : memref<2x256x128xi32, #tpu.memory_space<vmem>>, vector<16xi32>,
        %bitcast3A_666 = vector.bitcast %get3A_665 : vector<16xi32> to vector<32xbf16>
        %add3A_667 = arith.constant 10 : i32
        %add3A_668 = arith.addi %mul3A_142, %add3A_667 : i32
        %get3A_669 = arith.constant 0 : i32
        %get3A_670 = arith.index_cast %get3A_669 : i32 to index
        %get3A_671 = arith.index_cast %add3A_668 : i32 to index
        %get3A_672 = arith.constant 48 : index
        %get3A_673 = tpu.vector_load %arg6[%get3A_670, %get3A_671, %get3A_672] {strides = array<i32>} : memref<2x256x128xi32, #tpu.memory_space<vmem>>, vector<16xi32>,
        %bitcast3A_674 = vector.bitcast %get3A_673 : vector<16xi32> to vector<32xbf16>
        %add3A_675 = arith.constant 11 : i32
        %add3A_676 = arith.addi %mul3A_142, %add3A_675 : i32
        %get3A_677 = arith.constant 0 : i32
        %get3A_678 = arith.index_cast %get3A_677 : i32 to index
        %get3A_679 = arith.index_cast %add3A_676 : i32 to index
        %get3A_680 = arith.constant 48 : index
        %get3A_681 = tpu.vector_load %arg6[%get3A_678, %get3A_679, %get3A_680] {strides = array<i32>} : memref<2x256x128xi32, #tpu.memory_space<vmem>>, vector<16xi32>,
        %bitcast3A_682 = vector.bitcast %get3A_681 : vector<16xi32> to vector<32xbf16>
        %add3A_683 = arith.constant 12 : i32
        %add3A_684 = arith.addi %mul3A_142, %add3A_683 : i32
        %get3A_685 = arith.constant 0 : i32
        %get3A_686 = arith.index_cast %get3A_685 : i32 to index
        %get3A_687 = arith.index_cast %add3A_684 : i32 to index
        %get3A_688 = arith.constant 48 : index
        %get3A_689 = tpu.vector_load %arg6[%get3A_686, %get3A_687, %get3A_688] {strides = array<i32>} : memref<2x256x128xi32, #tpu.memory_space<vmem>>, vector<16xi32>,
        %bitcast3A_690 = vector.bitcast %get3A_689 : vector<16xi32> to vector<32xbf16>
        %add3A_691 = arith.constant 13 : i32
        %add3A_692 = arith.addi %mul3A_142, %add3A_691 : i32
        %get3A_693 = arith.constant 0 : i32
        %get3A_694 = arith.index_cast %get3A_693 : i32 to index
        %get3A_695 = arith.index_cast %add3A_692 : i32 to index
        %get3A_696 = arith.constant 48 : index
        %get3A_697 = tpu.vector_load %arg6[%get3A_694, %get3A_695, %get3A_696] {strides = array<i32>} : memref<2x256x128xi32, #tpu.memory_space<vmem>>, vector<16xi32>,
        %bitcast3A_698 = vector.bitcast %get3A_697 : vector<16xi32> to vector<32xbf16>
        %add3A_699 = arith.constant 14 : i32
        %add3A_700 = arith.addi %mul3A_142, %add3A_699 : i32
        %get3A_701 = arith.constant 0 : i32
        %get3A_702 = arith.index_cast %get3A_701 : i32 to index
        %get3A_703 = arith.index_cast %add3A_700 : i32 to index
        %get3A_704 = arith.constant 48 : index
        %get3A_705 = tpu.vector_load %arg6[%get3A_702, %get3A_703, %get3A_704] {strides = array<i32>} : memref<2x256x128xi32, #tpu.memory_space<vmem>>, vector<16xi32>,
        %bitcast3A_706 = vector.bitcast %get3A_705 : vector<16xi32> to vector<32xbf16>
        %add3A_707 = arith.constant 15 : i32
        %add3A_708 = arith.addi %mul3A_142, %add3A_707 : i32
        %get3A_709 = arith.constant 0 : i32
        %get3A_710 = arith.index_cast %get3A_709 : i32 to index
        %get3A_711 = arith.index_cast %add3A_708 : i32 to index
        %get3A_712 = arith.constant 48 : index
        %get3A_713 = tpu.vector_load %arg6[%get3A_710, %get3A_711, %get3A_712] {strides = array<i32>} : memref<2x256x128xi32, #tpu.memory_space<vmem>>, vector<16xi32>,
        %bitcast3A_714 = vector.bitcast %get3A_713 : vector<16xi32> to vector<32xbf16>
        %add3A_715 = arith.addf %bitcast3A_594, %bitcast3A_602 : vector<32xbf16>
        %add3A_716 = arith.addf %bitcast3A_610, %bitcast3A_618 : vector<32xbf16>
        %add3A_717 = arith.addf %bitcast3A_626, %bitcast3A_634 : vector<32xbf16>
        %add3A_718 = arith.addf %bitcast3A_642, %bitcast3A_650 : vector<32xbf16>
        %add3A_719 = arith.addf %bitcast3A_658, %bitcast3A_666 : vector<32xbf16>
        %add3A_720 = arith.addf %bitcast3A_674, %bitcast3A_682 : vector<32xbf16>
        %add3A_721 = arith.addf %bitcast3A_690, %bitcast3A_698 : vector<32xbf16>
        %add3A_722 = arith.addf %bitcast3A_706, %bitcast3A_714 : vector<32xbf16>
        %add3A_723 = arith.addf %add3A_715, %add3A_716 : vector<32xbf16>
        %add3A_724 = arith.addf %add3A_717, %add3A_718 : vector<32xbf16>
        %add3A_725 = arith.addf %add3A_719, %add3A_720 : vector<32xbf16>
        %add3A_726 = arith.addf %add3A_721, %add3A_722 : vector<32xbf16>
        %add3A_727 = arith.addf %add3A_723, %add3A_724 : vector<32xbf16>
        %add3A_728 = arith.addf %add3A_725, %add3A_726 : vector<32xbf16>
        %add3A_729 = arith.addf %add3A_727, %add3A_728 : vector<32xbf16>
        %bitcast3A_730 = vector.bitcast %add3A_729 : vector<32xbf16> to vector<16xi32>
        %swap3A_731 = arith.constant 0 : i32
        %swap3A_732 = arith.index_cast %swap3A_731 : i32 to index
        %swap3A_733 = arith.index_cast %scan3A_139 : i32 to index
        %swap3A_734 = arith.constant 48 : index
        %swap3A_735 = tpu.vector_load %arg7[%swap3A_732, %swap3A_733, %swap3A_734] {strides = array<i32>} : memref<2x16x128xi32, #tpu.memory_space<vmem>>, vector<16xi32>,
        tpu.vector_store %arg7[%swap3A_732, %swap3A_733, %swap3A_734], %bitcast3A_730 {strides = array<i32>} : memref<2x16x128xi32, #tpu.memory_space<vmem>>, vector<16xi32>,
        %add3A_736 = arith.constant 0 : i32
        %add3A_737 = arith.addi %mul3A_142, %add3A_736 : i32
        %get3A_738 = arith.constant 0 : i32
        %get3A_739 = arith.index_cast %get3A_738 : i32 to index
        %get3A_740 = arith.index_cast %add3A_737 : i32 to index
        %get3A_741 = arith.constant 64 : index
        %get3A_742 = tpu.vector_load %arg6[%get3A_739, %get3A_740, %get3A_741] {strides = array<i32>} : memref<2x256x128xi32, #tpu.memory_space<vmem>>, vector<16xi32>,
        %bitcast3A_743 = vector.bitcast %get3A_742 : vector<16xi32> to vector<32xbf16>
        %add3A_744 = arith.constant 1 : i32
        %add3A_745 = arith.addi %mul3A_142, %add3A_744 : i32
        %get3A_746 = arith.constant 0 : i32
        %get3A_747 = arith.index_cast %get3A_746 : i32 to index
        %get3A_748 = arith.index_cast %add3A_745 : i32 to index
        %get3A_749 = arith.constant 64 : index
        %get3A_750 = tpu.vector_load %arg6[%get3A_747, %get3A_748, %get3A_749] {strides = array<i32>} : memref<2x256x128xi32, #tpu.memory_space<vmem>>, vector<16xi32>,
        %bitcast3A_751 = vector.bitcast %get3A_750 : vector<16xi32> to vector<32xbf16>
        %add3A_752 = arith.constant 2 : i32
        %add3A_753 = arith.addi %mul3A_142, %add3A_752 : i32
        %get3A_754 = arith.constant 0 : i32
        %get3A_755 = arith.index_cast %get3A_754 : i32 to index
        %get3A_756 = arith.index_cast %add3A_753 : i32 to index
        %get3A_757 = arith.constant 64 : index
        %get3A_758 = tpu.vector_load %arg6[%get3A_755, %get3A_756, %get3A_757] {strides = array<i32>} : memref<2x256x128xi32, #tpu.memory_space<vmem>>, vector<16xi32>,
        %bitcast3A_759 = vector.bitcast %get3A_758 : vector<16xi32> to vector<32xbf16>
        %add3A_760 = arith.constant 3 : i32
        %add3A_761 = arith.addi %mul3A_142, %add3A_760 : i32
        %get3A_762 = arith.constant 0 : i32
        %get3A_763 = arith.index_cast %get3A_762 : i32 to index
        %get3A_764 = arith.index_cast %add3A_761 : i32 to index
        %get3A_765 = arith.constant 64 : index
        %get3A_766 = tpu.vector_load %arg6[%get3A_763, %get3A_764, %get3A_765] {strides = array<i32>} : memref<2x256x128xi32, #tpu.memory_space<vmem>>, vector<16xi32>,
        %bitcast3A_767 = vector.bitcast %get3A_766 : vector<16xi32> to vector<32xbf16>
        %add3A_768 = arith.constant 4 : i32
        %add3A_769 = arith.addi %mul3A_142, %add3A_768 : i32
        %get3A_770 = arith.constant 0 : i32
        %get3A_771 = arith.index_cast %get3A_770 : i32 to index
        %get3A_772 = arith.index_cast %add3A_769 : i32 to index
        %get3A_773 = arith.constant 64 : index
        %get3A_774 = tpu.vector_load %arg6[%get3A_771, %get3A_772, %get3A_773] {strides = array<i32>} : memref<2x256x128xi32, #tpu.memory_space<vmem>>, vector<16xi32>,
        %bitcast3A_775 = vector.bitcast %get3A_774 : vector<16xi32> to vector<32xbf16>
        %add3A_776 = arith.constant 5 : i32
        %add3A_777 = arith.addi %mul3A_142, %add3A_776 : i32
        %get3A_778 = arith.constant 0 : i32
        %get3A_779 = arith.index_cast %get3A_778 : i32 to index
        %get3A_780 = arith.index_cast %add3A_777 : i32 to index
        %get3A_781 = arith.constant 64 : index
        %get3A_782 = tpu.vector_load %arg6[%get3A_779, %get3A_780, %get3A_781] {strides = array<i32>} : memref<2x256x128xi32, #tpu.memory_space<vmem>>, vector<16xi32>,
        %bitcast3A_783 = vector.bitcast %get3A_782 : vector<16xi32> to vector<32xbf16>
        %add3A_784 = arith.constant 6 : i32
        %add3A_785 = arith.addi %mul3A_142, %add3A_784 : i32
        %get3A_786 = arith.constant 0 : i32
        %get3A_787 = arith.index_cast %get3A_786 : i32 to index
        %get3A_788 = arith.index_cast %add3A_785 : i32 to index
        %get3A_789 = arith.constant 64 : index
        %get3A_790 = tpu.vector_load %arg6[%get3A_787, %get3A_788, %get3A_789] {strides = array<i32>} : memref<2x256x128xi32, #tpu.memory_space<vmem>>, vector<16xi32>,
        %bitcast3A_791 = vector.bitcast %get3A_790 : vector<16xi32> to vector<32xbf16>
        %add3A_792 = arith.constant 7 : i32
        %add3A_793 = arith.addi %mul3A_142, %add3A_792 : i32
        %get3A_794 = arith.constant 0 : i32
        %get3A_795 = arith.index_cast %get3A_794 : i32 to index
        %get3A_796 = arith.index_cast %add3A_793 : i32 to index
        %get3A_797 = arith.constant 64 : index
        %get3A_798 = tpu.vector_load %arg6[%get3A_795, %get3A_796, %get3A_797] {strides = array<i32>} : memref<2x256x128xi32, #tpu.memory_space<vmem>>, vector<16xi32>,
        %bitcast3A_799 = vector.bitcast %get3A_798 : vector<16xi32> to vector<32xbf16>
        %add3A_800 = arith.constant 8 : i32
        %add3A_801 = arith.addi %mul3A_142, %add3A_800 : i32
        %get3A_802 = arith.constant 0 : i32
        %get3A_803 = arith.index_cast %get3A_802 : i32 to index
        %get3A_804 = arith.index_cast %add3A_801 : i32 to index
        %get3A_805 = arith.constant 64 : index
        %get3A_806 = tpu.vector_load %arg6[%get3A_803, %get3A_804, %get3A_805] {strides = array<i32>} : memref<2x256x128xi32, #tpu.memory_space<vmem>>, vector<16xi32>,
        %bitcast3A_807 = vector.bitcast %get3A_806 : vector<16xi32> to vector<32xbf16>
        %add3A_808 = arith.constant 9 : i32
        %add3A_809 = arith.addi %mul3A_142, %add3A_808 : i32
        %get3A_810 = arith.constant 0 : i32
        %get3A_811 = arith.index_cast %get3A_810 : i32 to index
        %get3A_812 = arith.index_cast %add3A_809 : i32 to index
        %get3A_813 = arith.constant 64 : index
        %get3A_814 = tpu.vector_load %arg6[%get3A_811, %get3A_812, %get3A_813] {strides = array<i32>} : memref<2x256x128xi32, #tpu.memory_space<vmem>>, vector<16xi32>,
        %bitcast3A_815 = vector.bitcast %get3A_814 : vector<16xi32> to vector<32xbf16>
        %add3A_816 = arith.constant 10 : i32
        %add3A_817 = arith.addi %mul3A_142, %add3A_816 : i32
        %get3A_818 = arith.constant 0 : i32
        %get3A_819 = arith.index_cast %get3A_818 : i32 to index
        %get3A_820 = arith.index_cast %add3A_817 : i32 to index
        %get3A_821 = arith.constant 64 : index
        %get3A_822 = tpu.vector_load %arg6[%get3A_819, %get3A_820, %get3A_821] {strides = array<i32>} : memref<2x256x128xi32, #tpu.memory_space<vmem>>, vector<16xi32>,
        %bitcast3A_823 = vector.bitcast %get3A_822 : vector<16xi32> to vector<32xbf16>
        %add3A_824 = arith.constant 11 : i32
        %add3A_825 = arith.addi %mul3A_142, %add3A_824 : i32
        %get3A_826 = arith.constant 0 : i32
        %get3A_827 = arith.index_cast %get3A_826 : i32 to index
        %get3A_828 = arith.index_cast %add3A_825 : i32 to index
        %get3A_829 = arith.constant 64 : index
        %get3A_830 = tpu.vector_load %arg6[%get3A_827, %get3A_828, %get3A_829] {strides = array<i32>} : memref<2x256x128xi32, #tpu.memory_space<vmem>>, vector<16xi32>,
        %bitcast3A_831 = vector.bitcast %get3A_830 : vector<16xi32> to vector<32xbf16>
        %add3A_832 = arith.constant 12 : i32
        %add3A_833 = arith.addi %mul3A_142, %add3A_832 : i32
        %get3A_834 = arith.constant 0 : i32
        %get3A_835 = arith.index_cast %get3A_834 : i32 to index
        %get3A_836 = arith.index_cast %add3A_833 : i32 to index
        %get3A_837 = arith.constant 64 : index
        %get3A_838 = tpu.vector_load %arg6[%get3A_835, %get3A_836, %get3A_837] {strides = array<i32>} : memref<2x256x128xi32, #tpu.memory_space<vmem>>, vector<16xi32>,
        %bitcast3A_839 = vector.bitcast %get3A_838 : vector<16xi32> to vector<32xbf16>
        %add3A_840 = arith.constant 13 : i32
        %add3A_841 = arith.addi %mul3A_142, %add3A_840 : i32
        %get3A_842 = arith.constant 0 : i32
        %get3A_843 = arith.index_cast %get3A_842 : i32 to index
        %get3A_844 = arith.index_cast %add3A_841 : i32 to index
        %get3A_845 = arith.constant 64 : index
        %get3A_846 = tpu.vector_load %arg6[%get3A_843, %get3A_844, %get3A_845] {strides = array<i32>} : memref<2x256x128xi32, #tpu.memory_space<vmem>>, vector<16xi32>,
        %bitcast3A_847 = vector.bitcast %get3A_846 : vector<16xi32> to vector<32xbf16>
        %add3A_848 = arith.constant 14 : i32
        %add3A_849 = arith.addi %mul3A_142, %add3A_848 : i32
        %get3A_850 = arith.constant 0 : i32
        %get3A_851 = arith.index_cast %get3A_850 : i32 to index
        %get3A_852 = arith.index_cast %add3A_849 : i32 to index
        %get3A_853 = arith.constant 64 : index
        %get3A_854 = tpu.vector_load %arg6[%get3A_851, %get3A_852, %get3A_853] {strides = array<i32>} : memref<2x256x128xi32, #tpu.memory_space<vmem>>, vector<16xi32>,
        %bitcast3A_855 = vector.bitcast %get3A_854 : vector<16xi32> to vector<32xbf16>
        %add3A_856 = arith.constant 15 : i32
        %add3A_857 = arith.addi %mul3A_142, %add3A_856 : i32
        %get3A_858 = arith.constant 0 : i32
        %get3A_859 = arith.index_cast %get3A_858 : i32 to index
        %get3A_860 = arith.index_cast %add3A_857 : i32 to index
        %get3A_861 = arith.constant 64 : index
        %get3A_862 = tpu.vector_load %arg6[%get3A_859, %get3A_860, %get3A_861] {strides = array<i32>} : memref<2x256x128xi32, #tpu.memory_space<vmem>>, vector<16xi32>,
        %bitcast3A_863 = vector.bitcast %get3A_862 : vector<16xi32> to vector<32xbf16>
        %add3A_864 = arith.addf %bitcast3A_743, %bitcast3A_751 : vector<32xbf16>
        %add3A_865 = arith.addf %bitcast3A_759, %bitcast3A_767 : vector<32xbf16>
        %add3A_866 = arith.addf %bitcast3A_775, %bitcast3A_783 : vector<32xbf16>
        %add3A_867 = arith.addf %bitcast3A_791, %bitcast3A_799 : vector<32xbf16>
        %add3A_868 = arith.addf %bitcast3A_807, %bitcast3A_815 : vector<32xbf16>
        %add3A_869 = arith.addf %bitcast3A_823, %bitcast3A_831 : vector<32xbf16>
        %add3A_870 = arith.addf %bitcast3A_839, %bitcast3A_847 : vector<32xbf16>
        %add3A_871 = arith.addf %bitcast3A_855, %bitcast3A_863 : vector<32xbf16>
        %add3A_872 = arith.addf %add3A_864, %add3A_865 : vector<32xbf16>
        %add3A_873 = arith.addf %add3A_866, %add3A_867 : vector<32xbf16>
        %add3A_874 = arith.addf %add3A_868, %add3A_869 : vector<32xbf16>
        %add3A_875 = arith.addf %add3A_870, %add3A_871 : vector<32xbf16>
        %add3A_876 = arith.addf %add3A_872, %add3A_873 : vector<32xbf16>
        %add3A_877 = arith.addf %add3A_874, %add3A_875 : vector<32xbf16>
        %add3A_878 = arith.addf %add3A_876, %add3A_877 : vector<32xbf16>
        %bitcast3A_879 = vector.bitcast %add3A_878 : vector<32xbf16> to vector<16xi32>
        %swap3A_880 = arith.constant 0 : i32
        %swap3A_881 = arith.index_cast %swap3A_880 : i32 to index
        %swap3A_882 = arith.index_cast %scan3A_139 : i32 to index
        %swap3A_883 = arith.constant 64 : index
        %swap3A_884 = tpu.vector_load %arg7[%swap3A_881, %swap3A_882, %swap3A_883] {strides = array<i32>} : memref<2x16x128xi32, #tpu.memory_space<vmem>>, vector<16xi32>,
        tpu.vector_store %arg7[%swap3A_881, %swap3A_882, %swap3A_883], %bitcast3A_879 {strides = array<i32>} : memref<2x16x128xi32, #tpu.memory_space<vmem>>, vector<16xi32>,
        %add3A_885 = arith.constant 0 : i32
        %add3A_886 = arith.addi %mul3A_142, %add3A_885 : i32
        %get3A_887 = arith.constant 0 : i32
        %get3A_888 = arith.index_cast %get3A_887 : i32 to index
        %get3A_889 = arith.index_cast %add3A_886 : i32 to index
        %get3A_890 = arith.constant 80 : index
        %get3A_891 = tpu.vector_load %arg6[%get3A_888, %get3A_889, %get3A_890] {strides = array<i32>} : memref<2x256x128xi32, #tpu.memory_space<vmem>>, vector<16xi32>,
        %bitcast3A_892 = vector.bitcast %get3A_891 : vector<16xi32> to vector<32xbf16>
        %add3A_893 = arith.constant 1 : i32
        %add3A_894 = arith.addi %mul3A_142, %add3A_893 : i32
        %get3A_895 = arith.constant 0 : i32
        %get3A_896 = arith.index_cast %get3A_895 : i32 to index
        %get3A_897 = arith.index_cast %add3A_894 : i32 to index
        %get3A_898 = arith.constant 80 : index
        %get3A_899 = tpu.vector_load %arg6[%get3A_896, %get3A_897, %get3A_898] {strides = array<i32>} : memref<2x256x128xi32, #tpu.memory_space<vmem>>, vector<16xi32>,
        %bitcast3A_900 = vector.bitcast %get3A_899 : vector<16xi32> to vector<32xbf16>
        %add3A_901 = arith.constant 2 : i32
        %add3A_902 = arith.addi %mul3A_142, %add3A_901 : i32
        %get3A_903 = arith.constant 0 : i32
        %get3A_904 = arith.index_cast %get3A_903 : i32 to index
        %get3A_905 = arith.index_cast %add3A_902 : i32 to index
        %get3A_906 = arith.constant 80 : index
        %get3A_907 = tpu.vector_load %arg6[%get3A_904, %get3A_905, %get3A_906] {strides = array<i32>} : memref<2x256x128xi32, #tpu.memory_space<vmem>>, vector<16xi32>,
        %bitcast3A_908 = vector.bitcast %get3A_907 : vector<16xi32> to vector<32xbf16>
        %add3A_909 = arith.constant 3 : i32
        %add3A_910 = arith.addi %mul3A_142, %add3A_909 : i32
        %get3A_911 = arith.constant 0 : i32
        %get3A_912 = arith.index_cast %get3A_911 : i32 to index
        %get3A_913 = arith.index_cast %add3A_910 : i32 to index
        %get3A_914 = arith.constant 80 : index
        %get3A_915 = tpu.vector_load %arg6[%get3A_912, %get3A_913, %get3A_914] {strides = array<i32>} : memref<2x256x128xi32, #tpu.memory_space<vmem>>, vector<16xi32>,
        %bitcast3A_916 = vector.bitcast %get3A_915 : vector<16xi32> to vector<32xbf16>
        %add3A_917 = arith.constant 4 : i32
        %add3A_918 = arith.addi %mul3A_142, %add3A_917 : i32
        %get3A_919 = arith.constant 0 : i32
        %get3A_920 = arith.index_cast %get3A_919 : i32 to index
        %get3A_921 = arith.index_cast %add3A_918 : i32 to index
        %get3A_922 = arith.constant 80 : index
        %get3A_923 = tpu.vector_load %arg6[%get3A_920, %get3A_921, %get3A_922] {strides = array<i32>} : memref<2x256x128xi32, #tpu.memory_space<vmem>>, vector<16xi32>,
        %bitcast3A_924 = vector.bitcast %get3A_923 : vector<16xi32> to vector<32xbf16>
        %add3A_925 = arith.constant 5 : i32
        %add3A_926 = arith.addi %mul3A_142, %add3A_925 : i32
        %get3A_927 = arith.constant 0 : i32
        %get3A_928 = arith.index_cast %get3A_927 : i32 to index
        %get3A_929 = arith.index_cast %add3A_926 : i32 to index
        %get3A_930 = arith.constant 80 : index
        %get3A_931 = tpu.vector_load %arg6[%get3A_928, %get3A_929, %get3A_930] {strides = array<i32>} : memref<2x256x128xi32, #tpu.memory_space<vmem>>, vector<16xi32>,
        %bitcast3A_932 = vector.bitcast %get3A_931 : vector<16xi32> to vector<32xbf16>
        %add3A_933 = arith.constant 6 : i32
        %add3A_934 = arith.addi %mul3A_142, %add3A_933 : i32
        %get3A_935 = arith.constant 0 : i32
        %get3A_936 = arith.index_cast %get3A_935 : i32 to index
        %get3A_937 = arith.index_cast %add3A_934 : i32 to index
        %get3A_938 = arith.constant 80 : index
        %get3A_939 = tpu.vector_load %arg6[%get3A_936, %get3A_937, %get3A_938] {strides = array<i32>} : memref<2x256x128xi32, #tpu.memory_space<vmem>>, vector<16xi32>,
        %bitcast3A_940 = vector.bitcast %get3A_939 : vector<16xi32> to vector<32xbf16>
        %add3A_941 = arith.constant 7 : i32
        %add3A_942 = arith.addi %mul3A_142, %add3A_941 : i32
        %get3A_943 = arith.constant 0 : i32
        %get3A_944 = arith.index_cast %get3A_943 : i32 to index
        %get3A_945 = arith.index_cast %add3A_942 : i32 to index
        %get3A_946 = arith.constant 80 : index
        %get3A_947 = tpu.vector_load %arg6[%get3A_944, %get3A_945, %get3A_946] {strides = array<i32>} : memref<2x256x128xi32, #tpu.memory_space<vmem>>, vector<16xi32>,
        %bitcast3A_948 = vector.bitcast %get3A_947 : vector<16xi32> to vector<32xbf16>
        %add3A_949 = arith.constant 8 : i32
        %add3A_950 = arith.addi %mul3A_142, %add3A_949 : i32
        %get3A_951 = arith.constant 0 : i32
        %get3A_952 = arith.index_cast %get3A_951 : i32 to index
        %get3A_953 = arith.index_cast %add3A_950 : i32 to index
        %get3A_954 = arith.constant 80 : index
        %get3A_955 = tpu.vector_load %arg6[%get3A_952, %get3A_953, %get3A_954] {strides = array<i32>} : memref<2x256x128xi32, #tpu.memory_space<vmem>>, vector<16xi32>,
        %bitcast3A_956 = vector.bitcast %get3A_955 : vector<16xi32> to vector<32xbf16>
        %add3A_957 = arith.constant 9 : i32
        %add3A_958 = arith.addi %mul3A_142, %add3A_957 : i32
        %get3A_959 = arith.constant 0 : i32
        %get3A_960 = arith.index_cast %get3A_959 : i32 to index
        %get3A_961 = arith.index_cast %add3A_958 : i32 to index
        %get3A_962 = arith.constant 80 : index
        %get3A_963 = tpu.vector_load %arg6[%get3A_960, %get3A_961, %get3A_962] {strides = array<i32>} : memref<2x256x128xi32, #tpu.memory_space<vmem>>, vector<16xi32>,
        %bitcast3A_964 = vector.bitcast %get3A_963 : vector<16xi32> to vector<32xbf16>
        %add3A_965 = arith.constant 10 : i32
        %add3A_966 = arith.addi %mul3A_142, %add3A_965 : i32
        %get3A_967 = arith.constant 0 : i32
        %get3A_968 = arith.index_cast %get3A_967 : i32 to index
        %get3A_969 = arith.index_cast %add3A_966 : i32 to index
        %get3A_970 = arith.constant 80 : index
        %get3A_971 = tpu.vector_load %arg6[%get3A_968, %get3A_969, %get3A_970] {strides = array<i32>} : memref<2x256x128xi32, #tpu.memory_space<vmem>>, vector<16xi32>,
        %bitcast3A_972 = vector.bitcast %get3A_971 : vector<16xi32> to vector<32xbf16>
        %add3A_973 = arith.constant 11 : i32
        %add3A_974 = arith.addi %mul3A_142, %add3A_973 : i32
        %get3A_975 = arith.constant 0 : i32
        %get3A_976 = arith.index_cast %get3A_975 : i32 to index
        %get3A_977 = arith.index_cast %add3A_974 : i32 to index
        %get3A_978 = arith.constant 80 : index
        %get3A_979 = tpu.vector_load %arg6[%get3A_976, %get3A_977, %get3A_978] {strides = array<i32>} : memref<2x256x128xi32, #tpu.memory_space<vmem>>, vector<16xi32>,
        %bitcast3A_980 = vector.bitcast %get3A_979 : vector<16xi32> to vector<32xbf16>
        %add3A_981 = arith.constant 12 : i32
        %add3A_982 = arith.addi %mul3A_142, %add3A_981 : i32
        %get3A_983 = arith.constant 0 : i32
        %get3A_984 = arith.index_cast %get3A_983 : i32 to index
        %get3A_985 = arith.index_cast %add3A_982 : i32 to index
        %get3A_986 = arith.constant 80 : index
        %get3A_987 = tpu.vector_load %arg6[%get3A_984, %get3A_985, %get3A_986] {strides = array<i32>} : memref<2x256x128xi32, #tpu.memory_space<vmem>>, vector<16xi32>,
        %bitcast3A_988 = vector.bitcast %get3A_987 : vector<16xi32> to vector<32xbf16>
        %add3A_989 = arith.constant 13 : i32
        %add3A_990 = arith.addi %mul3A_142, %add3A_989 : i32
        %get3A_991 = arith.constant 0 : i32
        %get3A_992 = arith.index_cast %get3A_991 : i32 to index
        %get3A_993 = arith.index_cast %add3A_990 : i32 to index
        %get3A_994 = arith.constant 80 : index
        %get3A_995 = tpu.vector_load %arg6[%get3A_992, %get3A_993, %get3A_994] {strides = array<i32>} : memref<2x256x128xi32, #tpu.memory_space<vmem>>, vector<16xi32>,
        %bitcast3A_996 = vector.bitcast %get3A_995 : vector<16xi32> to vector<32xbf16>
        %add3A_997 = arith.constant 14 : i32
        %add3A_998 = arith.addi %mul3A_142, %add3A_997 : i32
        %get3A_999 = arith.constant 0 : i32
        %get3A_1000 = arith.index_cast %get3A_999 : i32 to index
        %get3A_1001 = arith.index_cast %add3A_998 : i32 to index
        %get3A_1002 = arith.constant 80 : index
        %get3A_1003 = tpu.vector_load %arg6[%get3A_1000, %get3A_1001, %get3A_1002] {strides = array<i32>} : memref<2x256x128xi32, #tpu.memory_space<vmem>>, vector<16xi32>,
        %bitcast3A_1004 = vector.bitcast %get3A_1003 : vector<16xi32> to vector<32xbf16>
        %add3A_1005 = arith.constant 15 : i32
        %add3A_1006 = arith.addi %mul3A_142, %add3A_1005 : i32
        %get3A_1007 = arith.constant 0 : i32
        %get3A_1008 = arith.index_cast %get3A_1007 : i32 to index
        %get3A_1009 = arith.index_cast %add3A_1006 : i32 to index
        %get3A_1010 = arith.constant 80 : index
        %get3A_1011 = tpu.vector_load %arg6[%get3A_1008, %get3A_1009, %get3A_1010] {strides = array<i32>} : memref<2x256x128xi32, #tpu.memory_space<vmem>>, vector<16xi32>,
        %bitcast3A_1012 = vector.bitcast %get3A_1011 : vector<16xi32> to vector<32xbf16>
        %add3A_1013 = arith.addf %bitcast3A_892, %bitcast3A_900 : vector<32xbf16>
        %add3A_1014 = arith.addf %bitcast3A_908, %bitcast3A_916 : vector<32xbf16>
        %add3A_1015 = arith.addf %bitcast3A_924, %bitcast3A_932 : vector<32xbf16>
        %add3A_1016 = arith.addf %bitcast3A_940, %bitcast3A_948 : vector<32xbf16>
        %add3A_1017 = arith.addf %bitcast3A_956, %bitcast3A_964 : vector<32xbf16>
        %add3A_1018 = arith.addf %bitcast3A_972, %bitcast3A_980 : vector<32xbf16>
        %add3A_1019 = arith.addf %bitcast3A_988, %bitcast3A_996 : vector<32xbf16>
        %add3A_1020 = arith.addf %bitcast3A_1004, %bitcast3A_1012 : vector<32xbf16>
        %add3A_1021 = arith.addf %add3A_1013, %add3A_1014 : vector<32xbf16>
        %add3A_1022 = arith.addf %add3A_1015, %add3A_1016 : vector<32xbf16>
        %add3A_1023 = arith.addf %add3A_1017, %add3A_1018 : vector<32xbf16>
        %add3A_1024 = arith.addf %add3A_1019, %add3A_1020 : vector<32xbf16>
        %add3A_1025 = arith.addf %add3A_1021, %add3A_1022 : vector<32xbf16>
        %add3A_1026 = arith.addf %add3A_1023, %add3A_1024 : vector<32xbf16>
        %add3A_1027 = arith.addf %add3A_1025, %add3A_1026 : vector<32xbf16>
        %bitcast3A_1028 = vector.bitcast %add3A_1027 : vector<32xbf16> to vector<16xi32>
        %swap3A_1029 = arith.constant 0 : i32
        %swap3A_1030 = arith.index_cast %swap3A_1029 : i32 to index
        %swap3A_1031 = arith.index_cast %scan3A_139 : i32 to index
        %swap3A_1032 = arith.constant 80 : index
        %swap3A_1033 = tpu.vector_load %arg7[%swap3A_1030, %swap3A_1031, %swap3A_1032] {strides = array<i32>} : memref<2x16x128xi32, #tpu.memory_space<vmem>>, vector<16xi32>,
        tpu.vector_store %arg7[%swap3A_1030, %swap3A_1031, %swap3A_1032], %bitcast3A_1028 {strides = array<i32>} : memref<2x16x128xi32, #tpu.memory_space<vmem>>, vector<16xi32>,
        %add3A_1034 = arith.constant 0 : i32
        %add3A_1035 = arith.addi %mul3A_142, %add3A_1034 : i32
        %get3A_1036 = arith.constant 0 : i32
        %get3A_1037 = arith.index_cast %get3A_1036 : i32 to index
        %get3A_1038 = arith.index_cast %add3A_1035 : i32 to index
        %get3A_1039 = arith.constant 96 : index
        %get3A_1040 = tpu.vector_load %arg6[%get3A_1037, %get3A_1038, %get3A_1039] {strides = array<i32>} : memref<2x256x128xi32, #tpu.memory_space<vmem>>, vector<16xi32>,
        %bitcast3A_1041 = vector.bitcast %get3A_1040 : vector<16xi32> to vector<32xbf16>
        %add3A_1042 = arith.constant 1 : i32
        %add3A_1043 = arith.addi %mul3A_142, %add3A_1042 : i32
        %get3A_1044 = arith.constant 0 : i32
        %get3A_1045 = arith.index_cast %get3A_1044 : i32 to index
        %get3A_1046 = arith.index_cast %add3A_1043 : i32 to index
        %get3A_1047 = arith.constant 96 : index
        %get3A_1048 = tpu.vector_load %arg6[%get3A_1045, %get3A_1046, %get3A_1047] {strides = array<i32>} : memref<2x256x128xi32, #tpu.memory_space<vmem>>, vector<16xi32>,
        %bitcast3A_1049 = vector.bitcast %get3A_1048 : vector<16xi32> to vector<32xbf16>
        %add3A_1050 = arith.constant 2 : i32
        %add3A_1051 = arith.addi %mul3A_142, %add3A_1050 : i32
        %get3A_1052 = arith.constant 0 : i32
        %get3A_1053 = arith.index_cast %get3A_1052 : i32 to index
        %get3A_1054 = arith.index_cast %add3A_1051 : i32 to index
        %get3A_1055 = arith.constant 96 : index
        %get3A_1056 = tpu.vector_load %arg6[%get3A_1053, %get3A_1054, %get3A_1055] {strides = array<i32>} : memref<2x256x128xi32, #tpu.memory_space<vmem>>, vector<16xi32>,
        %bitcast3A_1057 = vector.bitcast %get3A_1056 : vector<16xi32> to vector<32xbf16>
        %add3A_1058 = arith.constant 3 : i32
        %add3A_1059 = arith.addi %mul3A_142, %add3A_1058 : i32
        %get3A_1060 = arith.constant 0 : i32
        %get3A_1061 = arith.index_cast %get3A_1060 : i32 to index
        %get3A_1062 = arith.index_cast %add3A_1059 : i32 to index
        %get3A_1063 = arith.constant 96 : index
        %get3A_1064 = tpu.vector_load %arg6[%get3A_1061, %get3A_1062, %get3A_1063] {strides = array<i32>} : memref<2x256x128xi32, #tpu.memory_space<vmem>>, vector<16xi32>,
        %bitcast3A_1065 = vector.bitcast %get3A_1064 : vector<16xi32> to vector<32xbf16>
        %add3A_1066 = arith.constant 4 : i32
        %add3A_1067 = arith.addi %mul3A_142, %add3A_1066 : i32
        %get3A_1068 = arith.constant 0 : i32
        %get3A_1069 = arith.index_cast %get3A_1068 : i32 to index
        %get3A_1070 = arith.index_cast %add3A_1067 : i32 to index
        %get3A_1071 = arith.constant 96 : index
        %get3A_1072 = tpu.vector_load %arg6[%get3A_1069, %get3A_1070, %get3A_1071] {strides = array<i32>} : memref<2x256x128xi32, #tpu.memory_space<vmem>>, vector<16xi32>,
        %bitcast3A_1073 = vector.bitcast %get3A_1072 : vector<16xi32> to vector<32xbf16>
        %add3A_1074 = arith.constant 5 : i32
        %add3A_1075 = arith.addi %mul3A_142, %add3A_1074 : i32
        %get3A_1076 = arith.constant 0 : i32
        %get3A_1077 = arith.index_cast %get3A_1076 : i32 to index
        %get3A_1078 = arith.index_cast %add3A_1075 : i32 to index
        %get3A_1079 = arith.constant 96 : index
        %get3A_1080 = tpu.vector_load %arg6[%get3A_1077, %get3A_1078, %get3A_1079] {strides = array<i32>} : memref<2x256x128xi32, #tpu.memory_space<vmem>>, vector<16xi32>,
        %bitcast3A_1081 = vector.bitcast %get3A_1080 : vector<16xi32> to vector<32xbf16>
        %add3A_1082 = arith.constant 6 : i32
        %add3A_1083 = arith.addi %mul3A_142, %add3A_1082 : i32
        %get3A_1084 = arith.constant 0 : i32
        %get3A_1085 = arith.index_cast %get3A_1084 : i32 to index
        %get3A_1086 = arith.index_cast %add3A_1083 : i32 to index
        %get3A_1087 = arith.constant 96 : index
        %get3A_1088 = tpu.vector_load %arg6[%get3A_1085, %get3A_1086, %get3A_1087] {strides = array<i32>} : memref<2x256x128xi32, #tpu.memory_space<vmem>>, vector<16xi32>,
        %bitcast3A_1089 = vector.bitcast %get3A_1088 : vector<16xi32> to vector<32xbf16>
        %add3A_1090 = arith.constant 7 : i32
        %add3A_1091 = arith.addi %mul3A_142, %add3A_1090 : i32
        %get3A_1092 = arith.constant 0 : i32
        %get3A_1093 = arith.index_cast %get3A_1092 : i32 to index
        %get3A_1094 = arith.index_cast %add3A_1091 : i32 to index
        %get3A_1095 = arith.constant 96 : index
        %get3A_1096 = tpu.vector_load %arg6[%get3A_1093, %get3A_1094, %get3A_1095] {strides = array<i32>} : memref<2x256x128xi32, #tpu.memory_space<vmem>>, vector<16xi32>,
        %bitcast3A_1097 = vector.bitcast %get3A_1096 : vector<16xi32> to vector<32xbf16>
        %add3A_1098 = arith.constant 8 : i32
        %add3A_1099 = arith.addi %mul3A_142, %add3A_1098 : i32
        %get3A_1100 = arith.constant 0 : i32
        %get3A_1101 = arith.index_cast %get3A_1100 : i32 to index
        %get3A_1102 = arith.index_cast %add3A_1099 : i32 to index
        %get3A_1103 = arith.constant 96 : index
        %get3A_1104 = tpu.vector_load %arg6[%get3A_1101, %get3A_1102, %get3A_1103] {strides = array<i32>} : memref<2x256x128xi32, #tpu.memory_space<vmem>>, vector<16xi32>,
        %bitcast3A_1105 = vector.bitcast %get3A_1104 : vector<16xi32> to vector<32xbf16>
        %add3A_1106 = arith.constant 9 : i32
        %add3A_1107 = arith.addi %mul3A_142, %add3A_1106 : i32
        %get3A_1108 = arith.constant 0 : i32
        %get3A_1109 = arith.index_cast %get3A_1108 : i32 to index
        %get3A_1110 = arith.index_cast %add3A_1107 : i32 to index
        %get3A_1111 = arith.constant 96 : index
        %get3A_1112 = tpu.vector_load %arg6[%get3A_1109, %get3A_1110, %get3A_1111] {strides = array<i32>} : memref<2x256x128xi32, #tpu.memory_space<vmem>>, vector<16xi32>,
        %bitcast3A_1113 = vector.bitcast %get3A_1112 : vector<16xi32> to vector<32xbf16>
        %add3A_1114 = arith.constant 10 : i32
        %add3A_1115 = arith.addi %mul3A_142, %add3A_1114 : i32
        %get3A_1116 = arith.constant 0 : i32
        %get3A_1117 = arith.index_cast %get3A_1116 : i32 to index
        %get3A_1118 = arith.index_cast %add3A_1115 : i32 to index
        %get3A_1119 = arith.constant 96 : index
        %get3A_1120 = tpu.vector_load %arg6[%get3A_1117, %get3A_1118, %get3A_1119] {strides = array<i32>} : memref<2x256x128xi32, #tpu.memory_space<vmem>>, vector<16xi32>,
        %bitcast3A_1121 = vector.bitcast %get3A_1120 : vector<16xi32> to vector<32xbf16>
        %add3A_1122 = arith.constant 11 : i32
        %add3A_1123 = arith.addi %mul3A_142, %add3A_1122 : i32
        %get3A_1124 = arith.constant 0 : i32
        %get3A_1125 = arith.index_cast %get3A_1124 : i32 to index
        %get3A_1126 = arith.index_cast %add3A_1123 : i32 to index
        %get3A_1127 = arith.constant 96 : index
        %get3A_1128 = tpu.vector_load %arg6[%get3A_1125, %get3A_1126, %get3A_1127] {strides = array<i32>} : memref<2x256x128xi32, #tpu.memory_space<vmem>>, vector<16xi32>,
        %bitcast3A_1129 = vector.bitcast %get3A_1128 : vector<16xi32> to vector<32xbf16>
        %add3A_1130 = arith.constant 12 : i32
        %add3A_1131 = arith.addi %mul3A_142, %add3A_1130 : i32
        %get3A_1132 = arith.constant 0 : i32
        %get3A_1133 = arith.index_cast %get3A_1132 : i32 to index
        %get3A_1134 = arith.index_cast %add3A_1131 : i32 to index
        %get3A_1135 = arith.constant 96 : index
        %get3A_1136 = tpu.vector_load %arg6[%get3A_1133, %get3A_1134, %get3A_1135] {strides = array<i32>} : memref<2x256x128xi32, #tpu.memory_space<vmem>>, vector<16xi32>,
        %bitcast3A_1137 = vector.bitcast %get3A_1136 : vector<16xi32> to vector<32xbf16>
        %add3A_1138 = arith.constant 13 : i32
        %add3A_1139 = arith.addi %mul3A_142, %add3A_1138 : i32
        %get3A_1140 = arith.constant 0 : i32
        %get3A_1141 = arith.index_cast %get3A_1140 : i32 to index
        %get3A_1142 = arith.index_cast %add3A_1139 : i32 to index
        %get3A_1143 = arith.constant 96 : index
        %get3A_1144 = tpu.vector_load %arg6[%get3A_1141, %get3A_1142, %get3A_1143] {strides = array<i32>} : memref<2x256x128xi32, #tpu.memory_space<vmem>>, vector<16xi32>,
        %bitcast3A_1145 = vector.bitcast %get3A_1144 : vector<16xi32> to vector<32xbf16>
        %add3A_1146 = arith.constant 14 : i32
        %add3A_1147 = arith.addi %mul3A_142, %add3A_1146 : i32
        %get3A_1148 = arith.constant 0 : i32
        %get3A_1149 = arith.index_cast %get3A_1148 : i32 to index
        %get3A_1150 = arith.index_cast %add3A_1147 : i32 to index
        %get3A_1151 = arith.constant 96 : index
        %get3A_1152 = tpu.vector_load %arg6[%get3A_1149, %get3A_1150, %get3A_1151] {strides = array<i32>} : memref<2x256x128xi32, #tpu.memory_space<vmem>>, vector<16xi32>,
        %bitcast3A_1153 = vector.bitcast %get3A_1152 : vector<16xi32> to vector<32xbf16>
        %add3A_1154 = arith.constant 15 : i32
        %add3A_1155 = arith.addi %mul3A_142, %add3A_1154 : i32
        %get3A_1156 = arith.constant 0 : i32
        %get3A_1157 = arith.index_cast %get3A_1156 : i32 to index
        %get3A_1158 = arith.index_cast %add3A_1155 : i32 to index
        %get3A_1159 = arith.constant 96 : index
        %get3A_1160 = tpu.vector_load %arg6[%get3A_1157, %get3A_1158, %get3A_1159] {strides = array<i32>} : memref<2x256x128xi32, #tpu.memory_space<vmem>>, vector<16xi32>,
        %bitcast3A_1161 = vector.bitcast %get3A_1160 : vector<16xi32> to vector<32xbf16>
        %add3A_1162 = arith.addf %bitcast3A_1041, %bitcast3A_1049 : vector<32xbf16>
        %add3A_1163 = arith.addf %bitcast3A_1057, %bitcast3A_1065 : vector<32xbf16>
        %add3A_1164 = arith.addf %bitcast3A_1073, %bitcast3A_1081 : vector<32xbf16>
        %add3A_1165 = arith.addf %bitcast3A_1089, %bitcast3A_1097 : vector<32xbf16>
        %add3A_1166 = arith.addf %bitcast3A_1105, %bitcast3A_1113 : vector<32xbf16>
        %add3A_1167 = arith.addf %bitcast3A_1121, %bitcast3A_1129 : vector<32xbf16>
        %add3A_1168 = arith.addf %bitcast3A_1137, %bitcast3A_1145 : vector<32xbf16>
        %add3A_1169 = arith.addf %bitcast3A_1153, %bitcast3A_1161 : vector<32xbf16>
        %add3A_1170 = arith.addf %add3A_1162, %add3A_1163 : vector<32xbf16>
        %add3A_1171 = arith.addf %add3A_1164, %add3A_1165 : vector<32xbf16>
        %add3A_1172 = arith.addf %add3A_1166, %add3A_1167 : vector<32xbf16>
        %add3A_1173 = arith.addf %add3A_1168, %add3A_1169 : vector<32xbf16>
        %add3A_1174 = arith.addf %add3A_1170, %add3A_1171 : vector<32xbf16>
        %add3A_1175 = arith.addf %add3A_1172, %add3A_1173 : vector<32xbf16>
        %add3A_1176 = arith.addf %add3A_1174, %add3A_1175 : vector<32xbf16>
        %bitcast3A_1177 = vector.bitcast %add3A_1176 : vector<32xbf16> to vector<16xi32>
        %swap3A_1178 = arith.constant 0 : i32
        %swap3A_1179 = arith.index_cast %swap3A_1178 : i32 to index
        %swap3A_1180 = arith.index_cast %scan3A_139 : i32 to index
        %swap3A_1181 = arith.constant 96 : index
        %swap3A_1182 = tpu.vector_load %arg7[%swap3A_1179, %swap3A_1180, %swap3A_1181] {strides = array<i32>} : memref<2x16x128xi32, #tpu.memory_space<vmem>>, vector<16xi32>,
        tpu.vector_store %arg7[%swap3A_1179, %swap3A_1180, %swap3A_1181], %bitcast3A_1177 {strides = array<i32>} : memref<2x16x128xi32, #tpu.memory_space<vmem>>, vector<16xi32>,
        %add3A_1183 = arith.constant 0 : i32
        %add3A_1184 = arith.addi %mul3A_142, %add3A_1183 : i32
        %get3A_1185 = arith.constant 0 : i32
        %get3A_1186 = arith.index_cast %get3A_1185 : i32 to index
        %get3A_1187 = arith.index_cast %add3A_1184 : i32 to index
        %get3A_1188 = arith.constant 112 : index
        %get3A_1189 = tpu.vector_load %arg6[%get3A_1186, %get3A_1187, %get3A_1188] {strides = array<i32>} : memref<2x256x128xi32, #tpu.memory_space<vmem>>, vector<16xi32>,
        %bitcast3A_1190 = vector.bitcast %get3A_1189 : vector<16xi32> to vector<32xbf16>
        %add3A_1191 = arith.constant 1 : i32
        %add3A_1192 = arith.addi %mul3A_142, %add3A_1191 : i32
        %get3A_1193 = arith.constant 0 : i32
        %get3A_1194 = arith.index_cast %get3A_1193 : i32 to index
        %get3A_1195 = arith.index_cast %add3A_1192 : i32 to index
        %get3A_1196 = arith.constant 112 : index
        %get3A_1197 = tpu.vector_load %arg6[%get3A_1194, %get3A_1195, %get3A_1196] {strides = array<i32>} : memref<2x256x128xi32, #tpu.memory_space<vmem>>, vector<16xi32>,
        %bitcast3A_1198 = vector.bitcast %get3A_1197 : vector<16xi32> to vector<32xbf16>
        %add3A_1199 = arith.constant 2 : i32
        %add3A_1200 = arith.addi %mul3A_142, %add3A_1199 : i32
        %get3A_1201 = arith.constant 0 : i32
        %get3A_1202 = arith.index_cast %get3A_1201 : i32 to index
        %get3A_1203 = arith.index_cast %add3A_1200 : i32 to index
        %get3A_1204 = arith.constant 112 : index
        %get3A_1205 = tpu.vector_load %arg6[%get3A_1202, %get3A_1203, %get3A_1204] {strides = array<i32>} : memref<2x256x128xi32, #tpu.memory_space<vmem>>, vector<16xi32>,
        %bitcast3A_1206 = vector.bitcast %get3A_1205 : vector<16xi32> to vector<32xbf16>
        %add3A_1207 = arith.constant 3 : i32
        %add3A_1208 = arith.addi %mul3A_142, %add3A_1207 : i32
        %get3A_1209 = arith.constant 0 : i32
        %get3A_1210 = arith.index_cast %get3A_1209 : i32 to index
        %get3A_1211 = arith.index_cast %add3A_1208 : i32 to index
        %get3A_1212 = arith.constant 112 : index
        %get3A_1213 = tpu.vector_load %arg6[%get3A_1210, %get3A_1211, %get3A_1212] {strides = array<i32>} : memref<2x256x128xi32, #tpu.memory_space<vmem>>, vector<16xi32>,
        %bitcast3A_1214 = vector.bitcast %get3A_1213 : vector<16xi32> to vector<32xbf16>
        %add3A_1215 = arith.constant 4 : i32
        %add3A_1216 = arith.addi %mul3A_142, %add3A_1215 : i32
        %get3A_1217 = arith.constant 0 : i32
        %get3A_1218 = arith.index_cast %get3A_1217 : i32 to index
        %get3A_1219 = arith.index_cast %add3A_1216 : i32 to index
        %get3A_1220 = arith.constant 112 : index
        %get3A_1221 = tpu.vector_load %arg6[%get3A_1218, %get3A_1219, %get3A_1220] {strides = array<i32>} : memref<2x256x128xi32, #tpu.memory_space<vmem>>, vector<16xi32>,
        %bitcast3A_1222 = vector.bitcast %get3A_1221 : vector<16xi32> to vector<32xbf16>
        %add3A_1223 = arith.constant 5 : i32
        %add3A_1224 = arith.addi %mul3A_142, %add3A_1223 : i32
        %get3A_1225 = arith.constant 0 : i32
        %get3A_1226 = arith.index_cast %get3A_1225 : i32 to index
        %get3A_1227 = arith.index_cast %add3A_1224 : i32 to index
        %get3A_1228 = arith.constant 112 : index
        %get3A_1229 = tpu.vector_load %arg6[%get3A_1226, %get3A_1227, %get3A_1228] {strides = array<i32>} : memref<2x256x128xi32, #tpu.memory_space<vmem>>, vector<16xi32>,
        %bitcast3A_1230 = vector.bitcast %get3A_1229 : vector<16xi32> to vector<32xbf16>
        %add3A_1231 = arith.constant 6 : i32
        %add3A_1232 = arith.addi %mul3A_142, %add3A_1231 : i32
        %get3A_1233 = arith.constant 0 : i32
        %get3A_1234 = arith.index_cast %get3A_1233 : i32 to index
        %get3A_1235 = arith.index_cast %add3A_1232 : i32 to index
        %get3A_1236 = arith.constant 112 : index
        %get3A_1237 = tpu.vector_load %arg6[%get3A_1234, %get3A_1235, %get3A_1236] {strides = array<i32>} : memref<2x256x128xi32, #tpu.memory_space<vmem>>, vector<16xi32>,
        %bitcast3A_1238 = vector.bitcast %get3A_1237 : vector<16xi32> to vector<32xbf16>
        %add3A_1239 = arith.constant 7 : i32
        %add3A_1240 = arith.addi %mul3A_142, %add3A_1239 : i32
        %get3A_1241 = arith.constant 0 : i32
        %get3A_1242 = arith.index_cast %get3A_1241 : i32 to index
        %get3A_1243 = arith.index_cast %add3A_1240 : i32 to index
        %get3A_1244 = arith.constant 112 : index
        %get3A_1245 = tpu.vector_load %arg6[%get3A_1242, %get3A_1243, %get3A_1244] {strides = array<i32>} : memref<2x256x128xi32, #tpu.memory_space<vmem>>, vector<16xi32>,
        %bitcast3A_1246 = vector.bitcast %get3A_1245 : vector<16xi32> to vector<32xbf16>
        %add3A_1247 = arith.constant 8 : i32
        %add3A_1248 = arith.addi %mul3A_142, %add3A_1247 : i32
        %get3A_1249 = arith.constant 0 : i32
        %get3A_1250 = arith.index_cast %get3A_1249 : i32 to index
        %get3A_1251 = arith.index_cast %add3A_1248 : i32 to index
        %get3A_1252 = arith.constant 112 : index
        %get3A_1253 = tpu.vector_load %arg6[%get3A_1250, %get3A_1251, %get3A_1252] {strides = array<i32>} : memref<2x256x128xi32, #tpu.memory_space<vmem>>, vector<16xi32>,
        %bitcast3A_1254 = vector.bitcast %get3A_1253 : vector<16xi32> to vector<32xbf16>
        %add3A_1255 = arith.constant 9 : i32
        %add3A_1256 = arith.addi %mul3A_142, %add3A_1255 : i32
        %get3A_1257 = arith.constant 0 : i32
        %get3A_1258 = arith.index_cast %get3A_1257 : i32 to index
        %get3A_1259 = arith.index_cast %add3A_1256 : i32 to index
        %get3A_1260 = arith.constant 112 : index
        %get3A_1261 = tpu.vector_load %arg6[%get3A_1258, %get3A_1259, %get3A_1260] {strides = array<i32>} : memref<2x256x128xi32, #tpu.memory_space<vmem>>, vector<16xi32>,
        %bitcast3A_1262 = vector.bitcast %get3A_1261 : vector<16xi32> to vector<32xbf16>
        %add3A_1263 = arith.constant 10 : i32
        %add3A_1264 = arith.addi %mul3A_142, %add3A_1263 : i32
        %get3A_1265 = arith.constant 0 : i32
        %get3A_1266 = arith.index_cast %get3A_1265 : i32 to index
        %get3A_1267 = arith.index_cast %add3A_1264 : i32 to index
        %get3A_1268 = arith.constant 112 : index
        %get3A_1269 = tpu.vector_load %arg6[%get3A_1266, %get3A_1267, %get3A_1268] {strides = array<i32>} : memref<2x256x128xi32, #tpu.memory_space<vmem>>, vector<16xi32>,
        %bitcast3A_1270 = vector.bitcast %get3A_1269 : vector<16xi32> to vector<32xbf16>
        %add3A_1271 = arith.constant 11 : i32
        %add3A_1272 = arith.addi %mul3A_142, %add3A_1271 : i32
        %get3A_1273 = arith.constant 0 : i32
        %get3A_1274 = arith.index_cast %get3A_1273 : i32 to index
        %get3A_1275 = arith.index_cast %add3A_1272 : i32 to index
        %get3A_1276 = arith.constant 112 : index
        %get3A_1277 = tpu.vector_load %arg6[%get3A_1274, %get3A_1275, %get3A_1276] {strides = array<i32>} : memref<2x256x128xi32, #tpu.memory_space<vmem>>, vector<16xi32>,
        %bitcast3A_1278 = vector.bitcast %get3A_1277 : vector<16xi32> to vector<32xbf16>
        %add3A_1279 = arith.constant 12 : i32
        %add3A_1280 = arith.addi %mul3A_142, %add3A_1279 : i32
        %get3A_1281 = arith.constant 0 : i32
        %get3A_1282 = arith.index_cast %get3A_1281 : i32 to index
        %get3A_1283 = arith.index_cast %add3A_1280 : i32 to index
        %get3A_1284 = arith.constant 112 : index
        %get3A_1285 = tpu.vector_load %arg6[%get3A_1282, %get3A_1283, %get3A_1284] {strides = array<i32>} : memref<2x256x128xi32, #tpu.memory_space<vmem>>, vector<16xi32>,
        %bitcast3A_1286 = vector.bitcast %get3A_1285 : vector<16xi32> to vector<32xbf16>
        %add3A_1287 = arith.constant 13 : i32
        %add3A_1288 = arith.addi %mul3A_142, %add3A_1287 : i32
        %get3A_1289 = arith.constant 0 : i32
        %get3A_1290 = arith.index_cast %get3A_1289 : i32 to index
        %get3A_1291 = arith.index_cast %add3A_1288 : i32 to index
        %get3A_1292 = arith.constant 112 : index
        %get3A_1293 = tpu.vector_load %arg6[%get3A_1290, %get3A_1291, %get3A_1292] {strides = array<i32>} : memref<2x256x128xi32, #tpu.memory_space<vmem>>, vector<16xi32>,
        %bitcast3A_1294 = vector.bitcast %get3A_1293 : vector<16xi32> to vector<32xbf16>
        %add3A_1295 = arith.constant 14 : i32
        %add3A_1296 = arith.addi %mul3A_142, %add3A_1295 : i32
        %get3A_1297 = arith.constant 0 : i32
        %get3A_1298 = arith.index_cast %get3A_1297 : i32 to index
        %get3A_1299 = arith.index_cast %add3A_1296 : i32 to index
        %get3A_1300 = arith.constant 112 : index
        %get3A_1301 = tpu.vector_load %arg6[%get3A_1298, %get3A_1299, %get3A_1300] {strides = array<i32>} : memref<2x256x128xi32, #tpu.memory_space<vmem>>, vector<16xi32>,
        %bitcast3A_1302 = vector.bitcast %get3A_1301 : vector<16xi32> to vector<32xbf16>
        %add3A_1303 = arith.constant 15 : i32
        %add3A_1304 = arith.addi %mul3A_142, %add3A_1303 : i32
        %get3A_1305 = arith.constant 0 : i32
        %get3A_1306 = arith.index_cast %get3A_1305 : i32 to index
        %get3A_1307 = arith.index_cast %add3A_1304 : i32 to index
        %get3A_1308 = arith.constant 112 : index
        %get3A_1309 = tpu.vector_load %arg6[%get3A_1306, %get3A_1307, %get3A_1308] {strides = array<i32>} : memref<2x256x128xi32, #tpu.memory_space<vmem>>, vector<16xi32>,
        %bitcast3A_1310 = vector.bitcast %get3A_1309 : vector<16xi32> to vector<32xbf16>
        %add3A_1311 = arith.addf %bitcast3A_1190, %bitcast3A_1198 : vector<32xbf16>
        %add3A_1312 = arith.addf %bitcast3A_1206, %bitcast3A_1214 : vector<32xbf16>
        %add3A_1313 = arith.addf %bitcast3A_1222, %bitcast3A_1230 : vector<32xbf16>
        %add3A_1314 = arith.addf %bitcast3A_1238, %bitcast3A_1246 : vector<32xbf16>
        %add3A_1315 = arith.addf %bitcast3A_1254, %bitcast3A_1262 : vector<32xbf16>
        %add3A_1316 = arith.addf %bitcast3A_1270, %bitcast3A_1278 : vector<32xbf16>
        %add3A_1317 = arith.addf %bitcast3A_1286, %bitcast3A_1294 : vector<32xbf16>
        %add3A_1318 = arith.addf %bitcast3A_1302, %bitcast3A_1310 : vector<32xbf16>
        %add3A_1319 = arith.addf %add3A_1311, %add3A_1312 : vector<32xbf16>
        %add3A_1320 = arith.addf %add3A_1313, %add3A_1314 : vector<32xbf16>
        %add3A_1321 = arith.addf %add3A_1315, %add3A_1316 : vector<32xbf16>
        %add3A_1322 = arith.addf %add3A_1317, %add3A_1318 : vector<32xbf16>
        %add3A_1323 = arith.addf %add3A_1319, %add3A_1320 : vector<32xbf16>
        %add3A_1324 = arith.addf %add3A_1321, %add3A_1322 : vector<32xbf16>
        %add3A_1325 = arith.addf %add3A_1323, %add3A_1324 : vector<32xbf16>
        %bitcast3A_1326 = vector.bitcast %add3A_1325 : vector<32xbf16> to vector<16xi32>
        %swap3A_1327 = arith.constant 0 : i32
        %swap3A_1328 = arith.index_cast %swap3A_1327 : i32 to index
        %swap3A_1329 = arith.index_cast %scan3A_139 : i32 to index
        %swap3A_1330 = arith.constant 112 : index
        %swap3A_1331 = tpu.vector_load %arg7[%swap3A_1328, %swap3A_1329, %swap3A_1330] {strides = array<i32>} : memref<2x16x128xi32, #tpu.memory_space<vmem>>, vector<16xi32>,
        tpu.vector_store %arg7[%swap3A_1328, %swap3A_1329, %swap3A_1330], %bitcast3A_1326 {strides = array<i32>} : memref<2x16x128xi32, #tpu.memory_space<vmem>>, vector<16xi32>,
        %scan3A_1332 = arith.constant 0 : i32
        scf.yield %scan3A_1332 : i32
      }
      %scan3A_69 = arith.constant 16 : i32
      %mul3A_70 = arith.constant 16 : i32
      %mul3A_71 = arith.muli %add3A_50, %mul3A_70 : i32
      %add3A_72 = arith.addi %select_n3A, %mul3A_71 : i32
      %dma_start3A = arith.constant 0 : i32
      %dma_start3A_73 = arith.constant 0 : i32
      %dma_start3A_74 = arith.constant 0 : i32
      %dma_start3A_75 = tpu.memref_slice %arg7[%dma_start3A, %dma_start3A_73, %dma_start3A_74] : memref<2x16x128xi32, #tpu.memory_space<vmem>> -> memref<1x16x128xi32, #tpu.memory_space<vmem>>
      %dma_start3A_76 = tpu.memref_squeeze %dma_start3A_75 : memref<1x16x128xi32, #tpu.memory_space<vmem>> -> memref<16x128xi32, #tpu.memory_space<vmem>>
      %dma_start3A_77 = arith.constant 0 : i32
      %dma_start3A_78 = tpu.memref_slice %arg4[%add3A_72, %dma_start3A_77] : memref<10240x128xi32, #tpu.memory_space<hbm>> -> memref<16x128xi32, #tpu.memory_space<hbm>>
      %dma_start3A_79 = arith.constant 0 : i32
      %dma_start3A_80 = tpu.memref_slice %arg4[%add3A_72, %dma_start3A_79] : memref<10240x128xi32, #tpu.memory_space<hbm>> -> memref<16x128xi32, #tpu.memory_space<hbm>>
      %dma_start3A_81 = arith.constant 0 : i32
      %dma_start3A_82 = arith.constant 0 : i32
      %dma_start3A_83 = tpu.memref_slice %arg7[%dma_start3A, %dma_start3A_81, %dma_start3A_82] : memref<2x16x128xi32, #tpu.memory_space<vmem>> -> memref<1x16x128xi32, #tpu.memory_space<vmem>>
      %dma_start3A_84 = tpu.memref_squeeze %dma_start3A_83 : memref<1x16x128xi32, #tpu.memory_space<vmem>> -> memref<16x128xi32, #tpu.memory_space<vmem>>
      tpu.enqueue_dma source(%dma_start3A_84 : memref<16x128xi32, #tpu.memory_space<vmem>>) target(%dma_start3A_80 : memref<16x128xi32, #tpu.memory_space<hbm>>) target_semaphore(%arg10 : memref<!tpu.dma_semaphore, #tpu.memory_space<semaphore_mem>>)
      %add3A_85 = arith.constant 2 : i32
      %add3A_86 = arith.addi %add3A_50, %add3A_85 : i32
      %lt3A = arith.cmpi slt, %add3A_86, %select_n3A_6 : i32
      %convert_element_type3A_87 = arith.extui %lt3A : i1 to i32
      %cond3A_88 = arith.constant 0 : i32
      %cond3A_89 = arith.cmpi ne, %convert_element_type3A_87, %cond3A_88 : i32
      scf.if %cond3A_89 {
        %mul3A_139 = arith.constant 256 : i32
        %mul3A_140 = arith.muli %add3A_86, %mul3A_139 : i32
        %dma_start3A_141 = arith.constant 0 : i32
        %dma_start3A_142 = arith.constant 0 : i32
        %dma_start3A_143 = arith.constant 0 : i32
        %dma_start3A_144 = tpu.memref_slice %arg6[%dma_start3A_141, %dma_start3A_142, %dma_start3A_143] : memref<2x256x128xi32, #tpu.memory_space<vmem>> -> memref<1x256x128xi32, #tpu.memory_space<vmem>>
        %dma_start3A_145 = tpu.memref_squeeze %dma_start3A_144 : memref<1x256x128xi32, #tpu.memory_space<vmem>> -> memref<256x128xi32, #tpu.memory_space<vmem>>
        %dma_start3A_146 = tpu.memref_slice %arg5[%mul3A_140] : memref<8192xi32, #tpu.memory_space<vmem>> -> memref<256xi32, #tpu.memory_space<vmem>>
        %dma_start3A_147 = arith.constant 0 : i32
        %dma_start3A_148 = arith.constant 0 : i32
        %dma_start3A_149 = tpu.memref_slice %arg2[%dma_start3A_147, %dma_start3A_148] : memref<10240x128xi32, #tpu.memory_space<hbm>> -> memref<10240x128xi32, #tpu.memory_space<hbm>>
        tpu.enqueue_indirect_dma source(%dma_start3A_149 : memref<10240x128xi32, #tpu.memory_space<hbm>>) target(%dma_start3A_145 : memref<256x128xi32, #tpu.memory_space<vmem>>) offsets(%dma_start3A_146 : memref<256xi32, #tpu.memory_space<vmem>>) semaphore(%arg8 : memref<!tpu.dma_semaphore, #tpu.memory_space<semaphore_mem>>)
      } else {
      }
      %mul3A_90 = arith.constant 2 : i32
      %mul3A_91 = arith.muli %while3A_45, %mul3A_90 : i32
      %add3A_92 = arith.constant 1 : i32
      %add3A_93 = arith.addi %mul3A_91, %add3A_92 : i32
      %dma_wait3A_94 = arith.constant 1 : i32
      %dma_wait3A_95 = arith.constant 0 : i32
      %dma_wait3A_96 = arith.constant 0 : i32
      %dma_wait3A_97 = tpu.memref_slice %arg6[%dma_wait3A_94, %dma_wait3A_95, %dma_wait3A_96] : memref<2x256x128xi32, #tpu.memory_space<vmem>> -> memref<1x256x128xi32, #tpu.memory_space<vmem>>
      %dma_wait3A_98 = tpu.memref_squeeze %dma_wait3A_97 : memref<1x256x128xi32, #tpu.memory_space<vmem>> -> memref<256x128xi32, #tpu.memory_space<vmem>>
      %dma_wait3A_99 = arith.constant 0 : i32
      %dma_wait3A_100 = tpu.memref_slice %arg5[%dma_wait3A_99] : memref<8192xi32, #tpu.memory_space<vmem>> -> memref<256xi32, #tpu.memory_space<vmem>>
      %dma_wait3A_101 = arith.constant 0 : i32
      %dma_wait3A_102 = arith.constant 0 : i32
      %dma_wait3A_103 = tpu.memref_slice %arg2[%dma_wait3A_101, %dma_wait3A_102] : memref<10240x128xi32, #tpu.memory_space<hbm>> -> memref<10240x128xi32, #tpu.memory_space<hbm>>
      tpu.wait_indirect_dma semaphore(%arg9 : memref<!tpu.dma_semaphore, #tpu.memory_space<semaphore_mem>>) src(%dma_wait3A_103 : memref<10240x128xi32, #tpu.memory_space<hbm>>) dst(%dma_wait3A_98 : memref<256x128xi32, #tpu.memory_space<vmem>>)
      %ge3A_104 = arith.constant 2 : i32
      %ge3A_105 = arith.cmpi sge, %add3A_93, %ge3A_104 : i32
      %convert_element_type3A_106 = arith.extui %ge3A_105 : i1 to i32
      %cond3A_107 = arith.constant 0 : i32
      %cond3A_108 = arith.cmpi ne, %convert_element_type3A_106, %cond3A_107 : i32
      scf.if %cond3A_108 {
        %dma_wait3A_139 = arith.constant 1 : i32
        %dma_wait3A_140 = arith.constant 0 : i32
        %dma_wait3A_141 = arith.constant 0 : i32
        %dma_wait3A_142 = tpu.memref_slice %arg7[%dma_wait3A_139, %dma_wait3A_140, %dma_wait3A_141] : memref<2x16x128xi32, #tpu.memory_space<vmem>> -> memref<1x16x128xi32, #tpu.memory_space<vmem>>
        %dma_wait3A_143 = tpu.memref_squeeze %dma_wait3A_142 : memref<1x16x128xi32, #tpu.memory_space<vmem>> -> memref<16x128xi32, #tpu.memory_space<vmem>>
        %dma_wait3A_144 = arith.constant 0 : i32
        %dma_wait3A_145 = tpu.memref_slice %arg4[%select_n3A, %dma_wait3A_144] : memref<10240x128xi32, #tpu.memory_space<hbm>> -> memref<16x128xi32, #tpu.memory_space<hbm>>
        %dma_wait3A_146 = arith.constant 0 : i32
        %dma_wait3A_147 = tpu.memref_slice %arg4[%select_n3A, %dma_wait3A_146] : memref<10240x128xi32, #tpu.memory_space<hbm>> -> memref<16x128xi32, #tpu.memory_space<hbm>>
        %dma_wait3A_148 = arith.constant 0 : i32
        %dma_wait3A_149 = arith.constant 0 : i32
        %dma_wait3A_150 = tpu.memref_slice %arg7[%dma_wait3A_139, %dma_wait3A_148, %dma_wait3A_149] : memref<2x16x128xi32, #tpu.memory_space<vmem>> -> memref<1x16x128xi32, #tpu.memory_space<vmem>>
        %dma_wait3A_151 = tpu.memref_squeeze %dma_wait3A_150 : memref<1x16x128xi32, #tpu.memory_space<vmem>> -> memref<16x128xi32, #tpu.memory_space<vmem>>
        tpu.wait_dma2 semaphore(%arg11 : memref<!tpu.dma_semaphore, #tpu.memory_space<semaphore_mem>>) src(%dma_wait3A_151 : memref<16x128xi32, #tpu.memory_space<vmem>>) dst(%dma_wait3A_147 : memref<16x128xi32, #tpu.memory_space<hbm>>)
      } else {
      }
      %scan3A_109 = arith.constant 0 : i32
      %scan3A_110 = arith.constant 0 : i32
      %scan3A_111 = arith.constant 16 : i32
      %scan3A_112 = arith.addi %scan3A_110, %scan3A_111 : i32
      %scan3A_113 = arith.constant 1 : i32
      %scan3A_114 = scf.for %scan3A_139 = %scan3A_110 to %scan3A_112 step %scan3A_113 iter_args(%scan3A_140 = %scan3A_109) -> (i32)  : i32 {
        %mul3A_141 = arith.constant 16 : i32
        %mul3A_142 = arith.muli %scan3A_139, %mul3A_141 : i32
        %add3A_143 = arith.constant 0 : i32
        %add3A_144 = arith.addi %mul3A_142, %add3A_143 : i32
        %get3A = arith.constant 1 : i32
        %get3A_145 = arith.index_cast %get3A : i32 to index
        %get3A_146 = arith.index_cast %add3A_144 : i32 to index
        %get3A_147 = arith.constant 0 : index
        %get3A_148 = tpu.vector_load %arg6[%get3A_145, %get3A_146, %get3A_147] {strides = array<i32>} : memref<2x256x128xi32, #tpu.memory_space<vmem>>, vector<16xi32>,
        %bitcast3A = vector.bitcast %get3A_148 : vector<16xi32> to vector<32xbf16>
        %add3A_149 = arith.constant 1 : i32
        %add3A_150 = arith.addi %mul3A_142, %add3A_149 : i32
        %get3A_151 = arith.constant 1 : i32
        %get3A_152 = arith.index_cast %get3A_151 : i32 to index
        %get3A_153 = arith.index_cast %add3A_150 : i32 to index
        %get3A_154 = arith.constant 0 : index
        %get3A_155 = tpu.vector_load %arg6[%get3A_152, %get3A_153, %get3A_154] {strides = array<i32>} : memref<2x256x128xi32, #tpu.memory_space<vmem>>, vector<16xi32>,
        %bitcast3A_156 = vector.bitcast %get3A_155 : vector<16xi32> to vector<32xbf16>
        %add3A_157 = arith.constant 2 : i32
        %add3A_158 = arith.addi %mul3A_142, %add3A_157 : i32
        %get3A_159 = arith.constant 1 : i32
        %get3A_160 = arith.index_cast %get3A_159 : i32 to index
        %get3A_161 = arith.index_cast %add3A_158 : i32 to index
        %get3A_162 = arith.constant 0 : index
        %get3A_163 = tpu.vector_load %arg6[%get3A_160, %get3A_161, %get3A_162] {strides = array<i32>} : memref<2x256x128xi32, #tpu.memory_space<vmem>>, vector<16xi32>,
        %bitcast3A_164 = vector.bitcast %get3A_163 : vector<16xi32> to vector<32xbf16>
        %add3A_165 = arith.constant 3 : i32
        %add3A_166 = arith.addi %mul3A_142, %add3A_165 : i32
        %get3A_167 = arith.constant 1 : i32
        %get3A_168 = arith.index_cast %get3A_167 : i32 to index
        %get3A_169 = arith.index_cast %add3A_166 : i32 to index
        %get3A_170 = arith.constant 0 : index
        %get3A_171 = tpu.vector_load %arg6[%get3A_168, %get3A_169, %get3A_170] {strides = array<i32>} : memref<2x256x128xi32, #tpu.memory_space<vmem>>, vector<16xi32>,
        %bitcast3A_172 = vector.bitcast %get3A_171 : vector<16xi32> to vector<32xbf16>
        %add3A_173 = arith.constant 4 : i32
        %add3A_174 = arith.addi %mul3A_142, %add3A_173 : i32
        %get3A_175 = arith.constant 1 : i32
        %get3A_176 = arith.index_cast %get3A_175 : i32 to index
        %get3A_177 = arith.index_cast %add3A_174 : i32 to index
        %get3A_178 = arith.constant 0 : index
        %get3A_179 = tpu.vector_load %arg6[%get3A_176, %get3A_177, %get3A_178] {strides = array<i32>} : memref<2x256x128xi32, #tpu.memory_space<vmem>>, vector<16xi32>,
        %bitcast3A_180 = vector.bitcast %get3A_179 : vector<16xi32> to vector<32xbf16>
        %add3A_181 = arith.constant 5 : i32
        %add3A_182 = arith.addi %mul3A_142, %add3A_181 : i32
        %get3A_183 = arith.constant 1 : i32
        %get3A_184 = arith.index_cast %get3A_183 : i32 to index
        %get3A_185 = arith.index_cast %add3A_182 : i32 to index
        %get3A_186 = arith.constant 0 : index
        %get3A_187 = tpu.vector_load %arg6[%get3A_184, %get3A_185, %get3A_186] {strides = array<i32>} : memref<2x256x128xi32, #tpu.memory_space<vmem>>, vector<16xi32>,
        %bitcast3A_188 = vector.bitcast %get3A_187 : vector<16xi32> to vector<32xbf16>
        %add3A_189 = arith.constant 6 : i32
        %add3A_190 = arith.addi %mul3A_142, %add3A_189 : i32
        %get3A_191 = arith.constant 1 : i32
        %get3A_192 = arith.index_cast %get3A_191 : i32 to index
        %get3A_193 = arith.index_cast %add3A_190 : i32 to index
        %get3A_194 = arith.constant 0 : index
        %get3A_195 = tpu.vector_load %arg6[%get3A_192, %get3A_193, %get3A_194] {strides = array<i32>} : memref<2x256x128xi32, #tpu.memory_space<vmem>>, vector<16xi32>,
        %bitcast3A_196 = vector.bitcast %get3A_195 : vector<16xi32> to vector<32xbf16>
        %add3A_197 = arith.constant 7 : i32
        %add3A_198 = arith.addi %mul3A_142, %add3A_197 : i32
        %get3A_199 = arith.constant 1 : i32
        %get3A_200 = arith.index_cast %get3A_199 : i32 to index
        %get3A_201 = arith.index_cast %add3A_198 : i32 to index
        %get3A_202 = arith.constant 0 : index
        %get3A_203 = tpu.vector_load %arg6[%get3A_200, %get3A_201, %get3A_202] {strides = array<i32>} : memref<2x256x128xi32, #tpu.memory_space<vmem>>, vector<16xi32>,
        %bitcast3A_204 = vector.bitcast %get3A_203 : vector<16xi32> to vector<32xbf16>
        %add3A_205 = arith.constant 8 : i32
        %add3A_206 = arith.addi %mul3A_142, %add3A_205 : i32
        %get3A_207 = arith.constant 1 : i32
        %get3A_208 = arith.index_cast %get3A_207 : i32 to index
        %get3A_209 = arith.index_cast %add3A_206 : i32 to index
        %get3A_210 = arith.constant 0 : index
        %get3A_211 = tpu.vector_load %arg6[%get3A_208, %get3A_209, %get3A_210] {strides = array<i32>} : memref<2x256x128xi32, #tpu.memory_space<vmem>>, vector<16xi32>,
        %bitcast3A_212 = vector.bitcast %get3A_211 : vector<16xi32> to vector<32xbf16>
        %add3A_213 = arith.constant 9 : i32
        %add3A_214 = arith.addi %mul3A_142, %add3A_213 : i32
        %get3A_215 = arith.constant 1 : i32
        %get3A_216 = arith.index_cast %get3A_215 : i32 to index
        %get3A_217 = arith.index_cast %add3A_214 : i32 to index
        %get3A_218 = arith.constant 0 : index
        %get3A_219 = tpu.vector_load %arg6[%get3A_216, %get3A_217, %get3A_218] {strides = array<i32>} : memref<2x256x128xi32, #tpu.memory_space<vmem>>, vector<16xi32>,
        %bitcast3A_220 = vector.bitcast %get3A_219 : vector<16xi32> to vector<32xbf16>
        %add3A_221 = arith.constant 10 : i32
        %add3A_222 = arith.addi %mul3A_142, %add3A_221 : i32
        %get3A_223 = arith.constant 1 : i32
        %get3A_224 = arith.index_cast %get3A_223 : i32 to index
        %get3A_225 = arith.index_cast %add3A_222 : i32 to index
        %get3A_226 = arith.constant 0 : index
        %get3A_227 = tpu.vector_load %arg6[%get3A_224, %get3A_225, %get3A_226] {strides = array<i32>} : memref<2x256x128xi32, #tpu.memory_space<vmem>>, vector<16xi32>,
        %bitcast3A_228 = vector.bitcast %get3A_227 : vector<16xi32> to vector<32xbf16>
        %add3A_229 = arith.constant 11 : i32
        %add3A_230 = arith.addi %mul3A_142, %add3A_229 : i32
        %get3A_231 = arith.constant 1 : i32
        %get3A_232 = arith.index_cast %get3A_231 : i32 to index
        %get3A_233 = arith.index_cast %add3A_230 : i32 to index
        %get3A_234 = arith.constant 0 : index
        %get3A_235 = tpu.vector_load %arg6[%get3A_232, %get3A_233, %get3A_234] {strides = array<i32>} : memref<2x256x128xi32, #tpu.memory_space<vmem>>, vector<16xi32>,
        %bitcast3A_236 = vector.bitcast %get3A_235 : vector<16xi32> to vector<32xbf16>
        %add3A_237 = arith.constant 12 : i32
        %add3A_238 = arith.addi %mul3A_142, %add3A_237 : i32
        %get3A_239 = arith.constant 1 : i32
        %get3A_240 = arith.index_cast %get3A_239 : i32 to index
        %get3A_241 = arith.index_cast %add3A_238 : i32 to index
        %get3A_242 = arith.constant 0 : index
        %get3A_243 = tpu.vector_load %arg6[%get3A_240, %get3A_241, %get3A_242] {strides = array<i32>} : memref<2x256x128xi32, #tpu.memory_space<vmem>>, vector<16xi32>,
        %bitcast3A_244 = vector.bitcast %get3A_243 : vector<16xi32> to vector<32xbf16>
        %add3A_245 = arith.constant 13 : i32
        %add3A_246 = arith.addi %mul3A_142, %add3A_245 : i32
        %get3A_247 = arith.constant 1 : i32
        %get3A_248 = arith.index_cast %get3A_247 : i32 to index
        %get3A_249 = arith.index_cast %add3A_246 : i32 to index
        %get3A_250 = arith.constant 0 : index
        %get3A_251 = tpu.vector_load %arg6[%get3A_248, %get3A_249, %get3A_250] {strides = array<i32>} : memref<2x256x128xi32, #tpu.memory_space<vmem>>, vector<16xi32>,
        %bitcast3A_252 = vector.bitcast %get3A_251 : vector<16xi32> to vector<32xbf16>
        %add3A_253 = arith.constant 14 : i32
        %add3A_254 = arith.addi %mul3A_142, %add3A_253 : i32
        %get3A_255 = arith.constant 1 : i32
        %get3A_256 = arith.index_cast %get3A_255 : i32 to index
        %get3A_257 = arith.index_cast %add3A_254 : i32 to index
        %get3A_258 = arith.constant 0 : index
        %get3A_259 = tpu.vector_load %arg6[%get3A_256, %get3A_257, %get3A_258] {strides = array<i32>} : memref<2x256x128xi32, #tpu.memory_space<vmem>>, vector<16xi32>,
        %bitcast3A_260 = vector.bitcast %get3A_259 : vector<16xi32> to vector<32xbf16>
        %add3A_261 = arith.constant 15 : i32
        %add3A_262 = arith.addi %mul3A_142, %add3A_261 : i32
        %get3A_263 = arith.constant 1 : i32
        %get3A_264 = arith.index_cast %get3A_263 : i32 to index
        %get3A_265 = arith.index_cast %add3A_262 : i32 to index
        %get3A_266 = arith.constant 0 : index
        %get3A_267 = tpu.vector_load %arg6[%get3A_264, %get3A_265, %get3A_266] {strides = array<i32>} : memref<2x256x128xi32, #tpu.memory_space<vmem>>, vector<16xi32>,
        %bitcast3A_268 = vector.bitcast %get3A_267 : vector<16xi32> to vector<32xbf16>
        %add3A_269 = arith.addf %bitcast3A, %bitcast3A_156 : vector<32xbf16>
        %add3A_270 = arith.addf %bitcast3A_164, %bitcast3A_172 : vector<32xbf16>
        %add3A_271 = arith.addf %bitcast3A_180, %bitcast3A_188 : vector<32xbf16>
        %add3A_272 = arith.addf %bitcast3A_196, %bitcast3A_204 : vector<32xbf16>
        %add3A_273 = arith.addf %bitcast3A_212, %bitcast3A_220 : vector<32xbf16>
        %add3A_274 = arith.addf %bitcast3A_228, %bitcast3A_236 : vector<32xbf16>
        %add3A_275 = arith.addf %bitcast3A_244, %bitcast3A_252 : vector<32xbf16>
        %add3A_276 = arith.addf %bitcast3A_260, %bitcast3A_268 : vector<32xbf16>
        %add3A_277 = arith.addf %add3A_269, %add3A_270 : vector<32xbf16>
        %add3A_278 = arith.addf %add3A_271, %add3A_272 : vector<32xbf16>
        %add3A_279 = arith.addf %add3A_273, %add3A_274 : vector<32xbf16>
        %add3A_280 = arith.addf %add3A_275, %add3A_276 : vector<32xbf16>
        %add3A_281 = arith.addf %add3A_277, %add3A_278 : vector<32xbf16>
        %add3A_282 = arith.addf %add3A_279, %add3A_280 : vector<32xbf16>
        %add3A_283 = arith.addf %add3A_281, %add3A_282 : vector<32xbf16>
        %bitcast3A_284 = vector.bitcast %add3A_283 : vector<32xbf16> to vector<16xi32>
        %swap3A = arith.constant 1 : i32
        %swap3A_285 = arith.index_cast %swap3A : i32 to index
        %swap3A_286 = arith.index_cast %scan3A_139 : i32 to index
        %swap3A_287 = arith.constant 0 : index
        %swap3A_288 = tpu.vector_load %arg7[%swap3A_285, %swap3A_286, %swap3A_287] {strides = array<i32>} : memref<2x16x128xi32, #tpu.memory_space<vmem>>, vector<16xi32>,
        tpu.vector_store %arg7[%swap3A_285, %swap3A_286, %swap3A_287], %bitcast3A_284 {strides = array<i32>} : memref<2x16x128xi32, #tpu.memory_space<vmem>>, vector<16xi32>,
        %add3A_289 = arith.constant 0 : i32
        %add3A_290 = arith.addi %mul3A_142, %add3A_289 : i32
        %get3A_291 = arith.constant 1 : i32
        %get3A_292 = arith.index_cast %get3A_291 : i32 to index
        %get3A_293 = arith.index_cast %add3A_290 : i32 to index
        %get3A_294 = arith.constant 16 : index
        %get3A_295 = tpu.vector_load %arg6[%get3A_292, %get3A_293, %get3A_294] {strides = array<i32>} : memref<2x256x128xi32, #tpu.memory_space<vmem>>, vector<16xi32>,
        %bitcast3A_296 = vector.bitcast %get3A_295 : vector<16xi32> to vector<32xbf16>
        %add3A_297 = arith.constant 1 : i32
        %add3A_298 = arith.addi %mul3A_142, %add3A_297 : i32
        %get3A_299 = arith.constant 1 : i32
        %get3A_300 = arith.index_cast %get3A_299 : i32 to index
        %get3A_301 = arith.index_cast %add3A_298 : i32 to index
        %get3A_302 = arith.constant 16 : index
        %get3A_303 = tpu.vector_load %arg6[%get3A_300, %get3A_301, %get3A_302] {strides = array<i32>} : memref<2x256x128xi32, #tpu.memory_space<vmem>>, vector<16xi32>,
        %bitcast3A_304 = vector.bitcast %get3A_303 : vector<16xi32> to vector<32xbf16>
        %add3A_305 = arith.constant 2 : i32
        %add3A_306 = arith.addi %mul3A_142, %add3A_305 : i32
        %get3A_307 = arith.constant 1 : i32
        %get3A_308 = arith.index_cast %get3A_307 : i32 to index
        %get3A_309 = arith.index_cast %add3A_306 : i32 to index
        %get3A_310 = arith.constant 16 : index
        %get3A_311 = tpu.vector_load %arg6[%get3A_308, %get3A_309, %get3A_310] {strides = array<i32>} : memref<2x256x128xi32, #tpu.memory_space<vmem>>, vector<16xi32>,
        %bitcast3A_312 = vector.bitcast %get3A_311 : vector<16xi32> to vector<32xbf16>
        %add3A_313 = arith.constant 3 : i32
        %add3A_314 = arith.addi %mul3A_142, %add3A_313 : i32
        %get3A_315 = arith.constant 1 : i32
        %get3A_316 = arith.index_cast %get3A_315 : i32 to index
        %get3A_317 = arith.index_cast %add3A_314 : i32 to index
        %get3A_318 = arith.constant 16 : index
        %get3A_319 = tpu.vector_load %arg6[%get3A_316, %get3A_317, %get3A_318] {strides = array<i32>} : memref<2x256x128xi32, #tpu.memory_space<vmem>>, vector<16xi32>,
        %bitcast3A_320 = vector.bitcast %get3A_319 : vector<16xi32> to vector<32xbf16>
        %add3A_321 = arith.constant 4 : i32
        %add3A_322 = arith.addi %mul3A_142, %add3A_321 : i32
        %get3A_323 = arith.constant 1 : i32
        %get3A_324 = arith.index_cast %get3A_323 : i32 to index
        %get3A_325 = arith.index_cast %add3A_322 : i32 to index
        %get3A_326 = arith.constant 16 : index
        %get3A_327 = tpu.vector_load %arg6[%get3A_324, %get3A_325, %get3A_326] {strides = array<i32>} : memref<2x256x128xi32, #tpu.memory_space<vmem>>, vector<16xi32>,
        %bitcast3A_328 = vector.bitcast %get3A_327 : vector<16xi32> to vector<32xbf16>
        %add3A_329 = arith.constant 5 : i32
        %add3A_330 = arith.addi %mul3A_142, %add3A_329 : i32
        %get3A_331 = arith.constant 1 : i32
        %get3A_332 = arith.index_cast %get3A_331 : i32 to index
        %get3A_333 = arith.index_cast %add3A_330 : i32 to index
        %get3A_334 = arith.constant 16 : index
        %get3A_335 = tpu.vector_load %arg6[%get3A_332, %get3A_333, %get3A_334] {strides = array<i32>} : memref<2x256x128xi32, #tpu.memory_space<vmem>>, vector<16xi32>,
        %bitcast3A_336 = vector.bitcast %get3A_335 : vector<16xi32> to vector<32xbf16>
        %add3A_337 = arith.constant 6 : i32
        %add3A_338 = arith.addi %mul3A_142, %add3A_337 : i32
        %get3A_339 = arith.constant 1 : i32
        %get3A_340 = arith.index_cast %get3A_339 : i32 to index
        %get3A_341 = arith.index_cast %add3A_338 : i32 to index
        %get3A_342 = arith.constant 16 : index
        %get3A_343 = tpu.vector_load %arg6[%get3A_340, %get3A_341, %get3A_342] {strides = array<i32>} : memref<2x256x128xi32, #tpu.memory_space<vmem>>, vector<16xi32>,
        %bitcast3A_344 = vector.bitcast %get3A_343 : vector<16xi32> to vector<32xbf16>
        %add3A_345 = arith.constant 7 : i32
        %add3A_346 = arith.addi %mul3A_142, %add3A_345 : i32
        %get3A_347 = arith.constant 1 : i32
        %get3A_348 = arith.index_cast %get3A_347 : i32 to index
        %get3A_349 = arith.index_cast %add3A_346 : i32 to index
        %get3A_350 = arith.constant 16 : index
        %get3A_351 = tpu.vector_load %arg6[%get3A_348, %get3A_349, %get3A_350] {strides = array<i32>} : memref<2x256x128xi32, #tpu.memory_space<vmem>>, vector<16xi32>,
        %bitcast3A_352 = vector.bitcast %get3A_351 : vector<16xi32> to vector<32xbf16>
        %add3A_353 = arith.constant 8 : i32
        %add3A_354 = arith.addi %mul3A_142, %add3A_353 : i32
        %get3A_355 = arith.constant 1 : i32
        %get3A_356 = arith.index_cast %get3A_355 : i32 to index
        %get3A_357 = arith.index_cast %add3A_354 : i32 to index
        %get3A_358 = arith.constant 16 : index
        %get3A_359 = tpu.vector_load %arg6[%get3A_356, %get3A_357, %get3A_358] {strides = array<i32>} : memref<2x256x128xi32, #tpu.memory_space<vmem>>, vector<16xi32>,
        %bitcast3A_360 = vector.bitcast %get3A_359 : vector<16xi32> to vector<32xbf16>
        %add3A_361 = arith.constant 9 : i32
        %add3A_362 = arith.addi %mul3A_142, %add3A_361 : i32
        %get3A_363 = arith.constant 1 : i32
        %get3A_364 = arith.index_cast %get3A_363 : i32 to index
        %get3A_365 = arith.index_cast %add3A_362 : i32 to index
        %get3A_366 = arith.constant 16 : index
        %get3A_367 = tpu.vector_load %arg6[%get3A_364, %get3A_365, %get3A_366] {strides = array<i32>} : memref<2x256x128xi32, #tpu.memory_space<vmem>>, vector<16xi32>,
        %bitcast3A_368 = vector.bitcast %get3A_367 : vector<16xi32> to vector<32xbf16>
        %add3A_369 = arith.constant 10 : i32
        %add3A_370 = arith.addi %mul3A_142, %add3A_369 : i32
        %get3A_371 = arith.constant 1 : i32
        %get3A_372 = arith.index_cast %get3A_371 : i32 to index
        %get3A_373 = arith.index_cast %add3A_370 : i32 to index
        %get3A_374 = arith.constant 16 : index
        %get3A_375 = tpu.vector_load %arg6[%get3A_372, %get3A_373, %get3A_374] {strides = array<i32>} : memref<2x256x128xi32, #tpu.memory_space<vmem>>, vector<16xi32>,
        %bitcast3A_376 = vector.bitcast %get3A_375 : vector<16xi32> to vector<32xbf16>
        %add3A_377 = arith.constant 11 : i32
        %add3A_378 = arith.addi %mul3A_142, %add3A_377 : i32
        %get3A_379 = arith.constant 1 : i32
        %get3A_380 = arith.index_cast %get3A_379 : i32 to index
        %get3A_381 = arith.index_cast %add3A_378 : i32 to index
        %get3A_382 = arith.constant 16 : index
        %get3A_383 = tpu.vector_load %arg6[%get3A_380, %get3A_381, %get3A_382] {strides = array<i32>} : memref<2x256x128xi32, #tpu.memory_space<vmem>>, vector<16xi32>,
        %bitcast3A_384 = vector.bitcast %get3A_383 : vector<16xi32> to vector<32xbf16>
        %add3A_385 = arith.constant 12 : i32
        %add3A_386 = arith.addi %mul3A_142, %add3A_385 : i32
        %get3A_387 = arith.constant 1 : i32
        %get3A_388 = arith.index_cast %get3A_387 : i32 to index
        %get3A_389 = arith.index_cast %add3A_386 : i32 to index
        %get3A_390 = arith.constant 16 : index
        %get3A_391 = tpu.vector_load %arg6[%get3A_388, %get3A_389, %get3A_390] {strides = array<i32>} : memref<2x256x128xi32, #tpu.memory_space<vmem>>, vector<16xi32>,
        %bitcast3A_392 = vector.bitcast %get3A_391 : vector<16xi32> to vector<32xbf16>
        %add3A_393 = arith.constant 13 : i32
        %add3A_394 = arith.addi %mul3A_142, %add3A_393 : i32
        %get3A_395 = arith.constant 1 : i32
        %get3A_396 = arith.index_cast %get3A_395 : i32 to index
        %get3A_397 = arith.index_cast %add3A_394 : i32 to index
        %get3A_398 = arith.constant 16 : index
        %get3A_399 = tpu.vector_load %arg6[%get3A_396, %get3A_397, %get3A_398] {strides = array<i32>} : memref<2x256x128xi32, #tpu.memory_space<vmem>>, vector<16xi32>,
        %bitcast3A_400 = vector.bitcast %get3A_399 : vector<16xi32> to vector<32xbf16>
        %add3A_401 = arith.constant 14 : i32
        %add3A_402 = arith.addi %mul3A_142, %add3A_401 : i32
        %get3A_403 = arith.constant 1 : i32
        %get3A_404 = arith.index_cast %get3A_403 : i32 to index
        %get3A_405 = arith.index_cast %add3A_402 : i32 to index
        %get3A_406 = arith.constant 16 : index
        %get3A_407 = tpu.vector_load %arg6[%get3A_404, %get3A_405, %get3A_406] {strides = array<i32>} : memref<2x256x128xi32, #tpu.memory_space<vmem>>, vector<16xi32>,
        %bitcast3A_408 = vector.bitcast %get3A_407 : vector<16xi32> to vector<32xbf16>
        %add3A_409 = arith.constant 15 : i32
        %add3A_410 = arith.addi %mul3A_142, %add3A_409 : i32
        %get3A_411 = arith.constant 1 : i32
        %get3A_412 = arith.index_cast %get3A_411 : i32 to index
        %get3A_413 = arith.index_cast %add3A_410 : i32 to index
        %get3A_414 = arith.constant 16 : index
        %get3A_415 = tpu.vector_load %arg6[%get3A_412, %get3A_413, %get3A_414] {strides = array<i32>} : memref<2x256x128xi32, #tpu.memory_space<vmem>>, vector<16xi32>,
        %bitcast3A_416 = vector.bitcast %get3A_415 : vector<16xi32> to vector<32xbf16>
        %add3A_417 = arith.addf %bitcast3A_296, %bitcast3A_304 : vector<32xbf16>
        %add3A_418 = arith.addf %bitcast3A_312, %bitcast3A_320 : vector<32xbf16>
        %add3A_419 = arith.addf %bitcast3A_328, %bitcast3A_336 : vector<32xbf16>
        %add3A_420 = arith.addf %bitcast3A_344, %bitcast3A_352 : vector<32xbf16>
        %add3A_421 = arith.addf %bitcast3A_360, %bitcast3A_368 : vector<32xbf16>
        %add3A_422 = arith.addf %bitcast3A_376, %bitcast3A_384 : vector<32xbf16>
        %add3A_423 = arith.addf %bitcast3A_392, %bitcast3A_400 : vector<32xbf16>
        %add3A_424 = arith.addf %bitcast3A_408, %bitcast3A_416 : vector<32xbf16>
        %add3A_425 = arith.addf %add3A_417, %add3A_418 : vector<32xbf16>
        %add3A_426 = arith.addf %add3A_419, %add3A_420 : vector<32xbf16>
        %add3A_427 = arith.addf %add3A_421, %add3A_422 : vector<32xbf16>
        %add3A_428 = arith.addf %add3A_423, %add3A_424 : vector<32xbf16>
        %add3A_429 = arith.addf %add3A_425, %add3A_426 : vector<32xbf16>
        %add3A_430 = arith.addf %add3A_427, %add3A_428 : vector<32xbf16>
        %add3A_431 = arith.addf %add3A_429, %add3A_430 : vector<32xbf16>
        %bitcast3A_432 = vector.bitcast %add3A_431 : vector<32xbf16> to vector<16xi32>
        %swap3A_433 = arith.constant 1 : i32
        %swap3A_434 = arith.index_cast %swap3A_433 : i32 to index
        %swap3A_435 = arith.index_cast %scan3A_139 : i32 to index
        %swap3A_436 = arith.constant 16 : index
        %swap3A_437 = tpu.vector_load %arg7[%swap3A_434, %swap3A_435, %swap3A_436] {strides = array<i32>} : memref<2x16x128xi32, #tpu.memory_space<vmem>>, vector<16xi32>,
        tpu.vector_store %arg7[%swap3A_434, %swap3A_435, %swap3A_436], %bitcast3A_432 {strides = array<i32>} : memref<2x16x128xi32, #tpu.memory_space<vmem>>, vector<16xi32>,
        %add3A_438 = arith.constant 0 : i32
        %add3A_439 = arith.addi %mul3A_142, %add3A_438 : i32
        %get3A_440 = arith.constant 1 : i32
        %get3A_441 = arith.index_cast %get3A_440 : i32 to index
        %get3A_442 = arith.index_cast %add3A_439 : i32 to index
        %get3A_443 = arith.constant 32 : index
        %get3A_444 = tpu.vector_load %arg6[%get3A_441, %get3A_442, %get3A_443] {strides = array<i32>} : memref<2x256x128xi32, #tpu.memory_space<vmem>>, vector<16xi32>,
        %bitcast3A_445 = vector.bitcast %get3A_444 : vector<16xi32> to vector<32xbf16>
        %add3A_446 = arith.constant 1 : i32
        %add3A_447 = arith.addi %mul3A_142, %add3A_446 : i32
        %get3A_448 = arith.constant 1 : i32
        %get3A_449 = arith.index_cast %get3A_448 : i32 to index
        %get3A_450 = arith.index_cast %add3A_447 : i32 to index
        %get3A_451 = arith.constant 32 : index
        %get3A_452 = tpu.vector_load %arg6[%get3A_449, %get3A_450, %get3A_451] {strides = array<i32>} : memref<2x256x128xi32, #tpu.memory_space<vmem>>, vector<16xi32>,
        %bitcast3A_453 = vector.bitcast %get3A_452 : vector<16xi32> to vector<32xbf16>
        %add3A_454 = arith.constant 2 : i32
        %add3A_455 = arith.addi %mul3A_142, %add3A_454 : i32
        %get3A_456 = arith.constant 1 : i32
        %get3A_457 = arith.index_cast %get3A_456 : i32 to index
        %get3A_458 = arith.index_cast %add3A_455 : i32 to index
        %get3A_459 = arith.constant 32 : index
        %get3A_460 = tpu.vector_load %arg6[%get3A_457, %get3A_458, %get3A_459] {strides = array<i32>} : memref<2x256x128xi32, #tpu.memory_space<vmem>>, vector<16xi32>,
        %bitcast3A_461 = vector.bitcast %get3A_460 : vector<16xi32> to vector<32xbf16>
        %add3A_462 = arith.constant 3 : i32
        %add3A_463 = arith.addi %mul3A_142, %add3A_462 : i32
        %get3A_464 = arith.constant 1 : i32
        %get3A_465 = arith.index_cast %get3A_464 : i32 to index
        %get3A_466 = arith.index_cast %add3A_463 : i32 to index
        %get3A_467 = arith.constant 32 : index
        %get3A_468 = tpu.vector_load %arg6[%get3A_465, %get3A_466, %get3A_467] {strides = array<i32>} : memref<2x256x128xi32, #tpu.memory_space<vmem>>, vector<16xi32>,
        %bitcast3A_469 = vector.bitcast %get3A_468 : vector<16xi32> to vector<32xbf16>
        %add3A_470 = arith.constant 4 : i32
        %add3A_471 = arith.addi %mul3A_142, %add3A_470 : i32
        %get3A_472 = arith.constant 1 : i32
        %get3A_473 = arith.index_cast %get3A_472 : i32 to index
        %get3A_474 = arith.index_cast %add3A_471 : i32 to index
        %get3A_475 = arith.constant 32 : index
        %get3A_476 = tpu.vector_load %arg6[%get3A_473, %get3A_474, %get3A_475] {strides = array<i32>} : memref<2x256x128xi32, #tpu.memory_space<vmem>>, vector<16xi32>,
        %bitcast3A_477 = vector.bitcast %get3A_476 : vector<16xi32> to vector<32xbf16>
        %add3A_478 = arith.constant 5 : i32
        %add3A_479 = arith.addi %mul3A_142, %add3A_478 : i32
        %get3A_480 = arith.constant 1 : i32
        %get3A_481 = arith.index_cast %get3A_480 : i32 to index
        %get3A_482 = arith.index_cast %add3A_479 : i32 to index
        %get3A_483 = arith.constant 32 : index
        %get3A_484 = tpu.vector_load %arg6[%get3A_481, %get3A_482, %get3A_483] {strides = array<i32>} : memref<2x256x128xi32, #tpu.memory_space<vmem>>, vector<16xi32>,
        %bitcast3A_485 = vector.bitcast %get3A_484 : vector<16xi32> to vector<32xbf16>
        %add3A_486 = arith.constant 6 : i32
        %add3A_487 = arith.addi %mul3A_142, %add3A_486 : i32
        %get3A_488 = arith.constant 1 : i32
        %get3A_489 = arith.index_cast %get3A_488 : i32 to index
        %get3A_490 = arith.index_cast %add3A_487 : i32 to index
        %get3A_491 = arith.constant 32 : index
        %get3A_492 = tpu.vector_load %arg6[%get3A_489, %get3A_490, %get3A_491] {strides = array<i32>} : memref<2x256x128xi32, #tpu.memory_space<vmem>>, vector<16xi32>,
        %bitcast3A_493 = vector.bitcast %get3A_492 : vector<16xi32> to vector<32xbf16>
        %add3A_494 = arith.constant 7 : i32
        %add3A_495 = arith.addi %mul3A_142, %add3A_494 : i32
        %get3A_496 = arith.constant 1 : i32
        %get3A_497 = arith.index_cast %get3A_496 : i32 to index
        %get3A_498 = arith.index_cast %add3A_495 : i32 to index
        %get3A_499 = arith.constant 32 : index
        %get3A_500 = tpu.vector_load %arg6[%get3A_497, %get3A_498, %get3A_499] {strides = array<i32>} : memref<2x256x128xi32, #tpu.memory_space<vmem>>, vector<16xi32>,
        %bitcast3A_501 = vector.bitcast %get3A_500 : vector<16xi32> to vector<32xbf16>
        %add3A_502 = arith.constant 8 : i32
        %add3A_503 = arith.addi %mul3A_142, %add3A_502 : i32
        %get3A_504 = arith.constant 1 : i32
        %get3A_505 = arith.index_cast %get3A_504 : i32 to index
        %get3A_506 = arith.index_cast %add3A_503 : i32 to index
        %get3A_507 = arith.constant 32 : index
        %get3A_508 = tpu.vector_load %arg6[%get3A_505, %get3A_506, %get3A_507] {strides = array<i32>} : memref<2x256x128xi32, #tpu.memory_space<vmem>>, vector<16xi32>,
        %bitcast3A_509 = vector.bitcast %get3A_508 : vector<16xi32> to vector<32xbf16>
        %add3A_510 = arith.constant 9 : i32
        %add3A_511 = arith.addi %mul3A_142, %add3A_510 : i32
        %get3A_512 = arith.constant 1 : i32
        %get3A_513 = arith.index_cast %get3A_512 : i32 to index
        %get3A_514 = arith.index_cast %add3A_511 : i32 to index
        %get3A_515 = arith.constant 32 : index
        %get3A_516 = tpu.vector_load %arg6[%get3A_513, %get3A_514, %get3A_515] {strides = array<i32>} : memref<2x256x128xi32, #tpu.memory_space<vmem>>, vector<16xi32>,
        %bitcast3A_517 = vector.bitcast %get3A_516 : vector<16xi32> to vector<32xbf16>
        %add3A_518 = arith.constant 10 : i32
        %add3A_519 = arith.addi %mul3A_142, %add3A_518 : i32
        %get3A_520 = arith.constant 1 : i32
        %get3A_521 = arith.index_cast %get3A_520 : i32 to index
        %get3A_522 = arith.index_cast %add3A_519 : i32 to index
        %get3A_523 = arith.constant 32 : index
        %get3A_524 = tpu.vector_load %arg6[%get3A_521, %get3A_522, %get3A_523] {strides = array<i32>} : memref<2x256x128xi32, #tpu.memory_space<vmem>>, vector<16xi32>,
        %bitcast3A_525 = vector.bitcast %get3A_524 : vector<16xi32> to vector<32xbf16>
        %add3A_526 = arith.constant 11 : i32
        %add3A_527 = arith.addi %mul3A_142, %add3A_526 : i32
        %get3A_528 = arith.constant 1 : i32
        %get3A_529 = arith.index_cast %get3A_528 : i32 to index
        %get3A_530 = arith.index_cast %add3A_527 : i32 to index
        %get3A_531 = arith.constant 32 : index
        %get3A_532 = tpu.vector_load %arg6[%get3A_529, %get3A_530, %get3A_531] {strides = array<i32>} : memref<2x256x128xi32, #tpu.memory_space<vmem>>, vector<16xi32>,
        %bitcast3A_533 = vector.bitcast %get3A_532 : vector<16xi32> to vector<32xbf16>
        %add3A_534 = arith.constant 12 : i32
        %add3A_535 = arith.addi %mul3A_142, %add3A_534 : i32
        %get3A_536 = arith.constant 1 : i32
        %get3A_537 = arith.index_cast %get3A_536 : i32 to index
        %get3A_538 = arith.index_cast %add3A_535 : i32 to index
        %get3A_539 = arith.constant 32 : index
        %get3A_540 = tpu.vector_load %arg6[%get3A_537, %get3A_538, %get3A_539] {strides = array<i32>} : memref<2x256x128xi32, #tpu.memory_space<vmem>>, vector<16xi32>,
        %bitcast3A_541 = vector.bitcast %get3A_540 : vector<16xi32> to vector<32xbf16>
        %add3A_542 = arith.constant 13 : i32
        %add3A_543 = arith.addi %mul3A_142, %add3A_542 : i32
        %get3A_544 = arith.constant 1 : i32
        %get3A_545 = arith.index_cast %get3A_544 : i32 to index
        %get3A_546 = arith.index_cast %add3A_543 : i32 to index
        %get3A_547 = arith.constant 32 : index
        %get3A_548 = tpu.vector_load %arg6[%get3A_545, %get3A_546, %get3A_547] {strides = array<i32>} : memref<2x256x128xi32, #tpu.memory_space<vmem>>, vector<16xi32>,
        %bitcast3A_549 = vector.bitcast %get3A_548 : vector<16xi32> to vector<32xbf16>
        %add3A_550 = arith.constant 14 : i32
        %add3A_551 = arith.addi %mul3A_142, %add3A_550 : i32
        %get3A_552 = arith.constant 1 : i32
        %get3A_553 = arith.index_cast %get3A_552 : i32 to index
        %get3A_554 = arith.index_cast %add3A_551 : i32 to index
        %get3A_555 = arith.constant 32 : index
        %get3A_556 = tpu.vector_load %arg6[%get3A_553, %get3A_554, %get3A_555] {strides = array<i32>} : memref<2x256x128xi32, #tpu.memory_space<vmem>>, vector<16xi32>,
        %bitcast3A_557 = vector.bitcast %get3A_556 : vector<16xi32> to vector<32xbf16>
        %add3A_558 = arith.constant 15 : i32
        %add3A_559 = arith.addi %mul3A_142, %add3A_558 : i32
        %get3A_560 = arith.constant 1 : i32
        %get3A_561 = arith.index_cast %get3A_560 : i32 to index
        %get3A_562 = arith.index_cast %add3A_559 : i32 to index
        %get3A_563 = arith.constant 32 : index
        %get3A_564 = tpu.vector_load %arg6[%get3A_561, %get3A_562, %get3A_563] {strides = array<i32>} : memref<2x256x128xi32, #tpu.memory_space<vmem>>, vector<16xi32>,
        %bitcast3A_565 = vector.bitcast %get3A_564 : vector<16xi32> to vector<32xbf16>
        %add3A_566 = arith.addf %bitcast3A_445, %bitcast3A_453 : vector<32xbf16>
        %add3A_567 = arith.addf %bitcast3A_461, %bitcast3A_469 : vector<32xbf16>
        %add3A_568 = arith.addf %bitcast3A_477, %bitcast3A_485 : vector<32xbf16>
        %add3A_569 = arith.addf %bitcast3A_493, %bitcast3A_501 : vector<32xbf16>
        %add3A_570 = arith.addf %bitcast3A_509, %bitcast3A_517 : vector<32xbf16>
        %add3A_571 = arith.addf %bitcast3A_525, %bitcast3A_533 : vector<32xbf16>
        %add3A_572 = arith.addf %bitcast3A_541, %bitcast3A_549 : vector<32xbf16>
        %add3A_573 = arith.addf %bitcast3A_557, %bitcast3A_565 : vector<32xbf16>
        %add3A_574 = arith.addf %add3A_566, %add3A_567 : vector<32xbf16>
        %add3A_575 = arith.addf %add3A_568, %add3A_569 : vector<32xbf16>
        %add3A_576 = arith.addf %add3A_570, %add3A_571 : vector<32xbf16>
        %add3A_577 = arith.addf %add3A_572, %add3A_573 : vector<32xbf16>
        %add3A_578 = arith.addf %add3A_574, %add3A_575 : vector<32xbf16>
        %add3A_579 = arith.addf %add3A_576, %add3A_577 : vector<32xbf16>
        %add3A_580 = arith.addf %add3A_578, %add3A_579 : vector<32xbf16>
        %bitcast3A_581 = vector.bitcast %add3A_580 : vector<32xbf16> to vector<16xi32>
        %swap3A_582 = arith.constant 1 : i32
        %swap3A_583 = arith.index_cast %swap3A_582 : i32 to index
        %swap3A_584 = arith.index_cast %scan3A_139 : i32 to index
        %swap3A_585 = arith.constant 32 : index
        %swap3A_586 = tpu.vector_load %arg7[%swap3A_583, %swap3A_584, %swap3A_585] {strides = array<i32>} : memref<2x16x128xi32, #tpu.memory_space<vmem>>, vector<16xi32>,
        tpu.vector_store %arg7[%swap3A_583, %swap3A_584, %swap3A_585], %bitcast3A_581 {strides = array<i32>} : memref<2x16x128xi32, #tpu.memory_space<vmem>>, vector<16xi32>,
        %add3A_587 = arith.constant 0 : i32
        %add3A_588 = arith.addi %mul3A_142, %add3A_587 : i32
        %get3A_589 = arith.constant 1 : i32
        %get3A_590 = arith.index_cast %get3A_589 : i32 to index
        %get3A_591 = arith.index_cast %add3A_588 : i32 to index
        %get3A_592 = arith.constant 48 : index
        %get3A_593 = tpu.vector_load %arg6[%get3A_590, %get3A_591, %get3A_592] {strides = array<i32>} : memref<2x256x128xi32, #tpu.memory_space<vmem>>, vector<16xi32>,
        %bitcast3A_594 = vector.bitcast %get3A_593 : vector<16xi32> to vector<32xbf16>
        %add3A_595 = arith.constant 1 : i32
        %add3A_596 = arith.addi %mul3A_142, %add3A_595 : i32
        %get3A_597 = arith.constant 1 : i32
        %get3A_598 = arith.index_cast %get3A_597 : i32 to index
        %get3A_599 = arith.index_cast %add3A_596 : i32 to index
        %get3A_600 = arith.constant 48 : index
        %get3A_601 = tpu.vector_load %arg6[%get3A_598, %get3A_599, %get3A_600] {strides = array<i32>} : memref<2x256x128xi32, #tpu.memory_space<vmem>>, vector<16xi32>,
        %bitcast3A_602 = vector.bitcast %get3A_601 : vector<16xi32> to vector<32xbf16>
        %add3A_603 = arith.constant 2 : i32
        %add3A_604 = arith.addi %mul3A_142, %add3A_603 : i32
        %get3A_605 = arith.constant 1 : i32
        %get3A_606 = arith.index_cast %get3A_605 : i32 to index
        %get3A_607 = arith.index_cast %add3A_604 : i32 to index
        %get3A_608 = arith.constant 48 : index
        %get3A_609 = tpu.vector_load %arg6[%get3A_606, %get3A_607, %get3A_608] {strides = array<i32>} : memref<2x256x128xi32, #tpu.memory_space<vmem>>, vector<16xi32>,
        %bitcast3A_610 = vector.bitcast %get3A_609 : vector<16xi32> to vector<32xbf16>
        %add3A_611 = arith.constant 3 : i32
        %add3A_612 = arith.addi %mul3A_142, %add3A_611 : i32
        %get3A_613 = arith.constant 1 : i32
        %get3A_614 = arith.index_cast %get3A_613 : i32 to index
        %get3A_615 = arith.index_cast %add3A_612 : i32 to index
        %get3A_616 = arith.constant 48 : index
        %get3A_617 = tpu.vector_load %arg6[%get3A_614, %get3A_615, %get3A_616] {strides = array<i32>} : memref<2x256x128xi32, #tpu.memory_space<vmem>>, vector<16xi32>,
        %bitcast3A_618 = vector.bitcast %get3A_617 : vector<16xi32> to vector<32xbf16>
        %add3A_619 = arith.constant 4 : i32
        %add3A_620 = arith.addi %mul3A_142, %add3A_619 : i32
        %get3A_621 = arith.constant 1 : i32
        %get3A_622 = arith.index_cast %get3A_621 : i32 to index
        %get3A_623 = arith.index_cast %add3A_620 : i32 to index
        %get3A_624 = arith.constant 48 : index
        %get3A_625 = tpu.vector_load %arg6[%get3A_622, %get3A_623, %get3A_624] {strides = array<i32>} : memref<2x256x128xi32, #tpu.memory_space<vmem>>, vector<16xi32>,
        %bitcast3A_626 = vector.bitcast %get3A_625 : vector<16xi32> to vector<32xbf16>
        %add3A_627 = arith.constant 5 : i32
        %add3A_628 = arith.addi %mul3A_142, %add3A_627 : i32
        %get3A_629 = arith.constant 1 : i32
        %get3A_630 = arith.index_cast %get3A_629 : i32 to index
        %get3A_631 = arith.index_cast %add3A_628 : i32 to index
        %get3A_632 = arith.constant 48 : index
        %get3A_633 = tpu.vector_load %arg6[%get3A_630, %get3A_631, %get3A_632] {strides = array<i32>} : memref<2x256x128xi32, #tpu.memory_space<vmem>>, vector<16xi32>,
        %bitcast3A_634 = vector.bitcast %get3A_633 : vector<16xi32> to vector<32xbf16>
        %add3A_635 = arith.constant 6 : i32
        %add3A_636 = arith.addi %mul3A_142, %add3A_635 : i32
        %get3A_637 = arith.constant 1 : i32
        %get3A_638 = arith.index_cast %get3A_637 : i32 to index
        %get3A_639 = arith.index_cast %add3A_636 : i32 to index
        %get3A_640 = arith.constant 48 : index
        %get3A_641 = tpu.vector_load %arg6[%get3A_638, %get3A_639, %get3A_640] {strides = array<i32>} : memref<2x256x128xi32, #tpu.memory_space<vmem>>, vector<16xi32>,
        %bitcast3A_642 = vector.bitcast %get3A_641 : vector<16xi32> to vector<32xbf16>
        %add3A_643 = arith.constant 7 : i32
        %add3A_644 = arith.addi %mul3A_142, %add3A_643 : i32
        %get3A_645 = arith.constant 1 : i32
        %get3A_646 = arith.index_cast %get3A_645 : i32 to index
        %get3A_647 = arith.index_cast %add3A_644 : i32 to index
        %get3A_648 = arith.constant 48 : index
        %get3A_649 = tpu.vector_load %arg6[%get3A_646, %get3A_647, %get3A_648] {strides = array<i32>} : memref<2x256x128xi32, #tpu.memory_space<vmem>>, vector<16xi32>,
        %bitcast3A_650 = vector.bitcast %get3A_649 : vector<16xi32> to vector<32xbf16>
        %add3A_651 = arith.constant 8 : i32
        %add3A_652 = arith.addi %mul3A_142, %add3A_651 : i32
        %get3A_653 = arith.constant 1 : i32
        %get3A_654 = arith.index_cast %get3A_653 : i32 to index
        %get3A_655 = arith.index_cast %add3A_652 : i32 to index
        %get3A_656 = arith.constant 48 : index
        %get3A_657 = tpu.vector_load %arg6[%get3A_654, %get3A_655, %get3A_656] {strides = array<i32>} : memref<2x256x128xi32, #tpu.memory_space<vmem>>, vector<16xi32>,
        %bitcast3A_658 = vector.bitcast %get3A_657 : vector<16xi32> to vector<32xbf16>
        %add3A_659 = arith.constant 9 : i32
        %add3A_660 = arith.addi %mul3A_142, %add3A_659 : i32
        %get3A_661 = arith.constant 1 : i32
        %get3A_662 = arith.index_cast %get3A_661 : i32 to index
        %get3A_663 = arith.index_cast %add3A_660 : i32 to index
        %get3A_664 = arith.constant 48 : index
        %get3A_665 = tpu.vector_load %arg6[%get3A_662, %get3A_663, %get3A_664] {strides = array<i32>} : memref<2x256x128xi32, #tpu.memory_space<vmem>>, vector<16xi32>,
        %bitcast3A_666 = vector.bitcast %get3A_665 : vector<16xi32> to vector<32xbf16>
        %add3A_667 = arith.constant 10 : i32
        %add3A_668 = arith.addi %mul3A_142, %add3A_667 : i32
        %get3A_669 = arith.constant 1 : i32
        %get3A_670 = arith.index_cast %get3A_669 : i32 to index
        %get3A_671 = arith.index_cast %add3A_668 : i32 to index
        %get3A_672 = arith.constant 48 : index
        %get3A_673 = tpu.vector_load %arg6[%get3A_670, %get3A_671, %get3A_672] {strides = array<i32>} : memref<2x256x128xi32, #tpu.memory_space<vmem>>, vector<16xi32>,
        %bitcast3A_674 = vector.bitcast %get3A_673 : vector<16xi32> to vector<32xbf16>
        %add3A_675 = arith.constant 11 : i32
        %add3A_676 = arith.addi %mul3A_142, %add3A_675 : i32
        %get3A_677 = arith.constant 1 : i32
        %get3A_678 = arith.index_cast %get3A_677 : i32 to index
        %get3A_679 = arith.index_cast %add3A_676 : i32 to index
        %get3A_680 = arith.constant 48 : index
        %get3A_681 = tpu.vector_load %arg6[%get3A_678, %get3A_679, %get3A_680] {strides = array<i32>} : memref<2x256x128xi32, #tpu.memory_space<vmem>>, vector<16xi32>,
        %bitcast3A_682 = vector.bitcast %get3A_681 : vector<16xi32> to vector<32xbf16>
        %add3A_683 = arith.constant 12 : i32
        %add3A_684 = arith.addi %mul3A_142, %add3A_683 : i32
        %get3A_685 = arith.constant 1 : i32
        %get3A_686 = arith.index_cast %get3A_685 : i32 to index
        %get3A_687 = arith.index_cast %add3A_684 : i32 to index
        %get3A_688 = arith.constant 48 : index
        %get3A_689 = tpu.vector_load %arg6[%get3A_686, %get3A_687, %get3A_688] {strides = array<i32>} : memref<2x256x128xi32, #tpu.memory_space<vmem>>, vector<16xi32>,
        %bitcast3A_690 = vector.bitcast %get3A_689 : vector<16xi32> to vector<32xbf16>
        %add3A_691 = arith.constant 13 : i32
        %add3A_692 = arith.addi %mul3A_142, %add3A_691 : i32
        %get3A_693 = arith.constant 1 : i32
        %get3A_694 = arith.index_cast %get3A_693 : i32 to index
        %get3A_695 = arith.index_cast %add3A_692 : i32 to index
        %get3A_696 = arith.constant 48 : index
        %get3A_697 = tpu.vector_load %arg6[%get3A_694, %get3A_695, %get3A_696] {strides = array<i32>} : memref<2x256x128xi32, #tpu.memory_space<vmem>>, vector<16xi32>,
        %bitcast3A_698 = vector.bitcast %get3A_697 : vector<16xi32> to vector<32xbf16>
        %add3A_699 = arith.constant 14 : i32
        %add3A_700 = arith.addi %mul3A_142, %add3A_699 : i32
        %get3A_701 = arith.constant 1 : i32
        %get3A_702 = arith.index_cast %get3A_701 : i32 to index
        %get3A_703 = arith.index_cast %add3A_700 : i32 to index
        %get3A_704 = arith.constant 48 : index
        %get3A_705 = tpu.vector_load %arg6[%get3A_702, %get3A_703, %get3A_704] {strides = array<i32>} : memref<2x256x128xi32, #tpu.memory_space<vmem>>, vector<16xi32>,
        %bitcast3A_706 = vector.bitcast %get3A_705 : vector<16xi32> to vector<32xbf16>
        %add3A_707 = arith.constant 15 : i32
        %add3A_708 = arith.addi %mul3A_142, %add3A_707 : i32
        %get3A_709 = arith.constant 1 : i32
        %get3A_710 = arith.index_cast %get3A_709 : i32 to index
        %get3A_711 = arith.index_cast %add3A_708 : i32 to index
        %get3A_712 = arith.constant 48 : index
        %get3A_713 = tpu.vector_load %arg6[%get3A_710, %get3A_711, %get3A_712] {strides = array<i32>} : memref<2x256x128xi32, #tpu.memory_space<vmem>>, vector<16xi32>,
        %bitcast3A_714 = vector.bitcast %get3A_713 : vector<16xi32> to vector<32xbf16>
        %add3A_715 = arith.addf %bitcast3A_594, %bitcast3A_602 : vector<32xbf16>
        %add3A_716 = arith.addf %bitcast3A_610, %bitcast3A_618 : vector<32xbf16>
        %add3A_717 = arith.addf %bitcast3A_626, %bitcast3A_634 : vector<32xbf16>
        %add3A_718 = arith.addf %bitcast3A_642, %bitcast3A_650 : vector<32xbf16>
        %add3A_719 = arith.addf %bitcast3A_658, %bitcast3A_666 : vector<32xbf16>
        %add3A_720 = arith.addf %bitcast3A_674, %bitcast3A_682 : vector<32xbf16>
        %add3A_721 = arith.addf %bitcast3A_690, %bitcast3A_698 : vector<32xbf16>
        %add3A_722 = arith.addf %bitcast3A_706, %bitcast3A_714 : vector<32xbf16>
        %add3A_723 = arith.addf %add3A_715, %add3A_716 : vector<32xbf16>
        %add3A_724 = arith.addf %add3A_717, %add3A_718 : vector<32xbf16>
        %add3A_725 = arith.addf %add3A_719, %add3A_720 : vector<32xbf16>
        %add3A_726 = arith.addf %add3A_721, %add3A_722 : vector<32xbf16>
        %add3A_727 = arith.addf %add3A_723, %add3A_724 : vector<32xbf16>
        %add3A_728 = arith.addf %add3A_725, %add3A_726 : vector<32xbf16>
        %add3A_729 = arith.addf %add3A_727, %add3A_728 : vector<32xbf16>
        %bitcast3A_730 = vector.bitcast %add3A_729 : vector<32xbf16> to vector<16xi32>
        %swap3A_731 = arith.constant 1 : i32
        %swap3A_732 = arith.index_cast %swap3A_731 : i32 to index
        %swap3A_733 = arith.index_cast %scan3A_139 : i32 to index
        %swap3A_734 = arith.constant 48 : index
        %swap3A_735 = tpu.vector_load %arg7[%swap3A_732, %swap3A_733, %swap3A_734] {strides = array<i32>} : memref<2x16x128xi32, #tpu.memory_space<vmem>>, vector<16xi32>,
        tpu.vector_store %arg7[%swap3A_732, %swap3A_733, %swap3A_734], %bitcast3A_730 {strides = array<i32>} : memref<2x16x128xi32, #tpu.memory_space<vmem>>, vector<16xi32>,
        %add3A_736 = arith.constant 0 : i32
        %add3A_737 = arith.addi %mul3A_142, %add3A_736 : i32
        %get3A_738 = arith.constant 1 : i32
        %get3A_739 = arith.index_cast %get3A_738 : i32 to index
        %get3A_740 = arith.index_cast %add3A_737 : i32 to index
        %get3A_741 = arith.constant 64 : index
        %get3A_742 = tpu.vector_load %arg6[%get3A_739, %get3A_740, %get3A_741] {strides = array<i32>} : memref<2x256x128xi32, #tpu.memory_space<vmem>>, vector<16xi32>,
        %bitcast3A_743 = vector.bitcast %get3A_742 : vector<16xi32> to vector<32xbf16>
        %add3A_744 = arith.constant 1 : i32
        %add3A_745 = arith.addi %mul3A_142, %add3A_744 : i32
        %get3A_746 = arith.constant 1 : i32
        %get3A_747 = arith.index_cast %get3A_746 : i32 to index
        %get3A_748 = arith.index_cast %add3A_745 : i32 to index
        %get3A_749 = arith.constant 64 : index
        %get3A_750 = tpu.vector_load %arg6[%get3A_747, %get3A_748, %get3A_749] {strides = array<i32>} : memref<2x256x128xi32, #tpu.memory_space<vmem>>, vector<16xi32>,
        %bitcast3A_751 = vector.bitcast %get3A_750 : vector<16xi32> to vector<32xbf16>
        %add3A_752 = arith.constant 2 : i32
        %add3A_753 = arith.addi %mul3A_142, %add3A_752 : i32
        %get3A_754 = arith.constant 1 : i32
        %get3A_755 = arith.index_cast %get3A_754 : i32 to index
        %get3A_756 = arith.index_cast %add3A_753 : i32 to index
        %get3A_757 = arith.constant 64 : index
        %get3A_758 = tpu.vector_load %arg6[%get3A_755, %get3A_756, %get3A_757] {strides = array<i32>} : memref<2x256x128xi32, #tpu.memory_space<vmem>>, vector<16xi32>,
        %bitcast3A_759 = vector.bitcast %get3A_758 : vector<16xi32> to vector<32xbf16>
        %add3A_760 = arith.constant 3 : i32
        %add3A_761 = arith.addi %mul3A_142, %add3A_760 : i32
        %get3A_762 = arith.constant 1 : i32
        %get3A_763 = arith.index_cast %get3A_762 : i32 to index
        %get3A_764 = arith.index_cast %add3A_761 : i32 to index
        %get3A_765 = arith.constant 64 : index
        %get3A_766 = tpu.vector_load %arg6[%get3A_763, %get3A_764, %get3A_765] {strides = array<i32>} : memref<2x256x128xi32, #tpu.memory_space<vmem>>, vector<16xi32>,
        %bitcast3A_767 = vector.bitcast %get3A_766 : vector<16xi32> to vector<32xbf16>
        %add3A_768 = arith.constant 4 : i32
        %add3A_769 = arith.addi %mul3A_142, %add3A_768 : i32
        %get3A_770 = arith.constant 1 : i32
        %get3A_771 = arith.index_cast %get3A_770 : i32 to index
        %get3A_772 = arith.index_cast %add3A_769 : i32 to index
        %get3A_773 = arith.constant 64 : index
        %get3A_774 = tpu.vector_load %arg6[%get3A_771, %get3A_772, %get3A_773] {strides = array<i32>} : memref<2x256x128xi32, #tpu.memory_space<vmem>>, vector<16xi32>,
        %bitcast3A_775 = vector.bitcast %get3A_774 : vector<16xi32> to vector<32xbf16>
        %add3A_776 = arith.constant 5 : i32
        %add3A_777 = arith.addi %mul3A_142, %add3A_776 : i32
        %get3A_778 = arith.constant 1 : i32
        %get3A_779 = arith.index_cast %get3A_778 : i32 to index
        %get3A_780 = arith.index_cast %add3A_777 : i32 to index
        %get3A_781 = arith.constant 64 : index
        %get3A_782 = tpu.vector_load %arg6[%get3A_779, %get3A_780, %get3A_781] {strides = array<i32>} : memref<2x256x128xi32, #tpu.memory_space<vmem>>, vector<16xi32>,
        %bitcast3A_783 = vector.bitcast %get3A_782 : vector<16xi32> to vector<32xbf16>
        %add3A_784 = arith.constant 6 : i32
        %add3A_785 = arith.addi %mul3A_142, %add3A_784 : i32
        %get3A_786 = arith.constant 1 : i32
        %get3A_787 = arith.index_cast %get3A_786 : i32 to index
        %get3A_788 = arith.index_cast %add3A_785 : i32 to index
        %get3A_789 = arith.constant 64 : index
        %get3A_790 = tpu.vector_load %arg6[%get3A_787, %get3A_788, %get3A_789] {strides = array<i32>} : memref<2x256x128xi32, #tpu.memory_space<vmem>>, vector<16xi32>,
        %bitcast3A_791 = vector.bitcast %get3A_790 : vector<16xi32> to vector<32xbf16>
        %add3A_792 = arith.constant 7 : i32
        %add3A_793 = arith.addi %mul3A_142, %add3A_792 : i32
        %get3A_794 = arith.constant 1 : i32
        %get3A_795 = arith.index_cast %get3A_794 : i32 to index
        %get3A_796 = arith.index_cast %add3A_793 : i32 to index
        %get3A_797 = arith.constant 64 : index
        %get3A_798 = tpu.vector_load %arg6[%get3A_795, %get3A_796, %get3A_797] {strides = array<i32>} : memref<2x256x128xi32, #tpu.memory_space<vmem>>, vector<16xi32>,
        %bitcast3A_799 = vector.bitcast %get3A_798 : vector<16xi32> to vector<32xbf16>
        %add3A_800 = arith.constant 8 : i32
        %add3A_801 = arith.addi %mul3A_142, %add3A_800 : i32
        %get3A_802 = arith.constant 1 : i32
        %get3A_803 = arith.index_cast %get3A_802 : i32 to index
        %get3A_804 = arith.index_cast %add3A_801 : i32 to index
        %get3A_805 = arith.constant 64 : index
        %get3A_806 = tpu.vector_load %arg6[%get3A_803, %get3A_804, %get3A_805] {strides = array<i32>} : memref<2x256x128xi32, #tpu.memory_space<vmem>>, vector<16xi32>,
        %bitcast3A_807 = vector.bitcast %get3A_806 : vector<16xi32> to vector<32xbf16>
        %add3A_808 = arith.constant 9 : i32
        %add3A_809 = arith.addi %mul3A_142, %add3A_808 : i32
        %get3A_810 = arith.constant 1 : i32
        %get3A_811 = arith.index_cast %get3A_810 : i32 to index
        %get3A_812 = arith.index_cast %add3A_809 : i32 to index
        %get3A_813 = arith.constant 64 : index
        %get3A_814 = tpu.vector_load %arg6[%get3A_811, %get3A_812, %get3A_813] {strides = array<i32>} : memref<2x256x128xi32, #tpu.memory_space<vmem>>, vector<16xi32>,
        %bitcast3A_815 = vector.bitcast %get3A_814 : vector<16xi32> to vector<32xbf16>
        %add3A_816 = arith.constant 10 : i32
        %add3A_817 = arith.addi %mul3A_142, %add3A_816 : i32
        %get3A_818 = arith.constant 1 : i32
        %get3A_819 = arith.index_cast %get3A_818 : i32 to index
        %get3A_820 = arith.index_cast %add3A_817 : i32 to index
        %get3A_821 = arith.constant 64 : index
        %get3A_822 = tpu.vector_load %arg6[%get3A_819, %get3A_820, %get3A_821] {strides = array<i32>} : memref<2x256x128xi32, #tpu.memory_space<vmem>>, vector<16xi32>,
        %bitcast3A_823 = vector.bitcast %get3A_822 : vector<16xi32> to vector<32xbf16>
        %add3A_824 = arith.constant 11 : i32
        %add3A_825 = arith.addi %mul3A_142, %add3A_824 : i32
        %get3A_826 = arith.constant 1 : i32
        %get3A_827 = arith.index_cast %get3A_826 : i32 to index
        %get3A_828 = arith.index_cast %add3A_825 : i32 to index
        %get3A_829 = arith.constant 64 : index
        %get3A_830 = tpu.vector_load %arg6[%get3A_827, %get3A_828, %get3A_829] {strides = array<i32>} : memref<2x256x128xi32, #tpu.memory_space<vmem>>, vector<16xi32>,
        %bitcast3A_831 = vector.bitcast %get3A_830 : vector<16xi32> to vector<32xbf16>
        %add3A_832 = arith.constant 12 : i32
        %add3A_833 = arith.addi %mul3A_142, %add3A_832 : i32
        %get3A_834 = arith.constant 1 : i32
        %get3A_835 = arith.index_cast %get3A_834 : i32 to index
        %get3A_836 = arith.index_cast %add3A_833 : i32 to index
        %get3A_837 = arith.constant 64 : index
        %get3A_838 = tpu.vector_load %arg6[%get3A_835, %get3A_836, %get3A_837] {strides = array<i32>} : memref<2x256x128xi32, #tpu.memory_space<vmem>>, vector<16xi32>,
        %bitcast3A_839 = vector.bitcast %get3A_838 : vector<16xi32> to vector<32xbf16>
        %add3A_840 = arith.constant 13 : i32
        %add3A_841 = arith.addi %mul3A_142, %add3A_840 : i32
        %get3A_842 = arith.constant 1 : i32
        %get3A_843 = arith.index_cast %get3A_842 : i32 to index
        %get3A_844 = arith.index_cast %add3A_841 : i32 to index
        %get3A_845 = arith.constant 64 : index
        %get3A_846 = tpu.vector_load %arg6[%get3A_843, %get3A_844, %get3A_845] {strides = array<i32>} : memref<2x256x128xi32, #tpu.memory_space<vmem>>, vector<16xi32>,
        %bitcast3A_847 = vector.bitcast %get3A_846 : vector<16xi32> to vector<32xbf16>
        %add3A_848 = arith.constant 14 : i32
        %add3A_849 = arith.addi %mul3A_142, %add3A_848 : i32
        %get3A_850 = arith.constant 1 : i32
        %get3A_851 = arith.index_cast %get3A_850 : i32 to index
        %get3A_852 = arith.index_cast %add3A_849 : i32 to index
        %get3A_853 = arith.constant 64 : index
        %get3A_854 = tpu.vector_load %arg6[%get3A_851, %get3A_852, %get3A_853] {strides = array<i32>} : memref<2x256x128xi32, #tpu.memory_space<vmem>>, vector<16xi32>,
        %bitcast3A_855 = vector.bitcast %get3A_854 : vector<16xi32> to vector<32xbf16>
        %add3A_856 = arith.constant 15 : i32
        %add3A_857 = arith.addi %mul3A_142, %add3A_856 : i32
        %get3A_858 = arith.constant 1 : i32
        %get3A_859 = arith.index_cast %get3A_858 : i32 to index
        %get3A_860 = arith.index_cast %add3A_857 : i32 to index
        %get3A_861 = arith.constant 64 : index
        %get3A_862 = tpu.vector_load %arg6[%get3A_859, %get3A_860, %get3A_861] {strides = array<i32>} : memref<2x256x128xi32, #tpu.memory_space<vmem>>, vector<16xi32>,
        %bitcast3A_863 = vector.bitcast %get3A_862 : vector<16xi32> to vector<32xbf16>
        %add3A_864 = arith.addf %bitcast3A_743, %bitcast3A_751 : vector<32xbf16>
        %add3A_865 = arith.addf %bitcast3A_759, %bitcast3A_767 : vector<32xbf16>
        %add3A_866 = arith.addf %bitcast3A_775, %bitcast3A_783 : vector<32xbf16>
        %add3A_867 = arith.addf %bitcast3A_791, %bitcast3A_799 : vector<32xbf16>
        %add3A_868 = arith.addf %bitcast3A_807, %bitcast3A_815 : vector<32xbf16>
        %add3A_869 = arith.addf %bitcast3A_823, %bitcast3A_831 : vector<32xbf16>
        %add3A_870 = arith.addf %bitcast3A_839, %bitcast3A_847 : vector<32xbf16>
        %add3A_871 = arith.addf %bitcast3A_855, %bitcast3A_863 : vector<32xbf16>
        %add3A_872 = arith.addf %add3A_864, %add3A_865 : vector<32xbf16>
        %add3A_873 = arith.addf %add3A_866, %add3A_867 : vector<32xbf16>
        %add3A_874 = arith.addf %add3A_868, %add3A_869 : vector<32xbf16>
        %add3A_875 = arith.addf %add3A_870, %add3A_871 : vector<32xbf16>
        %add3A_876 = arith.addf %add3A_872, %add3A_873 : vector<32xbf16>
        %add3A_877 = arith.addf %add3A_874, %add3A_875 : vector<32xbf16>
        %add3A_878 = arith.addf %add3A_876, %add3A_877 : vector<32xbf16>
        %bitcast3A_879 = vector.bitcast %add3A_878 : vector<32xbf16> to vector<16xi32>
        %swap3A_880 = arith.constant 1 : i32
        %swap3A_881 = arith.index_cast %swap3A_880 : i32 to index
        %swap3A_882 = arith.index_cast %scan3A_139 : i32 to index
        %swap3A_883 = arith.constant 64 : index
        %swap3A_884 = tpu.vector_load %arg7[%swap3A_881, %swap3A_882, %swap3A_883] {strides = array<i32>} : memref<2x16x128xi32, #tpu.memory_space<vmem>>, vector<16xi32>,
        tpu.vector_store %arg7[%swap3A_881, %swap3A_882, %swap3A_883], %bitcast3A_879 {strides = array<i32>} : memref<2x16x128xi32, #tpu.memory_space<vmem>>, vector<16xi32>,
        %add3A_885 = arith.constant 0 : i32
        %add3A_886 = arith.addi %mul3A_142, %add3A_885 : i32
        %get3A_887 = arith.constant 1 : i32
        %get3A_888 = arith.index_cast %get3A_887 : i32 to index
        %get3A_889 = arith.index_cast %add3A_886 : i32 to index
        %get3A_890 = arith.constant 80 : index
        %get3A_891 = tpu.vector_load %arg6[%get3A_888, %get3A_889, %get3A_890] {strides = array<i32>} : memref<2x256x128xi32, #tpu.memory_space<vmem>>, vector<16xi32>,
        %bitcast3A_892 = vector.bitcast %get3A_891 : vector<16xi32> to vector<32xbf16>
        %add3A_893 = arith.constant 1 : i32
        %add3A_894 = arith.addi %mul3A_142, %add3A_893 : i32
        %get3A_895 = arith.constant 1 : i32
        %get3A_896 = arith.index_cast %get3A_895 : i32 to index
        %get3A_897 = arith.index_cast %add3A_894 : i32 to index
        %get3A_898 = arith.constant 80 : index
        %get3A_899 = tpu.vector_load %arg6[%get3A_896, %get3A_897, %get3A_898] {strides = array<i32>} : memref<2x256x128xi32, #tpu.memory_space<vmem>>, vector<16xi32>,
        %bitcast3A_900 = vector.bitcast %get3A_899 : vector<16xi32> to vector<32xbf16>
        %add3A_901 = arith.constant 2 : i32
        %add3A_902 = arith.addi %mul3A_142, %add3A_901 : i32
        %get3A_903 = arith.constant 1 : i32
        %get3A_904 = arith.index_cast %get3A_903 : i32 to index
        %get3A_905 = arith.index_cast %add3A_902 : i32 to index
        %get3A_906 = arith.constant 80 : index
        %get3A_907 = tpu.vector_load %arg6[%get3A_904, %get3A_905, %get3A_906] {strides = array<i32>} : memref<2x256x128xi32, #tpu.memory_space<vmem>>, vector<16xi32>,
        %bitcast3A_908 = vector.bitcast %get3A_907 : vector<16xi32> to vector<32xbf16>
        %add3A_909 = arith.constant 3 : i32
        %add3A_910 = arith.addi %mul3A_142, %add3A_909 : i32
        %get3A_911 = arith.constant 1 : i32
        %get3A_912 = arith.index_cast %get3A_911 : i32 to index
        %get3A_913 = arith.index_cast %add3A_910 : i32 to index
        %get3A_914 = arith.constant 80 : index
        %get3A_915 = tpu.vector_load %arg6[%get3A_912, %get3A_913, %get3A_914] {strides = array<i32>} : memref<2x256x128xi32, #tpu.memory_space<vmem>>, vector<16xi32>,
        %bitcast3A_916 = vector.bitcast %get3A_915 : vector<16xi32> to vector<32xbf16>
        %add3A_917 = arith.constant 4 : i32
        %add3A_918 = arith.addi %mul3A_142, %add3A_917 : i32
        %get3A_919 = arith.constant 1 : i32
        %get3A_920 = arith.index_cast %get3A_919 : i32 to index
        %get3A_921 = arith.index_cast %add3A_918 : i32 to index
        %get3A_922 = arith.constant 80 : index
        %get3A_923 = tpu.vector_load %arg6[%get3A_920, %get3A_921, %get3A_922] {strides = array<i32>} : memref<2x256x128xi32, #tpu.memory_space<vmem>>, vector<16xi32>,
        %bitcast3A_924 = vector.bitcast %get3A_923 : vector<16xi32> to vector<32xbf16>
        %add3A_925 = arith.constant 5 : i32
        %add3A_926 = arith.addi %mul3A_142, %add3A_925 : i32
        %get3A_927 = arith.constant 1 : i32
        %get3A_928 = arith.index_cast %get3A_927 : i32 to index
        %get3A_929 = arith.index_cast %add3A_926 : i32 to index
        %get3A_930 = arith.constant 80 : index
        %get3A_931 = tpu.vector_load %arg6[%get3A_928, %get3A_929, %get3A_930] {strides = array<i32>} : memref<2x256x128xi32, #tpu.memory_space<vmem>>, vector<16xi32>,
        %bitcast3A_932 = vector.bitcast %get3A_931 : vector<16xi32> to vector<32xbf16>
        %add3A_933 = arith.constant 6 : i32
        %add3A_934 = arith.addi %mul3A_142, %add3A_933 : i32
        %get3A_935 = arith.constant 1 : i32
        %get3A_936 = arith.index_cast %get3A_935 : i32 to index
        %get3A_937 = arith.index_cast %add3A_934 : i32 to index
        %get3A_938 = arith.constant 80 : index
        %get3A_939 = tpu.vector_load %arg6[%get3A_936, %get3A_937, %get3A_938] {strides = array<i32>} : memref<2x256x128xi32, #tpu.memory_space<vmem>>, vector<16xi32>,
        %bitcast3A_940 = vector.bitcast %get3A_939 : vector<16xi32> to vector<32xbf16>
        %add3A_941 = arith.constant 7 : i32
        %add3A_942 = arith.addi %mul3A_142, %add3A_941 : i32
        %get3A_943 = arith.constant 1 : i32
        %get3A_944 = arith.index_cast %get3A_943 : i32 to index
        %get3A_945 = arith.index_cast %add3A_942 : i32 to index
        %get3A_946 = arith.constant 80 : index
        %get3A_947 = tpu.vector_load %arg6[%get3A_944, %get3A_945, %get3A_946] {strides = array<i32>} : memref<2x256x128xi32, #tpu.memory_space<vmem>>, vector<16xi32>,
        %bitcast3A_948 = vector.bitcast %get3A_947 : vector<16xi32> to vector<32xbf16>
        %add3A_949 = arith.constant 8 : i32
        %add3A_950 = arith.addi %mul3A_142, %add3A_949 : i32
        %get3A_951 = arith.constant 1 : i32
        %get3A_952 = arith.index_cast %get3A_951 : i32 to index
        %get3A_953 = arith.index_cast %add3A_950 : i32 to index
        %get3A_954 = arith.constant 80 : index
        %get3A_955 = tpu.vector_load %arg6[%get3A_952, %get3A_953, %get3A_954] {strides = array<i32>} : memref<2x256x128xi32, #tpu.memory_space<vmem>>, vector<16xi32>,
        %bitcast3A_956 = vector.bitcast %get3A_955 : vector<16xi32> to vector<32xbf16>
        %add3A_957 = arith.constant 9 : i32
        %add3A_958 = arith.addi %mul3A_142, %add3A_957 : i32
        %get3A_959 = arith.constant 1 : i32
        %get3A_960 = arith.index_cast %get3A_959 : i32 to index
        %get3A_961 = arith.index_cast %add3A_958 : i32 to index
        %get3A_962 = arith.constant 80 : index
        %get3A_963 = tpu.vector_load %arg6[%get3A_960, %get3A_961, %get3A_962] {strides = array<i32>} : memref<2x256x128xi32, #tpu.memory_space<vmem>>, vector<16xi32>,
        %bitcast3A_964 = vector.bitcast %get3A_963 : vector<16xi32> to vector<32xbf16>
        %add3A_965 = arith.constant 10 : i32
        %add3A_966 = arith.addi %mul3A_142, %add3A_965 : i32
        %get3A_967 = arith.constant 1 : i32
        %get3A_968 = arith.index_cast %get3A_967 : i32 to index
        %get3A_969 = arith.index_cast %add3A_966 : i32 to index
        %get3A_970 = arith.constant 80 : index
        %get3A_971 = tpu.vector_load %arg6[%get3A_968, %get3A_969, %get3A_970] {strides = array<i32>} : memref<2x256x128xi32, #tpu.memory_space<vmem>>, vector<16xi32>,
        %bitcast3A_972 = vector.bitcast %get3A_971 : vector<16xi32> to vector<32xbf16>
        %add3A_973 = arith.constant 11 : i32
        %add3A_974 = arith.addi %mul3A_142, %add3A_973 : i32
        %get3A_975 = arith.constant 1 : i32
        %get3A_976 = arith.index_cast %get3A_975 : i32 to index
        %get3A_977 = arith.index_cast %add3A_974 : i32 to index
        %get3A_978 = arith.constant 80 : index
        %get3A_979 = tpu.vector_load %arg6[%get3A_976, %get3A_977, %get3A_978] {strides = array<i32>} : memref<2x256x128xi32, #tpu.memory_space<vmem>>, vector<16xi32>,
        %bitcast3A_980 = vector.bitcast %get3A_979 : vector<16xi32> to vector<32xbf16>
        %add3A_981 = arith.constant 12 : i32
        %add3A_982 = arith.addi %mul3A_142, %add3A_981 : i32
        %get3A_983 = arith.constant 1 : i32
        %get3A_984 = arith.index_cast %get3A_983 : i32 to index
        %get3A_985 = arith.index_cast %add3A_982 : i32 to index
        %get3A_986 = arith.constant 80 : index
        %get3A_987 = tpu.vector_load %arg6[%get3A_984, %get3A_985, %get3A_986] {strides = array<i32>} : memref<2x256x128xi32, #tpu.memory_space<vmem>>, vector<16xi32>,
        %bitcast3A_988 = vector.bitcast %get3A_987 : vector<16xi32> to vector<32xbf16>
        %add3A_989 = arith.constant 13 : i32
        %add3A_990 = arith.addi %mul3A_142, %add3A_989 : i32
        %get3A_991 = arith.constant 1 : i32
        %get3A_992 = arith.index_cast %get3A_991 : i32 to index
        %get3A_993 = arith.index_cast %add3A_990 : i32 to index
        %get3A_994 = arith.constant 80 : index
        %get3A_995 = tpu.vector_load %arg6[%get3A_992, %get3A_993, %get3A_994] {strides = array<i32>} : memref<2x256x128xi32, #tpu.memory_space<vmem>>, vector<16xi32>,
        %bitcast3A_996 = vector.bitcast %get3A_995 : vector<16xi32> to vector<32xbf16>
        %add3A_997 = arith.constant 14 : i32
        %add3A_998 = arith.addi %mul3A_142, %add3A_997 : i32
        %get3A_999 = arith.constant 1 : i32
        %get3A_1000 = arith.index_cast %get3A_999 : i32 to index
        %get3A_1001 = arith.index_cast %add3A_998 : i32 to index
        %get3A_1002 = arith.constant 80 : index
        %get3A_1003 = tpu.vector_load %arg6[%get3A_1000, %get3A_1001, %get3A_1002] {strides = array<i32>} : memref<2x256x128xi32, #tpu.memory_space<vmem>>, vector<16xi32>,
        %bitcast3A_1004 = vector.bitcast %get3A_1003 : vector<16xi32> to vector<32xbf16>
        %add3A_1005 = arith.constant 15 : i32
        %add3A_1006 = arith.addi %mul3A_142, %add3A_1005 : i32
        %get3A_1007 = arith.constant 1 : i32
        %get3A_1008 = arith.index_cast %get3A_1007 : i32 to index
        %get3A_1009 = arith.index_cast %add3A_1006 : i32 to index
        %get3A_1010 = arith.constant 80 : index
        %get3A_1011 = tpu.vector_load %arg6[%get3A_1008, %get3A_1009, %get3A_1010] {strides = array<i32>} : memref<2x256x128xi32, #tpu.memory_space<vmem>>, vector<16xi32>,
        %bitcast3A_1012 = vector.bitcast %get3A_1011 : vector<16xi32> to vector<32xbf16>
        %add3A_1013 = arith.addf %bitcast3A_892, %bitcast3A_900 : vector<32xbf16>
        %add3A_1014 = arith.addf %bitcast3A_908, %bitcast3A_916 : vector<32xbf16>
        %add3A_1015 = arith.addf %bitcast3A_924, %bitcast3A_932 : vector<32xbf16>
        %add3A_1016 = arith.addf %bitcast3A_940, %bitcast3A_948 : vector<32xbf16>
        %add3A_1017 = arith.addf %bitcast3A_956, %bitcast3A_964 : vector<32xbf16>
        %add3A_1018 = arith.addf %bitcast3A_972, %bitcast3A_980 : vector<32xbf16>
        %add3A_1019 = arith.addf %bitcast3A_988, %bitcast3A_996 : vector<32xbf16>
        %add3A_1020 = arith.addf %bitcast3A_1004, %bitcast3A_1012 : vector<32xbf16>
        %add3A_1021 = arith.addf %add3A_1013, %add3A_1014 : vector<32xbf16>
        %add3A_1022 = arith.addf %add3A_1015, %add3A_1016 : vector<32xbf16>
        %add3A_1023 = arith.addf %add3A_1017, %add3A_1018 : vector<32xbf16>
        %add3A_1024 = arith.addf %add3A_1019, %add3A_1020 : vector<32xbf16>
        %add3A_1025 = arith.addf %add3A_1021, %add3A_1022 : vector<32xbf16>
        %add3A_1026 = arith.addf %add3A_1023, %add3A_1024 : vector<32xbf16>
        %add3A_1027 = arith.addf %add3A_1025, %add3A_1026 : vector<32xbf16>
        %bitcast3A_1028 = vector.bitcast %add3A_1027 : vector<32xbf16> to vector<16xi32>
        %swap3A_1029 = arith.constant 1 : i32
        %swap3A_1030 = arith.index_cast %swap3A_1029 : i32 to index
        %swap3A_1031 = arith.index_cast %scan3A_139 : i32 to index
        %swap3A_1032 = arith.constant 80 : index
        %swap3A_1033 = tpu.vector_load %arg7[%swap3A_1030, %swap3A_1031, %swap3A_1032] {strides = array<i32>} : memref<2x16x128xi32, #tpu.memory_space<vmem>>, vector<16xi32>,
        tpu.vector_store %arg7[%swap3A_1030, %swap3A_1031, %swap3A_1032], %bitcast3A_1028 {strides = array<i32>} : memref<2x16x128xi32, #tpu.memory_space<vmem>>, vector<16xi32>,
        %add3A_1034 = arith.constant 0 : i32
        %add3A_1035 = arith.addi %mul3A_142, %add3A_1034 : i32
        %get3A_1036 = arith.constant 1 : i32
        %get3A_1037 = arith.index_cast %get3A_1036 : i32 to index
        %get3A_1038 = arith.index_cast %add3A_1035 : i32 to index
        %get3A_1039 = arith.constant 96 : index
        %get3A_1040 = tpu.vector_load %arg6[%get3A_1037, %get3A_1038, %get3A_1039] {strides = array<i32>} : memref<2x256x128xi32, #tpu.memory_space<vmem>>, vector<16xi32>,
        %bitcast3A_1041 = vector.bitcast %get3A_1040 : vector<16xi32> to vector<32xbf16>
        %add3A_1042 = arith.constant 1 : i32
        %add3A_1043 = arith.addi %mul3A_142, %add3A_1042 : i32
        %get3A_1044 = arith.constant 1 : i32
        %get3A_1045 = arith.index_cast %get3A_1044 : i32 to index
        %get3A_1046 = arith.index_cast %add3A_1043 : i32 to index
        %get3A_1047 = arith.constant 96 : index
        %get3A_1048 = tpu.vector_load %arg6[%get3A_1045, %get3A_1046, %get3A_1047] {strides = array<i32>} : memref<2x256x128xi32, #tpu.memory_space<vmem>>, vector<16xi32>,
        %bitcast3A_1049 = vector.bitcast %get3A_1048 : vector<16xi32> to vector<32xbf16>
        %add3A_1050 = arith.constant 2 : i32
        %add3A_1051 = arith.addi %mul3A_142, %add3A_1050 : i32
        %get3A_1052 = arith.constant 1 : i32
        %get3A_1053 = arith.index_cast %get3A_1052 : i32 to index
        %get3A_1054 = arith.index_cast %add3A_1051 : i32 to index
        %get3A_1055 = arith.constant 96 : index
        %get3A_1056 = tpu.vector_load %arg6[%get3A_1053, %get3A_1054, %get3A_1055] {strides = array<i32>} : memref<2x256x128xi32, #tpu.memory_space<vmem>>, vector<16xi32>,
        %bitcast3A_1057 = vector.bitcast %get3A_1056 : vector<16xi32> to vector<32xbf16>
        %add3A_1058 = arith.constant 3 : i32
        %add3A_1059 = arith.addi %mul3A_142, %add3A_1058 : i32
        %get3A_1060 = arith.constant 1 : i32
        %get3A_1061 = arith.index_cast %get3A_1060 : i32 to index
        %get3A_1062 = arith.index_cast %add3A_1059 : i32 to index
        %get3A_1063 = arith.constant 96 : index
        %get3A_1064 = tpu.vector_load %arg6[%get3A_1061, %get3A_1062, %get3A_1063] {strides = array<i32>} : memref<2x256x128xi32, #tpu.memory_space<vmem>>, vector<16xi32>,
        %bitcast3A_1065 = vector.bitcast %get3A_1064 : vector<16xi32> to vector<32xbf16>
        %add3A_1066 = arith.constant 4 : i32
        %add3A_1067 = arith.addi %mul3A_142, %add3A_1066 : i32
        %get3A_1068 = arith.constant 1 : i32
        %get3A_1069 = arith.index_cast %get3A_1068 : i32 to index
        %get3A_1070 = arith.index_cast %add3A_1067 : i32 to index
        %get3A_1071 = arith.constant 96 : index
        %get3A_1072 = tpu.vector_load %arg6[%get3A_1069, %get3A_1070, %get3A_1071] {strides = array<i32>} : memref<2x256x128xi32, #tpu.memory_space<vmem>>, vector<16xi32>,
        %bitcast3A_1073 = vector.bitcast %get3A_1072 : vector<16xi32> to vector<32xbf16>
        %add3A_1074 = arith.constant 5 : i32
        %add3A_1075 = arith.addi %mul3A_142, %add3A_1074 : i32
        %get3A_1076 = arith.constant 1 : i32
        %get3A_1077 = arith.index_cast %get3A_1076 : i32 to index
        %get3A_1078 = arith.index_cast %add3A_1075 : i32 to index
        %get3A_1079 = arith.constant 96 : index
        %get3A_1080 = tpu.vector_load %arg6[%get3A_1077, %get3A_1078, %get3A_1079] {strides = array<i32>} : memref<2x256x128xi32, #tpu.memory_space<vmem>>, vector<16xi32>,
        %bitcast3A_1081 = vector.bitcast %get3A_1080 : vector<16xi32> to vector<32xbf16>
        %add3A_1082 = arith.constant 6 : i32
        %add3A_1083 = arith.addi %mul3A_142, %add3A_1082 : i32
        %get3A_1084 = arith.constant 1 : i32
        %get3A_1085 = arith.index_cast %get3A_1084 : i32 to index
        %get3A_1086 = arith.index_cast %add3A_1083 : i32 to index
        %get3A_1087 = arith.constant 96 : index
        %get3A_1088 = tpu.vector_load %arg6[%get3A_1085, %get3A_1086, %get3A_1087] {strides = array<i32>} : memref<2x256x128xi32, #tpu.memory_space<vmem>>, vector<16xi32>,
        %bitcast3A_1089 = vector.bitcast %get3A_1088 : vector<16xi32> to vector<32xbf16>
        %add3A_1090 = arith.constant 7 : i32
        %add3A_1091 = arith.addi %mul3A_142, %add3A_1090 : i32
        %get3A_1092 = arith.constant 1 : i32
        %get3A_1093 = arith.index_cast %get3A_1092 : i32 to index
        %get3A_1094 = arith.index_cast %add3A_1091 : i32 to index
        %get3A_1095 = arith.constant 96 : index
        %get3A_1096 = tpu.vector_load %arg6[%get3A_1093, %get3A_1094, %get3A_1095] {strides = array<i32>} : memref<2x256x128xi32, #tpu.memory_space<vmem>>, vector<16xi32>,
        %bitcast3A_1097 = vector.bitcast %get3A_1096 : vector<16xi32> to vector<32xbf16>
        %add3A_1098 = arith.constant 8 : i32
        %add3A_1099 = arith.addi %mul3A_142, %add3A_1098 : i32
        %get3A_1100 = arith.constant 1 : i32
        %get3A_1101 = arith.index_cast %get3A_1100 : i32 to index
        %get3A_1102 = arith.index_cast %add3A_1099 : i32 to index
        %get3A_1103 = arith.constant 96 : index
        %get3A_1104 = tpu.vector_load %arg6[%get3A_1101, %get3A_1102, %get3A_1103] {strides = array<i32>} : memref<2x256x128xi32, #tpu.memory_space<vmem>>, vector<16xi32>,
        %bitcast3A_1105 = vector.bitcast %get3A_1104 : vector<16xi32> to vector<32xbf16>
        %add3A_1106 = arith.constant 9 : i32
        %add3A_1107 = arith.addi %mul3A_142, %add3A_1106 : i32
        %get3A_1108 = arith.constant 1 : i32
        %get3A_1109 = arith.index_cast %get3A_1108 : i32 to index
        %get3A_1110 = arith.index_cast %add3A_1107 : i32 to index
        %get3A_1111 = arith.constant 96 : index
        %get3A_1112 = tpu.vector_load %arg6[%get3A_1109, %get3A_1110, %get3A_1111] {strides = array<i32>} : memref<2x256x128xi32, #tpu.memory_space<vmem>>, vector<16xi32>,
        %bitcast3A_1113 = vector.bitcast %get3A_1112 : vector<16xi32> to vector<32xbf16>
        %add3A_1114 = arith.constant 10 : i32
        %add3A_1115 = arith.addi %mul3A_142, %add3A_1114 : i32
        %get3A_1116 = arith.constant 1 : i32
        %get3A_1117 = arith.index_cast %get3A_1116 : i32 to index
        %get3A_1118 = arith.index_cast %add3A_1115 : i32 to index
        %get3A_1119 = arith.constant 96 : index
        %get3A_1120 = tpu.vector_load %arg6[%get3A_1117, %get3A_1118, %get3A_1119] {strides = array<i32>} : memref<2x256x128xi32, #tpu.memory_space<vmem>>, vector<16xi32>,
        %bitcast3A_1121 = vector.bitcast %get3A_1120 : vector<16xi32> to vector<32xbf16>
        %add3A_1122 = arith.constant 11 : i32
        %add3A_1123 = arith.addi %mul3A_142, %add3A_1122 : i32
        %get3A_1124 = arith.constant 1 : i32
        %get3A_1125 = arith.index_cast %get3A_1124 : i32 to index
        %get3A_1126 = arith.index_cast %add3A_1123 : i32 to index
        %get3A_1127 = arith.constant 96 : index
        %get3A_1128 = tpu.vector_load %arg6[%get3A_1125, %get3A_1126, %get3A_1127] {strides = array<i32>} : memref<2x256x128xi32, #tpu.memory_space<vmem>>, vector<16xi32>,
        %bitcast3A_1129 = vector.bitcast %get3A_1128 : vector<16xi32> to vector<32xbf16>
        %add3A_1130 = arith.constant 12 : i32
        %add3A_1131 = arith.addi %mul3A_142, %add3A_1130 : i32
        %get3A_1132 = arith.constant 1 : i32
        %get3A_1133 = arith.index_cast %get3A_1132 : i32 to index
        %get3A_1134 = arith.index_cast %add3A_1131 : i32 to index
        %get3A_1135 = arith.constant 96 : index
        %get3A_1136 = tpu.vector_load %arg6[%get3A_1133, %get3A_1134, %get3A_1135] {strides = array<i32>} : memref<2x256x128xi32, #tpu.memory_space<vmem>>, vector<16xi32>,
        %bitcast3A_1137 = vector.bitcast %get3A_1136 : vector<16xi32> to vector<32xbf16>
        %add3A_1138 = arith.constant 13 : i32
        %add3A_1139 = arith.addi %mul3A_142, %add3A_1138 : i32
        %get3A_1140 = arith.constant 1 : i32
        %get3A_1141 = arith.index_cast %get3A_1140 : i32 to index
        %get3A_1142 = arith.index_cast %add3A_1139 : i32 to index
        %get3A_1143 = arith.constant 96 : index
        %get3A_1144 = tpu.vector_load %arg6[%get3A_1141, %get3A_1142, %get3A_1143] {strides = array<i32>} : memref<2x256x128xi32, #tpu.memory_space<vmem>>, vector<16xi32>,
        %bitcast3A_1145 = vector.bitcast %get3A_1144 : vector<16xi32> to vector<32xbf16>
        %add3A_1146 = arith.constant 14 : i32
        %add3A_1147 = arith.addi %mul3A_142, %add3A_1146 : i32
        %get3A_1148 = arith.constant 1 : i32
        %get3A_1149 = arith.index_cast %get3A_1148 : i32 to index
        %get3A_1150 = arith.index_cast %add3A_1147 : i32 to index
        %get3A_1151 = arith.constant 96 : index
        %get3A_1152 = tpu.vector_load %arg6[%get3A_1149, %get3A_1150, %get3A_1151] {strides = array<i32>} : memref<2x256x128xi32, #tpu.memory_space<vmem>>, vector<16xi32>,
        %bitcast3A_1153 = vector.bitcast %get3A_1152 : vector<16xi32> to vector<32xbf16>
        %add3A_1154 = arith.constant 15 : i32
        %add3A_1155 = arith.addi %mul3A_142, %add3A_1154 : i32
        %get3A_1156 = arith.constant 1 : i32
        %get3A_1157 = arith.index_cast %get3A_1156 : i32 to index
        %get3A_1158 = arith.index_cast %add3A_1155 : i32 to index
        %get3A_1159 = arith.constant 96 : index
        %get3A_1160 = tpu.vector_load %arg6[%get3A_1157, %get3A_1158, %get3A_1159] {strides = array<i32>} : memref<2x256x128xi32, #tpu.memory_space<vmem>>, vector<16xi32>,
        %bitcast3A_1161 = vector.bitcast %get3A_1160 : vector<16xi32> to vector<32xbf16>
        %add3A_1162 = arith.addf %bitcast3A_1041, %bitcast3A_1049 : vector<32xbf16>
        %add3A_1163 = arith.addf %bitcast3A_1057, %bitcast3A_1065 : vector<32xbf16>
        %add3A_1164 = arith.addf %bitcast3A_1073, %bitcast3A_1081 : vector<32xbf16>
        %add3A_1165 = arith.addf %bitcast3A_1089, %bitcast3A_1097 : vector<32xbf16>
        %add3A_1166 = arith.addf %bitcast3A_1105, %bitcast3A_1113 : vector<32xbf16>
        %add3A_1167 = arith.addf %bitcast3A_1121, %bitcast3A_1129 : vector<32xbf16>
        %add3A_1168 = arith.addf %bitcast3A_1137, %bitcast3A_1145 : vector<32xbf16>
        %add3A_1169 = arith.addf %bitcast3A_1153, %bitcast3A_1161 : vector<32xbf16>
        %add3A_1170 = arith.addf %add3A_1162, %add3A_1163 : vector<32xbf16>
        %add3A_1171 = arith.addf %add3A_1164, %add3A_1165 : vector<32xbf16>
        %add3A_1172 = arith.addf %add3A_1166, %add3A_1167 : vector<32xbf16>
        %add3A_1173 = arith.addf %add3A_1168, %add3A_1169 : vector<32xbf16>
        %add3A_1174 = arith.addf %add3A_1170, %add3A_1171 : vector<32xbf16>
        %add3A_1175 = arith.addf %add3A_1172, %add3A_1173 : vector<32xbf16>
        %add3A_1176 = arith.addf %add3A_1174, %add3A_1175 : vector<32xbf16>
        %bitcast3A_1177 = vector.bitcast %add3A_1176 : vector<32xbf16> to vector<16xi32>
        %swap3A_1178 = arith.constant 1 : i32
        %swap3A_1179 = arith.index_cast %swap3A_1178 : i32 to index
        %swap3A_1180 = arith.index_cast %scan3A_139 : i32 to index
        %swap3A_1181 = arith.constant 96 : index
        %swap3A_1182 = tpu.vector_load %arg7[%swap3A_1179, %swap3A_1180, %swap3A_1181] {strides = array<i32>} : memref<2x16x128xi32, #tpu.memory_space<vmem>>, vector<16xi32>,
        tpu.vector_store %arg7[%swap3A_1179, %swap3A_1180, %swap3A_1181], %bitcast3A_1177 {strides = array<i32>} : memref<2x16x128xi32, #tpu.memory_space<vmem>>, vector<16xi32>,
        %add3A_1183 = arith.constant 0 : i32
        %add3A_1184 = arith.addi %mul3A_142, %add3A_1183 : i32
        %get3A_1185 = arith.constant 1 : i32
        %get3A_1186 = arith.index_cast %get3A_1185 : i32 to index
        %get3A_1187 = arith.index_cast %add3A_1184 : i32 to index
        %get3A_1188 = arith.constant 112 : index
        %get3A_1189 = tpu.vector_load %arg6[%get3A_1186, %get3A_1187, %get3A_1188] {strides = array<i32>} : memref<2x256x128xi32, #tpu.memory_space<vmem>>, vector<16xi32>,
        %bitcast3A_1190 = vector.bitcast %get3A_1189 : vector<16xi32> to vector<32xbf16>
        %add3A_1191 = arith.constant 1 : i32
        %add3A_1192 = arith.addi %mul3A_142, %add3A_1191 : i32
        %get3A_1193 = arith.constant 1 : i32
        %get3A_1194 = arith.index_cast %get3A_1193 : i32 to index
        %get3A_1195 = arith.index_cast %add3A_1192 : i32 to index
        %get3A_1196 = arith.constant 112 : index
        %get3A_1197 = tpu.vector_load %arg6[%get3A_1194, %get3A_1195, %get3A_1196] {strides = array<i32>} : memref<2x256x128xi32, #tpu.memory_space<vmem>>, vector<16xi32>,
        %bitcast3A_1198 = vector.bitcast %get3A_1197 : vector<16xi32> to vector<32xbf16>
        %add3A_1199 = arith.constant 2 : i32
        %add3A_1200 = arith.addi %mul3A_142, %add3A_1199 : i32
        %get3A_1201 = arith.constant 1 : i32
        %get3A_1202 = arith.index_cast %get3A_1201 : i32 to index
        %get3A_1203 = arith.index_cast %add3A_1200 : i32 to index
        %get3A_1204 = arith.constant 112 : index
        %get3A_1205 = tpu.vector_load %arg6[%get3A_1202, %get3A_1203, %get3A_1204] {strides = array<i32>} : memref<2x256x128xi32, #tpu.memory_space<vmem>>, vector<16xi32>,
        %bitcast3A_1206 = vector.bitcast %get3A_1205 : vector<16xi32> to vector<32xbf16>
        %add3A_1207 = arith.constant 3 : i32
        %add3A_1208 = arith.addi %mul3A_142, %add3A_1207 : i32
        %get3A_1209 = arith.constant 1 : i32
        %get3A_1210 = arith.index_cast %get3A_1209 : i32 to index
        %get3A_1211 = arith.index_cast %add3A_1208 : i32 to index
        %get3A_1212 = arith.constant 112 : index
        %get3A_1213 = tpu.vector_load %arg6[%get3A_1210, %get3A_1211, %get3A_1212] {strides = array<i32>} : memref<2x256x128xi32, #tpu.memory_space<vmem>>, vector<16xi32>,
        %bitcast3A_1214 = vector.bitcast %get3A_1213 : vector<16xi32> to vector<32xbf16>
        %add3A_1215 = arith.constant 4 : i32
        %add3A_1216 = arith.addi %mul3A_142, %add3A_1215 : i32
        %get3A_1217 = arith.constant 1 : i32
        %get3A_1218 = arith.index_cast %get3A_1217 : i32 to index
        %get3A_1219 = arith.index_cast %add3A_1216 : i32 to index
        %get3A_1220 = arith.constant 112 : index
        %get3A_1221 = tpu.vector_load %arg6[%get3A_1218, %get3A_1219, %get3A_1220] {strides = array<i32>} : memref<2x256x128xi32, #tpu.memory_space<vmem>>, vector<16xi32>,
        %bitcast3A_1222 = vector.bitcast %get3A_1221 : vector<16xi32> to vector<32xbf16>
        %add3A_1223 = arith.constant 5 : i32
        %add3A_1224 = arith.addi %mul3A_142, %add3A_1223 : i32
        %get3A_1225 = arith.constant 1 : i32
        %get3A_1226 = arith.index_cast %get3A_1225 : i32 to index
        %get3A_1227 = arith.index_cast %add3A_1224 : i32 to index
        %get3A_1228 = arith.constant 112 : index
        %get3A_1229 = tpu.vector_load %arg6[%get3A_1226, %get3A_1227, %get3A_1228] {strides = array<i32>} : memref<2x256x128xi32, #tpu.memory_space<vmem>>, vector<16xi32>,
        %bitcast3A_1230 = vector.bitcast %get3A_1229 : vector<16xi32> to vector<32xbf16>
        %add3A_1231 = arith.constant 6 : i32
        %add3A_1232 = arith.addi %mul3A_142, %add3A_1231 : i32
        %get3A_1233 = arith.constant 1 : i32
        %get3A_1234 = arith.index_cast %get3A_1233 : i32 to index
        %get3A_1235 = arith.index_cast %add3A_1232 : i32 to index
        %get3A_1236 = arith.constant 112 : index
        %get3A_1237 = tpu.vector_load %arg6[%get3A_1234, %get3A_1235, %get3A_1236] {strides = array<i32>} : memref<2x256x128xi32, #tpu.memory_space<vmem>>, vector<16xi32>,
        %bitcast3A_1238 = vector.bitcast %get3A_1237 : vector<16xi32> to vector<32xbf16>
        %add3A_1239 = arith.constant 7 : i32
        %add3A_1240 = arith.addi %mul3A_142, %add3A_1239 : i32
        %get3A_1241 = arith.constant 1 : i32
        %get3A_1242 = arith.index_cast %get3A_1241 : i32 to index
        %get3A_1243 = arith.index_cast %add3A_1240 : i32 to index
        %get3A_1244 = arith.constant 112 : index
        %get3A_1245 = tpu.vector_load %arg6[%get3A_1242, %get3A_1243, %get3A_1244] {strides = array<i32>} : memref<2x256x128xi32, #tpu.memory_space<vmem>>, vector<16xi32>,
        %bitcast3A_1246 = vector.bitcast %get3A_1245 : vector<16xi32> to vector<32xbf16>
        %add3A_1247 = arith.constant 8 : i32
        %add3A_1248 = arith.addi %mul3A_142, %add3A_1247 : i32
        %get3A_1249 = arith.constant 1 : i32
        %get3A_1250 = arith.index_cast %get3A_1249 : i32 to index
        %get3A_1251 = arith.index_cast %add3A_1248 : i32 to index
        %get3A_1252 = arith.constant 112 : index
        %get3A_1253 = tpu.vector_load %arg6[%get3A_1250, %get3A_1251, %get3A_1252] {strides = array<i32>} : memref<2x256x128xi32, #tpu.memory_space<vmem>>, vector<16xi32>,
        %bitcast3A_1254 = vector.bitcast %get3A_1253 : vector<16xi32> to vector<32xbf16>
        %add3A_1255 = arith.constant 9 : i32
        %add3A_1256 = arith.addi %mul3A_142, %add3A_1255 : i32
        %get3A_1257 = arith.constant 1 : i32
        %get3A_1258 = arith.index_cast %get3A_1257 : i32 to index
        %get3A_1259 = arith.index_cast %add3A_1256 : i32 to index
        %get3A_1260 = arith.constant 112 : index
        %get3A_1261 = tpu.vector_load %arg6[%get3A_1258, %get3A_1259, %get3A_1260] {strides = array<i32>} : memref<2x256x128xi32, #tpu.memory_space<vmem>>, vector<16xi32>,
        %bitcast3A_1262 = vector.bitcast %get3A_1261 : vector<16xi32> to vector<32xbf16>
        %add3A_1263 = arith.constant 10 : i32
        %add3A_1264 = arith.addi %mul3A_142, %add3A_1263 : i32
        %get3A_1265 = arith.constant 1 : i32
        %get3A_1266 = arith.index_cast %get3A_1265 : i32 to index
        %get3A_1267 = arith.index_cast %add3A_1264 : i32 to index
        %get3A_1268 = arith.constant 112 : index
        %get3A_1269 = tpu.vector_load %arg6[%get3A_1266, %get3A_1267, %get3A_1268] {strides = array<i32>} : memref<2x256x128xi32, #tpu.memory_space<vmem>>, vector<16xi32>,
        %bitcast3A_1270 = vector.bitcast %get3A_1269 : vector<16xi32> to vector<32xbf16>
        %add3A_1271 = arith.constant 11 : i32
        %add3A_1272 = arith.addi %mul3A_142, %add3A_1271 : i32
        %get3A_1273 = arith.constant 1 : i32
        %get3A_1274 = arith.index_cast %get3A_1273 : i32 to index
        %get3A_1275 = arith.index_cast %add3A_1272 : i32 to index
        %get3A_1276 = arith.constant 112 : index
        %get3A_1277 = tpu.vector_load %arg6[%get3A_1274, %get3A_1275, %get3A_1276] {strides = array<i32>} : memref<2x256x128xi32, #tpu.memory_space<vmem>>, vector<16xi32>,
        %bitcast3A_1278 = vector.bitcast %get3A_1277 : vector<16xi32> to vector<32xbf16>
        %add3A_1279 = arith.constant 12 : i32
        %add3A_1280 = arith.addi %mul3A_142, %add3A_1279 : i32
        %get3A_1281 = arith.constant 1 : i32
        %get3A_1282 = arith.index_cast %get3A_1281 : i32 to index
        %get3A_1283 = arith.index_cast %add3A_1280 : i32 to index
        %get3A_1284 = arith.constant 112 : index
        %get3A_1285 = tpu.vector_load %arg6[%get3A_1282, %get3A_1283, %get3A_1284] {strides = array<i32>} : memref<2x256x128xi32, #tpu.memory_space<vmem>>, vector<16xi32>,
        %bitcast3A_1286 = vector.bitcast %get3A_1285 : vector<16xi32> to vector<32xbf16>
        %add3A_1287 = arith.constant 13 : i32
        %add3A_1288 = arith.addi %mul3A_142, %add3A_1287 : i32
        %get3A_1289 = arith.constant 1 : i32
        %get3A_1290 = arith.index_cast %get3A_1289 : i32 to index
        %get3A_1291 = arith.index_cast %add3A_1288 : i32 to index
        %get3A_1292 = arith.constant 112 : index
        %get3A_1293 = tpu.vector_load %arg6[%get3A_1290, %get3A_1291, %get3A_1292] {strides = array<i32>} : memref<2x256x128xi32, #tpu.memory_space<vmem>>, vector<16xi32>,
        %bitcast3A_1294 = vector.bitcast %get3A_1293 : vector<16xi32> to vector<32xbf16>
        %add3A_1295 = arith.constant 14 : i32
        %add3A_1296 = arith.addi %mul3A_142, %add3A_1295 : i32
        %get3A_1297 = arith.constant 1 : i32
        %get3A_1298 = arith.index_cast %get3A_1297 : i32 to index
        %get3A_1299 = arith.index_cast %add3A_1296 : i32 to index
        %get3A_1300 = arith.constant 112 : index
        %get3A_1301 = tpu.vector_load %arg6[%get3A_1298, %get3A_1299, %get3A_1300] {strides = array<i32>} : memref<2x256x128xi32, #tpu.memory_space<vmem>>, vector<16xi32>,
        %bitcast3A_1302 = vector.bitcast %get3A_1301 : vector<16xi32> to vector<32xbf16>
        %add3A_1303 = arith.constant 15 : i32
        %add3A_1304 = arith.addi %mul3A_142, %add3A_1303 : i32
        %get3A_1305 = arith.constant 1 : i32
        %get3A_1306 = arith.index_cast %get3A_1305 : i32 to index
        %get3A_1307 = arith.index_cast %add3A_1304 : i32 to index
        %get3A_1308 = arith.constant 112 : index
        %get3A_1309 = tpu.vector_load %arg6[%get3A_1306, %get3A_1307, %get3A_1308] {strides = array<i32>} : memref<2x256x128xi32, #tpu.memory_space<vmem>>, vector<16xi32>,
        %bitcast3A_1310 = vector.bitcast %get3A_1309 : vector<16xi32> to vector<32xbf16>
        %add3A_1311 = arith.addf %bitcast3A_1190, %bitcast3A_1198 : vector<32xbf16>
        %add3A_1312 = arith.addf %bitcast3A_1206, %bitcast3A_1214 : vector<32xbf16>
        %add3A_1313 = arith.addf %bitcast3A_1222, %bitcast3A_1230 : vector<32xbf16>
        %add3A_1314 = arith.addf %bitcast3A_1238, %bitcast3A_1246 : vector<32xbf16>
        %add3A_1315 = arith.addf %bitcast3A_1254, %bitcast3A_1262 : vector<32xbf16>
        %add3A_1316 = arith.addf %bitcast3A_1270, %bitcast3A_1278 : vector<32xbf16>
        %add3A_1317 = arith.addf %bitcast3A_1286, %bitcast3A_1294 : vector<32xbf16>
        %add3A_1318 = arith.addf %bitcast3A_1302, %bitcast3A_1310 : vector<32xbf16>
        %add3A_1319 = arith.addf %add3A_1311, %add3A_1312 : vector<32xbf16>
        %add3A_1320 = arith.addf %add3A_1313, %add3A_1314 : vector<32xbf16>
        %add3A_1321 = arith.addf %add3A_1315, %add3A_1316 : vector<32xbf16>
        %add3A_1322 = arith.addf %add3A_1317, %add3A_1318 : vector<32xbf16>
        %add3A_1323 = arith.addf %add3A_1319, %add3A_1320 : vector<32xbf16>
        %add3A_1324 = arith.addf %add3A_1321, %add3A_1322 : vector<32xbf16>
        %add3A_1325 = arith.addf %add3A_1323, %add3A_1324 : vector<32xbf16>
        %bitcast3A_1326 = vector.bitcast %add3A_1325 : vector<32xbf16> to vector<16xi32>
        %swap3A_1327 = arith.constant 1 : i32
        %swap3A_1328 = arith.index_cast %swap3A_1327 : i32 to index
        %swap3A_1329 = arith.index_cast %scan3A_139 : i32 to index
        %swap3A_1330 = arith.constant 112 : index
        %swap3A_1331 = tpu.vector_load %arg7[%swap3A_1328, %swap3A_1329, %swap3A_1330] {strides = array<i32>} : memref<2x16x128xi32, #tpu.memory_space<vmem>>, vector<16xi32>,
        tpu.vector_store %arg7[%swap3A_1328, %swap3A_1329, %swap3A_1330], %bitcast3A_1326 {strides = array<i32>} : memref<2x16x128xi32, #tpu.memory_space<vmem>>, vector<16xi32>,
        %scan3A_1332 = arith.constant 0 : i32
        scf.yield %scan3A_1332 : i32
      }
      %scan3A_115 = arith.constant 16 : i32
      %mul3A_116 = arith.constant 16 : i32
      %mul3A_117 = arith.muli %add3A_93, %mul3A_116 : i32
      %add3A_118 = arith.addi %select_n3A, %mul3A_117 : i32
      %dma_start3A_119 = arith.constant 1 : i32
      %dma_start3A_120 = arith.constant 0 : i32
      %dma_start3A_121 = arith.constant 0 : i32
      %dma_start3A_122 = tpu.memref_slice %arg7[%dma_start3A_119, %dma_start3A_120, %dma_start3A_121] : memref<2x16x128xi32, #tpu.memory_space<vmem>> -> memref<1x16x128xi32, #tpu.memory_space<vmem>>
      %dma_start3A_123 = tpu.memref_squeeze %dma_start3A_122 : memref<1x16x128xi32, #tpu.memory_space<vmem>> -> memref<16x128xi32, #tpu.memory_space<vmem>>
      %dma_start3A_124 = arith.constant 0 : i32
      %dma_start3A_125 = tpu.memref_slice %arg4[%add3A_118, %dma_start3A_124] : memref<10240x128xi32, #tpu.memory_space<hbm>> -> memref<16x128xi32, #tpu.memory_space<hbm>>
      %dma_start3A_126 = arith.constant 0 : i32
      %dma_start3A_127 = tpu.memref_slice %arg4[%add3A_118, %dma_start3A_126] : memref<10240x128xi32, #tpu.memory_space<hbm>> -> memref<16x128xi32, #tpu.memory_space<hbm>>
      %dma_start3A_128 = arith.constant 0 : i32
      %dma_start3A_129 = arith.constant 0 : i32
      %dma_start3A_130 = tpu.memref_slice %arg7[%dma_start3A_119, %dma_start3A_128, %dma_start3A_129] : memref<2x16x128xi32, #tpu.memory_space<vmem>> -> memref<1x16x128xi32, #tpu.memory_space<vmem>>
      %dma_start3A_131 = tpu.memref_squeeze %dma_start3A_130 : memref<1x16x128xi32, #tpu.memory_space<vmem>> -> memref<16x128xi32, #tpu.memory_space<vmem>>
      tpu.enqueue_dma source(%dma_start3A_131 : memref<16x128xi32, #tpu.memory_space<vmem>>) target(%dma_start3A_127 : memref<16x128xi32, #tpu.memory_space<hbm>>) target_semaphore(%arg11 : memref<!tpu.dma_semaphore, #tpu.memory_space<semaphore_mem>>)
      %add3A_132 = arith.constant 2 : i32
      %add3A_133 = arith.addi %add3A_93, %add3A_132 : i32
      %lt3A_134 = arith.cmpi slt, %add3A_133, %select_n3A_6 : i32
      %convert_element_type3A_135 = arith.extui %lt3A_134 : i1 to i32
      %cond3A_136 = arith.constant 0 : i32
      %cond3A_137 = arith.cmpi ne, %convert_element_type3A_135, %cond3A_136 : i32
      scf.if %cond3A_137 {
        %mul3A_139 = arith.constant 256 : i32
        %mul3A_140 = arith.muli %add3A_133, %mul3A_139 : i32
        %dma_start3A_141 = arith.constant 1 : i32
        %dma_start3A_142 = arith.constant 0 : i32
        %dma_start3A_143 = arith.constant 0 : i32
        %dma_start3A_144 = tpu.memref_slice %arg6[%dma_start3A_141, %dma_start3A_142, %dma_start3A_143] : memref<2x256x128xi32, #tpu.memory_space<vmem>> -> memref<1x256x128xi32, #tpu.memory_space<vmem>>
        %dma_start3A_145 = tpu.memref_squeeze %dma_start3A_144 : memref<1x256x128xi32, #tpu.memory_space<vmem>> -> memref<256x128xi32, #tpu.memory_space<vmem>>
        %dma_start3A_146 = tpu.memref_slice %arg5[%mul3A_140] : memref<8192xi32, #tpu.memory_space<vmem>> -> memref<256xi32, #tpu.memory_space<vmem>>
        %dma_start3A_147 = arith.constant 0 : i32
        %dma_start3A_148 = arith.constant 0 : i32
        %dma_start3A_149 = tpu.memref_slice %arg2[%dma_start3A_147, %dma_start3A_148] : memref<10240x128xi32, #tpu.memory_space<hbm>> -> memref<10240x128xi32, #tpu.memory_space<hbm>>
        tpu.enqueue_indirect_dma source(%dma_start3A_149 : memref<10240x128xi32, #tpu.memory_space<hbm>>) target(%dma_start3A_145 : memref<256x128xi32, #tpu.memory_space<vmem>>) offsets(%dma_start3A_146 : memref<256xi32, #tpu.memory_space<vmem>>) semaphore(%arg9 : memref<!tpu.dma_semaphore, #tpu.memory_space<semaphore_mem>>)
      } else {
      }
      %while3A_138 = arith.constant 0 : i32
      scf.yield %while3A_138 : i32
    }
    %while3A_38 = arith.constant 1 : i32
    %while3A_39 = scf.for %while3A_45 = %while3A_35 to %while3A_31 step %while3A_38 iter_args(%while3A_46 = %while3A_37) -> (i32)  : i32 {
      %mul3A_47 = arith.constant 2 : i32
      %mul3A_48 = arith.muli %while3A_45, %mul3A_47 : i32
      %add3A_49 = arith.constant 0 : i32
      %add3A_50 = arith.addi %mul3A_48, %add3A_49 : i32
      %dma_wait3A = arith.constant 0 : i32
      %dma_wait3A_51 = arith.constant 0 : i32
      %dma_wait3A_52 = arith.constant 0 : i32
      %dma_wait3A_53 = tpu.memref_slice %arg6[%dma_wait3A, %dma_wait3A_51, %dma_wait3A_52] : memref<2x256x128xi32, #tpu.memory_space<vmem>> -> memref<1x256x128xi32, #tpu.memory_space<vmem>>
      %dma_wait3A_54 = tpu.memref_squeeze %dma_wait3A_53 : memref<1x256x128xi32, #tpu.memory_space<vmem>> -> memref<256x128xi32, #tpu.memory_space<vmem>>
      %dma_wait3A_55 = arith.constant 0 : i32
      %dma_wait3A_56 = tpu.memref_slice %arg5[%dma_wait3A_55] : memref<8192xi32, #tpu.memory_space<vmem>> -> memref<256xi32, #tpu.memory_space<vmem>>
      %dma_wait3A_57 = arith.constant 0 : i32
      %dma_wait3A_58 = arith.constant 0 : i32
      %dma_wait3A_59 = tpu.memref_slice %arg2[%dma_wait3A_57, %dma_wait3A_58] : memref<10240x128xi32, #tpu.memory_space<hbm>> -> memref<10240x128xi32, #tpu.memory_space<hbm>>
      tpu.wait_indirect_dma semaphore(%arg8 : memref<!tpu.dma_semaphore, #tpu.memory_space<semaphore_mem>>) src(%dma_wait3A_59 : memref<10240x128xi32, #tpu.memory_space<hbm>>) dst(%dma_wait3A_54 : memref<256x128xi32, #tpu.memory_space<vmem>>)
      %ge3A = arith.constant 2 : i32
      %ge3A_60 = arith.cmpi sge, %add3A_50, %ge3A : i32
      %convert_element_type3A_61 = arith.extui %ge3A_60 : i1 to i32
      %cond3A_62 = arith.constant 0 : i32
      %cond3A_63 = arith.cmpi ne, %convert_element_type3A_61, %cond3A_62 : i32
      scf.if %cond3A_63 {
        %dma_wait3A_139 = arith.constant 0 : i32
        %dma_wait3A_140 = arith.constant 0 : i32
        %dma_wait3A_141 = arith.constant 0 : i32
        %dma_wait3A_142 = tpu.memref_slice %arg7[%dma_wait3A_139, %dma_wait3A_140, %dma_wait3A_141] : memref<2x16x128xi32, #tpu.memory_space<vmem>> -> memref<1x16x128xi32, #tpu.memory_space<vmem>>
        %dma_wait3A_143 = tpu.memref_squeeze %dma_wait3A_142 : memref<1x16x128xi32, #tpu.memory_space<vmem>> -> memref<16x128xi32, #tpu.memory_space<vmem>>
        %dma_wait3A_144 = arith.constant 0 : i32
        %dma_wait3A_145 = tpu.memref_slice %arg4[%select_n3A, %dma_wait3A_144] : memref<10240x128xi32, #tpu.memory_space<hbm>> -> memref<16x128xi32, #tpu.memory_space<hbm>>
        %dma_wait3A_146 = arith.constant 0 : i32
        %dma_wait3A_147 = tpu.memref_slice %arg4[%select_n3A, %dma_wait3A_146] : memref<10240x128xi32, #tpu.memory_space<hbm>> -> memref<16x128xi32, #tpu.memory_space<hbm>>
        %dma_wait3A_148 = arith.constant 0 : i32
        %dma_wait3A_149 = arith.constant 0 : i32
        %dma_wait3A_150 = tpu.memref_slice %arg7[%dma_wait3A_139, %dma_wait3A_148, %dma_wait3A_149] : memref<2x16x128xi32, #tpu.memory_space<vmem>> -> memref<1x16x128xi32, #tpu.memory_space<vmem>>
        %dma_wait3A_151 = tpu.memref_squeeze %dma_wait3A_150 : memref<1x16x128xi32, #tpu.memory_space<vmem>> -> memref<16x128xi32, #tpu.memory_space<vmem>>
        tpu.wait_dma2 semaphore(%arg10 : memref<!tpu.dma_semaphore, #tpu.memory_space<semaphore_mem>>) src(%dma_wait3A_151 : memref<16x128xi32, #tpu.memory_space<vmem>>) dst(%dma_wait3A_147 : memref<16x128xi32, #tpu.memory_space<hbm>>)
      } else {
      }
      %scan3A = arith.constant 0 : i32
      %scan3A_64 = arith.constant 0 : i32
      %scan3A_65 = arith.constant 16 : i32
      %scan3A_66 = arith.addi %scan3A_64, %scan3A_65 : i32
      %scan3A_67 = arith.constant 1 : i32
      %scan3A_68 = scf.for %scan3A_139 = %scan3A_64 to %scan3A_66 step %scan3A_67 iter_args(%scan3A_140 = %scan3A) -> (i32)  : i32 {
        %mul3A_141 = arith.constant 16 : i32
        %mul3A_142 = arith.muli %scan3A_139, %mul3A_141 : i32
        %add3A_143 = arith.constant 0 : i32
        %add3A_144 = arith.addi %mul3A_142, %add3A_143 : i32
        %get3A = arith.constant 0 : i32
        %get3A_145 = arith.index_cast %get3A : i32 to index
        %get3A_146 = arith.index_cast %add3A_144 : i32 to index
        %get3A_147 = arith.constant 0 : index
        %get3A_148 = tpu.vector_load %arg6[%get3A_145, %get3A_146, %get3A_147] {strides = array<i32>} : memref<2x256x128xi32, #tpu.memory_space<vmem>>, vector<16xi32>,
        %bitcast3A = vector.bitcast %get3A_148 : vector<16xi32> to vector<32xbf16>
        %add3A_149 = arith.constant 1 : i32
        %add3A_150 = arith.addi %mul3A_142, %add3A_149 : i32
        %get3A_151 = arith.constant 0 : i32
        %get3A_152 = arith.index_cast %get3A_151 : i32 to index
        %get3A_153 = arith.index_cast %add3A_150 : i32 to index
        %get3A_154 = arith.constant 0 : index
        %get3A_155 = tpu.vector_load %arg6[%get3A_152, %get3A_153, %get3A_154] {strides = array<i32>} : memref<2x256x128xi32, #tpu.memory_space<vmem>>, vector<16xi32>,
        %bitcast3A_156 = vector.bitcast %get3A_155 : vector<16xi32> to vector<32xbf16>
        %add3A_157 = arith.constant 2 : i32
        %add3A_158 = arith.addi %mul3A_142, %add3A_157 : i32
        %get3A_159 = arith.constant 0 : i32
        %get3A_160 = arith.index_cast %get3A_159 : i32 to index
        %get3A_161 = arith.index_cast %add3A_158 : i32 to index
        %get3A_162 = arith.constant 0 : index
        %get3A_163 = tpu.vector_load %arg6[%get3A_160, %get3A_161, %get3A_162] {strides = array<i32>} : memref<2x256x128xi32, #tpu.memory_space<vmem>>, vector<16xi32>,
        %bitcast3A_164 = vector.bitcast %get3A_163 : vector<16xi32> to vector<32xbf16>
        %add3A_165 = arith.constant 3 : i32
        %add3A_166 = arith.addi %mul3A_142, %add3A_165 : i32
        %get3A_167 = arith.constant 0 : i32
        %get3A_168 = arith.index_cast %get3A_167 : i32 to index
        %get3A_169 = arith.index_cast %add3A_166 : i32 to index
        %get3A_170 = arith.constant 0 : index
        %get3A_171 = tpu.vector_load %arg6[%get3A_168, %get3A_169, %get3A_170] {strides = array<i32>} : memref<2x256x128xi32, #tpu.memory_space<vmem>>, vector<16xi32>,
        %bitcast3A_172 = vector.bitcast %get3A_171 : vector<16xi32> to vector<32xbf16>
        %add3A_173 = arith.constant 4 : i32
        %add3A_174 = arith.addi %mul3A_142, %add3A_173 : i32
        %get3A_175 = arith.constant 0 : i32
        %get3A_176 = arith.index_cast %get3A_175 : i32 to index
        %get3A_177 = arith.index_cast %add3A_174 : i32 to index
        %get3A_178 = arith.constant 0 : index
        %get3A_179 = tpu.vector_load %arg6[%get3A_176, %get3A_177, %get3A_178] {strides = array<i32>} : memref<2x256x128xi32, #tpu.memory_space<vmem>>, vector<16xi32>,
        %bitcast3A_180 = vector.bitcast %get3A_179 : vector<16xi32> to vector<32xbf16>
        %add3A_181 = arith.constant 5 : i32
        %add3A_182 = arith.addi %mul3A_142, %add3A_181 : i32
        %get3A_183 = arith.constant 0 : i32
        %get3A_184 = arith.index_cast %get3A_183 : i32 to index
        %get3A_185 = arith.index_cast %add3A_182 : i32 to index
        %get3A_186 = arith.constant 0 : index
        %get3A_187 = tpu.vector_load %arg6[%get3A_184, %get3A_185, %get3A_186] {strides = array<i32>} : memref<2x256x128xi32, #tpu.memory_space<vmem>>, vector<16xi32>,
        %bitcast3A_188 = vector.bitcast %get3A_187 : vector<16xi32> to vector<32xbf16>
        %add3A_189 = arith.constant 6 : i32
        %add3A_190 = arith.addi %mul3A_142, %add3A_189 : i32
        %get3A_191 = arith.constant 0 : i32
        %get3A_192 = arith.index_cast %get3A_191 : i32 to index
        %get3A_193 = arith.index_cast %add3A_190 : i32 to index
        %get3A_194 = arith.constant 0 : index
        %get3A_195 = tpu.vector_load %arg6[%get3A_192, %get3A_193, %get3A_194] {strides = array<i32>} : memref<2x256x128xi32, #tpu.memory_space<vmem>>, vector<16xi32>,
        %bitcast3A_196 = vector.bitcast %get3A_195 : vector<16xi32> to vector<32xbf16>
        %add3A_197 = arith.constant 7 : i32
        %add3A_198 = arith.addi %mul3A_142, %add3A_197 : i32
        %get3A_199 = arith.constant 0 : i32
        %get3A_200 = arith.index_cast %get3A_199 : i32 to index
        %get3A_201 = arith.index_cast %add3A_198 : i32 to index
        %get3A_202 = arith.constant 0 : index
        %get3A_203 = tpu.vector_load %arg6[%get3A_200, %get3A_201, %get3A_202] {strides = array<i32>} : memref<2x256x128xi32, #tpu.memory_space<vmem>>, vector<16xi32>,
        %bitcast3A_204 = vector.bitcast %get3A_203 : vector<16xi32> to vector<32xbf16>
        %add3A_205 = arith.constant 8 : i32
        %add3A_206 = arith.addi %mul3A_142, %add3A_205 : i32
        %get3A_207 = arith.constant 0 : i32
        %get3A_208 = arith.index_cast %get3A_207 : i32 to index
        %get3A_209 = arith.index_cast %add3A_206 : i32 to index
        %get3A_210 = arith.constant 0 : index
        %get3A_211 = tpu.vector_load %arg6[%get3A_208, %get3A_209, %get3A_210] {strides = array<i32>} : memref<2x256x128xi32, #tpu.memory_space<vmem>>, vector<16xi32>,
        %bitcast3A_212 = vector.bitcast %get3A_211 : vector<16xi32> to vector<32xbf16>
        %add3A_213 = arith.constant 9 : i32
        %add3A_214 = arith.addi %mul3A_142, %add3A_213 : i32
        %get3A_215 = arith.constant 0 : i32
        %get3A_216 = arith.index_cast %get3A_215 : i32 to index
        %get3A_217 = arith.index_cast %add3A_214 : i32 to index
        %get3A_218 = arith.constant 0 : index
        %get3A_219 = tpu.vector_load %arg6[%get3A_216, %get3A_217, %get3A_218] {strides = array<i32>} : memref<2x256x128xi32, #tpu.memory_space<vmem>>, vector<16xi32>,
        %bitcast3A_220 = vector.bitcast %get3A_219 : vector<16xi32> to vector<32xbf16>
        %add3A_221 = arith.constant 10 : i32
        %add3A_222 = arith.addi %mul3A_142, %add3A_221 : i32
        %get3A_223 = arith.constant 0 : i32
        %get3A_224 = arith.index_cast %get3A_223 : i32 to index
        %get3A_225 = arith.index_cast %add3A_222 : i32 to index
        %get3A_226 = arith.constant 0 : index
        %get3A_227 = tpu.vector_load %arg6[%get3A_224, %get3A_225, %get3A_226] {strides = array<i32>} : memref<2x256x128xi32, #tpu.memory_space<vmem>>, vector<16xi32>,
        %bitcast3A_228 = vector.bitcast %get3A_227 : vector<16xi32> to vector<32xbf16>
        %add3A_229 = arith.constant 11 : i32
        %add3A_230 = arith.addi %mul3A_142, %add3A_229 : i32
        %get3A_231 = arith.constant 0 : i32
        %get3A_232 = arith.index_cast %get3A_231 : i32 to index
        %get3A_233 = arith.index_cast %add3A_230 : i32 to index
        %get3A_234 = arith.constant 0 : index
        %get3A_235 = tpu.vector_load %arg6[%get3A_232, %get3A_233, %get3A_234] {strides = array<i32>} : memref<2x256x128xi32, #tpu.memory_space<vmem>>, vector<16xi32>,
        %bitcast3A_236 = vector.bitcast %get3A_235 : vector<16xi32> to vector<32xbf16>
        %add3A_237 = arith.constant 12 : i32
        %add3A_238 = arith.addi %mul3A_142, %add3A_237 : i32
        %get3A_239 = arith.constant 0 : i32
        %get3A_240 = arith.index_cast %get3A_239 : i32 to index
        %get3A_241 = arith.index_cast %add3A_238 : i32 to index
        %get3A_242 = arith.constant 0 : index
        %get3A_243 = tpu.vector_load %arg6[%get3A_240, %get3A_241, %get3A_242] {strides = array<i32>} : memref<2x256x128xi32, #tpu.memory_space<vmem>>, vector<16xi32>,
        %bitcast3A_244 = vector.bitcast %get3A_243 : vector<16xi32> to vector<32xbf16>
        %add3A_245 = arith.constant 13 : i32
        %add3A_246 = arith.addi %mul3A_142, %add3A_245 : i32
        %get3A_247 = arith.constant 0 : i32
        %get3A_248 = arith.index_cast %get3A_247 : i32 to index
        %get3A_249 = arith.index_cast %add3A_246 : i32 to index
        %get3A_250 = arith.constant 0 : index
        %get3A_251 = tpu.vector_load %arg6[%get3A_248, %get3A_249, %get3A_250] {strides = array<i32>} : memref<2x256x128xi32, #tpu.memory_space<vmem>>, vector<16xi32>,
        %bitcast3A_252 = vector.bitcast %get3A_251 : vector<16xi32> to vector<32xbf16>
        %add3A_253 = arith.constant 14 : i32
        %add3A_254 = arith.addi %mul3A_142, %add3A_253 : i32
        %get3A_255 = arith.constant 0 : i32
        %get3A_256 = arith.index_cast %get3A_255 : i32 to index
        %get3A_257 = arith.index_cast %add3A_254 : i32 to index
        %get3A_258 = arith.constant 0 : index
        %get3A_259 = tpu.vector_load %arg6[%get3A_256, %get3A_257, %get3A_258] {strides = array<i32>} : memref<2x256x128xi32, #tpu.memory_space<vmem>>, vector<16xi32>,
        %bitcast3A_260 = vector.bitcast %get3A_259 : vector<16xi32> to vector<32xbf16>
        %add3A_261 = arith.constant 15 : i32
        %add3A_262 = arith.addi %mul3A_142, %add3A_261 : i32
        %get3A_263 = arith.constant 0 : i32
        %get3A_264 = arith.index_cast %get3A_263 : i32 to index
        %get3A_265 = arith.index_cast %add3A_262 : i32 to index
        %get3A_266 = arith.constant 0 : index
        %get3A_267 = tpu.vector_load %arg6[%get3A_264, %get3A_265, %get3A_266] {strides = array<i32>} : memref<2x256x128xi32, #tpu.memory_space<vmem>>, vector<16xi32>,
        %bitcast3A_268 = vector.bitcast %get3A_267 : vector<16xi32> to vector<32xbf16>
        %add3A_269 = arith.addf %bitcast3A, %bitcast3A_156 : vector<32xbf16>
        %add3A_270 = arith.addf %bitcast3A_164, %bitcast3A_172 : vector<32xbf16>
        %add3A_271 = arith.addf %bitcast3A_180, %bitcast3A_188 : vector<32xbf16>
        %add3A_272 = arith.addf %bitcast3A_196, %bitcast3A_204 : vector<32xbf16>
        %add3A_273 = arith.addf %bitcast3A_212, %bitcast3A_220 : vector<32xbf16>
        %add3A_274 = arith.addf %bitcast3A_228, %bitcast3A_236 : vector<32xbf16>
        %add3A_275 = arith.addf %bitcast3A_244, %bitcast3A_252 : vector<32xbf16>
        %add3A_276 = arith.addf %bitcast3A_260, %bitcast3A_268 : vector<32xbf16>
        %add3A_277 = arith.addf %add3A_269, %add3A_270 : vector<32xbf16>
        %add3A_278 = arith.addf %add3A_271, %add3A_272 : vector<32xbf16>
        %add3A_279 = arith.addf %add3A_273, %add3A_274 : vector<32xbf16>
        %add3A_280 = arith.addf %add3A_275, %add3A_276 : vector<32xbf16>
        %add3A_281 = arith.addf %add3A_277, %add3A_278 : vector<32xbf16>
        %add3A_282 = arith.addf %add3A_279, %add3A_280 : vector<32xbf16>
        %add3A_283 = arith.addf %add3A_281, %add3A_282 : vector<32xbf16>
        %bitcast3A_284 = vector.bitcast %add3A_283 : vector<32xbf16> to vector<16xi32>
        %swap3A = arith.constant 0 : i32
        %swap3A_285 = arith.index_cast %swap3A : i32 to index
        %swap3A_286 = arith.index_cast %scan3A_139 : i32 to index
        %swap3A_287 = arith.constant 0 : index
        %swap3A_288 = tpu.vector_load %arg7[%swap3A_285, %swap3A_286, %swap3A_287] {strides = array<i32>} : memref<2x16x128xi32, #tpu.memory_space<vmem>>, vector<16xi32>,
        tpu.vector_store %arg7[%swap3A_285, %swap3A_286, %swap3A_287], %bitcast3A_284 {strides = array<i32>} : memref<2x16x128xi32, #tpu.memory_space<vmem>>, vector<16xi32>,
        %add3A_289 = arith.constant 0 : i32
        %add3A_290 = arith.addi %mul3A_142, %add3A_289 : i32
        %get3A_291 = arith.constant 0 : i32
        %get3A_292 = arith.index_cast %get3A_291 : i32 to index
        %get3A_293 = arith.index_cast %add3A_290 : i32 to index
        %get3A_294 = arith.constant 16 : index
        %get3A_295 = tpu.vector_load %arg6[%get3A_292, %get3A_293, %get3A_294] {strides = array<i32>} : memref<2x256x128xi32, #tpu.memory_space<vmem>>, vector<16xi32>,
        %bitcast3A_296 = vector.bitcast %get3A_295 : vector<16xi32> to vector<32xbf16>
        %add3A_297 = arith.constant 1 : i32
        %add3A_298 = arith.addi %mul3A_142, %add3A_297 : i32
        %get3A_299 = arith.constant 0 : i32
        %get3A_300 = arith.index_cast %get3A_299 : i32 to index
        %get3A_301 = arith.index_cast %add3A_298 : i32 to index
        %get3A_302 = arith.constant 16 : index
        %get3A_303 = tpu.vector_load %arg6[%get3A_300, %get3A_301, %get3A_302] {strides = array<i32>} : memref<2x256x128xi32, #tpu.memory_space<vmem>>, vector<16xi32>,
        %bitcast3A_304 = vector.bitcast %get3A_303 : vector<16xi32> to vector<32xbf16>
        %add3A_305 = arith.constant 2 : i32
        %add3A_306 = arith.addi %mul3A_142, %add3A_305 : i32
        %get3A_307 = arith.constant 0 : i32
        %get3A_308 = arith.index_cast %get3A_307 : i32 to index
        %get3A_309 = arith.index_cast %add3A_306 : i32 to index
        %get3A_310 = arith.constant 16 : index
        %get3A_311 = tpu.vector_load %arg6[%get3A_308, %get3A_309, %get3A_310] {strides = array<i32>} : memref<2x256x128xi32, #tpu.memory_space<vmem>>, vector<16xi32>,
        %bitcast3A_312 = vector.bitcast %get3A_311 : vector<16xi32> to vector<32xbf16>
        %add3A_313 = arith.constant 3 : i32
        %add3A_314 = arith.addi %mul3A_142, %add3A_313 : i32
        %get3A_315 = arith.constant 0 : i32
        %get3A_316 = arith.index_cast %get3A_315 : i32 to index
        %get3A_317 = arith.index_cast %add3A_314 : i32 to index
        %get3A_318 = arith.constant 16 : index
        %get3A_319 = tpu.vector_load %arg6[%get3A_316, %get3A_317, %get3A_318] {strides = array<i32>} : memref<2x256x128xi32, #tpu.memory_space<vmem>>, vector<16xi32>,
        %bitcast3A_320 = vector.bitcast %get3A_319 : vector<16xi32> to vector<32xbf16>
        %add3A_321 = arith.constant 4 : i32
        %add3A_322 = arith.addi %mul3A_142, %add3A_321 : i32
        %get3A_323 = arith.constant 0 : i32
        %get3A_324 = arith.index_cast %get3A_323 : i32 to index
        %get3A_325 = arith.index_cast %add3A_322 : i32 to index
        %get3A_326 = arith.constant 16 : index
        %get3A_327 = tpu.vector_load %arg6[%get3A_324, %get3A_325, %get3A_326] {strides = array<i32>} : memref<2x256x128xi32, #tpu.memory_space<vmem>>, vector<16xi32>,
        %bitcast3A_328 = vector.bitcast %get3A_327 : vector<16xi32> to vector<32xbf16>
        %add3A_329 = arith.constant 5 : i32
        %add3A_330 = arith.addi %mul3A_142, %add3A_329 : i32
        %get3A_331 = arith.constant 0 : i32
        %get3A_332 = arith.index_cast %get3A_331 : i32 to index
        %get3A_333 = arith.index_cast %add3A_330 : i32 to index
        %get3A_334 = arith.constant 16 : index
        %get3A_335 = tpu.vector_load %arg6[%get3A_332, %get3A_333, %get3A_334] {strides = array<i32>} : memref<2x256x128xi32, #tpu.memory_space<vmem>>, vector<16xi32>,
        %bitcast3A_336 = vector.bitcast %get3A_335 : vector<16xi32> to vector<32xbf16>
        %add3A_337 = arith.constant 6 : i32
        %add3A_338 = arith.addi %mul3A_142, %add3A_337 : i32
        %get3A_339 = arith.constant 0 : i32
        %get3A_340 = arith.index_cast %get3A_339 : i32 to index
        %get3A_341 = arith.index_cast %add3A_338 : i32 to index
        %get3A_342 = arith.constant 16 : index
        %get3A_343 = tpu.vector_load %arg6[%get3A_340, %get3A_341, %get3A_342] {strides = array<i32>} : memref<2x256x128xi32, #tpu.memory_space<vmem>>, vector<16xi32>,
        %bitcast3A_344 = vector.bitcast %get3A_343 : vector<16xi32> to vector<32xbf16>
        %add3A_345 = arith.constant 7 : i32
        %add3A_346 = arith.addi %mul3A_142, %add3A_345 : i32
        %get3A_347 = arith.constant 0 : i32
        %get3A_348 = arith.index_cast %get3A_347 : i32 to index
        %get3A_349 = arith.index_cast %add3A_346 : i32 to index
        %get3A_350 = arith.constant 16 : index
        %get3A_351 = tpu.vector_load %arg6[%get3A_348, %get3A_349, %get3A_350] {strides = array<i32>} : memref<2x256x128xi32, #tpu.memory_space<vmem>>, vector<16xi32>,
        %bitcast3A_352 = vector.bitcast %get3A_351 : vector<16xi32> to vector<32xbf16>
        %add3A_353 = arith.constant 8 : i32
        %add3A_354 = arith.addi %mul3A_142, %add3A_353 : i32
        %get3A_355 = arith.constant 0 : i32
        %get3A_356 = arith.index_cast %get3A_355 : i32 to index
        %get3A_357 = arith.index_cast %add3A_354 : i32 to index
        %get3A_358 = arith.constant 16 : index
        %get3A_359 = tpu.vector_load %arg6[%get3A_356, %get3A_357, %get3A_358] {strides = array<i32>} : memref<2x256x128xi32, #tpu.memory_space<vmem>>, vector<16xi32>,
        %bitcast3A_360 = vector.bitcast %get3A_359 : vector<16xi32> to vector<32xbf16>
        %add3A_361 = arith.constant 9 : i32
        %add3A_362 = arith.addi %mul3A_142, %add3A_361 : i32
        %get3A_363 = arith.constant 0 : i32
        %get3A_364 = arith.index_cast %get3A_363 : i32 to index
        %get3A_365 = arith.index_cast %add3A_362 : i32 to index
        %get3A_366 = arith.constant 16 : index
        %get3A_367 = tpu.vector_load %arg6[%get3A_364, %get3A_365, %get3A_366] {strides = array<i32>} : memref<2x256x128xi32, #tpu.memory_space<vmem>>, vector<16xi32>,
        %bitcast3A_368 = vector.bitcast %get3A_367 : vector<16xi32> to vector<32xbf16>
        %add3A_369 = arith.constant 10 : i32
        %add3A_370 = arith.addi %mul3A_142, %add3A_369 : i32
        %get3A_371 = arith.constant 0 : i32
        %get3A_372 = arith.index_cast %get3A_371 : i32 to index
        %get3A_373 = arith.index_cast %add3A_370 : i32 to index
        %get3A_374 = arith.constant 16 : index
        %get3A_375 = tpu.vector_load %arg6[%get3A_372, %get3A_373, %get3A_374] {strides = array<i32>} : memref<2x256x128xi32, #tpu.memory_space<vmem>>, vector<16xi32>,
        %bitcast3A_376 = vector.bitcast %get3A_375 : vector<16xi32> to vector<32xbf16>
        %add3A_377 = arith.constant 11 : i32
        %add3A_378 = arith.addi %mul3A_142, %add3A_377 : i32
        %get3A_379 = arith.constant 0 : i32
        %get3A_380 = arith.index_cast %get3A_379 : i32 to index
        %get3A_381 = arith.index_cast %add3A_378 : i32 to index
        %get3A_382 = arith.constant 16 : index
        %get3A_383 = tpu.vector_load %arg6[%get3A_380, %get3A_381, %get3A_382] {strides = array<i32>} : memref<2x256x128xi32, #tpu.memory_space<vmem>>, vector<16xi32>,
        %bitcast3A_384 = vector.bitcast %get3A_383 : vector<16xi32> to vector<32xbf16>
        %add3A_385 = arith.constant 12 : i32
        %add3A_386 = arith.addi %mul3A_142, %add3A_385 : i32
        %get3A_387 = arith.constant 0 : i32
        %get3A_388 = arith.index_cast %get3A_387 : i32 to index
        %get3A_389 = arith.index_cast %add3A_386 : i32 to index
        %get3A_390 = arith.constant 16 : index
        %get3A_391 = tpu.vector_load %arg6[%get3A_388, %get3A_389, %get3A_390] {strides = array<i32>} : memref<2x256x128xi32, #tpu.memory_space<vmem>>, vector<16xi32>,
        %bitcast3A_392 = vector.bitcast %get3A_391 : vector<16xi32> to vector<32xbf16>
        %add3A_393 = arith.constant 13 : i32
        %add3A_394 = arith.addi %mul3A_142, %add3A_393 : i32
        %get3A_395 = arith.constant 0 : i32
        %get3A_396 = arith.index_cast %get3A_395 : i32 to index
        %get3A_397 = arith.index_cast %add3A_394 : i32 to index
        %get3A_398 = arith.constant 16 : index
        %get3A_399 = tpu.vector_load %arg6[%get3A_396, %get3A_397, %get3A_398] {strides = array<i32>} : memref<2x256x128xi32, #tpu.memory_space<vmem>>, vector<16xi32>,
        %bitcast3A_400 = vector.bitcast %get3A_399 : vector<16xi32> to vector<32xbf16>
        %add3A_401 = arith.constant 14 : i32
        %add3A_402 = arith.addi %mul3A_142, %add3A_401 : i32
        %get3A_403 = arith.constant 0 : i32
        %get3A_404 = arith.index_cast %get3A_403 : i32 to index
        %get3A_405 = arith.index_cast %add3A_402 : i32 to index
        %get3A_406 = arith.constant 16 : index
        %get3A_407 = tpu.vector_load %arg6[%get3A_404, %get3A_405, %get3A_406] {strides = array<i32>} : memref<2x256x128xi32, #tpu.memory_space<vmem>>, vector<16xi32>,
        %bitcast3A_408 = vector.bitcast %get3A_407 : vector<16xi32> to vector<32xbf16>
        %add3A_409 = arith.constant 15 : i32
        %add3A_410 = arith.addi %mul3A_142, %add3A_409 : i32
        %get3A_411 = arith.constant 0 : i32
        %get3A_412 = arith.index_cast %get3A_411 : i32 to index
        %get3A_413 = arith.index_cast %add3A_410 : i32 to index
        %get3A_414 = arith.constant 16 : index
        %get3A_415 = tpu.vector_load %arg6[%get3A_412, %get3A_413, %get3A_414] {strides = array<i32>} : memref<2x256x128xi32, #tpu.memory_space<vmem>>, vector<16xi32>,
        %bitcast3A_416 = vector.bitcast %get3A_415 : vector<16xi32> to vector<32xbf16>
        %add3A_417 = arith.addf %bitcast3A_296, %bitcast3A_304 : vector<32xbf16>
        %add3A_418 = arith.addf %bitcast3A_312, %bitcast3A_320 : vector<32xbf16>
        %add3A_419 = arith.addf %bitcast3A_328, %bitcast3A_336 : vector<32xbf16>
        %add3A_420 = arith.addf %bitcast3A_344, %bitcast3A_352 : vector<32xbf16>
        %add3A_421 = arith.addf %bitcast3A_360, %bitcast3A_368 : vector<32xbf16>
        %add3A_422 = arith.addf %bitcast3A_376, %bitcast3A_384 : vector<32xbf16>
        %add3A_423 = arith.addf %bitcast3A_392, %bitcast3A_400 : vector<32xbf16>
        %add3A_424 = arith.addf %bitcast3A_408, %bitcast3A_416 : vector<32xbf16>
        %add3A_425 = arith.addf %add3A_417, %add3A_418 : vector<32xbf16>
        %add3A_426 = arith.addf %add3A_419, %add3A_420 : vector<32xbf16>
        %add3A_427 = arith.addf %add3A_421, %add3A_422 : vector<32xbf16>
        %add3A_428 = arith.addf %add3A_423, %add3A_424 : vector<32xbf16>
        %add3A_429 = arith.addf %add3A_425, %add3A_426 : vector<32xbf16>
        %add3A_430 = arith.addf %add3A_427, %add3A_428 : vector<32xbf16>
        %add3A_431 = arith.addf %add3A_429, %add3A_430 : vector<32xbf16>
        %bitcast3A_432 = vector.bitcast %add3A_431 : vector<32xbf16> to vector<16xi32>
        %swap3A_433 = arith.constant 0 : i32
        %swap3A_434 = arith.index_cast %swap3A_433 : i32 to index
        %swap3A_435 = arith.index_cast %scan3A_139 : i32 to index
        %swap3A_436 = arith.constant 16 : index
        %swap3A_437 = tpu.vector_load %arg7[%swap3A_434, %swap3A_435, %swap3A_436] {strides = array<i32>} : memref<2x16x128xi32, #tpu.memory_space<vmem>>, vector<16xi32>,
        tpu.vector_store %arg7[%swap3A_434, %swap3A_435, %swap3A_436], %bitcast3A_432 {strides = array<i32>} : memref<2x16x128xi32, #tpu.memory_space<vmem>>, vector<16xi32>,
        %add3A_438 = arith.constant 0 : i32
        %add3A_439 = arith.addi %mul3A_142, %add3A_438 : i32
        %get3A_440 = arith.constant 0 : i32
        %get3A_441 = arith.index_cast %get3A_440 : i32 to index
        %get3A_442 = arith.index_cast %add3A_439 : i32 to index
        %get3A_443 = arith.constant 32 : index
        %get3A_444 = tpu.vector_load %arg6[%get3A_441, %get3A_442, %get3A_443] {strides = array<i32>} : memref<2x256x128xi32, #tpu.memory_space<vmem>>, vector<16xi32>,
        %bitcast3A_445 = vector.bitcast %get3A_444 : vector<16xi32> to vector<32xbf16>
        %add3A_446 = arith.constant 1 : i32
        %add3A_447 = arith.addi %mul3A_142, %add3A_446 : i32
        %get3A_448 = arith.constant 0 : i32
        %get3A_449 = arith.index_cast %get3A_448 : i32 to index
        %get3A_450 = arith.index_cast %add3A_447 : i32 to index
        %get3A_451 = arith.constant 32 : index
        %get3A_452 = tpu.vector_load %arg6[%get3A_449, %get3A_450, %get3A_451] {strides = array<i32>} : memref<2x256x128xi32, #tpu.memory_space<vmem>>, vector<16xi32>,
        %bitcast3A_453 = vector.bitcast %get3A_452 : vector<16xi32> to vector<32xbf16>
        %add3A_454 = arith.constant 2 : i32
        %add3A_455 = arith.addi %mul3A_142, %add3A_454 : i32
        %get3A_456 = arith.constant 0 : i32
        %get3A_457 = arith.index_cast %get3A_456 : i32 to index
        %get3A_458 = arith.index_cast %add3A_455 : i32 to index
        %get3A_459 = arith.constant 32 : index
        %get3A_460 = tpu.vector_load %arg6[%get3A_457, %get3A_458, %get3A_459] {strides = array<i32>} : memref<2x256x128xi32, #tpu.memory_space<vmem>>, vector<16xi32>,
        %bitcast3A_461 = vector.bitcast %get3A_460 : vector<16xi32> to vector<32xbf16>
        %add3A_462 = arith.constant 3 : i32
        %add3A_463 = arith.addi %mul3A_142, %add3A_462 : i32
        %get3A_464 = arith.constant 0 : i32
        %get3A_465 = arith.index_cast %get3A_464 : i32 to index
        %get3A_466 = arith.index_cast %add3A_463 : i32 to index
        %get3A_467 = arith.constant 32 : index
        %get3A_468 = tpu.vector_load %arg6[%get3A_465, %get3A_466, %get3A_467] {strides = array<i32>} : memref<2x256x128xi32, #tpu.memory_space<vmem>>, vector<16xi32>,
        %bitcast3A_469 = vector.bitcast %get3A_468 : vector<16xi32> to vector<32xbf16>
        %add3A_470 = arith.constant 4 : i32
        %add3A_471 = arith.addi %mul3A_142, %add3A_470 : i32
        %get3A_472 = arith.constant 0 : i32
        %get3A_473 = arith.index_cast %get3A_472 : i32 to index
        %get3A_474 = arith.index_cast %add3A_471 : i32 to index
        %get3A_475 = arith.constant 32 : index
        %get3A_476 = tpu.vector_load %arg6[%get3A_473, %get3A_474, %get3A_475] {strides = array<i32>} : memref<2x256x128xi32, #tpu.memory_space<vmem>>, vector<16xi32>,
        %bitcast3A_477 = vector.bitcast %get3A_476 : vector<16xi32> to vector<32xbf16>
        %add3A_478 = arith.constant 5 : i32
        %add3A_479 = arith.addi %mul3A_142, %add3A_478 : i32
        %get3A_480 = arith.constant 0 : i32
        %get3A_481 = arith.index_cast %get3A_480 : i32 to index
        %get3A_482 = arith.index_cast %add3A_479 : i32 to index
        %get3A_483 = arith.constant 32 : index
        %get3A_484 = tpu.vector_load %arg6[%get3A_481, %get3A_482, %get3A_483] {strides = array<i32>} : memref<2x256x128xi32, #tpu.memory_space<vmem>>, vector<16xi32>,
        %bitcast3A_485 = vector.bitcast %get3A_484 : vector<16xi32> to vector<32xbf16>
        %add3A_486 = arith.constant 6 : i32
        %add3A_487 = arith.addi %mul3A_142, %add3A_486 : i32
        %get3A_488 = arith.constant 0 : i32
        %get3A_489 = arith.index_cast %get3A_488 : i32 to index
        %get3A_490 = arith.index_cast %add3A_487 : i32 to index
        %get3A_491 = arith.constant 32 : index
        %get3A_492 = tpu.vector_load %arg6[%get3A_489, %get3A_490, %get3A_491] {strides = array<i32>} : memref<2x256x128xi32, #tpu.memory_space<vmem>>, vector<16xi32>,
        %bitcast3A_493 = vector.bitcast %get3A_492 : vector<16xi32> to vector<32xbf16>
        %add3A_494 = arith.constant 7 : i32
        %add3A_495 = arith.addi %mul3A_142, %add3A_494 : i32
        %get3A_496 = arith.constant 0 : i32
        %get3A_497 = arith.index_cast %get3A_496 : i32 to index
        %get3A_498 = arith.index_cast %add3A_495 : i32 to index
        %get3A_499 = arith.constant 32 : index
        %get3A_500 = tpu.vector_load %arg6[%get3A_497, %get3A_498, %get3A_499] {strides = array<i32>} : memref<2x256x128xi32, #tpu.memory_space<vmem>>, vector<16xi32>,
        %bitcast3A_501 = vector.bitcast %get3A_500 : vector<16xi32> to vector<32xbf16>
        %add3A_502 = arith.constant 8 : i32
        %add3A_503 = arith.addi %mul3A_142, %add3A_502 : i32
        %get3A_504 = arith.constant 0 : i32
        %get3A_505 = arith.index_cast %get3A_504 : i32 to index
        %get3A_506 = arith.index_cast %add3A_503 : i32 to index
        %get3A_507 = arith.constant 32 : index
        %get3A_508 = tpu.vector_load %arg6[%get3A_505, %get3A_506, %get3A_507] {strides = array<i32>} : memref<2x256x128xi32, #tpu.memory_space<vmem>>, vector<16xi32>,
        %bitcast3A_509 = vector.bitcast %get3A_508 : vector<16xi32> to vector<32xbf16>
        %add3A_510 = arith.constant 9 : i32
        %add3A_511 = arith.addi %mul3A_142, %add3A_510 : i32
        %get3A_512 = arith.constant 0 : i32
        %get3A_513 = arith.index_cast %get3A_512 : i32 to index
        %get3A_514 = arith.index_cast %add3A_511 : i32 to index
        %get3A_515 = arith.constant 32 : index
        %get3A_516 = tpu.vector_load %arg6[%get3A_513, %get3A_514, %get3A_515] {strides = array<i32>} : memref<2x256x128xi32, #tpu.memory_space<vmem>>, vector<16xi32>,
        %bitcast3A_517 = vector.bitcast %get3A_516 : vector<16xi32> to vector<32xbf16>
        %add3A_518 = arith.constant 10 : i32
        %add3A_519 = arith.addi %mul3A_142, %add3A_518 : i32
        %get3A_520 = arith.constant 0 : i32
        %get3A_521 = arith.index_cast %get3A_520 : i32 to index
        %get3A_522 = arith.index_cast %add3A_519 : i32 to index
        %get3A_523 = arith.constant 32 : index
        %get3A_524 = tpu.vector_load %arg6[%get3A_521, %get3A_522, %get3A_523] {strides = array<i32>} : memref<2x256x128xi32, #tpu.memory_space<vmem>>, vector<16xi32>,
        %bitcast3A_525 = vector.bitcast %get3A_524 : vector<16xi32> to vector<32xbf16>
        %add3A_526 = arith.constant 11 : i32
        %add3A_527 = arith.addi %mul3A_142, %add3A_526 : i32
        %get3A_528 = arith.constant 0 : i32
        %get3A_529 = arith.index_cast %get3A_528 : i32 to index
        %get3A_530 = arith.index_cast %add3A_527 : i32 to index
        %get3A_531 = arith.constant 32 : index
        %get3A_532 = tpu.vector_load %arg6[%get3A_529, %get3A_530, %get3A_531] {strides = array<i32>} : memref<2x256x128xi32, #tpu.memory_space<vmem>>, vector<16xi32>,
        %bitcast3A_533 = vector.bitcast %get3A_532 : vector<16xi32> to vector<32xbf16>
        %add3A_534 = arith.constant 12 : i32
        %add3A_535 = arith.addi %mul3A_142, %add3A_534 : i32
        %get3A_536 = arith.constant 0 : i32
        %get3A_537 = arith.index_cast %get3A_536 : i32 to index
        %get3A_538 = arith.index_cast %add3A_535 : i32 to index
        %get3A_539 = arith.constant 32 : index
        %get3A_540 = tpu.vector_load %arg6[%get3A_537, %get3A_538, %get3A_539] {strides = array<i32>} : memref<2x256x128xi32, #tpu.memory_space<vmem>>, vector<16xi32>,
        %bitcast3A_541 = vector.bitcast %get3A_540 : vector<16xi32> to vector<32xbf16>
        %add3A_542 = arith.constant 13 : i32
        %add3A_543 = arith.addi %mul3A_142, %add3A_542 : i32
        %get3A_544 = arith.constant 0 : i32
        %get3A_545 = arith.index_cast %get3A_544 : i32 to index
        %get3A_546 = arith.index_cast %add3A_543 : i32 to index
        %get3A_547 = arith.constant 32 : index
        %get3A_548 = tpu.vector_load %arg6[%get3A_545, %get3A_546, %get3A_547] {strides = array<i32>} : memref<2x256x128xi32, #tpu.memory_space<vmem>>, vector<16xi32>,
        %bitcast3A_549 = vector.bitcast %get3A_548 : vector<16xi32> to vector<32xbf16>
        %add3A_550 = arith.constant 14 : i32
        %add3A_551 = arith.addi %mul3A_142, %add3A_550 : i32
        %get3A_552 = arith.constant 0 : i32
        %get3A_553 = arith.index_cast %get3A_552 : i32 to index
        %get3A_554 = arith.index_cast %add3A_551 : i32 to index
        %get3A_555 = arith.constant 32 : index
        %get3A_556 = tpu.vector_load %arg6[%get3A_553, %get3A_554, %get3A_555] {strides = array<i32>} : memref<2x256x128xi32, #tpu.memory_space<vmem>>, vector<16xi32>,
        %bitcast3A_557 = vector.bitcast %get3A_556 : vector<16xi32> to vector<32xbf16>
        %add3A_558 = arith.constant 15 : i32
        %add3A_559 = arith.addi %mul3A_142, %add3A_558 : i32
        %get3A_560 = arith.constant 0 : i32
        %get3A_561 = arith.index_cast %get3A_560 : i32 to index
        %get3A_562 = arith.index_cast %add3A_559 : i32 to index
        %get3A_563 = arith.constant 32 : index
        %get3A_564 = tpu.vector_load %arg6[%get3A_561, %get3A_562, %get3A_563] {strides = array<i32>} : memref<2x256x128xi32, #tpu.memory_space<vmem>>, vector<16xi32>,
        %bitcast3A_565 = vector.bitcast %get3A_564 : vector<16xi32> to vector<32xbf16>
        %add3A_566 = arith.addf %bitcast3A_445, %bitcast3A_453 : vector<32xbf16>
        %add3A_567 = arith.addf %bitcast3A_461, %bitcast3A_469 : vector<32xbf16>
        %add3A_568 = arith.addf %bitcast3A_477, %bitcast3A_485 : vector<32xbf16>
        %add3A_569 = arith.addf %bitcast3A_493, %bitcast3A_501 : vector<32xbf16>
        %add3A_570 = arith.addf %bitcast3A_509, %bitcast3A_517 : vector<32xbf16>
        %add3A_571 = arith.addf %bitcast3A_525, %bitcast3A_533 : vector<32xbf16>
        %add3A_572 = arith.addf %bitcast3A_541, %bitcast3A_549 : vector<32xbf16>
        %add3A_573 = arith.addf %bitcast3A_557, %bitcast3A_565 : vector<32xbf16>
        %add3A_574 = arith.addf %add3A_566, %add3A_567 : vector<32xbf16>
        %add3A_575 = arith.addf %add3A_568, %add3A_569 : vector<32xbf16>
        %add3A_576 = arith.addf %add3A_570, %add3A_571 : vector<32xbf16>
        %add3A_577 = arith.addf %add3A_572, %add3A_573 : vector<32xbf16>
        %add3A_578 = arith.addf %add3A_574, %add3A_575 : vector<32xbf16>
        %add3A_579 = arith.addf %add3A_576, %add3A_577 : vector<32xbf16>
        %add3A_580 = arith.addf %add3A_578, %add3A_579 : vector<32xbf16>
        %bitcast3A_581 = vector.bitcast %add3A_580 : vector<32xbf16> to vector<16xi32>
        %swap3A_582 = arith.constant 0 : i32
        %swap3A_583 = arith.index_cast %swap3A_582 : i32 to index
        %swap3A_584 = arith.index_cast %scan3A_139 : i32 to index
        %swap3A_585 = arith.constant 32 : index
        %swap3A_586 = tpu.vector_load %arg7[%swap3A_583, %swap3A_584, %swap3A_585] {strides = array<i32>} : memref<2x16x128xi32, #tpu.memory_space<vmem>>, vector<16xi32>,
        tpu.vector_store %arg7[%swap3A_583, %swap3A_584, %swap3A_585], %bitcast3A_581 {strides = array<i32>} : memref<2x16x128xi32, #tpu.memory_space<vmem>>, vector<16xi32>,
        %add3A_587 = arith.constant 0 : i32
        %add3A_588 = arith.addi %mul3A_142, %add3A_587 : i32
        %get3A_589 = arith.constant 0 : i32
        %get3A_590 = arith.index_cast %get3A_589 : i32 to index
        %get3A_591 = arith.index_cast %add3A_588 : i32 to index
        %get3A_592 = arith.constant 48 : index
        %get3A_593 = tpu.vector_load %arg6[%get3A_590, %get3A_591, %get3A_592] {strides = array<i32>} : memref<2x256x128xi32, #tpu.memory_space<vmem>>, vector<16xi32>,
        %bitcast3A_594 = vector.bitcast %get3A_593 : vector<16xi32> to vector<32xbf16>
        %add3A_595 = arith.constant 1 : i32
        %add3A_596 = arith.addi %mul3A_142, %add3A_595 : i32
        %get3A_597 = arith.constant 0 : i32
        %get3A_598 = arith.index_cast %get3A_597 : i32 to index
        %get3A_599 = arith.index_cast %add3A_596 : i32 to index
        %get3A_600 = arith.constant 48 : index
        %get3A_601 = tpu.vector_load %arg6[%get3A_598, %get3A_599, %get3A_600] {strides = array<i32>} : memref<2x256x128xi32, #tpu.memory_space<vmem>>, vector<16xi32>,
        %bitcast3A_602 = vector.bitcast %get3A_601 : vector<16xi32> to vector<32xbf16>
        %add3A_603 = arith.constant 2 : i32
        %add3A_604 = arith.addi %mul3A_142, %add3A_603 : i32
        %get3A_605 = arith.constant 0 : i32
        %get3A_606 = arith.index_cast %get3A_605 : i32 to index
        %get3A_607 = arith.index_cast %add3A_604 : i32 to index
        %get3A_608 = arith.constant 48 : index
        %get3A_609 = tpu.vector_load %arg6[%get3A_606, %get3A_607, %get3A_608] {strides = array<i32>} : memref<2x256x128xi32, #tpu.memory_space<vmem>>, vector<16xi32>,
        %bitcast3A_610 = vector.bitcast %get3A_609 : vector<16xi32> to vector<32xbf16>
        %add3A_611 = arith.constant 3 : i32
        %add3A_612 = arith.addi %mul3A_142, %add3A_611 : i32
        %get3A_613 = arith.constant 0 : i32
        %get3A_614 = arith.index_cast %get3A_613 : i32 to index
        %get3A_615 = arith.index_cast %add3A_612 : i32 to index
        %get3A_616 = arith.constant 48 : index
        %get3A_617 = tpu.vector_load %arg6[%get3A_614, %get3A_615, %get3A_616] {strides = array<i32>} : memref<2x256x128xi32, #tpu.memory_space<vmem>>, vector<16xi32>,
        %bitcast3A_618 = vector.bitcast %get3A_617 : vector<16xi32> to vector<32xbf16>
        %add3A_619 = arith.constant 4 : i32
        %add3A_620 = arith.addi %mul3A_142, %add3A_619 : i32
        %get3A_621 = arith.constant 0 : i32
        %get3A_622 = arith.index_cast %get3A_621 : i32 to index
        %get3A_623 = arith.index_cast %add3A_620 : i32 to index
        %get3A_624 = arith.constant 48 : index
        %get3A_625 = tpu.vector_load %arg6[%get3A_622, %get3A_623, %get3A_624] {strides = array<i32>} : memref<2x256x128xi32, #tpu.memory_space<vmem>>, vector<16xi32>,
        %bitcast3A_626 = vector.bitcast %get3A_625 : vector<16xi32> to vector<32xbf16>
        %add3A_627 = arith.constant 5 : i32
        %add3A_628 = arith.addi %mul3A_142, %add3A_627 : i32
        %get3A_629 = arith.constant 0 : i32
        %get3A_630 = arith.index_cast %get3A_629 : i32 to index
        %get3A_631 = arith.index_cast %add3A_628 : i32 to index
        %get3A_632 = arith.constant 48 : index
        %get3A_633 = tpu.vector_load %arg6[%get3A_630, %get3A_631, %get3A_632] {strides = array<i32>} : memref<2x256x128xi32, #tpu.memory_space<vmem>>, vector<16xi32>,
        %bitcast3A_634 = vector.bitcast %get3A_633 : vector<16xi32> to vector<32xbf16>
        %add3A_635 = arith.constant 6 : i32
        %add3A_636 = arith.addi %mul3A_142, %add3A_635 : i32
        %get3A_637 = arith.constant 0 : i32
        %get3A_638 = arith.index_cast %get3A_637 : i32 to index
        %get3A_639 = arith.index_cast %add3A_636 : i32 to index
        %get3A_640 = arith.constant 48 : index
        %get3A_641 = tpu.vector_load %arg6[%get3A_638, %get3A_639, %get3A_640] {strides = array<i32>} : memref<2x256x128xi32, #tpu.memory_space<vmem>>, vector<16xi32>,
        %bitcast3A_642 = vector.bitcast %get3A_641 : vector<16xi32> to vector<32xbf16>
        %add3A_643 = arith.constant 7 : i32
        %add3A_644 = arith.addi %mul3A_142, %add3A_643 : i32
        %get3A_645 = arith.constant 0 : i32
        %get3A_646 = arith.index_cast %get3A_645 : i32 to index
        %get3A_647 = arith.index_cast %add3A_644 : i32 to index
        %get3A_648 = arith.constant 48 : index
        %get3A_649 = tpu.vector_load %arg6[%get3A_646, %get3A_647, %get3A_648] {strides = array<i32>} : memref<2x256x128xi32, #tpu.memory_space<vmem>>, vector<16xi32>,
        %bitcast3A_650 = vector.bitcast %get3A_649 : vector<16xi32> to vector<32xbf16>
        %add3A_651 = arith.constant 8 : i32
        %add3A_652 = arith.addi %mul3A_142, %add3A_651 : i32
        %get3A_653 = arith.constant 0 : i32
        %get3A_654 = arith.index_cast %get3A_653 : i32 to index
        %get3A_655 = arith.index_cast %add3A_652 : i32 to index
        %get3A_656 = arith.constant 48 : index
        %get3A_657 = tpu.vector_load %arg6[%get3A_654, %get3A_655, %get3A_656] {strides = array<i32>} : memref<2x256x128xi32, #tpu.memory_space<vmem>>, vector<16xi32>,
        %bitcast3A_658 = vector.bitcast %get3A_657 : vector<16xi32> to vector<32xbf16>
        %add3A_659 = arith.constant 9 : i32
        %add3A_660 = arith.addi %mul3A_142, %add3A_659 : i32
        %get3A_661 = arith.constant 0 : i32
        %get3A_662 = arith.index_cast %get3A_661 : i32 to index
        %get3A_663 = arith.index_cast %add3A_660 : i32 to index
        %get3A_664 = arith.constant 48 : index
        %get3A_665 = tpu.vector_load %arg6[%get3A_662, %get3A_663, %get3A_664] {strides = array<i32>} : memref<2x256x128xi32, #tpu.memory_space<vmem>>, vector<16xi32>,
        %bitcast3A_666 = vector.bitcast %get3A_665 : vector<16xi32> to vector<32xbf16>
        %add3A_667 = arith.constant 10 : i32
        %add3A_668 = arith.addi %mul3A_142, %add3A_667 : i32
        %get3A_669 = arith.constant 0 : i32
        %get3A_670 = arith.index_cast %get3A_669 : i32 to index
        %get3A_671 = arith.index_cast %add3A_668 : i32 to index
        %get3A_672 = arith.constant 48 : index
        %get3A_673 = tpu.vector_load %arg6[%get3A_670, %get3A_671, %get3A_672] {strides = array<i32>} : memref<2x256x128xi32, #tpu.memory_space<vmem>>, vector<16xi32>,
        %bitcast3A_674 = vector.bitcast %get3A_673 : vector<16xi32> to vector<32xbf16>
        %add3A_675 = arith.constant 11 : i32
        %add3A_676 = arith.addi %mul3A_142, %add3A_675 : i32
        %get3A_677 = arith.constant 0 : i32
        %get3A_678 = arith.index_cast %get3A_677 : i32 to index
        %get3A_679 = arith.index_cast %add3A_676 : i32 to index
        %get3A_680 = arith.constant 48 : index
        %get3A_681 = tpu.vector_load %arg6[%get3A_678, %get3A_679, %get3A_680] {strides = array<i32>} : memref<2x256x128xi32, #tpu.memory_space<vmem>>, vector<16xi32>,
        %bitcast3A_682 = vector.bitcast %get3A_681 : vector<16xi32> to vector<32xbf16>
        %add3A_683 = arith.constant 12 : i32
        %add3A_684 = arith.addi %mul3A_142, %add3A_683 : i32
        %get3A_685 = arith.constant 0 : i32
        %get3A_686 = arith.index_cast %get3A_685 : i32 to index
        %get3A_687 = arith.index_cast %add3A_684 : i32 to index
        %get3A_688 = arith.constant 48 : index
        %get3A_689 = tpu.vector_load %arg6[%get3A_686, %get3A_687, %get3A_688] {strides = array<i32>} : memref<2x256x128xi32, #tpu.memory_space<vmem>>, vector<16xi32>,
        %bitcast3A_690 = vector.bitcast %get3A_689 : vector<16xi32> to vector<32xbf16>
        %add3A_691 = arith.constant 13 : i32
        %add3A_692 = arith.addi %mul3A_142, %add3A_691 : i32
        %get3A_693 = arith.constant 0 : i32
        %get3A_694 = arith.index_cast %get3A_693 : i32 to index
        %get3A_695 = arith.index_cast %add3A_692 : i32 to index
        %get3A_696 = arith.constant 48 : index
        %get3A_697 = tpu.vector_load %arg6[%get3A_694, %get3A_695, %get3A_696] {strides = array<i32>} : memref<2x256x128xi32, #tpu.memory_space<vmem>>, vector<16xi32>,
        %bitcast3A_698 = vector.bitcast %get3A_697 : vector<16xi32> to vector<32xbf16>
        %add3A_699 = arith.constant 14 : i32
        %add3A_700 = arith.addi %mul3A_142, %add3A_699 : i32
        %get3A_701 = arith.constant 0 : i32
        %get3A_702 = arith.index_cast %get3A_701 : i32 to index
        %get3A_703 = arith.index_cast %add3A_700 : i32 to index
        %get3A_704 = arith.constant 48 : index
        %get3A_705 = tpu.vector_load %arg6[%get3A_702, %get3A_703, %get3A_704] {strides = array<i32>} : memref<2x256x128xi32, #tpu.memory_space<vmem>>, vector<16xi32>,
        %bitcast3A_706 = vector.bitcast %get3A_705 : vector<16xi32> to vector<32xbf16>
        %add3A_707 = arith.constant 15 : i32
        %add3A_708 = arith.addi %mul3A_142, %add3A_707 : i32
        %get3A_709 = arith.constant 0 : i32
        %get3A_710 = arith.index_cast %get3A_709 : i32 to index
        %get3A_711 = arith.index_cast %add3A_708 : i32 to index
        %get3A_712 = arith.constant 48 : index
        %get3A_713 = tpu.vector_load %arg6[%get3A_710, %get3A_711, %get3A_712] {strides = array<i32>} : memref<2x256x128xi32, #tpu.memory_space<vmem>>, vector<16xi32>,
        %bitcast3A_714 = vector.bitcast %get3A_713 : vector<16xi32> to vector<32xbf16>
        %add3A_715 = arith.addf %bitcast3A_594, %bitcast3A_602 : vector<32xbf16>
        %add3A_716 = arith.addf %bitcast3A_610, %bitcast3A_618 : vector<32xbf16>
        %add3A_717 = arith.addf %bitcast3A_626, %bitcast3A_634 : vector<32xbf16>
        %add3A_718 = arith.addf %bitcast3A_642, %bitcast3A_650 : vector<32xbf16>
        %add3A_719 = arith.addf %bitcast3A_658, %bitcast3A_666 : vector<32xbf16>
        %add3A_720 = arith.addf %bitcast3A_674, %bitcast3A_682 : vector<32xbf16>
        %add3A_721 = arith.addf %bitcast3A_690, %bitcast3A_698 : vector<32xbf16>
        %add3A_722 = arith.addf %bitcast3A_706, %bitcast3A_714 : vector<32xbf16>
        %add3A_723 = arith.addf %add3A_715, %add3A_716 : vector<32xbf16>
        %add3A_724 = arith.addf %add3A_717, %add3A_718 : vector<32xbf16>
        %add3A_725 = arith.addf %add3A_719, %add3A_720 : vector<32xbf16>
        %add3A_726 = arith.addf %add3A_721, %add3A_722 : vector<32xbf16>
        %add3A_727 = arith.addf %add3A_723, %add3A_724 : vector<32xbf16>
        %add3A_728 = arith.addf %add3A_725, %add3A_726 : vector<32xbf16>
        %add3A_729 = arith.addf %add3A_727, %add3A_728 : vector<32xbf16>
        %bitcast3A_730 = vector.bitcast %add3A_729 : vector<32xbf16> to vector<16xi32>
        %swap3A_731 = arith.constant 0 : i32
        %swap3A_732 = arith.index_cast %swap3A_731 : i32 to index
        %swap3A_733 = arith.index_cast %scan3A_139 : i32 to index
        %swap3A_734 = arith.constant 48 : index
        %swap3A_735 = tpu.vector_load %arg7[%swap3A_732, %swap3A_733, %swap3A_734] {strides = array<i32>} : memref<2x16x128xi32, #tpu.memory_space<vmem>>, vector<16xi32>,
        tpu.vector_store %arg7[%swap3A_732, %swap3A_733, %swap3A_734], %bitcast3A_730 {strides = array<i32>} : memref<2x16x128xi32, #tpu.memory_space<vmem>>, vector<16xi32>,
        %add3A_736 = arith.constant 0 : i32
        %add3A_737 = arith.addi %mul3A_142, %add3A_736 : i32
        %get3A_738 = arith.constant 0 : i32
        %get3A_739 = arith.index_cast %get3A_738 : i32 to index
        %get3A_740 = arith.index_cast %add3A_737 : i32 to index
        %get3A_741 = arith.constant 64 : index
        %get3A_742 = tpu.vector_load %arg6[%get3A_739, %get3A_740, %get3A_741] {strides = array<i32>} : memref<2x256x128xi32, #tpu.memory_space<vmem>>, vector<16xi32>,
        %bitcast3A_743 = vector.bitcast %get3A_742 : vector<16xi32> to vector<32xbf16>
        %add3A_744 = arith.constant 1 : i32
        %add3A_745 = arith.addi %mul3A_142, %add3A_744 : i32
        %get3A_746 = arith.constant 0 : i32
        %get3A_747 = arith.index_cast %get3A_746 : i32 to index
        %get3A_748 = arith.index_cast %add3A_745 : i32 to index
        %get3A_749 = arith.constant 64 : index
        %get3A_750 = tpu.vector_load %arg6[%get3A_747, %get3A_748, %get3A_749] {strides = array<i32>} : memref<2x256x128xi32, #tpu.memory_space<vmem>>, vector<16xi32>,
        %bitcast3A_751 = vector.bitcast %get3A_750 : vector<16xi32> to vector<32xbf16>
        %add3A_752 = arith.constant 2 : i32
        %add3A_753 = arith.addi %mul3A_142, %add3A_752 : i32
        %get3A_754 = arith.constant 0 : i32
        %get3A_755 = arith.index_cast %get3A_754 : i32 to index
        %get3A_756 = arith.index_cast %add3A_753 : i32 to index
        %get3A_757 = arith.constant 64 : index
        %get3A_758 = tpu.vector_load %arg6[%get3A_755, %get3A_756, %get3A_757] {strides = array<i32>} : memref<2x256x128xi32, #tpu.memory_space<vmem>>, vector<16xi32>,
        %bitcast3A_759 = vector.bitcast %get3A_758 : vector<16xi32> to vector<32xbf16>
        %add3A_760 = arith.constant 3 : i32
        %add3A_761 = arith.addi %mul3A_142, %add3A_760 : i32
        %get3A_762 = arith.constant 0 : i32
        %get3A_763 = arith.index_cast %get3A_762 : i32 to index
        %get3A_764 = arith.index_cast %add3A_761 : i32 to index
        %get3A_765 = arith.constant 64 : index
        %get3A_766 = tpu.vector_load %arg6[%get3A_763, %get3A_764, %get3A_765] {strides = array<i32>} : memref<2x256x128xi32, #tpu.memory_space<vmem>>, vector<16xi32>,
        %bitcast3A_767 = vector.bitcast %get3A_766 : vector<16xi32> to vector<32xbf16>
        %add3A_768 = arith.constant 4 : i32
        %add3A_769 = arith.addi %mul3A_142, %add3A_768 : i32
        %get3A_770 = arith.constant 0 : i32
        %get3A_771 = arith.index_cast %get3A_770 : i32 to index
        %get3A_772 = arith.index_cast %add3A_769 : i32 to index
        %get3A_773 = arith.constant 64 : index
        %get3A_774 = tpu.vector_load %arg6[%get3A_771, %get3A_772, %get3A_773] {strides = array<i32>} : memref<2x256x128xi32, #tpu.memory_space<vmem>>, vector<16xi32>,
        %bitcast3A_775 = vector.bitcast %get3A_774 : vector<16xi32> to vector<32xbf16>
        %add3A_776 = arith.constant 5 : i32
        %add3A_777 = arith.addi %mul3A_142, %add3A_776 : i32
        %get3A_778 = arith.constant 0 : i32
        %get3A_779 = arith.index_cast %get3A_778 : i32 to index
        %get3A_780 = arith.index_cast %add3A_777 : i32 to index
        %get3A_781 = arith.constant 64 : index
        %get3A_782 = tpu.vector_load %arg6[%get3A_779, %get3A_780, %get3A_781] {strides = array<i32>} : memref<2x256x128xi32, #tpu.memory_space<vmem>>, vector<16xi32>,
        %bitcast3A_783 = vector.bitcast %get3A_782 : vector<16xi32> to vector<32xbf16>
        %add3A_784 = arith.constant 6 : i32
        %add3A_785 = arith.addi %mul3A_142, %add3A_784 : i32
        %get3A_786 = arith.constant 0 : i32
        %get3A_787 = arith.index_cast %get3A_786 : i32 to index
        %get3A_788 = arith.index_cast %add3A_785 : i32 to index
        %get3A_789 = arith.constant 64 : index
        %get3A_790 = tpu.vector_load %arg6[%get3A_787, %get3A_788, %get3A_789] {strides = array<i32>} : memref<2x256x128xi32, #tpu.memory_space<vmem>>, vector<16xi32>,
        %bitcast3A_791 = vector.bitcast %get3A_790 : vector<16xi32> to vector<32xbf16>
        %add3A_792 = arith.constant 7 : i32
        %add3A_793 = arith.addi %mul3A_142, %add3A_792 : i32
        %get3A_794 = arith.constant 0 : i32
        %get3A_795 = arith.index_cast %get3A_794 : i32 to index
        %get3A_796 = arith.index_cast %add3A_793 : i32 to index
        %get3A_797 = arith.constant 64 : index
        %get3A_798 = tpu.vector_load %arg6[%get3A_795, %get3A_796, %get3A_797] {strides = array<i32>} : memref<2x256x128xi32, #tpu.memory_space<vmem>>, vector<16xi32>,
        %bitcast3A_799 = vector.bitcast %get3A_798 : vector<16xi32> to vector<32xbf16>
        %add3A_800 = arith.constant 8 : i32
        %add3A_801 = arith.addi %mul3A_142, %add3A_800 : i32
        %get3A_802 = arith.constant 0 : i32
        %get3A_803 = arith.index_cast %get3A_802 : i32 to index
        %get3A_804 = arith.index_cast %add3A_801 : i32 to index
        %get3A_805 = arith.constant 64 : index
        %get3A_806 = tpu.vector_load %arg6[%get3A_803, %get3A_804, %get3A_805] {strides = array<i32>} : memref<2x256x128xi32, #tpu.memory_space<vmem>>, vector<16xi32>,
        %bitcast3A_807 = vector.bitcast %get3A_806 : vector<16xi32> to vector<32xbf16>
        %add3A_808 = arith.constant 9 : i32
        %add3A_809 = arith.addi %mul3A_142, %add3A_808 : i32
        %get3A_810 = arith.constant 0 : i32
        %get3A_811 = arith.index_cast %get3A_810 : i32 to index
        %get3A_812 = arith.index_cast %add3A_809 : i32 to index
        %get3A_813 = arith.constant 64 : index
        %get3A_814 = tpu.vector_load %arg6[%get3A_811, %get3A_812, %get3A_813] {strides = array<i32>} : memref<2x256x128xi32, #tpu.memory_space<vmem>>, vector<16xi32>,
        %bitcast3A_815 = vector.bitcast %get3A_814 : vector<16xi32> to vector<32xbf16>
        %add3A_816 = arith.constant 10 : i32
        %add3A_817 = arith.addi %mul3A_142, %add3A_816 : i32
        %get3A_818 = arith.constant 0 : i32
        %get3A_819 = arith.index_cast %get3A_818 : i32 to index
        %get3A_820 = arith.index_cast %add3A_817 : i32 to index
        %get3A_821 = arith.constant 64 : index
        %get3A_822 = tpu.vector_load %arg6[%get3A_819, %get3A_820, %get3A_821] {strides = array<i32>} : memref<2x256x128xi32, #tpu.memory_space<vmem>>, vector<16xi32>,
        %bitcast3A_823 = vector.bitcast %get3A_822 : vector<16xi32> to vector<32xbf16>
        %add3A_824 = arith.constant 11 : i32
        %add3A_825 = arith.addi %mul3A_142, %add3A_824 : i32
        %get3A_826 = arith.constant 0 : i32
        %get3A_827 = arith.index_cast %get3A_826 : i32 to index
        %get3A_828 = arith.index_cast %add3A_825 : i32 to index
        %get3A_829 = arith.constant 64 : index
        %get3A_830 = tpu.vector_load %arg6[%get3A_827, %get3A_828, %get3A_829] {strides = array<i32>} : memref<2x256x128xi32, #tpu.memory_space<vmem>>, vector<16xi32>,
        %bitcast3A_831 = vector.bitcast %get3A_830 : vector<16xi32> to vector<32xbf16>
        %add3A_832 = arith.constant 12 : i32
        %add3A_833 = arith.addi %mul3A_142, %add3A_832 : i32
        %get3A_834 = arith.constant 0 : i32
        %get3A_835 = arith.index_cast %get3A_834 : i32 to index
        %get3A_836 = arith.index_cast %add3A_833 : i32 to index
        %get3A_837 = arith.constant 64 : index
        %get3A_838 = tpu.vector_load %arg6[%get3A_835, %get3A_836, %get3A_837] {strides = array<i32>} : memref<2x256x128xi32, #tpu.memory_space<vmem>>, vector<16xi32>,
        %bitcast3A_839 = vector.bitcast %get3A_838 : vector<16xi32> to vector<32xbf16>
        %add3A_840 = arith.constant 13 : i32
        %add3A_841 = arith.addi %mul3A_142, %add3A_840 : i32
        %get3A_842 = arith.constant 0 : i32
        %get3A_843 = arith.index_cast %get3A_842 : i32 to index
        %get3A_844 = arith.index_cast %add3A_841 : i32 to index
        %get3A_845 = arith.constant 64 : index
        %get3A_846 = tpu.vector_load %arg6[%get3A_843, %get3A_844, %get3A_845] {strides = array<i32>} : memref<2x256x128xi32, #tpu.memory_space<vmem>>, vector<16xi32>,
        %bitcast3A_847 = vector.bitcast %get3A_846 : vector<16xi32> to vector<32xbf16>
        %add3A_848 = arith.constant 14 : i32
        %add3A_849 = arith.addi %mul3A_142, %add3A_848 : i32
        %get3A_850 = arith.constant 0 : i32
        %get3A_851 = arith.index_cast %get3A_850 : i32 to index
        %get3A_852 = arith.index_cast %add3A_849 : i32 to index
        %get3A_853 = arith.constant 64 : index
        %get3A_854 = tpu.vector_load %arg6[%get3A_851, %get3A_852, %get3A_853] {strides = array<i32>} : memref<2x256x128xi32, #tpu.memory_space<vmem>>, vector<16xi32>,
        %bitcast3A_855 = vector.bitcast %get3A_854 : vector<16xi32> to vector<32xbf16>
        %add3A_856 = arith.constant 15 : i32
        %add3A_857 = arith.addi %mul3A_142, %add3A_856 : i32
        %get3A_858 = arith.constant 0 : i32
        %get3A_859 = arith.index_cast %get3A_858 : i32 to index
        %get3A_860 = arith.index_cast %add3A_857 : i32 to index
        %get3A_861 = arith.constant 64 : index
        %get3A_862 = tpu.vector_load %arg6[%get3A_859, %get3A_860, %get3A_861] {strides = array<i32>} : memref<2x256x128xi32, #tpu.memory_space<vmem>>, vector<16xi32>,
        %bitcast3A_863 = vector.bitcast %get3A_862 : vector<16xi32> to vector<32xbf16>
        %add3A_864 = arith.addf %bitcast3A_743, %bitcast3A_751 : vector<32xbf16>
        %add3A_865 = arith.addf %bitcast3A_759, %bitcast3A_767 : vector<32xbf16>
        %add3A_866 = arith.addf %bitcast3A_775, %bitcast3A_783 : vector<32xbf16>
        %add3A_867 = arith.addf %bitcast3A_791, %bitcast3A_799 : vector<32xbf16>
        %add3A_868 = arith.addf %bitcast3A_807, %bitcast3A_815 : vector<32xbf16>
        %add3A_869 = arith.addf %bitcast3A_823, %bitcast3A_831 : vector<32xbf16>
        %add3A_870 = arith.addf %bitcast3A_839, %bitcast3A_847 : vector<32xbf16>
        %add3A_871 = arith.addf %bitcast3A_855, %bitcast3A_863 : vector<32xbf16>
        %add3A_872 = arith.addf %add3A_864, %add3A_865 : vector<32xbf16>
        %add3A_873 = arith.addf %add3A_866, %add3A_867 : vector<32xbf16>
        %add3A_874 = arith.addf %add3A_868, %add3A_869 : vector<32xbf16>
        %add3A_875 = arith.addf %add3A_870, %add3A_871 : vector<32xbf16>
        %add3A_876 = arith.addf %add3A_872, %add3A_873 : vector<32xbf16>
        %add3A_877 = arith.addf %add3A_874, %add3A_875 : vector<32xbf16>
        %add3A_878 = arith.addf %add3A_876, %add3A_877 : vector<32xbf16>
        %bitcast3A_879 = vector.bitcast %add3A_878 : vector<32xbf16> to vector<16xi32>
        %swap3A_880 = arith.constant 0 : i32
        %swap3A_881 = arith.index_cast %swap3A_880 : i32 to index
        %swap3A_882 = arith.index_cast %scan3A_139 : i32 to index
        %swap3A_883 = arith.constant 64 : index
        %swap3A_884 = tpu.vector_load %arg7[%swap3A_881, %swap3A_882, %swap3A_883] {strides = array<i32>} : memref<2x16x128xi32, #tpu.memory_space<vmem>>, vector<16xi32>,
        tpu.vector_store %arg7[%swap3A_881, %swap3A_882, %swap3A_883], %bitcast3A_879 {strides = array<i32>} : memref<2x16x128xi32, #tpu.memory_space<vmem>>, vector<16xi32>,
        %add3A_885 = arith.constant 0 : i32
        %add3A_886 = arith.addi %mul3A_142, %add3A_885 : i32
        %get3A_887 = arith.constant 0 : i32
        %get3A_888 = arith.index_cast %get3A_887 : i32 to index
        %get3A_889 = arith.index_cast %add3A_886 : i32 to index
        %get3A_890 = arith.constant 80 : index
        %get3A_891 = tpu.vector_load %arg6[%get3A_888, %get3A_889, %get3A_890] {strides = array<i32>} : memref<2x256x128xi32, #tpu.memory_space<vmem>>, vector<16xi32>,
        %bitcast3A_892 = vector.bitcast %get3A_891 : vector<16xi32> to vector<32xbf16>
        %add3A_893 = arith.constant 1 : i32
        %add3A_894 = arith.addi %mul3A_142, %add3A_893 : i32
        %get3A_895 = arith.constant 0 : i32
        %get3A_896 = arith.index_cast %get3A_895 : i32 to index
        %get3A_897 = arith.index_cast %add3A_894 : i32 to index
        %get3A_898 = arith.constant 80 : index
        %get3A_899 = tpu.vector_load %arg6[%get3A_896, %get3A_897, %get3A_898] {strides = array<i32>} : memref<2x256x128xi32, #tpu.memory_space<vmem>>, vector<16xi32>,
        %bitcast3A_900 = vector.bitcast %get3A_899 : vector<16xi32> to vector<32xbf16>
        %add3A_901 = arith.constant 2 : i32
        %add3A_902 = arith.addi %mul3A_142, %add3A_901 : i32
        %get3A_903 = arith.constant 0 : i32
        %get3A_904 = arith.index_cast %get3A_903 : i32 to index
        %get3A_905 = arith.index_cast %add3A_902 : i32 to index
        %get3A_906 = arith.constant 80 : index
        %get3A_907 = tpu.vector_load %arg6[%get3A_904, %get3A_905, %get3A_906] {strides = array<i32>} : memref<2x256x128xi32, #tpu.memory_space<vmem>>, vector<16xi32>,
        %bitcast3A_908 = vector.bitcast %get3A_907 : vector<16xi32> to vector<32xbf16>
        %add3A_909 = arith.constant 3 : i32
        %add3A_910 = arith.addi %mul3A_142, %add3A_909 : i32
        %get3A_911 = arith.constant 0 : i32
        %get3A_912 = arith.index_cast %get3A_911 : i32 to index
        %get3A_913 = arith.index_cast %add3A_910 : i32 to index
        %get3A_914 = arith.constant 80 : index
        %get3A_915 = tpu.vector_load %arg6[%get3A_912, %get3A_913, %get3A_914] {strides = array<i32>} : memref<2x256x128xi32, #tpu.memory_space<vmem>>, vector<16xi32>,
        %bitcast3A_916 = vector.bitcast %get3A_915 : vector<16xi32> to vector<32xbf16>
        %add3A_917 = arith.constant 4 : i32
        %add3A_918 = arith.addi %mul3A_142, %add3A_917 : i32
        %get3A_919 = arith.constant 0 : i32
        %get3A_920 = arith.index_cast %get3A_919 : i32 to index
        %get3A_921 = arith.index_cast %add3A_918 : i32 to index
        %get3A_922 = arith.constant 80 : index
        %get3A_923 = tpu.vector_load %arg6[%get3A_920, %get3A_921, %get3A_922] {strides = array<i32>} : memref<2x256x128xi32, #tpu.memory_space<vmem>>, vector<16xi32>,
        %bitcast3A_924 = vector.bitcast %get3A_923 : vector<16xi32> to vector<32xbf16>
        %add3A_925 = arith.constant 5 : i32
        %add3A_926 = arith.addi %mul3A_142, %add3A_925 : i32
        %get3A_927 = arith.constant 0 : i32
        %get3A_928 = arith.index_cast %get3A_927 : i32 to index
        %get3A_929 = arith.index_cast %add3A_926 : i32 to index
        %get3A_930 = arith.constant 80 : index
        %get3A_931 = tpu.vector_load %arg6[%get3A_928, %get3A_929, %get3A_930] {strides = array<i32>} : memref<2x256x128xi32, #tpu.memory_space<vmem>>, vector<16xi32>,
        %bitcast3A_932 = vector.bitcast %get3A_931 : vector<16xi32> to vector<32xbf16>
        %add3A_933 = arith.constant 6 : i32
        %add3A_934 = arith.addi %mul3A_142, %add3A_933 : i32
        %get3A_935 = arith.constant 0 : i32
        %get3A_936 = arith.index_cast %get3A_935 : i32 to index
        %get3A_937 = arith.index_cast %add3A_934 : i32 to index
        %get3A_938 = arith.constant 80 : index
        %get3A_939 = tpu.vector_load %arg6[%get3A_936, %get3A_937, %get3A_938] {strides = array<i32>} : memref<2x256x128xi32, #tpu.memory_space<vmem>>, vector<16xi32>,
        %bitcast3A_940 = vector.bitcast %get3A_939 : vector<16xi32> to vector<32xbf16>
        %add3A_941 = arith.constant 7 : i32
        %add3A_942 = arith.addi %mul3A_142, %add3A_941 : i32
        %get3A_943 = arith.constant 0 : i32
        %get3A_944 = arith.index_cast %get3A_943 : i32 to index
        %get3A_945 = arith.index_cast %add3A_942 : i32 to index
        %get3A_946 = arith.constant 80 : index
        %get3A_947 = tpu.vector_load %arg6[%get3A_944, %get3A_945, %get3A_946] {strides = array<i32>} : memref<2x256x128xi32, #tpu.memory_space<vmem>>, vector<16xi32>,
        %bitcast3A_948 = vector.bitcast %get3A_947 : vector<16xi32> to vector<32xbf16>
        %add3A_949 = arith.constant 8 : i32
        %add3A_950 = arith.addi %mul3A_142, %add3A_949 : i32
        %get3A_951 = arith.constant 0 : i32
        %get3A_952 = arith.index_cast %get3A_951 : i32 to index
        %get3A_953 = arith.index_cast %add3A_950 : i32 to index
        %get3A_954 = arith.constant 80 : index
        %get3A_955 = tpu.vector_load %arg6[%get3A_952, %get3A_953, %get3A_954] {strides = array<i32>} : memref<2x256x128xi32, #tpu.memory_space<vmem>>, vector<16xi32>,
        %bitcast3A_956 = vector.bitcast %get3A_955 : vector<16xi32> to vector<32xbf16>
        %add3A_957 = arith.constant 9 : i32
        %add3A_958 = arith.addi %mul3A_142, %add3A_957 : i32
        %get3A_959 = arith.constant 0 : i32
        %get3A_960 = arith.index_cast %get3A_959 : i32 to index
        %get3A_961 = arith.index_cast %add3A_958 : i32 to index
        %get3A_962 = arith.constant 80 : index
        %get3A_963 = tpu.vector_load %arg6[%get3A_960, %get3A_961, %get3A_962] {strides = array<i32>} : memref<2x256x128xi32, #tpu.memory_space<vmem>>, vector<16xi32>,
        %bitcast3A_964 = vector.bitcast %get3A_963 : vector<16xi32> to vector<32xbf16>
        %add3A_965 = arith.constant 10 : i32
        %add3A_966 = arith.addi %mul3A_142, %add3A_965 : i32
        %get3A_967 = arith.constant 0 : i32
        %get3A_968 = arith.index_cast %get3A_967 : i32 to index
        %get3A_969 = arith.index_cast %add3A_966 : i32 to index
        %get3A_970 = arith.constant 80 : index
        %get3A_971 = tpu.vector_load %arg6[%get3A_968, %get3A_969, %get3A_970] {strides = array<i32>} : memref<2x256x128xi32, #tpu.memory_space<vmem>>, vector<16xi32>,
        %bitcast3A_972 = vector.bitcast %get3A_971 : vector<16xi32> to vector<32xbf16>
        %add3A_973 = arith.constant 11 : i32
        %add3A_974 = arith.addi %mul3A_142, %add3A_973 : i32
        %get3A_975 = arith.constant 0 : i32
        %get3A_976 = arith.index_cast %get3A_975 : i32 to index
        %get3A_977 = arith.index_cast %add3A_974 : i32 to index
        %get3A_978 = arith.constant 80 : index
        %get3A_979 = tpu.vector_load %arg6[%get3A_976, %get3A_977, %get3A_978] {strides = array<i32>} : memref<2x256x128xi32, #tpu.memory_space<vmem>>, vector<16xi32>,
        %bitcast3A_980 = vector.bitcast %get3A_979 : vector<16xi32> to vector<32xbf16>
        %add3A_981 = arith.constant 12 : i32
        %add3A_982 = arith.addi %mul3A_142, %add3A_981 : i32
        %get3A_983 = arith.constant 0 : i32
        %get3A_984 = arith.index_cast %get3A_983 : i32 to index
        %get3A_985 = arith.index_cast %add3A_982 : i32 to index
        %get3A_986 = arith.constant 80 : index
        %get3A_987 = tpu.vector_load %arg6[%get3A_984, %get3A_985, %get3A_986] {strides = array<i32>} : memref<2x256x128xi32, #tpu.memory_space<vmem>>, vector<16xi32>,
        %bitcast3A_988 = vector.bitcast %get3A_987 : vector<16xi32> to vector<32xbf16>
        %add3A_989 = arith.constant 13 : i32
        %add3A_990 = arith.addi %mul3A_142, %add3A_989 : i32
        %get3A_991 = arith.constant 0 : i32
        %get3A_992 = arith.index_cast %get3A_991 : i32 to index
        %get3A_993 = arith.index_cast %add3A_990 : i32 to index
        %get3A_994 = arith.constant 80 : index
        %get3A_995 = tpu.vector_load %arg6[%get3A_992, %get3A_993, %get3A_994] {strides = array<i32>} : memref<2x256x128xi32, #tpu.memory_space<vmem>>, vector<16xi32>,
        %bitcast3A_996 = vector.bitcast %get3A_995 : vector<16xi32> to vector<32xbf16>
        %add3A_997 = arith.constant 14 : i32
        %add3A_998 = arith.addi %mul3A_142, %add3A_997 : i32
        %get3A_999 = arith.constant 0 : i32
        %get3A_1000 = arith.index_cast %get3A_999 : i32 to index
        %get3A_1001 = arith.index_cast %add3A_998 : i32 to index
        %get3A_1002 = arith.constant 80 : index
        %get3A_1003 = tpu.vector_load %arg6[%get3A_1000, %get3A_1001, %get3A_1002] {strides = array<i32>} : memref<2x256x128xi32, #tpu.memory_space<vmem>>, vector<16xi32>,
        %bitcast3A_1004 = vector.bitcast %get3A_1003 : vector<16xi32> to vector<32xbf16>
        %add3A_1005 = arith.constant 15 : i32
        %add3A_1006 = arith.addi %mul3A_142, %add3A_1005 : i32
        %get3A_1007 = arith.constant 0 : i32
        %get3A_1008 = arith.index_cast %get3A_1007 : i32 to index
        %get3A_1009 = arith.index_cast %add3A_1006 : i32 to index
        %get3A_1010 = arith.constant 80 : index
        %get3A_1011 = tpu.vector_load %arg6[%get3A_1008, %get3A_1009, %get3A_1010] {strides = array<i32>} : memref<2x256x128xi32, #tpu.memory_space<vmem>>, vector<16xi32>,
        %bitcast3A_1012 = vector.bitcast %get3A_1011 : vector<16xi32> to vector<32xbf16>
        %add3A_1013 = arith.addf %bitcast3A_892, %bitcast3A_900 : vector<32xbf16>
        %add3A_1014 = arith.addf %bitcast3A_908, %bitcast3A_916 : vector<32xbf16>
        %add3A_1015 = arith.addf %bitcast3A_924, %bitcast3A_932 : vector<32xbf16>
        %add3A_1016 = arith.addf %bitcast3A_940, %bitcast3A_948 : vector<32xbf16>
        %add3A_1017 = arith.addf %bitcast3A_956, %bitcast3A_964 : vector<32xbf16>
        %add3A_1018 = arith.addf %bitcast3A_972, %bitcast3A_980 : vector<32xbf16>
        %add3A_1019 = arith.addf %bitcast3A_988, %bitcast3A_996 : vector<32xbf16>
        %add3A_1020 = arith.addf %bitcast3A_1004, %bitcast3A_1012 : vector<32xbf16>
        %add3A_1021 = arith.addf %add3A_1013, %add3A_1014 : vector<32xbf16>
        %add3A_1022 = arith.addf %add3A_1015, %add3A_1016 : vector<32xbf16>
        %add3A_1023 = arith.addf %add3A_1017, %add3A_1018 : vector<32xbf16>
        %add3A_1024 = arith.addf %add3A_1019, %add3A_1020 : vector<32xbf16>
        %add3A_1025 = arith.addf %add3A_1021, %add3A_1022 : vector<32xbf16>
        %add3A_1026 = arith.addf %add3A_1023, %add3A_1024 : vector<32xbf16>
        %add3A_1027 = arith.addf %add3A_1025, %add3A_1026 : vector<32xbf16>
        %bitcast3A_1028 = vector.bitcast %add3A_1027 : vector<32xbf16> to vector<16xi32>
        %swap3A_1029 = arith.constant 0 : i32
        %swap3A_1030 = arith.index_cast %swap3A_1029 : i32 to index
        %swap3A_1031 = arith.index_cast %scan3A_139 : i32 to index
        %swap3A_1032 = arith.constant 80 : index
        %swap3A_1033 = tpu.vector_load %arg7[%swap3A_1030, %swap3A_1031, %swap3A_1032] {strides = array<i32>} : memref<2x16x128xi32, #tpu.memory_space<vmem>>, vector<16xi32>,
        tpu.vector_store %arg7[%swap3A_1030, %swap3A_1031, %swap3A_1032], %bitcast3A_1028 {strides = array<i32>} : memref<2x16x128xi32, #tpu.memory_space<vmem>>, vector<16xi32>,
        %add3A_1034 = arith.constant 0 : i32
        %add3A_1035 = arith.addi %mul3A_142, %add3A_1034 : i32
        %get3A_1036 = arith.constant 0 : i32
        %get3A_1037 = arith.index_cast %get3A_1036 : i32 to index
        %get3A_1038 = arith.index_cast %add3A_1035 : i32 to index
        %get3A_1039 = arith.constant 96 : index
        %get3A_1040 = tpu.vector_load %arg6[%get3A_1037, %get3A_1038, %get3A_1039] {strides = array<i32>} : memref<2x256x128xi32, #tpu.memory_space<vmem>>, vector<16xi32>,
        %bitcast3A_1041 = vector.bitcast %get3A_1040 : vector<16xi32> to vector<32xbf16>
        %add3A_1042 = arith.constant 1 : i32
        %add3A_1043 = arith.addi %mul3A_142, %add3A_1042 : i32
        %get3A_1044 = arith.constant 0 : i32
        %get3A_1045 = arith.index_cast %get3A_1044 : i32 to index
        %get3A_1046 = arith.index_cast %add3A_1043 : i32 to index
        %get3A_1047 = arith.constant 96 : index
        %get3A_1048 = tpu.vector_load %arg6[%get3A_1045, %get3A_1046, %get3A_1047] {strides = array<i32>} : memref<2x256x128xi32, #tpu.memory_space<vmem>>, vector<16xi32>,
        %bitcast3A_1049 = vector.bitcast %get3A_1048 : vector<16xi32> to vector<32xbf16>
        %add3A_1050 = arith.constant 2 : i32
        %add3A_1051 = arith.addi %mul3A_142, %add3A_1050 : i32
        %get3A_1052 = arith.constant 0 : i32
        %get3A_1053 = arith.index_cast %get3A_1052 : i32 to index
        %get3A_1054 = arith.index_cast %add3A_1051 : i32 to index
        %get3A_1055 = arith.constant 96 : index
        %get3A_1056 = tpu.vector_load %arg6[%get3A_1053, %get3A_1054, %get3A_1055] {strides = array<i32>} : memref<2x256x128xi32, #tpu.memory_space<vmem>>, vector<16xi32>,
        %bitcast3A_1057 = vector.bitcast %get3A_1056 : vector<16xi32> to vector<32xbf16>
        %add3A_1058 = arith.constant 3 : i32
        %add3A_1059 = arith.addi %mul3A_142, %add3A_1058 : i32
        %get3A_1060 = arith.constant 0 : i32
        %get3A_1061 = arith.index_cast %get3A_1060 : i32 to index
        %get3A_1062 = arith.index_cast %add3A_1059 : i32 to index
        %get3A_1063 = arith.constant 96 : index
        %get3A_1064 = tpu.vector_load %arg6[%get3A_1061, %get3A_1062, %get3A_1063] {strides = array<i32>} : memref<2x256x128xi32, #tpu.memory_space<vmem>>, vector<16xi32>,
        %bitcast3A_1065 = vector.bitcast %get3A_1064 : vector<16xi32> to vector<32xbf16>
        %add3A_1066 = arith.constant 4 : i32
        %add3A_1067 = arith.addi %mul3A_142, %add3A_1066 : i32
        %get3A_1068 = arith.constant 0 : i32
        %get3A_1069 = arith.index_cast %get3A_1068 : i32 to index
        %get3A_1070 = arith.index_cast %add3A_1067 : i32 to index
        %get3A_1071 = arith.constant 96 : index
        %get3A_1072 = tpu.vector_load %arg6[%get3A_1069, %get3A_1070, %get3A_1071] {strides = array<i32>} : memref<2x256x128xi32, #tpu.memory_space<vmem>>, vector<16xi32>,
        %bitcast3A_1073 = vector.bitcast %get3A_1072 : vector<16xi32> to vector<32xbf16>
        %add3A_1074 = arith.constant 5 : i32
        %add3A_1075 = arith.addi %mul3A_142, %add3A_1074 : i32
        %get3A_1076 = arith.constant 0 : i32
        %get3A_1077 = arith.index_cast %get3A_1076 : i32 to index
        %get3A_1078 = arith.index_cast %add3A_1075 : i32 to index
        %get3A_1079 = arith.constant 96 : index
        %get3A_1080 = tpu.vector_load %arg6[%get3A_1077, %get3A_1078, %get3A_1079] {strides = array<i32>} : memref<2x256x128xi32, #tpu.memory_space<vmem>>, vector<16xi32>,
        %bitcast3A_1081 = vector.bitcast %get3A_1080 : vector<16xi32> to vector<32xbf16>
        %add3A_1082 = arith.constant 6 : i32
        %add3A_1083 = arith.addi %mul3A_142, %add3A_1082 : i32
        %get3A_1084 = arith.constant 0 : i32
        %get3A_1085 = arith.index_cast %get3A_1084 : i32 to index
        %get3A_1086 = arith.index_cast %add3A_1083 : i32 to index
        %get3A_1087 = arith.constant 96 : index
        %get3A_1088 = tpu.vector_load %arg6[%get3A_1085, %get3A_1086, %get3A_1087] {strides = array<i32>} : memref<2x256x128xi32, #tpu.memory_space<vmem>>, vector<16xi32>,
        %bitcast3A_1089 = vector.bitcast %get3A_1088 : vector<16xi32> to vector<32xbf16>
        %add3A_1090 = arith.constant 7 : i32
        %add3A_1091 = arith.addi %mul3A_142, %add3A_1090 : i32
        %get3A_1092 = arith.constant 0 : i32
        %get3A_1093 = arith.index_cast %get3A_1092 : i32 to index
        %get3A_1094 = arith.index_cast %add3A_1091 : i32 to index
        %get3A_1095 = arith.constant 96 : index
        %get3A_1096 = tpu.vector_load %arg6[%get3A_1093, %get3A_1094, %get3A_1095] {strides = array<i32>} : memref<2x256x128xi32, #tpu.memory_space<vmem>>, vector<16xi32>,
        %bitcast3A_1097 = vector.bitcast %get3A_1096 : vector<16xi32> to vector<32xbf16>
        %add3A_1098 = arith.constant 8 : i32
        %add3A_1099 = arith.addi %mul3A_142, %add3A_1098 : i32
        %get3A_1100 = arith.constant 0 : i32
        %get3A_1101 = arith.index_cast %get3A_1100 : i32 to index
        %get3A_1102 = arith.index_cast %add3A_1099 : i32 to index
        %get3A_1103 = arith.constant 96 : index
        %get3A_1104 = tpu.vector_load %arg6[%get3A_1101, %get3A_1102, %get3A_1103] {strides = array<i32>} : memref<2x256x128xi32, #tpu.memory_space<vmem>>, vector<16xi32>,
        %bitcast3A_1105 = vector.bitcast %get3A_1104 : vector<16xi32> to vector<32xbf16>
        %add3A_1106 = arith.constant 9 : i32
        %add3A_1107 = arith.addi %mul3A_142, %add3A_1106 : i32
        %get3A_1108 = arith.constant 0 : i32
        %get3A_1109 = arith.index_cast %get3A_1108 : i32 to index
        %get3A_1110 = arith.index_cast %add3A_1107 : i32 to index
        %get3A_1111 = arith.constant 96 : index
        %get3A_1112 = tpu.vector_load %arg6[%get3A_1109, %get3A_1110, %get3A_1111] {strides = array<i32>} : memref<2x256x128xi32, #tpu.memory_space<vmem>>, vector<16xi32>,
        %bitcast3A_1113 = vector.bitcast %get3A_1112 : vector<16xi32> to vector<32xbf16>
        %add3A_1114 = arith.constant 10 : i32
        %add3A_1115 = arith.addi %mul3A_142, %add3A_1114 : i32
        %get3A_1116 = arith.constant 0 : i32
        %get3A_1117 = arith.index_cast %get3A_1116 : i32 to index
        %get3A_1118 = arith.index_cast %add3A_1115 : i32 to index
        %get3A_1119 = arith.constant 96 : index
        %get3A_1120 = tpu.vector_load %arg6[%get3A_1117, %get3A_1118, %get3A_1119] {strides = array<i32>} : memref<2x256x128xi32, #tpu.memory_space<vmem>>, vector<16xi32>,
        %bitcast3A_1121 = vector.bitcast %get3A_1120 : vector<16xi32> to vector<32xbf16>
        %add3A_1122 = arith.constant 11 : i32
        %add3A_1123 = arith.addi %mul3A_142, %add3A_1122 : i32
        %get3A_1124 = arith.constant 0 : i32
        %get3A_1125 = arith.index_cast %get3A_1124 : i32 to index
        %get3A_1126 = arith.index_cast %add3A_1123 : i32 to index
        %get3A_1127 = arith.constant 96 : index
        %get3A_1128 = tpu.vector_load %arg6[%get3A_1125, %get3A_1126, %get3A_1127] {strides = array<i32>} : memref<2x256x128xi32, #tpu.memory_space<vmem>>, vector<16xi32>,
        %bitcast3A_1129 = vector.bitcast %get3A_1128 : vector<16xi32> to vector<32xbf16>
        %add3A_1130 = arith.constant 12 : i32
        %add3A_1131 = arith.addi %mul3A_142, %add3A_1130 : i32
        %get3A_1132 = arith.constant 0 : i32
        %get3A_1133 = arith.index_cast %get3A_1132 : i32 to index
        %get3A_1134 = arith.index_cast %add3A_1131 : i32 to index
        %get3A_1135 = arith.constant 96 : index
        %get3A_1136 = tpu.vector_load %arg6[%get3A_1133, %get3A_1134, %get3A_1135] {strides = array<i32>} : memref<2x256x128xi32, #tpu.memory_space<vmem>>, vector<16xi32>,
        %bitcast3A_1137 = vector.bitcast %get3A_1136 : vector<16xi32> to vector<32xbf16>
        %add3A_1138 = arith.constant 13 : i32
        %add3A_1139 = arith.addi %mul3A_142, %add3A_1138 : i32
        %get3A_1140 = arith.constant 0 : i32
        %get3A_1141 = arith.index_cast %get3A_1140 : i32 to index
        %get3A_1142 = arith.index_cast %add3A_1139 : i32 to index
        %get3A_1143 = arith.constant 96 : index
        %get3A_1144 = tpu.vector_load %arg6[%get3A_1141, %get3A_1142, %get3A_1143] {strides = array<i32>} : memref<2x256x128xi32, #tpu.memory_space<vmem>>, vector<16xi32>,
        %bitcast3A_1145 = vector.bitcast %get3A_1144 : vector<16xi32> to vector<32xbf16>
        %add3A_1146 = arith.constant 14 : i32
        %add3A_1147 = arith.addi %mul3A_142, %add3A_1146 : i32
        %get3A_1148 = arith.constant 0 : i32
        %get3A_1149 = arith.index_cast %get3A_1148 : i32 to index
        %get3A_1150 = arith.index_cast %add3A_1147 : i32 to index
        %get3A_1151 = arith.constant 96 : index
        %get3A_1152 = tpu.vector_load %arg6[%get3A_1149, %get3A_1150, %get3A_1151] {strides = array<i32>} : memref<2x256x128xi32, #tpu.memory_space<vmem>>, vector<16xi32>,
        %bitcast3A_1153 = vector.bitcast %get3A_1152 : vector<16xi32> to vector<32xbf16>
        %add3A_1154 = arith.constant 15 : i32
        %add3A_1155 = arith.addi %mul3A_142, %add3A_1154 : i32
        %get3A_1156 = arith.constant 0 : i32
        %get3A_1157 = arith.index_cast %get3A_1156 : i32 to index
        %get3A_1158 = arith.index_cast %add3A_1155 : i32 to index
        %get3A_1159 = arith.constant 96 : index
        %get3A_1160 = tpu.vector_load %arg6[%get3A_1157, %get3A_1158, %get3A_1159] {strides = array<i32>} : memref<2x256x128xi32, #tpu.memory_space<vmem>>, vector<16xi32>,
        %bitcast3A_1161 = vector.bitcast %get3A_1160 : vector<16xi32> to vector<32xbf16>
        %add3A_1162 = arith.addf %bitcast3A_1041, %bitcast3A_1049 : vector<32xbf16>
        %add3A_1163 = arith.addf %bitcast3A_1057, %bitcast3A_1065 : vector<32xbf16>
        %add3A_1164 = arith.addf %bitcast3A_1073, %bitcast3A_1081 : vector<32xbf16>
        %add3A_1165 = arith.addf %bitcast3A_1089, %bitcast3A_1097 : vector<32xbf16>
        %add3A_1166 = arith.addf %bitcast3A_1105, %bitcast3A_1113 : vector<32xbf16>
        %add3A_1167 = arith.addf %bitcast3A_1121, %bitcast3A_1129 : vector<32xbf16>
        %add3A_1168 = arith.addf %bitcast3A_1137, %bitcast3A_1145 : vector<32xbf16>
        %add3A_1169 = arith.addf %bitcast3A_1153, %bitcast3A_1161 : vector<32xbf16>
        %add3A_1170 = arith.addf %add3A_1162, %add3A_1163 : vector<32xbf16>
        %add3A_1171 = arith.addf %add3A_1164, %add3A_1165 : vector<32xbf16>
        %add3A_1172 = arith.addf %add3A_1166, %add3A_1167 : vector<32xbf16>
        %add3A_1173 = arith.addf %add3A_1168, %add3A_1169 : vector<32xbf16>
        %add3A_1174 = arith.addf %add3A_1170, %add3A_1171 : vector<32xbf16>
        %add3A_1175 = arith.addf %add3A_1172, %add3A_1173 : vector<32xbf16>
        %add3A_1176 = arith.addf %add3A_1174, %add3A_1175 : vector<32xbf16>
        %bitcast3A_1177 = vector.bitcast %add3A_1176 : vector<32xbf16> to vector<16xi32>
        %swap3A_1178 = arith.constant 0 : i32
        %swap3A_1179 = arith.index_cast %swap3A_1178 : i32 to index
        %swap3A_1180 = arith.index_cast %scan3A_139 : i32 to index
        %swap3A_1181 = arith.constant 96 : index
        %swap3A_1182 = tpu.vector_load %arg7[%swap3A_1179, %swap3A_1180, %swap3A_1181] {strides = array<i32>} : memref<2x16x128xi32, #tpu.memory_space<vmem>>, vector<16xi32>,
        tpu.vector_store %arg7[%swap3A_1179, %swap3A_1180, %swap3A_1181], %bitcast3A_1177 {strides = array<i32>} : memref<2x16x128xi32, #tpu.memory_space<vmem>>, vector<16xi32>,
        %add3A_1183 = arith.constant 0 : i32
        %add3A_1184 = arith.addi %mul3A_142, %add3A_1183 : i32
        %get3A_1185 = arith.constant 0 : i32
        %get3A_1186 = arith.index_cast %get3A_1185 : i32 to index
        %get3A_1187 = arith.index_cast %add3A_1184 : i32 to index
        %get3A_1188 = arith.constant 112 : index
        %get3A_1189 = tpu.vector_load %arg6[%get3A_1186, %get3A_1187, %get3A_1188] {strides = array<i32>} : memref<2x256x128xi32, #tpu.memory_space<vmem>>, vector<16xi32>,
        %bitcast3A_1190 = vector.bitcast %get3A_1189 : vector<16xi32> to vector<32xbf16>
        %add3A_1191 = arith.constant 1 : i32
        %add3A_1192 = arith.addi %mul3A_142, %add3A_1191 : i32
        %get3A_1193 = arith.constant 0 : i32
        %get3A_1194 = arith.index_cast %get3A_1193 : i32 to index
        %get3A_1195 = arith.index_cast %add3A_1192 : i32 to index
        %get3A_1196 = arith.constant 112 : index
        %get3A_1197 = tpu.vector_load %arg6[%get3A_1194, %get3A_1195, %get3A_1196] {strides = array<i32>} : memref<2x256x128xi32, #tpu.memory_space<vmem>>, vector<16xi32>,
        %bitcast3A_1198 = vector.bitcast %get3A_1197 : vector<16xi32> to vector<32xbf16>
        %add3A_1199 = arith.constant 2 : i32
        %add3A_1200 = arith.addi %mul3A_142, %add3A_1199 : i32
        %get3A_1201 = arith.constant 0 : i32
        %get3A_1202 = arith.index_cast %get3A_1201 : i32 to index
        %get3A_1203 = arith.index_cast %add3A_1200 : i32 to index
        %get3A_1204 = arith.constant 112 : index
        %get3A_1205 = tpu.vector_load %arg6[%get3A_1202, %get3A_1203, %get3A_1204] {strides = array<i32>} : memref<2x256x128xi32, #tpu.memory_space<vmem>>, vector<16xi32>,
        %bitcast3A_1206 = vector.bitcast %get3A_1205 : vector<16xi32> to vector<32xbf16>
        %add3A_1207 = arith.constant 3 : i32
        %add3A_1208 = arith.addi %mul3A_142, %add3A_1207 : i32
        %get3A_1209 = arith.constant 0 : i32
        %get3A_1210 = arith.index_cast %get3A_1209 : i32 to index
        %get3A_1211 = arith.index_cast %add3A_1208 : i32 to index
        %get3A_1212 = arith.constant 112 : index
        %get3A_1213 = tpu.vector_load %arg6[%get3A_1210, %get3A_1211, %get3A_1212] {strides = array<i32>} : memref<2x256x128xi32, #tpu.memory_space<vmem>>, vector<16xi32>,
        %bitcast3A_1214 = vector.bitcast %get3A_1213 : vector<16xi32> to vector<32xbf16>
        %add3A_1215 = arith.constant 4 : i32
        %add3A_1216 = arith.addi %mul3A_142, %add3A_1215 : i32
        %get3A_1217 = arith.constant 0 : i32
        %get3A_1218 = arith.index_cast %get3A_1217 : i32 to index
        %get3A_1219 = arith.index_cast %add3A_1216 : i32 to index
        %get3A_1220 = arith.constant 112 : index
        %get3A_1221 = tpu.vector_load %arg6[%get3A_1218, %get3A_1219, %get3A_1220] {strides = array<i32>} : memref<2x256x128xi32, #tpu.memory_space<vmem>>, vector<16xi32>,
        %bitcast3A_1222 = vector.bitcast %get3A_1221 : vector<16xi32> to vector<32xbf16>
        %add3A_1223 = arith.constant 5 : i32
        %add3A_1224 = arith.addi %mul3A_142, %add3A_1223 : i32
        %get3A_1225 = arith.constant 0 : i32
        %get3A_1226 = arith.index_cast %get3A_1225 : i32 to index
        %get3A_1227 = arith.index_cast %add3A_1224 : i32 to index
        %get3A_1228 = arith.constant 112 : index
        %get3A_1229 = tpu.vector_load %arg6[%get3A_1226, %get3A_1227, %get3A_1228] {strides = array<i32>} : memref<2x256x128xi32, #tpu.memory_space<vmem>>, vector<16xi32>,
        %bitcast3A_1230 = vector.bitcast %get3A_1229 : vector<16xi32> to vector<32xbf16>
        %add3A_1231 = arith.constant 6 : i32
        %add3A_1232 = arith.addi %mul3A_142, %add3A_1231 : i32
        %get3A_1233 = arith.constant 0 : i32
        %get3A_1234 = arith.index_cast %get3A_1233 : i32 to index
        %get3A_1235 = arith.index_cast %add3A_1232 : i32 to index
        %get3A_1236 = arith.constant 112 : index
        %get3A_1237 = tpu.vector_load %arg6[%get3A_1234, %get3A_1235, %get3A_1236] {strides = array<i32>} : memref<2x256x128xi32, #tpu.memory_space<vmem>>, vector<16xi32>,
        %bitcast3A_1238 = vector.bitcast %get3A_1237 : vector<16xi32> to vector<32xbf16>
        %add3A_1239 = arith.constant 7 : i32
        %add3A_1240 = arith.addi %mul3A_142, %add3A_1239 : i32
        %get3A_1241 = arith.constant 0 : i32
        %get3A_1242 = arith.index_cast %get3A_1241 : i32 to index
        %get3A_1243 = arith.index_cast %add3A_1240 : i32 to index
        %get3A_1244 = arith.constant 112 : index
        %get3A_1245 = tpu.vector_load %arg6[%get3A_1242, %get3A_1243, %get3A_1244] {strides = array<i32>} : memref<2x256x128xi32, #tpu.memory_space<vmem>>, vector<16xi32>,
        %bitcast3A_1246 = vector.bitcast %get3A_1245 : vector<16xi32> to vector<32xbf16>
        %add3A_1247 = arith.constant 8 : i32
        %add3A_1248 = arith.addi %mul3A_142, %add3A_1247 : i32
        %get3A_1249 = arith.constant 0 : i32
        %get3A_1250 = arith.index_cast %get3A_1249 : i32 to index
        %get3A_1251 = arith.index_cast %add3A_1248 : i32 to index
        %get3A_1252 = arith.constant 112 : index
        %get3A_1253 = tpu.vector_load %arg6[%get3A_1250, %get3A_1251, %get3A_1252] {strides = array<i32>} : memref<2x256x128xi32, #tpu.memory_space<vmem>>, vector<16xi32>,
        %bitcast3A_1254 = vector.bitcast %get3A_1253 : vector<16xi32> to vector<32xbf16>
        %add3A_1255 = arith.constant 9 : i32
        %add3A_1256 = arith.addi %mul3A_142, %add3A_1255 : i32
        %get3A_1257 = arith.constant 0 : i32
        %get3A_1258 = arith.index_cast %get3A_1257 : i32 to index
        %get3A_1259 = arith.index_cast %add3A_1256 : i32 to index
        %get3A_1260 = arith.constant 112 : index
        %get3A_1261 = tpu.vector_load %arg6[%get3A_1258, %get3A_1259, %get3A_1260] {strides = array<i32>} : memref<2x256x128xi32, #tpu.memory_space<vmem>>, vector<16xi32>,
        %bitcast3A_1262 = vector.bitcast %get3A_1261 : vector<16xi32> to vector<32xbf16>
        %add3A_1263 = arith.constant 10 : i32
        %add3A_1264 = arith.addi %mul3A_142, %add3A_1263 : i32
        %get3A_1265 = arith.constant 0 : i32
        %get3A_1266 = arith.index_cast %get3A_1265 : i32 to index
        %get3A_1267 = arith.index_cast %add3A_1264 : i32 to index
        %get3A_1268 = arith.constant 112 : index
        %get3A_1269 = tpu.vector_load %arg6[%get3A_1266, %get3A_1267, %get3A_1268] {strides = array<i32>} : memref<2x256x128xi32, #tpu.memory_space<vmem>>, vector<16xi32>,
        %bitcast3A_1270 = vector.bitcast %get3A_1269 : vector<16xi32> to vector<32xbf16>
        %add3A_1271 = arith.constant 11 : i32
        %add3A_1272 = arith.addi %mul3A_142, %add3A_1271 : i32
        %get3A_1273 = arith.constant 0 : i32
        %get3A_1274 = arith.index_cast %get3A_1273 : i32 to index
        %get3A_1275 = arith.index_cast %add3A_1272 : i32 to index
        %get3A_1276 = arith.constant 112 : index
        %get3A_1277 = tpu.vector_load %arg6[%get3A_1274, %get3A_1275, %get3A_1276] {strides = array<i32>} : memref<2x256x128xi32, #tpu.memory_space<vmem>>, vector<16xi32>,
        %bitcast3A_1278 = vector.bitcast %get3A_1277 : vector<16xi32> to vector<32xbf16>
        %add3A_1279 = arith.constant 12 : i32
        %add3A_1280 = arith.addi %mul3A_142, %add3A_1279 : i32
        %get3A_1281 = arith.constant 0 : i32
        %get3A_1282 = arith.index_cast %get3A_1281 : i32 to index
        %get3A_1283 = arith.index_cast %add3A_1280 : i32 to index
        %get3A_1284 = arith.constant 112 : index
        %get3A_1285 = tpu.vector_load %arg6[%get3A_1282, %get3A_1283, %get3A_1284] {strides = array<i32>} : memref<2x256x128xi32, #tpu.memory_space<vmem>>, vector<16xi32>,
        %bitcast3A_1286 = vector.bitcast %get3A_1285 : vector<16xi32> to vector<32xbf16>
        %add3A_1287 = arith.constant 13 : i32
        %add3A_1288 = arith.addi %mul3A_142, %add3A_1287 : i32
        %get3A_1289 = arith.constant 0 : i32
        %get3A_1290 = arith.index_cast %get3A_1289 : i32 to index
        %get3A_1291 = arith.index_cast %add3A_1288 : i32 to index
        %get3A_1292 = arith.constant 112 : index
        %get3A_1293 = tpu.vector_load %arg6[%get3A_1290, %get3A_1291, %get3A_1292] {strides = array<i32>} : memref<2x256x128xi32, #tpu.memory_space<vmem>>, vector<16xi32>,
        %bitcast3A_1294 = vector.bitcast %get3A_1293 : vector<16xi32> to vector<32xbf16>
        %add3A_1295 = arith.constant 14 : i32
        %add3A_1296 = arith.addi %mul3A_142, %add3A_1295 : i32
        %get3A_1297 = arith.constant 0 : i32
        %get3A_1298 = arith.index_cast %get3A_1297 : i32 to index
        %get3A_1299 = arith.index_cast %add3A_1296 : i32 to index
        %get3A_1300 = arith.constant 112 : index
        %get3A_1301 = tpu.vector_load %arg6[%get3A_1298, %get3A_1299, %get3A_1300] {strides = array<i32>} : memref<2x256x128xi32, #tpu.memory_space<vmem>>, vector<16xi32>,
        %bitcast3A_1302 = vector.bitcast %get3A_1301 : vector<16xi32> to vector<32xbf16>
        %add3A_1303 = arith.constant 15 : i32
        %add3A_1304 = arith.addi %mul3A_142, %add3A_1303 : i32
        %get3A_1305 = arith.constant 0 : i32
        %get3A_1306 = arith.index_cast %get3A_1305 : i32 to index
        %get3A_1307 = arith.index_cast %add3A_1304 : i32 to index
        %get3A_1308 = arith.constant 112 : index
        %get3A_1309 = tpu.vector_load %arg6[%get3A_1306, %get3A_1307, %get3A_1308] {strides = array<i32>} : memref<2x256x128xi32, #tpu.memory_space<vmem>>, vector<16xi32>,
        %bitcast3A_1310 = vector.bitcast %get3A_1309 : vector<16xi32> to vector<32xbf16>
        %add3A_1311 = arith.addf %bitcast3A_1190, %bitcast3A_1198 : vector<32xbf16>
        %add3A_1312 = arith.addf %bitcast3A_1206, %bitcast3A_1214 : vector<32xbf16>
        %add3A_1313 = arith.addf %bitcast3A_1222, %bitcast3A_1230 : vector<32xbf16>
        %add3A_1314 = arith.addf %bitcast3A_1238, %bitcast3A_1246 : vector<32xbf16>
        %add3A_1315 = arith.addf %bitcast3A_1254, %bitcast3A_1262 : vector<32xbf16>
        %add3A_1316 = arith.addf %bitcast3A_1270, %bitcast3A_1278 : vector<32xbf16>
        %add3A_1317 = arith.addf %bitcast3A_1286, %bitcast3A_1294 : vector<32xbf16>
        %add3A_1318 = arith.addf %bitcast3A_1302, %bitcast3A_1310 : vector<32xbf16>
        %add3A_1319 = arith.addf %add3A_1311, %add3A_1312 : vector<32xbf16>
        %add3A_1320 = arith.addf %add3A_1313, %add3A_1314 : vector<32xbf16>
        %add3A_1321 = arith.addf %add3A_1315, %add3A_1316 : vector<32xbf16>
        %add3A_1322 = arith.addf %add3A_1317, %add3A_1318 : vector<32xbf16>
        %add3A_1323 = arith.addf %add3A_1319, %add3A_1320 : vector<32xbf16>
        %add3A_1324 = arith.addf %add3A_1321, %add3A_1322 : vector<32xbf16>
        %add3A_1325 = arith.addf %add3A_1323, %add3A_1324 : vector<32xbf16>
        %bitcast3A_1326 = vector.bitcast %add3A_1325 : vector<32xbf16> to vector<16xi32>
        %swap3A_1327 = arith.constant 0 : i32
        %swap3A_1328 = arith.index_cast %swap3A_1327 : i32 to index
        %swap3A_1329 = arith.index_cast %scan3A_139 : i32 to index
        %swap3A_1330 = arith.constant 112 : index
        %swap3A_1331 = tpu.vector_load %arg7[%swap3A_1328, %swap3A_1329, %swap3A_1330] {strides = array<i32>} : memref<2x16x128xi32, #tpu.memory_space<vmem>>, vector<16xi32>,
        tpu.vector_store %arg7[%swap3A_1328, %swap3A_1329, %swap3A_1330], %bitcast3A_1326 {strides = array<i32>} : memref<2x16x128xi32, #tpu.memory_space<vmem>>, vector<16xi32>,
        %scan3A_1332 = arith.constant 0 : i32
        scf.yield %scan3A_1332 : i32
      }
      %scan3A_69 = arith.constant 16 : i32
      %mul3A_70 = arith.constant 16 : i32
      %mul3A_71 = arith.muli %add3A_50, %mul3A_70 : i32
      %add3A_72 = arith.addi %select_n3A, %mul3A_71 : i32
      %dma_start3A = arith.constant 0 : i32
      %dma_start3A_73 = arith.constant 0 : i32
      %dma_start3A_74 = arith.constant 0 : i32
      %dma_start3A_75 = tpu.memref_slice %arg7[%dma_start3A, %dma_start3A_73, %dma_start3A_74] : memref<2x16x128xi32, #tpu.memory_space<vmem>> -> memref<1x16x128xi32, #tpu.memory_space<vmem>>
      %dma_start3A_76 = tpu.memref_squeeze %dma_start3A_75 : memref<1x16x128xi32, #tpu.memory_space<vmem>> -> memref<16x128xi32, #tpu.memory_space<vmem>>
      %dma_start3A_77 = arith.constant 0 : i32
      %dma_start3A_78 = tpu.memref_slice %arg4[%add3A_72, %dma_start3A_77] : memref<10240x128xi32, #tpu.memory_space<hbm>> -> memref<16x128xi32, #tpu.memory_space<hbm>>
      %dma_start3A_79 = arith.constant 0 : i32
      %dma_start3A_80 = tpu.memref_slice %arg4[%add3A_72, %dma_start3A_79] : memref<10240x128xi32, #tpu.memory_space<hbm>> -> memref<16x128xi32, #tpu.memory_space<hbm>>
      %dma_start3A_81 = arith.constant 0 : i32
      %dma_start3A_82 = arith.constant 0 : i32
      %dma_start3A_83 = tpu.memref_slice %arg7[%dma_start3A, %dma_start3A_81, %dma_start3A_82] : memref<2x16x128xi32, #tpu.memory_space<vmem>> -> memref<1x16x128xi32, #tpu.memory_space<vmem>>
      %dma_start3A_84 = tpu.memref_squeeze %dma_start3A_83 : memref<1x16x128xi32, #tpu.memory_space<vmem>> -> memref<16x128xi32, #tpu.memory_space<vmem>>
      tpu.enqueue_dma source(%dma_start3A_84 : memref<16x128xi32, #tpu.memory_space<vmem>>) target(%dma_start3A_80 : memref<16x128xi32, #tpu.memory_space<hbm>>) target_semaphore(%arg10 : memref<!tpu.dma_semaphore, #tpu.memory_space<semaphore_mem>>)
      %add3A_85 = arith.constant 2 : i32
      %add3A_86 = arith.addi %add3A_50, %add3A_85 : i32
      %lt3A = arith.cmpi slt, %add3A_86, %select_n3A_6 : i32
      %convert_element_type3A_87 = arith.extui %lt3A : i1 to i32
      %cond3A_88 = arith.constant 0 : i32
      %cond3A_89 = arith.cmpi ne, %convert_element_type3A_87, %cond3A_88 : i32
      scf.if %cond3A_89 {
        %mul3A_139 = arith.constant 256 : i32
        %mul3A_140 = arith.muli %add3A_86, %mul3A_139 : i32
        %dma_start3A_141 = arith.constant 0 : i32
        %dma_start3A_142 = arith.constant 0 : i32
        %dma_start3A_143 = arith.constant 0 : i32
        %dma_start3A_144 = tpu.memref_slice %arg6[%dma_start3A_141, %dma_start3A_142, %dma_start3A_143] : memref<2x256x128xi32, #tpu.memory_space<vmem>> -> memref<1x256x128xi32, #tpu.memory_space<vmem>>
        %dma_start3A_145 = tpu.memref_squeeze %dma_start3A_144 : memref<1x256x128xi32, #tpu.memory_space<vmem>> -> memref<256x128xi32, #tpu.memory_space<vmem>>
        %dma_start3A_146 = tpu.memref_slice %arg5[%mul3A_140] : memref<8192xi32, #tpu.memory_space<vmem>> -> memref<256xi32, #tpu.memory_space<vmem>>
        %dma_start3A_147 = arith.constant 0 : i32
        %dma_start3A_148 = arith.constant 0 : i32
        %dma_start3A_149 = tpu.memref_slice %arg2[%dma_start3A_147, %dma_start3A_148] : memref<10240x128xi32, #tpu.memory_space<hbm>> -> memref<10240x128xi32, #tpu.memory_space<hbm>>
        tpu.enqueue_indirect_dma source(%dma_start3A_149 : memref<10240x128xi32, #tpu.memory_space<hbm>>) target(%dma_start3A_145 : memref<256x128xi32, #tpu.memory_space<vmem>>) offsets(%dma_start3A_146 : memref<256xi32, #tpu.memory_space<vmem>>) semaphore(%arg8 : memref<!tpu.dma_semaphore, #tpu.memory_space<semaphore_mem>>)
      } else {
      }
      %mul3A_90 = arith.constant 2 : i32
      %mul3A_91 = arith.muli %while3A_45, %mul3A_90 : i32
      %add3A_92 = arith.constant 1 : i32
      %add3A_93 = arith.addi %mul3A_91, %add3A_92 : i32
      %dma_wait3A_94 = arith.constant 1 : i32
      %dma_wait3A_95 = arith.constant 0 : i32
      %dma_wait3A_96 = arith.constant 0 : i32
      %dma_wait3A_97 = tpu.memref_slice %arg6[%dma_wait3A_94, %dma_wait3A_95, %dma_wait3A_96] : memref<2x256x128xi32, #tpu.memory_space<vmem>> -> memref<1x256x128xi32, #tpu.memory_space<vmem>>
      %dma_wait3A_98 = tpu.memref_squeeze %dma_wait3A_97 : memref<1x256x128xi32, #tpu.memory_space<vmem>> -> memref<256x128xi32, #tpu.memory_space<vmem>>
      %dma_wait3A_99 = arith.constant 0 : i32
      %dma_wait3A_100 = tpu.memref_slice %arg5[%dma_wait3A_99] : memref<8192xi32, #tpu.memory_space<vmem>> -> memref<256xi32, #tpu.memory_space<vmem>>
      %dma_wait3A_101 = arith.constant 0 : i32
      %dma_wait3A_102 = arith.constant 0 : i32
      %dma_wait3A_103 = tpu.memref_slice %arg2[%dma_wait3A_101, %dma_wait3A_102] : memref<10240x128xi32, #tpu.memory_space<hbm>> -> memref<10240x128xi32, #tpu.memory_space<hbm>>
      tpu.wait_indirect_dma semaphore(%arg9 : memref<!tpu.dma_semaphore, #tpu.memory_space<semaphore_mem>>) src(%dma_wait3A_103 : memref<10240x128xi32, #tpu.memory_space<hbm>>) dst(%dma_wait3A_98 : memref<256x128xi32, #tpu.memory_space<vmem>>)
      %ge3A_104 = arith.constant 2 : i32
      %ge3A_105 = arith.cmpi sge, %add3A_93, %ge3A_104 : i32
      %convert_element_type3A_106 = arith.extui %ge3A_105 : i1 to i32
      %cond3A_107 = arith.constant 0 : i32
      %cond3A_108 = arith.cmpi ne, %convert_element_type3A_106, %cond3A_107 : i32
      scf.if %cond3A_108 {
        %dma_wait3A_139 = arith.constant 1 : i32
        %dma_wait3A_140 = arith.constant 0 : i32
        %dma_wait3A_141 = arith.constant 0 : i32
        %dma_wait3A_142 = tpu.memref_slice %arg7[%dma_wait3A_139, %dma_wait3A_140, %dma_wait3A_141] : memref<2x16x128xi32, #tpu.memory_space<vmem>> -> memref<1x16x128xi32, #tpu.memory_space<vmem>>
        %dma_wait3A_143 = tpu.memref_squeeze %dma_wait3A_142 : memref<1x16x128xi32, #tpu.memory_space<vmem>> -> memref<16x128xi32, #tpu.memory_space<vmem>>
        %dma_wait3A_144 = arith.constant 0 : i32
        %dma_wait3A_145 = tpu.memref_slice %arg4[%select_n3A, %dma_wait3A_144] : memref<10240x128xi32, #tpu.memory_space<hbm>> -> memref<16x128xi32, #tpu.memory_space<hbm>>
        %dma_wait3A_146 = arith.constant 0 : i32
        %dma_wait3A_147 = tpu.memref_slice %arg4[%select_n3A, %dma_wait3A_146] : memref<10240x128xi32, #tpu.memory_space<hbm>> -> memref<16x128xi32, #tpu.memory_space<hbm>>
        %dma_wait3A_148 = arith.constant 0 : i32
        %dma_wait3A_149 = arith.constant 0 : i32
        %dma_wait3A_150 = tpu.memref_slice %arg7[%dma_wait3A_139, %dma_wait3A_148, %dma_wait3A_149] : memref<2x16x128xi32, #tpu.memory_space<vmem>> -> memref<1x16x128xi32, #tpu.memory_space<vmem>>
        %dma_wait3A_151 = tpu.memref_squeeze %dma_wait3A_150 : memref<1x16x128xi32, #tpu.memory_space<vmem>> -> memref<16x128xi32, #tpu.memory_space<vmem>>
        tpu.wait_dma2 semaphore(%arg11 : memref<!tpu.dma_semaphore, #tpu.memory_space<semaphore_mem>>) src(%dma_wait3A_151 : memref<16x128xi32, #tpu.memory_space<vmem>>) dst(%dma_wait3A_147 : memref<16x128xi32, #tpu.memory_space<hbm>>)
      } else {
      }
      %scan3A_109 = arith.constant 0 : i32
      %scan3A_110 = arith.constant 0 : i32
      %scan3A_111 = arith.constant 16 : i32
      %scan3A_112 = arith.addi %scan3A_110, %scan3A_111 : i32
      %scan3A_113 = arith.constant 1 : i32
      %scan3A_114 = scf.for %scan3A_139 = %scan3A_110 to %scan3A_112 step %scan3A_113 iter_args(%scan3A_140 = %scan3A_109) -> (i32)  : i32 {
        %mul3A_141 = arith.constant 16 : i32
        %mul3A_142 = arith.muli %scan3A_139, %mul3A_141 : i32
        %add3A_143 = arith.constant 0 : i32
        %add3A_144 = arith.addi %mul3A_142, %add3A_143 : i32
        %get3A = arith.constant 1 : i32
        %get3A_145 = arith.index_cast %get3A : i32 to index
        %get3A_146 = arith.index_cast %add3A_144 : i32 to index
        %get3A_147 = arith.constant 0 : index
        %get3A_148 = tpu.vector_load %arg6[%get3A_145, %get3A_146, %get3A_147] {strides = array<i32>} : memref<2x256x128xi32, #tpu.memory_space<vmem>>, vector<16xi32>,
        %bitcast3A = vector.bitcast %get3A_148 : vector<16xi32> to vector<32xbf16>
        %add3A_149 = arith.constant 1 : i32
        %add3A_150 = arith.addi %mul3A_142, %add3A_149 : i32
        %get3A_151 = arith.constant 1 : i32
        %get3A_152 = arith.index_cast %get3A_151 : i32 to index
        %get3A_153 = arith.index_cast %add3A_150 : i32 to index
        %get3A_154 = arith.constant 0 : index
        %get3A_155 = tpu.vector_load %arg6[%get3A_152, %get3A_153, %get3A_154] {strides = array<i32>} : memref<2x256x128xi32, #tpu.memory_space<vmem>>, vector<16xi32>,
        %bitcast3A_156 = vector.bitcast %get3A_155 : vector<16xi32> to vector<32xbf16>
        %add3A_157 = arith.constant 2 : i32
        %add3A_158 = arith.addi %mul3A_142, %add3A_157 : i32
        %get3A_159 = arith.constant 1 : i32
        %get3A_160 = arith.index_cast %get3A_159 : i32 to index
        %get3A_161 = arith.index_cast %add3A_158 : i32 to index
        %get3A_162 = arith.constant 0 : index
        %get3A_163 = tpu.vector_load %arg6[%get3A_160, %get3A_161, %get3A_162] {strides = array<i32>} : memref<2x256x128xi32, #tpu.memory_space<vmem>>, vector<16xi32>,
        %bitcast3A_164 = vector.bitcast %get3A_163 : vector<16xi32> to vector<32xbf16>
        %add3A_165 = arith.constant 3 : i32
        %add3A_166 = arith.addi %mul3A_142, %add3A_165 : i32
        %get3A_167 = arith.constant 1 : i32
        %get3A_168 = arith.index_cast %get3A_167 : i32 to index
        %get3A_169 = arith.index_cast %add3A_166 : i32 to index
        %get3A_170 = arith.constant 0 : index
        %get3A_171 = tpu.vector_load %arg6[%get3A_168, %get3A_169, %get3A_170] {strides = array<i32>} : memref<2x256x128xi32, #tpu.memory_space<vmem>>, vector<16xi32>,
        %bitcast3A_172 = vector.bitcast %get3A_171 : vector<16xi32> to vector<32xbf16>
        %add3A_173 = arith.constant 4 : i32
        %add3A_174 = arith.addi %mul3A_142, %add3A_173 : i32
        %get3A_175 = arith.constant 1 : i32
        %get3A_176 = arith.index_cast %get3A_175 : i32 to index
        %get3A_177 = arith.index_cast %add3A_174 : i32 to index
        %get3A_178 = arith.constant 0 : index
        %get3A_179 = tpu.vector_load %arg6[%get3A_176, %get3A_177, %get3A_178] {strides = array<i32>} : memref<2x256x128xi32, #tpu.memory_space<vmem>>, vector<16xi32>,
        %bitcast3A_180 = vector.bitcast %get3A_179 : vector<16xi32> to vector<32xbf16>
        %add3A_181 = arith.constant 5 : i32
        %add3A_182 = arith.addi %mul3A_142, %add3A_181 : i32
        %get3A_183 = arith.constant 1 : i32
        %get3A_184 = arith.index_cast %get3A_183 : i32 to index
        %get3A_185 = arith.index_cast %add3A_182 : i32 to index
        %get3A_186 = arith.constant 0 : index
        %get3A_187 = tpu.vector_load %arg6[%get3A_184, %get3A_185, %get3A_186] {strides = array<i32>} : memref<2x256x128xi32, #tpu.memory_space<vmem>>, vector<16xi32>,
        %bitcast3A_188 = vector.bitcast %get3A_187 : vector<16xi32> to vector<32xbf16>
        %add3A_189 = arith.constant 6 : i32
        %add3A_190 = arith.addi %mul3A_142, %add3A_189 : i32
        %get3A_191 = arith.constant 1 : i32
        %get3A_192 = arith.index_cast %get3A_191 : i32 to index
        %get3A_193 = arith.index_cast %add3A_190 : i32 to index
        %get3A_194 = arith.constant 0 : index
        %get3A_195 = tpu.vector_load %arg6[%get3A_192, %get3A_193, %get3A_194] {strides = array<i32>} : memref<2x256x128xi32, #tpu.memory_space<vmem>>, vector<16xi32>,
        %bitcast3A_196 = vector.bitcast %get3A_195 : vector<16xi32> to vector<32xbf16>
        %add3A_197 = arith.constant 7 : i32
        %add3A_198 = arith.addi %mul3A_142, %add3A_197 : i32
        %get3A_199 = arith.constant 1 : i32
        %get3A_200 = arith.index_cast %get3A_199 : i32 to index
        %get3A_201 = arith.index_cast %add3A_198 : i32 to index
        %get3A_202 = arith.constant 0 : index
        %get3A_203 = tpu.vector_load %arg6[%get3A_200, %get3A_201, %get3A_202] {strides = array<i32>} : memref<2x256x128xi32, #tpu.memory_space<vmem>>, vector<16xi32>,
        %bitcast3A_204 = vector.bitcast %get3A_203 : vector<16xi32> to vector<32xbf16>
        %add3A_205 = arith.constant 8 : i32
        %add3A_206 = arith.addi %mul3A_142, %add3A_205 : i32
        %get3A_207 = arith.constant 1 : i32
        %get3A_208 = arith.index_cast %get3A_207 : i32 to index
        %get3A_209 = arith.index_cast %add3A_206 : i32 to index
        %get3A_210 = arith.constant 0 : index
        %get3A_211 = tpu.vector_load %arg6[%get3A_208, %get3A_209, %get3A_210] {strides = array<i32>} : memref<2x256x128xi32, #tpu.memory_space<vmem>>, vector<16xi32>,
        %bitcast3A_212 = vector.bitcast %get3A_211 : vector<16xi32> to vector<32xbf16>
        %add3A_213 = arith.constant 9 : i32
        %add3A_214 = arith.addi %mul3A_142, %add3A_213 : i32
        %get3A_215 = arith.constant 1 : i32
        %get3A_216 = arith.index_cast %get3A_215 : i32 to index
        %get3A_217 = arith.index_cast %add3A_214 : i32 to index
        %get3A_218 = arith.constant 0 : index
        %get3A_219 = tpu.vector_load %arg6[%get3A_216, %get3A_217, %get3A_218] {strides = array<i32>} : memref<2x256x128xi32, #tpu.memory_space<vmem>>, vector<16xi32>,
        %bitcast3A_220 = vector.bitcast %get3A_219 : vector<16xi32> to vector<32xbf16>
        %add3A_221 = arith.constant 10 : i32
        %add3A_222 = arith.addi %mul3A_142, %add3A_221 : i32
        %get3A_223 = arith.constant 1 : i32
        %get3A_224 = arith.index_cast %get3A_223 : i32 to index
        %get3A_225 = arith.index_cast %add3A_222 : i32 to index
        %get3A_226 = arith.constant 0 : index
        %get3A_227 = tpu.vector_load %arg6[%get3A_224, %get3A_225, %get3A_226] {strides = array<i32>} : memref<2x256x128xi32, #tpu.memory_space<vmem>>, vector<16xi32>,
        %bitcast3A_228 = vector.bitcast %get3A_227 : vector<16xi32> to vector<32xbf16>
        %add3A_229 = arith.constant 11 : i32
        %add3A_230 = arith.addi %mul3A_142, %add3A_229 : i32
        %get3A_231 = arith.constant 1 : i32
        %get3A_232 = arith.index_cast %get3A_231 : i32 to index
        %get3A_233 = arith.index_cast %add3A_230 : i32 to index
        %get3A_234 = arith.constant 0 : index
        %get3A_235 = tpu.vector_load %arg6[%get3A_232, %get3A_233, %get3A_234] {strides = array<i32>} : memref<2x256x128xi32, #tpu.memory_space<vmem>>, vector<16xi32>,
        %bitcast3A_236 = vector.bitcast %get3A_235 : vector<16xi32> to vector<32xbf16>
        %add3A_237 = arith.constant 12 : i32
        %add3A_238 = arith.addi %mul3A_142, %add3A_237 : i32
        %get3A_239 = arith.constant 1 : i32
        %get3A_240 = arith.index_cast %get3A_239 : i32 to index
        %get3A_241 = arith.index_cast %add3A_238 : i32 to index
        %get3A_242 = arith.constant 0 : index
        %get3A_243 = tpu.vector_load %arg6[%get3A_240, %get3A_241, %get3A_242] {strides = array<i32>} : memref<2x256x128xi32, #tpu.memory_space<vmem>>, vector<16xi32>,
        %bitcast3A_244 = vector.bitcast %get3A_243 : vector<16xi32> to vector<32xbf16>
        %add3A_245 = arith.constant 13 : i32
        %add3A_246 = arith.addi %mul3A_142, %add3A_245 : i32
        %get3A_247 = arith.constant 1 : i32
        %get3A_248 = arith.index_cast %get3A_247 : i32 to index
        %get3A_249 = arith.index_cast %add3A_246 : i32 to index
        %get3A_250 = arith.constant 0 : index
        %get3A_251 = tpu.vector_load %arg6[%get3A_248, %get3A_249, %get3A_250] {strides = array<i32>} : memref<2x256x128xi32, #tpu.memory_space<vmem>>, vector<16xi32>,
        %bitcast3A_252 = vector.bitcast %get3A_251 : vector<16xi32> to vector<32xbf16>
        %add3A_253 = arith.constant 14 : i32
        %add3A_254 = arith.addi %mul3A_142, %add3A_253 : i32
        %get3A_255 = arith.constant 1 : i32
        %get3A_256 = arith.index_cast %get3A_255 : i32 to index
        %get3A_257 = arith.index_cast %add3A_254 : i32 to index
        %get3A_258 = arith.constant 0 : index
        %get3A_259 = tpu.vector_load %arg6[%get3A_256, %get3A_257, %get3A_258] {strides = array<i32>} : memref<2x256x128xi32, #tpu.memory_space<vmem>>, vector<16xi32>,
        %bitcast3A_260 = vector.bitcast %get3A_259 : vector<16xi32> to vector<32xbf16>
        %add3A_261 = arith.constant 15 : i32
        %add3A_262 = arith.addi %mul3A_142, %add3A_261 : i32
        %get3A_263 = arith.constant 1 : i32
        %get3A_264 = arith.index_cast %get3A_263 : i32 to index
        %get3A_265 = arith.index_cast %add3A_262 : i32 to index
        %get3A_266 = arith.constant 0 : index
        %get3A_267 = tpu.vector_load %arg6[%get3A_264, %get3A_265, %get3A_266] {strides = array<i32>} : memref<2x256x128xi32, #tpu.memory_space<vmem>>, vector<16xi32>,
        %bitcast3A_268 = vector.bitcast %get3A_267 : vector<16xi32> to vector<32xbf16>
        %add3A_269 = arith.addf %bitcast3A, %bitcast3A_156 : vector<32xbf16>
        %add3A_270 = arith.addf %bitcast3A_164, %bitcast3A_172 : vector<32xbf16>
        %add3A_271 = arith.addf %bitcast3A_180, %bitcast3A_188 : vector<32xbf16>
        %add3A_272 = arith.addf %bitcast3A_196, %bitcast3A_204 : vector<32xbf16>
        %add3A_273 = arith.addf %bitcast3A_212, %bitcast3A_220 : vector<32xbf16>
        %add3A_274 = arith.addf %bitcast3A_228, %bitcast3A_236 : vector<32xbf16>
        %add3A_275 = arith.addf %bitcast3A_244, %bitcast3A_252 : vector<32xbf16>
        %add3A_276 = arith.addf %bitcast3A_260, %bitcast3A_268 : vector<32xbf16>
        %add3A_277 = arith.addf %add3A_269, %add3A_270 : vector<32xbf16>
        %add3A_278 = arith.addf %add3A_271, %add3A_272 : vector<32xbf16>
        %add3A_279 = arith.addf %add3A_273, %add3A_274 : vector<32xbf16>
        %add3A_280 = arith.addf %add3A_275, %add3A_276 : vector<32xbf16>
        %add3A_281 = arith.addf %add3A_277, %add3A_278 : vector<32xbf16>
        %add3A_282 = arith.addf %add3A_279, %add3A_280 : vector<32xbf16>
        %add3A_283 = arith.addf %add3A_281, %add3A_282 : vector<32xbf16>
        %bitcast3A_284 = vector.bitcast %add3A_283 : vector<32xbf16> to vector<16xi32>
        %swap3A = arith.constant 1 : i32
        %swap3A_285 = arith.index_cast %swap3A : i32 to index
        %swap3A_286 = arith.index_cast %scan3A_139 : i32 to index
        %swap3A_287 = arith.constant 0 : index
        %swap3A_288 = tpu.vector_load %arg7[%swap3A_285, %swap3A_286, %swap3A_287] {strides = array<i32>} : memref<2x16x128xi32, #tpu.memory_space<vmem>>, vector<16xi32>,
        tpu.vector_store %arg7[%swap3A_285, %swap3A_286, %swap3A_287], %bitcast3A_284 {strides = array<i32>} : memref<2x16x128xi32, #tpu.memory_space<vmem>>, vector<16xi32>,
        %add3A_289 = arith.constant 0 : i32
        %add3A_290 = arith.addi %mul3A_142, %add3A_289 : i32
        %get3A_291 = arith.constant 1 : i32
        %get3A_292 = arith.index_cast %get3A_291 : i32 to index
        %get3A_293 = arith.index_cast %add3A_290 : i32 to index
        %get3A_294 = arith.constant 16 : index
        %get3A_295 = tpu.vector_load %arg6[%get3A_292, %get3A_293, %get3A_294] {strides = array<i32>} : memref<2x256x128xi32, #tpu.memory_space<vmem>>, vector<16xi32>,
        %bitcast3A_296 = vector.bitcast %get3A_295 : vector<16xi32> to vector<32xbf16>
        %add3A_297 = arith.constant 1 : i32
        %add3A_298 = arith.addi %mul3A_142, %add3A_297 : i32
        %get3A_299 = arith.constant 1 : i32
        %get3A_300 = arith.index_cast %get3A_299 : i32 to index
        %get3A_301 = arith.index_cast %add3A_298 : i32 to index
        %get3A_302 = arith.constant 16 : index
        %get3A_303 = tpu.vector_load %arg6[%get3A_300, %get3A_301, %get3A_302] {strides = array<i32>} : memref<2x256x128xi32, #tpu.memory_space<vmem>>, vector<16xi32>,
        %bitcast3A_304 = vector.bitcast %get3A_303 : vector<16xi32> to vector<32xbf16>
        %add3A_305 = arith.constant 2 : i32
        %add3A_306 = arith.addi %mul3A_142, %add3A_305 : i32
        %get3A_307 = arith.constant 1 : i32
        %get3A_308 = arith.index_cast %get3A_307 : i32 to index
        %get3A_309 = arith.index_cast %add3A_306 : i32 to index
        %get3A_310 = arith.constant 16 : index
        %get3A_311 = tpu.vector_load %arg6[%get3A_308, %get3A_309, %get3A_310] {strides = array<i32>} : memref<2x256x128xi32, #tpu.memory_space<vmem>>, vector<16xi32>,
        %bitcast3A_312 = vector.bitcast %get3A_311 : vector<16xi32> to vector<32xbf16>
        %add3A_313 = arith.constant 3 : i32
        %add3A_314 = arith.addi %mul3A_142, %add3A_313 : i32
        %get3A_315 = arith.constant 1 : i32
        %get3A_316 = arith.index_cast %get3A_315 : i32 to index
        %get3A_317 = arith.index_cast %add3A_314 : i32 to index
        %get3A_318 = arith.constant 16 : index
        %get3A_319 = tpu.vector_load %arg6[%get3A_316, %get3A_317, %get3A_318] {strides = array<i32>} : memref<2x256x128xi32, #tpu.memory_space<vmem>>, vector<16xi32>,
        %bitcast3A_320 = vector.bitcast %get3A_319 : vector<16xi32> to vector<32xbf16>
        %add3A_321 = arith.constant 4 : i32
        %add3A_322 = arith.addi %mul3A_142, %add3A_321 : i32
        %get3A_323 = arith.constant 1 : i32
        %get3A_324 = arith.index_cast %get3A_323 : i32 to index
        %get3A_325 = arith.index_cast %add3A_322 : i32 to index
        %get3A_326 = arith.constant 16 : index
        %get3A_327 = tpu.vector_load %arg6[%get3A_324, %get3A_325, %get3A_326] {strides = array<i32>} : memref<2x256x128xi32, #tpu.memory_space<vmem>>, vector<16xi32>,
        %bitcast3A_328 = vector.bitcast %get3A_327 : vector<16xi32> to vector<32xbf16>
        %add3A_329 = arith.constant 5 : i32
        %add3A_330 = arith.addi %mul3A_142, %add3A_329 : i32
        %get3A_331 = arith.constant 1 : i32
        %get3A_332 = arith.index_cast %get3A_331 : i32 to index
        %get3A_333 = arith.index_cast %add3A_330 : i32 to index
        %get3A_334 = arith.constant 16 : index
        %get3A_335 = tpu.vector_load %arg6[%get3A_332, %get3A_333, %get3A_334] {strides = array<i32>} : memref<2x256x128xi32, #tpu.memory_space<vmem>>, vector<16xi32>,
        %bitcast3A_336 = vector.bitcast %get3A_335 : vector<16xi32> to vector<32xbf16>
        %add3A_337 = arith.constant 6 : i32
        %add3A_338 = arith.addi %mul3A_142, %add3A_337 : i32
        %get3A_339 = arith.constant 1 : i32
        %get3A_340 = arith.index_cast %get3A_339 : i32 to index
        %get3A_341 = arith.index_cast %add3A_338 : i32 to index
        %get3A_342 = arith.constant 16 : index
        %get3A_343 = tpu.vector_load %arg6[%get3A_340, %get3A_341, %get3A_342] {strides = array<i32>} : memref<2x256x128xi32, #tpu.memory_space<vmem>>, vector<16xi32>,
        %bitcast3A_344 = vector.bitcast %get3A_343 : vector<16xi32> to vector<32xbf16>
        %add3A_345 = arith.constant 7 : i32
        %add3A_346 = arith.addi %mul3A_142, %add3A_345 : i32
        %get3A_347 = arith.constant 1 : i32
        %get3A_348 = arith.index_cast %get3A_347 : i32 to index
        %get3A_349 = arith.index_cast %add3A_346 : i32 to index
        %get3A_350 = arith.constant 16 : index
        %get3A_351 = tpu.vector_load %arg6[%get3A_348, %get3A_349, %get3A_350] {strides = array<i32>} : memref<2x256x128xi32, #tpu.memory_space<vmem>>, vector<16xi32>,
        %bitcast3A_352 = vector.bitcast %get3A_351 : vector<16xi32> to vector<32xbf16>
        %add3A_353 = arith.constant 8 : i32
        %add3A_354 = arith.addi %mul3A_142, %add3A_353 : i32
        %get3A_355 = arith.constant 1 : i32
        %get3A_356 = arith.index_cast %get3A_355 : i32 to index
        %get3A_357 = arith.index_cast %add3A_354 : i32 to index
        %get3A_358 = arith.constant 16 : index
        %get3A_359 = tpu.vector_load %arg6[%get3A_356, %get3A_357, %get3A_358] {strides = array<i32>} : memref<2x256x128xi32, #tpu.memory_space<vmem>>, vector<16xi32>,
        %bitcast3A_360 = vector.bitcast %get3A_359 : vector<16xi32> to vector<32xbf16>
        %add3A_361 = arith.constant 9 : i32
        %add3A_362 = arith.addi %mul3A_142, %add3A_361 : i32
        %get3A_363 = arith.constant 1 : i32
        %get3A_364 = arith.index_cast %get3A_363 : i32 to index
        %get3A_365 = arith.index_cast %add3A_362 : i32 to index
        %get3A_366 = arith.constant 16 : index
        %get3A_367 = tpu.vector_load %arg6[%get3A_364, %get3A_365, %get3A_366] {strides = array<i32>} : memref<2x256x128xi32, #tpu.memory_space<vmem>>, vector<16xi32>,
        %bitcast3A_368 = vector.bitcast %get3A_367 : vector<16xi32> to vector<32xbf16>
        %add3A_369 = arith.constant 10 : i32
        %add3A_370 = arith.addi %mul3A_142, %add3A_369 : i32
        %get3A_371 = arith.constant 1 : i32
        %get3A_372 = arith.index_cast %get3A_371 : i32 to index
        %get3A_373 = arith.index_cast %add3A_370 : i32 to index
        %get3A_374 = arith.constant 16 : index
        %get3A_375 = tpu.vector_load %arg6[%get3A_372, %get3A_373, %get3A_374] {strides = array<i32>} : memref<2x256x128xi32, #tpu.memory_space<vmem>>, vector<16xi32>,
        %bitcast3A_376 = vector.bitcast %get3A_375 : vector<16xi32> to vector<32xbf16>
        %add3A_377 = arith.constant 11 : i32
        %add3A_378 = arith.addi %mul3A_142, %add3A_377 : i32
        %get3A_379 = arith.constant 1 : i32
        %get3A_380 = arith.index_cast %get3A_379 : i32 to index
        %get3A_381 = arith.index_cast %add3A_378 : i32 to index
        %get3A_382 = arith.constant 16 : index
        %get3A_383 = tpu.vector_load %arg6[%get3A_380, %get3A_381, %get3A_382] {strides = array<i32>} : memref<2x256x128xi32, #tpu.memory_space<vmem>>, vector<16xi32>,
        %bitcast3A_384 = vector.bitcast %get3A_383 : vector<16xi32> to vector<32xbf16>
        %add3A_385 = arith.constant 12 : i32
        %add3A_386 = arith.addi %mul3A_142, %add3A_385 : i32
        %get3A_387 = arith.constant 1 : i32
        %get3A_388 = arith.index_cast %get3A_387 : i32 to index
        %get3A_389 = arith.index_cast %add3A_386 : i32 to index
        %get3A_390 = arith.constant 16 : index
        %get3A_391 = tpu.vector_load %arg6[%get3A_388, %get3A_389, %get3A_390] {strides = array<i32>} : memref<2x256x128xi32, #tpu.memory_space<vmem>>, vector<16xi32>,
        %bitcast3A_392 = vector.bitcast %get3A_391 : vector<16xi32> to vector<32xbf16>
        %add3A_393 = arith.constant 13 : i32
        %add3A_394 = arith.addi %mul3A_142, %add3A_393 : i32
        %get3A_395 = arith.constant 1 : i32
        %get3A_396 = arith.index_cast %get3A_395 : i32 to index
        %get3A_397 = arith.index_cast %add3A_394 : i32 to index
        %get3A_398 = arith.constant 16 : index
        %get3A_399 = tpu.vector_load %arg6[%get3A_396, %get3A_397, %get3A_398] {strides = array<i32>} : memref<2x256x128xi32, #tpu.memory_space<vmem>>, vector<16xi32>,
        %bitcast3A_400 = vector.bitcast %get3A_399 : vector<16xi32> to vector<32xbf16>
        %add3A_401 = arith.constant 14 : i32
        %add3A_402 = arith.addi %mul3A_142, %add3A_401 : i32
        %get3A_403 = arith.constant 1 : i32
        %get3A_404 = arith.index_cast %get3A_403 : i32 to index
        %get3A_405 = arith.index_cast %add3A_402 : i32 to index
        %get3A_406 = arith.constant 16 : index
        %get3A_407 = tpu.vector_load %arg6[%get3A_404, %get3A_405, %get3A_406] {strides = array<i32>} : memref<2x256x128xi32, #tpu.memory_space<vmem>>, vector<16xi32>,
        %bitcast3A_408 = vector.bitcast %get3A_407 : vector<16xi32> to vector<32xbf16>
        %add3A_409 = arith.constant 15 : i32
        %add3A_410 = arith.addi %mul3A_142, %add3A_409 : i32
        %get3A_411 = arith.constant 1 : i32
        %get3A_412 = arith.index_cast %get3A_411 : i32 to index
        %get3A_413 = arith.index_cast %add3A_410 : i32 to index
        %get3A_414 = arith.constant 16 : index
        %get3A_415 = tpu.vector_load %arg6[%get3A_412, %get3A_413, %get3A_414] {strides = array<i32>} : memref<2x256x128xi32, #tpu.memory_space<vmem>>, vector<16xi32>,
        %bitcast3A_416 = vector.bitcast %get3A_415 : vector<16xi32> to vector<32xbf16>
        %add3A_417 = arith.addf %bitcast3A_296, %bitcast3A_304 : vector<32xbf16>
        %add3A_418 = arith.addf %bitcast3A_312, %bitcast3A_320 : vector<32xbf16>
        %add3A_419 = arith.addf %bitcast3A_328, %bitcast3A_336 : vector<32xbf16>
        %add3A_420 = arith.addf %bitcast3A_344, %bitcast3A_352 : vector<32xbf16>
        %add3A_421 = arith.addf %bitcast3A_360, %bitcast3A_368 : vector<32xbf16>
        %add3A_422 = arith.addf %bitcast3A_376, %bitcast3A_384 : vector<32xbf16>
        %add3A_423 = arith.addf %bitcast3A_392, %bitcast3A_400 : vector<32xbf16>
        %add3A_424 = arith.addf %bitcast3A_408, %bitcast3A_416 : vector<32xbf16>
        %add3A_425 = arith.addf %add3A_417, %add3A_418 : vector<32xbf16>
        %add3A_426 = arith.addf %add3A_419, %add3A_420 : vector<32xbf16>
        %add3A_427 = arith.addf %add3A_421, %add3A_422 : vector<32xbf16>
        %add3A_428 = arith.addf %add3A_423, %add3A_424 : vector<32xbf16>
        %add3A_429 = arith.addf %add3A_425, %add3A_426 : vector<32xbf16>
        %add3A_430 = arith.addf %add3A_427, %add3A_428 : vector<32xbf16>
        %add3A_431 = arith.addf %add3A_429, %add3A_430 : vector<32xbf16>
        %bitcast3A_432 = vector.bitcast %add3A_431 : vector<32xbf16> to vector<16xi32>
        %swap3A_433 = arith.constant 1 : i32
        %swap3A_434 = arith.index_cast %swap3A_433 : i32 to index
        %swap3A_435 = arith.index_cast %scan3A_139 : i32 to index
        %swap3A_436 = arith.constant 16 : index
        %swap3A_437 = tpu.vector_load %arg7[%swap3A_434, %swap3A_435, %swap3A_436] {strides = array<i32>} : memref<2x16x128xi32, #tpu.memory_space<vmem>>, vector<16xi32>,
        tpu.vector_store %arg7[%swap3A_434, %swap3A_435, %swap3A_436], %bitcast3A_432 {strides = array<i32>} : memref<2x16x128xi32, #tpu.memory_space<vmem>>, vector<16xi32>,
        %add3A_438 = arith.constant 0 : i32
        %add3A_439 = arith.addi %mul3A_142, %add3A_438 : i32
        %get3A_440 = arith.constant 1 : i32
        %get3A_441 = arith.index_cast %get3A_440 : i32 to index
        %get3A_442 = arith.index_cast %add3A_439 : i32 to index
        %get3A_443 = arith.constant 32 : index
        %get3A_444 = tpu.vector_load %arg6[%get3A_441, %get3A_442, %get3A_443] {strides = array<i32>} : memref<2x256x128xi32, #tpu.memory_space<vmem>>, vector<16xi32>,
        %bitcast3A_445 = vector.bitcast %get3A_444 : vector<16xi32> to vector<32xbf16>
        %add3A_446 = arith.constant 1 : i32
        %add3A_447 = arith.addi %mul3A_142, %add3A_446 : i32
        %get3A_448 = arith.constant 1 : i32
        %get3A_449 = arith.index_cast %get3A_448 : i32 to index
        %get3A_450 = arith.index_cast %add3A_447 : i32 to index
        %get3A_451 = arith.constant 32 : index
        %get3A_452 = tpu.vector_load %arg6[%get3A_449, %get3A_450, %get3A_451] {strides = array<i32>} : memref<2x256x128xi32, #tpu.memory_space<vmem>>, vector<16xi32>,
        %bitcast3A_453 = vector.bitcast %get3A_452 : vector<16xi32> to vector<32xbf16>
        %add3A_454 = arith.constant 2 : i32
        %add3A_455 = arith.addi %mul3A_142, %add3A_454 : i32
        %get3A_456 = arith.constant 1 : i32
        %get3A_457 = arith.index_cast %get3A_456 : i32 to index
        %get3A_458 = arith.index_cast %add3A_455 : i32 to index
        %get3A_459 = arith.constant 32 : index
        %get3A_460 = tpu.vector_load %arg6[%get3A_457, %get3A_458, %get3A_459] {strides = array<i32>} : memref<2x256x128xi32, #tpu.memory_space<vmem>>, vector<16xi32>,
        %bitcast3A_461 = vector.bitcast %get3A_460 : vector<16xi32> to vector<32xbf16>
        %add3A_462 = arith.constant 3 : i32
        %add3A_463 = arith.addi %mul3A_142, %add3A_462 : i32
        %get3A_464 = arith.constant 1 : i32
        %get3A_465 = arith.index_cast %get3A_464 : i32 to index
        %get3A_466 = arith.index_cast %add3A_463 : i32 to index
        %get3A_467 = arith.constant 32 : index
        %get3A_468 = tpu.vector_load %arg6[%get3A_465, %get3A_466, %get3A_467] {strides = array<i32>} : memref<2x256x128xi32, #tpu.memory_space<vmem>>, vector<16xi32>,
        %bitcast3A_469 = vector.bitcast %get3A_468 : vector<16xi32> to vector<32xbf16>
        %add3A_470 = arith.constant 4 : i32
        %add3A_471 = arith.addi %mul3A_142, %add3A_470 : i32
        %get3A_472 = arith.constant 1 : i32
        %get3A_473 = arith.index_cast %get3A_472 : i32 to index
        %get3A_474 = arith.index_cast %add3A_471 : i32 to index
        %get3A_475 = arith.constant 32 : index
        %get3A_476 = tpu.vector_load %arg6[%get3A_473, %get3A_474, %get3A_475] {strides = array<i32>} : memref<2x256x128xi32, #tpu.memory_space<vmem>>, vector<16xi32>,
        %bitcast3A_477 = vector.bitcast %get3A_476 : vector<16xi32> to vector<32xbf16>
        %add3A_478 = arith.constant 5 : i32
        %add3A_479 = arith.addi %mul3A_142, %add3A_478 : i32
        %get3A_480 = arith.constant 1 : i32
        %get3A_481 = arith.index_cast %get3A_480 : i32 to index
        %get3A_482 = arith.index_cast %add3A_479 : i32 to index
        %get3A_483 = arith.constant 32 : index
        %get3A_484 = tpu.vector_load %arg6[%get3A_481, %get3A_482, %get3A_483] {strides = array<i32>} : memref<2x256x128xi32, #tpu.memory_space<vmem>>, vector<16xi32>,
        %bitcast3A_485 = vector.bitcast %get3A_484 : vector<16xi32> to vector<32xbf16>
        %add3A_486 = arith.constant 6 : i32
        %add3A_487 = arith.addi %mul3A_142, %add3A_486 : i32
        %get3A_488 = arith.constant 1 : i32
        %get3A_489 = arith.index_cast %get3A_488 : i32 to index
        %get3A_490 = arith.index_cast %add3A_487 : i32 to index
        %get3A_491 = arith.constant 32 : index
        %get3A_492 = tpu.vector_load %arg6[%get3A_489, %get3A_490, %get3A_491] {strides = array<i32>} : memref<2x256x128xi32, #tpu.memory_space<vmem>>, vector<16xi32>,
        %bitcast3A_493 = vector.bitcast %get3A_492 : vector<16xi32> to vector<32xbf16>
        %add3A_494 = arith.constant 7 : i32
        %add3A_495 = arith.addi %mul3A_142, %add3A_494 : i32
        %get3A_496 = arith.constant 1 : i32
        %get3A_497 = arith.index_cast %get3A_496 : i32 to index
        %get3A_498 = arith.index_cast %add3A_495 : i32 to index
        %get3A_499 = arith.constant 32 : index
        %get3A_500 = tpu.vector_load %arg6[%get3A_497, %get3A_498, %get3A_499] {strides = array<i32>} : memref<2x256x128xi32, #tpu.memory_space<vmem>>, vector<16xi32>,
        %bitcast3A_501 = vector.bitcast %get3A_500 : vector<16xi32> to vector<32xbf16>
        %add3A_502 = arith.constant 8 : i32
        %add3A_503 = arith.addi %mul3A_142, %add3A_502 : i32
        %get3A_504 = arith.constant 1 : i32
        %get3A_505 = arith.index_cast %get3A_504 : i32 to index
        %get3A_506 = arith.index_cast %add3A_503 : i32 to index
        %get3A_507 = arith.constant 32 : index
        %get3A_508 = tpu.vector_load %arg6[%get3A_505, %get3A_506, %get3A_507] {strides = array<i32>} : memref<2x256x128xi32, #tpu.memory_space<vmem>>, vector<16xi32>,
        %bitcast3A_509 = vector.bitcast %get3A_508 : vector<16xi32> to vector<32xbf16>
        %add3A_510 = arith.constant 9 : i32
        %add3A_511 = arith.addi %mul3A_142, %add3A_510 : i32
        %get3A_512 = arith.constant 1 : i32
        %get3A_513 = arith.index_cast %get3A_512 : i32 to index
        %get3A_514 = arith.index_cast %add3A_511 : i32 to index
        %get3A_515 = arith.constant 32 : index
        %get3A_516 = tpu.vector_load %arg6[%get3A_513, %get3A_514, %get3A_515] {strides = array<i32>} : memref<2x256x128xi32, #tpu.memory_space<vmem>>, vector<16xi32>,
        %bitcast3A_517 = vector.bitcast %get3A_516 : vector<16xi32> to vector<32xbf16>
        %add3A_518 = arith.constant 10 : i32
        %add3A_519 = arith.addi %mul3A_142, %add3A_518 : i32
        %get3A_520 = arith.constant 1 : i32
        %get3A_521 = arith.index_cast %get3A_520 : i32 to index
        %get3A_522 = arith.index_cast %add3A_519 : i32 to index
        %get3A_523 = arith.constant 32 : index
        %get3A_524 = tpu.vector_load %arg6[%get3A_521, %get3A_522, %get3A_523] {strides = array<i32>} : memref<2x256x128xi32, #tpu.memory_space<vmem>>, vector<16xi32>,
        %bitcast3A_525 = vector.bitcast %get3A_524 : vector<16xi32> to vector<32xbf16>
        %add3A_526 = arith.constant 11 : i32
        %add3A_527 = arith.addi %mul3A_142, %add3A_526 : i32
        %get3A_528 = arith.constant 1 : i32
        %get3A_529 = arith.index_cast %get3A_528 : i32 to index
        %get3A_530 = arith.index_cast %add3A_527 : i32 to index
        %get3A_531 = arith.constant 32 : index
        %get3A_532 = tpu.vector_load %arg6[%get3A_529, %get3A_530, %get3A_531] {strides = array<i32>} : memref<2x256x128xi32, #tpu.memory_space<vmem>>, vector<16xi32>,
        %bitcast3A_533 = vector.bitcast %get3A_532 : vector<16xi32> to vector<32xbf16>
        %add3A_534 = arith.constant 12 : i32
        %add3A_535 = arith.addi %mul3A_142, %add3A_534 : i32
        %get3A_536 = arith.constant 1 : i32
        %get3A_537 = arith.index_cast %get3A_536 : i32 to index
        %get3A_538 = arith.index_cast %add3A_535 : i32 to index
        %get3A_539 = arith.constant 32 : index
        %get3A_540 = tpu.vector_load %arg6[%get3A_537, %get3A_538, %get3A_539] {strides = array<i32>} : memref<2x256x128xi32, #tpu.memory_space<vmem>>, vector<16xi32>,
        %bitcast3A_541 = vector.bitcast %get3A_540 : vector<16xi32> to vector<32xbf16>
        %add3A_542 = arith.constant 13 : i32
        %add3A_543 = arith.addi %mul3A_142, %add3A_542 : i32
        %get3A_544 = arith.constant 1 : i32
        %get3A_545 = arith.index_cast %get3A_544 : i32 to index
        %get3A_546 = arith.index_cast %add3A_543 : i32 to index
        %get3A_547 = arith.constant 32 : index
        %get3A_548 = tpu.vector_load %arg6[%get3A_545, %get3A_546, %get3A_547] {strides = array<i32>} : memref<2x256x128xi32, #tpu.memory_space<vmem>>, vector<16xi32>,
        %bitcast3A_549 = vector.bitcast %get3A_548 : vector<16xi32> to vector<32xbf16>
        %add3A_550 = arith.constant 14 : i32
        %add3A_551 = arith.addi %mul3A_142, %add3A_550 : i32
        %get3A_552 = arith.constant 1 : i32
        %get3A_553 = arith.index_cast %get3A_552 : i32 to index
        %get3A_554 = arith.index_cast %add3A_551 : i32 to index
        %get3A_555 = arith.constant 32 : index
        %get3A_556 = tpu.vector_load %arg6[%get3A_553, %get3A_554, %get3A_555] {strides = array<i32>} : memref<2x256x128xi32, #tpu.memory_space<vmem>>, vector<16xi32>,
        %bitcast3A_557 = vector.bitcast %get3A_556 : vector<16xi32> to vector<32xbf16>
        %add3A_558 = arith.constant 15 : i32
        %add3A_559 = arith.addi %mul3A_142, %add3A_558 : i32
        %get3A_560 = arith.constant 1 : i32
        %get3A_561 = arith.index_cast %get3A_560 : i32 to index
        %get3A_562 = arith.index_cast %add3A_559 : i32 to index
        %get3A_563 = arith.constant 32 : index
        %get3A_564 = tpu.vector_load %arg6[%get3A_561, %get3A_562, %get3A_563] {strides = array<i32>} : memref<2x256x128xi32, #tpu.memory_space<vmem>>, vector<16xi32>,
        %bitcast3A_565 = vector.bitcast %get3A_564 : vector<16xi32> to vector<32xbf16>
        %add3A_566 = arith.addf %bitcast3A_445, %bitcast3A_453 : vector<32xbf16>
        %add3A_567 = arith.addf %bitcast3A_461, %bitcast3A_469 : vector<32xbf16>
        %add3A_568 = arith.addf %bitcast3A_477, %bitcast3A_485 : vector<32xbf16>
        %add3A_569 = arith.addf %bitcast3A_493, %bitcast3A_501 : vector<32xbf16>
        %add3A_570 = arith.addf %bitcast3A_509, %bitcast3A_517 : vector<32xbf16>
        %add3A_571 = arith.addf %bitcast3A_525, %bitcast3A_533 : vector<32xbf16>
        %add3A_572 = arith.addf %bitcast3A_541, %bitcast3A_549 : vector<32xbf16>
        %add3A_573 = arith.addf %bitcast3A_557, %bitcast3A_565 : vector<32xbf16>
        %add3A_574 = arith.addf %add3A_566, %add3A_567 : vector<32xbf16>
        %add3A_575 = arith.addf %add3A_568, %add3A_569 : vector<32xbf16>
        %add3A_576 = arith.addf %add3A_570, %add3A_571 : vector<32xbf16>
        %add3A_577 = arith.addf %add3A_572, %add3A_573 : vector<32xbf16>
        %add3A_578 = arith.addf %add3A_574, %add3A_575 : vector<32xbf16>
        %add3A_579 = arith.addf %add3A_576, %add3A_577 : vector<32xbf16>
        %add3A_580 = arith.addf %add3A_578, %add3A_579 : vector<32xbf16>
        %bitcast3A_581 = vector.bitcast %add3A_580 : vector<32xbf16> to vector<16xi32>
        %swap3A_582 = arith.constant 1 : i32
        %swap3A_583 = arith.index_cast %swap3A_582 : i32 to index
        %swap3A_584 = arith.index_cast %scan3A_139 : i32 to index
        %swap3A_585 = arith.constant 32 : index
        %swap3A_586 = tpu.vector_load %arg7[%swap3A_583, %swap3A_584, %swap3A_585] {strides = array<i32>} : memref<2x16x128xi32, #tpu.memory_space<vmem>>, vector<16xi32>,
        tpu.vector_store %arg7[%swap3A_583, %swap3A_584, %swap3A_585], %bitcast3A_581 {strides = array<i32>} : memref<2x16x128xi32, #tpu.memory_space<vmem>>, vector<16xi32>,
        %add3A_587 = arith.constant 0 : i32
        %add3A_588 = arith.addi %mul3A_142, %add3A_587 : i32
        %get3A_589 = arith.constant 1 : i32
        %get3A_590 = arith.index_cast %get3A_589 : i32 to index
        %get3A_591 = arith.index_cast %add3A_588 : i32 to index
        %get3A_592 = arith.constant 48 : index
        %get3A_593 = tpu.vector_load %arg6[%get3A_590, %get3A_591, %get3A_592] {strides = array<i32>} : memref<2x256x128xi32, #tpu.memory_space<vmem>>, vector<16xi32>,
        %bitcast3A_594 = vector.bitcast %get3A_593 : vector<16xi32> to vector<32xbf16>
        %add3A_595 = arith.constant 1 : i32
        %add3A_596 = arith.addi %mul3A_142, %add3A_595 : i32
        %get3A_597 = arith.constant 1 : i32
        %get3A_598 = arith.index_cast %get3A_597 : i32 to index
        %get3A_599 = arith.index_cast %add3A_596 : i32 to index
        %get3A_600 = arith.constant 48 : index
        %get3A_601 = tpu.vector_load %arg6[%get3A_598, %get3A_599, %get3A_600] {strides = array<i32>} : memref<2x256x128xi32, #tpu.memory_space<vmem>>, vector<16xi32>,
        %bitcast3A_602 = vector.bitcast %get3A_601 : vector<16xi32> to vector<32xbf16>
        %add3A_603 = arith.constant 2 : i32
        %add3A_604 = arith.addi %mul3A_142, %add3A_603 : i32
        %get3A_605 = arith.constant 1 : i32
        %get3A_606 = arith.index_cast %get3A_605 : i32 to index
        %get3A_607 = arith.index_cast %add3A_604 : i32 to index
        %get3A_608 = arith.constant 48 : index
        %get3A_609 = tpu.vector_load %arg6[%get3A_606, %get3A_607, %get3A_608] {strides = array<i32>} : memref<2x256x128xi32, #tpu.memory_space<vmem>>, vector<16xi32>,
        %bitcast3A_610 = vector.bitcast %get3A_609 : vector<16xi32> to vector<32xbf16>
        %add3A_611 = arith.constant 3 : i32
        %add3A_612 = arith.addi %mul3A_142, %add3A_611 : i32
        %get3A_613 = arith.constant 1 : i32
        %get3A_614 = arith.index_cast %get3A_613 : i32 to index
        %get3A_615 = arith.index_cast %add3A_612 : i32 to index
        %get3A_616 = arith.constant 48 : index
        %get3A_617 = tpu.vector_load %arg6[%get3A_614, %get3A_615, %get3A_616] {strides = array<i32>} : memref<2x256x128xi32, #tpu.memory_space<vmem>>, vector<16xi32>,
        %bitcast3A_618 = vector.bitcast %get3A_617 : vector<16xi32> to vector<32xbf16>
        %add3A_619 = arith.constant 4 : i32
        %add3A_620 = arith.addi %mul3A_142, %add3A_619 : i32
        %get3A_621 = arith.constant 1 : i32
        %get3A_622 = arith.index_cast %get3A_621 : i32 to index
        %get3A_623 = arith.index_cast %add3A_620 : i32 to index
        %get3A_624 = arith.constant 48 : index
        %get3A_625 = tpu.vector_load %arg6[%get3A_622, %get3A_623, %get3A_624] {strides = array<i32>} : memref<2x256x128xi32, #tpu.memory_space<vmem>>, vector<16xi32>,
        %bitcast3A_626 = vector.bitcast %get3A_625 : vector<16xi32> to vector<32xbf16>
        %add3A_627 = arith.constant 5 : i32
        %add3A_628 = arith.addi %mul3A_142, %add3A_627 : i32
        %get3A_629 = arith.constant 1 : i32
        %get3A_630 = arith.index_cast %get3A_629 : i32 to index
        %get3A_631 = arith.index_cast %add3A_628 : i32 to index
        %get3A_632 = arith.constant 48 : index
        %get3A_633 = tpu.vector_load %arg6[%get3A_630, %get3A_631, %get3A_632] {strides = array<i32>} : memref<2x256x128xi32, #tpu.memory_space<vmem>>, vector<16xi32>,
        %bitcast3A_634 = vector.bitcast %get3A_633 : vector<16xi32> to vector<32xbf16>
        %add3A_635 = arith.constant 6 : i32
        %add3A_636 = arith.addi %mul3A_142, %add3A_635 : i32
        %get3A_637 = arith.constant 1 : i32
        %get3A_638 = arith.index_cast %get3A_637 : i32 to index
        %get3A_639 = arith.index_cast %add3A_636 : i32 to index
        %get3A_640 = arith.constant 48 : index
        %get3A_641 = tpu.vector_load %arg6[%get3A_638, %get3A_639, %get3A_640] {strides = array<i32>} : memref<2x256x128xi32, #tpu.memory_space<vmem>>, vector<16xi32>,
        %bitcast3A_642 = vector.bitcast %get3A_641 : vector<16xi32> to vector<32xbf16>
        %add3A_643 = arith.constant 7 : i32
        %add3A_644 = arith.addi %mul3A_142, %add3A_643 : i32
        %get3A_645 = arith.constant 1 : i32
        %get3A_646 = arith.index_cast %get3A_645 : i32 to index
        %get3A_647 = arith.index_cast %add3A_644 : i32 to index
        %get3A_648 = arith.constant 48 : index
        %get3A_649 = tpu.vector_load %arg6[%get3A_646, %get3A_647, %get3A_648] {strides = array<i32>} : memref<2x256x128xi32, #tpu.memory_space<vmem>>, vector<16xi32>,
        %bitcast3A_650 = vector.bitcast %get3A_649 : vector<16xi32> to vector<32xbf16>
        %add3A_651 = arith.constant 8 : i32
        %add3A_652 = arith.addi %mul3A_142, %add3A_651 : i32
        %get3A_653 = arith.constant 1 : i32
        %get3A_654 = arith.index_cast %get3A_653 : i32 to index
        %get3A_655 = arith.index_cast %add3A_652 : i32 to index
        %get3A_656 = arith.constant 48 : index
        %get3A_657 = tpu.vector_load %arg6[%get3A_654, %get3A_655, %get3A_656] {strides = array<i32>} : memref<2x256x128xi32, #tpu.memory_space<vmem>>, vector<16xi32>,
        %bitcast3A_658 = vector.bitcast %get3A_657 : vector<16xi32> to vector<32xbf16>
        %add3A_659 = arith.constant 9 : i32
        %add3A_660 = arith.addi %mul3A_142, %add3A_659 : i32
        %get3A_661 = arith.constant 1 : i32
        %get3A_662 = arith.index_cast %get3A_661 : i32 to index
        %get3A_663 = arith.index_cast %add3A_660 : i32 to index
        %get3A_664 = arith.constant 48 : index
        %get3A_665 = tpu.vector_load %arg6[%get3A_662, %get3A_663, %get3A_664] {strides = array<i32>} : memref<2x256x128xi32, #tpu.memory_space<vmem>>, vector<16xi32>,
        %bitcast3A_666 = vector.bitcast %get3A_665 : vector<16xi32> to vector<32xbf16>
        %add3A_667 = arith.constant 10 : i32
        %add3A_668 = arith.addi %mul3A_142, %add3A_667 : i32
        %get3A_669 = arith.constant 1 : i32
        %get3A_670 = arith.index_cast %get3A_669 : i32 to index
        %get3A_671 = arith.index_cast %add3A_668 : i32 to index
        %get3A_672 = arith.constant 48 : index
        %get3A_673 = tpu.vector_load %arg6[%get3A_670, %get3A_671, %get3A_672] {strides = array<i32>} : memref<2x256x128xi32, #tpu.memory_space<vmem>>, vector<16xi32>,
        %bitcast3A_674 = vector.bitcast %get3A_673 : vector<16xi32> to vector<32xbf16>
        %add3A_675 = arith.constant 11 : i32
        %add3A_676 = arith.addi %mul3A_142, %add3A_675 : i32
        %get3A_677 = arith.constant 1 : i32
        %get3A_678 = arith.index_cast %get3A_677 : i32 to index
        %get3A_679 = arith.index_cast %add3A_676 : i32 to index
        %get3A_680 = arith.constant 48 : index
        %get3A_681 = tpu.vector_load %arg6[%get3A_678, %get3A_679, %get3A_680] {strides = array<i32>} : memref<2x256x128xi32, #tpu.memory_space<vmem>>, vector<16xi32>,
        %bitcast3A_682 = vector.bitcast %get3A_681 : vector<16xi32> to vector<32xbf16>
        %add3A_683 = arith.constant 12 : i32
        %add3A_684 = arith.addi %mul3A_142, %add3A_683 : i32
        %get3A_685 = arith.constant 1 : i32
        %get3A_686 = arith.index_cast %get3A_685 : i32 to index
        %get3A_687 = arith.index_cast %add3A_684 : i32 to index
        %get3A_688 = arith.constant 48 : index
        %get3A_689 = tpu.vector_load %arg6[%get3A_686, %get3A_687, %get3A_688] {strides = array<i32>} : memref<2x256x128xi32, #tpu.memory_space<vmem>>, vector<16xi32>,
        %bitcast3A_690 = vector.bitcast %get3A_689 : vector<16xi32> to vector<32xbf16>
        %add3A_691 = arith.constant 13 : i32
        %add3A_692 = arith.addi %mul3A_142, %add3A_691 : i32
        %get3A_693 = arith.constant 1 : i32
        %get3A_694 = arith.index_cast %get3A_693 : i32 to index
        %get3A_695 = arith.index_cast %add3A_692 : i32 to index
        %get3A_696 = arith.constant 48 : index
        %get3A_697 = tpu.vector_load %arg6[%get3A_694, %get3A_695, %get3A_696] {strides = array<i32>} : memref<2x256x128xi32, #tpu.memory_space<vmem>>, vector<16xi32>,
        %bitcast3A_698 = vector.bitcast %get3A_697 : vector<16xi32> to vector<32xbf16>
        %add3A_699 = arith.constant 14 : i32
        %add3A_700 = arith.addi %mul3A_142, %add3A_699 : i32
        %get3A_701 = arith.constant 1 : i32
        %get3A_702 = arith.index_cast %get3A_701 : i32 to index
        %get3A_703 = arith.index_cast %add3A_700 : i32 to index
        %get3A_704 = arith.constant 48 : index
        %get3A_705 = tpu.vector_load %arg6[%get3A_702, %get3A_703, %get3A_704] {strides = array<i32>} : memref<2x256x128xi32, #tpu.memory_space<vmem>>, vector<16xi32>,
        %bitcast3A_706 = vector.bitcast %get3A_705 : vector<16xi32> to vector<32xbf16>
        %add3A_707 = arith.constant 15 : i32
        %add3A_708 = arith.addi %mul3A_142, %add3A_707 : i32
        %get3A_709 = arith.constant 1 : i32
        %get3A_710 = arith.index_cast %get3A_709 : i32 to index
        %get3A_711 = arith.index_cast %add3A_708 : i32 to index
        %get3A_712 = arith.constant 48 : index
        %get3A_713 = tpu.vector_load %arg6[%get3A_710, %get3A_711, %get3A_712] {strides = array<i32>} : memref<2x256x128xi32, #tpu.memory_space<vmem>>, vector<16xi32>,
        %bitcast3A_714 = vector.bitcast %get3A_713 : vector<16xi32> to vector<32xbf16>
        %add3A_715 = arith.addf %bitcast3A_594, %bitcast3A_602 : vector<32xbf16>
        %add3A_716 = arith.addf %bitcast3A_610, %bitcast3A_618 : vector<32xbf16>
        %add3A_717 = arith.addf %bitcast3A_626, %bitcast3A_634 : vector<32xbf16>
        %add3A_718 = arith.addf %bitcast3A_642, %bitcast3A_650 : vector<32xbf16>
        %add3A_719 = arith.addf %bitcast3A_658, %bitcast3A_666 : vector<32xbf16>
        %add3A_720 = arith.addf %bitcast3A_674, %bitcast3A_682 : vector<32xbf16>
        %add3A_721 = arith.addf %bitcast3A_690, %bitcast3A_698 : vector<32xbf16>
        %add3A_722 = arith.addf %bitcast3A_706, %bitcast3A_714 : vector<32xbf16>
        %add3A_723 = arith.addf %add3A_715, %add3A_716 : vector<32xbf16>
        %add3A_724 = arith.addf %add3A_717, %add3A_718 : vector<32xbf16>
        %add3A_725 = arith.addf %add3A_719, %add3A_720 : vector<32xbf16>
        %add3A_726 = arith.addf %add3A_721, %add3A_722 : vector<32xbf16>
        %add3A_727 = arith.addf %add3A_723, %add3A_724 : vector<32xbf16>
        %add3A_728 = arith.addf %add3A_725, %add3A_726 : vector<32xbf16>
        %add3A_729 = arith.addf %add3A_727, %add3A_728 : vector<32xbf16>
        %bitcast3A_730 = vector.bitcast %add3A_729 : vector<32xbf16> to vector<16xi32>
        %swap3A_731 = arith.constant 1 : i32
        %swap3A_732 = arith.index_cast %swap3A_731 : i32 to index
        %swap3A_733 = arith.index_cast %scan3A_139 : i32 to index
        %swap3A_734 = arith.constant 48 : index
        %swap3A_735 = tpu.vector_load %arg7[%swap3A_732, %swap3A_733, %swap3A_734] {strides = array<i32>} : memref<2x16x128xi32, #tpu.memory_space<vmem>>, vector<16xi32>,
        tpu.vector_store %arg7[%swap3A_732, %swap3A_733, %swap3A_734], %bitcast3A_730 {strides = array<i32>} : memref<2x16x128xi32, #tpu.memory_space<vmem>>, vector<16xi32>,
        %add3A_736 = arith.constant 0 : i32
        %add3A_737 = arith.addi %mul3A_142, %add3A_736 : i32
        %get3A_738 = arith.constant 1 : i32
        %get3A_739 = arith.index_cast %get3A_738 : i32 to index
        %get3A_740 = arith.index_cast %add3A_737 : i32 to index
        %get3A_741 = arith.constant 64 : index
        %get3A_742 = tpu.vector_load %arg6[%get3A_739, %get3A_740, %get3A_741] {strides = array<i32>} : memref<2x256x128xi32, #tpu.memory_space<vmem>>, vector<16xi32>,
        %bitcast3A_743 = vector.bitcast %get3A_742 : vector<16xi32> to vector<32xbf16>
        %add3A_744 = arith.constant 1 : i32
        %add3A_745 = arith.addi %mul3A_142, %add3A_744 : i32
        %get3A_746 = arith.constant 1 : i32
        %get3A_747 = arith.index_cast %get3A_746 : i32 to index
        %get3A_748 = arith.index_cast %add3A_745 : i32 to index
        %get3A_749 = arith.constant 64 : index
        %get3A_750 = tpu.vector_load %arg6[%get3A_747, %get3A_748, %get3A_749] {strides = array<i32>} : memref<2x256x128xi32, #tpu.memory_space<vmem>>, vector<16xi32>,
        %bitcast3A_751 = vector.bitcast %get3A_750 : vector<16xi32> to vector<32xbf16>
        %add3A_752 = arith.constant 2 : i32
        %add3A_753 = arith.addi %mul3A_142, %add3A_752 : i32
        %get3A_754 = arith.constant 1 : i32
        %get3A_755 = arith.index_cast %get3A_754 : i32 to index
        %get3A_756 = arith.index_cast %add3A_753 : i32 to index
        %get3A_757 = arith.constant 64 : index
        %get3A_758 = tpu.vector_load %arg6[%get3A_755, %get3A_756, %get3A_757] {strides = array<i32>} : memref<2x256x128xi32, #tpu.memory_space<vmem>>, vector<16xi32>,
        %bitcast3A_759 = vector.bitcast %get3A_758 : vector<16xi32> to vector<32xbf16>
        %add3A_760 = arith.constant 3 : i32
        %add3A_761 = arith.addi %mul3A_142, %add3A_760 : i32
        %get3A_762 = arith.constant 1 : i32
        %get3A_763 = arith.index_cast %get3A_762 : i32 to index
        %get3A_764 = arith.index_cast %add3A_761 : i32 to index
        %get3A_765 = arith.constant 64 : index
        %get3A_766 = tpu.vector_load %arg6[%get3A_763, %get3A_764, %get3A_765] {strides = array<i32>} : memref<2x256x128xi32, #tpu.memory_space<vmem>>, vector<16xi32>,
        %bitcast3A_767 = vector.bitcast %get3A_766 : vector<16xi32> to vector<32xbf16>
        %add3A_768 = arith.constant 4 : i32
        %add3A_769 = arith.addi %mul3A_142, %add3A_768 : i32
        %get3A_770 = arith.constant 1 : i32
        %get3A_771 = arith.index_cast %get3A_770 : i32 to index
        %get3A_772 = arith.index_cast %add3A_769 : i32 to index
        %get3A_773 = arith.constant 64 : index
        %get3A_774 = tpu.vector_load %arg6[%get3A_771, %get3A_772, %get3A_773] {strides = array<i32>} : memref<2x256x128xi32, #tpu.memory_space<vmem>>, vector<16xi32>,
        %bitcast3A_775 = vector.bitcast %get3A_774 : vector<16xi32> to vector<32xbf16>
        %add3A_776 = arith.constant 5 : i32
        %add3A_777 = arith.addi %mul3A_142, %add3A_776 : i32
        %get3A_778 = arith.constant 1 : i32
        %get3A_779 = arith.index_cast %get3A_778 : i32 to index
        %get3A_780 = arith.index_cast %add3A_777 : i32 to index
        %get3A_781 = arith.constant 64 : index
        %get3A_782 = tpu.vector_load %arg6[%get3A_779, %get3A_780, %get3A_781] {strides = array<i32>} : memref<2x256x128xi32, #tpu.memory_space<vmem>>, vector<16xi32>,
        %bitcast3A_783 = vector.bitcast %get3A_782 : vector<16xi32> to vector<32xbf16>
        %add3A_784 = arith.constant 6 : i32
        %add3A_785 = arith.addi %mul3A_142, %add3A_784 : i32
        %get3A_786 = arith.constant 1 : i32
        %get3A_787 = arith.index_cast %get3A_786 : i32 to index
        %get3A_788 = arith.index_cast %add3A_785 : i32 to index
        %get3A_789 = arith.constant 64 : index
        %get3A_790 = tpu.vector_load %arg6[%get3A_787, %get3A_788, %get3A_789] {strides = array<i32>} : memref<2x256x128xi32, #tpu.memory_space<vmem>>, vector<16xi32>,
        %bitcast3A_791 = vector.bitcast %get3A_790 : vector<16xi32> to vector<32xbf16>
        %add3A_792 = arith.constant 7 : i32
        %add3A_793 = arith.addi %mul3A_142, %add3A_792 : i32
        %get3A_794 = arith.constant 1 : i32
        %get3A_795 = arith.index_cast %get3A_794 : i32 to index
        %get3A_796 = arith.index_cast %add3A_793 : i32 to index
        %get3A_797 = arith.constant 64 : index
        %get3A_798 = tpu.vector_load %arg6[%get3A_795, %get3A_796, %get3A_797] {strides = array<i32>} : memref<2x256x128xi32, #tpu.memory_space<vmem>>, vector<16xi32>,
        %bitcast3A_799 = vector.bitcast %get3A_798 : vector<16xi32> to vector<32xbf16>
        %add3A_800 = arith.constant 8 : i32
        %add3A_801 = arith.addi %mul3A_142, %add3A_800 : i32
        %get3A_802 = arith.constant 1 : i32
        %get3A_803 = arith.index_cast %get3A_802 : i32 to index
        %get3A_804 = arith.index_cast %add3A_801 : i32 to index
        %get3A_805 = arith.constant 64 : index
        %get3A_806 = tpu.vector_load %arg6[%get3A_803, %get3A_804, %get3A_805] {strides = array<i32>} : memref<2x256x128xi32, #tpu.memory_space<vmem>>, vector<16xi32>,
        %bitcast3A_807 = vector.bitcast %get3A_806 : vector<16xi32> to vector<32xbf16>
        %add3A_808 = arith.constant 9 : i32
        %add3A_809 = arith.addi %mul3A_142, %add3A_808 : i32
        %get3A_810 = arith.constant 1 : i32
        %get3A_811 = arith.index_cast %get3A_810 : i32 to index
        %get3A_812 = arith.index_cast %add3A_809 : i32 to index
        %get3A_813 = arith.constant 64 : index
        %get3A_814 = tpu.vector_load %arg6[%get3A_811, %get3A_812, %get3A_813] {strides = array<i32>} : memref<2x256x128xi32, #tpu.memory_space<vmem>>, vector<16xi32>,
        %bitcast3A_815 = vector.bitcast %get3A_814 : vector<16xi32> to vector<32xbf16>
        %add3A_816 = arith.constant 10 : i32
        %add3A_817 = arith.addi %mul3A_142, %add3A_816 : i32
        %get3A_818 = arith.constant 1 : i32
        %get3A_819 = arith.index_cast %get3A_818 : i32 to index
        %get3A_820 = arith.index_cast %add3A_817 : i32 to index
        %get3A_821 = arith.constant 64 : index
        %get3A_822 = tpu.vector_load %arg6[%get3A_819, %get3A_820, %get3A_821] {strides = array<i32>} : memref<2x256x128xi32, #tpu.memory_space<vmem>>, vector<16xi32>,
        %bitcast3A_823 = vector.bitcast %get3A_822 : vector<16xi32> to vector<32xbf16>
        %add3A_824 = arith.constant 11 : i32
        %add3A_825 = arith.addi %mul3A_142, %add3A_824 : i32
        %get3A_826 = arith.constant 1 : i32
        %get3A_827 = arith.index_cast %get3A_826 : i32 to index
        %get3A_828 = arith.index_cast %add3A_825 : i32 to index
        %get3A_829 = arith.constant 64 : index
        %get3A_830 = tpu.vector_load %arg6[%get3A_827, %get3A_828, %get3A_829] {strides = array<i32>} : memref<2x256x128xi32, #tpu.memory_space<vmem>>, vector<16xi32>,
        %bitcast3A_831 = vector.bitcast %get3A_830 : vector<16xi32> to vector<32xbf16>
        %add3A_832 = arith.constant 12 : i32
        %add3A_833 = arith.addi %mul3A_142, %add3A_832 : i32
        %get3A_834 = arith.constant 1 : i32
        %get3A_835 = arith.index_cast %get3A_834 : i32 to index
        %get3A_836 = arith.index_cast %add3A_833 : i32 to index
        %get3A_837 = arith.constant 64 : index
        %get3A_838 = tpu.vector_load %arg6[%get3A_835, %get3A_836, %get3A_837] {strides = array<i32>} : memref<2x256x128xi32, #tpu.memory_space<vmem>>, vector<16xi32>,
        %bitcast3A_839 = vector.bitcast %get3A_838 : vector<16xi32> to vector<32xbf16>
        %add3A_840 = arith.constant 13 : i32
        %add3A_841 = arith.addi %mul3A_142, %add3A_840 : i32
        %get3A_842 = arith.constant 1 : i32
        %get3A_843 = arith.index_cast %get3A_842 : i32 to index
        %get3A_844 = arith.index_cast %add3A_841 : i32 to index
        %get3A_845 = arith.constant 64 : index
        %get3A_846 = tpu.vector_load %arg6[%get3A_843, %get3A_844, %get3A_845] {strides = array<i32>} : memref<2x256x128xi32, #tpu.memory_space<vmem>>, vector<16xi32>,
        %bitcast3A_847 = vector.bitcast %get3A_846 : vector<16xi32> to vector<32xbf16>
        %add3A_848 = arith.constant 14 : i32
        %add3A_849 = arith.addi %mul3A_142, %add3A_848 : i32
        %get3A_850 = arith.constant 1 : i32
        %get3A_851 = arith.index_cast %get3A_850 : i32 to index
        %get3A_852 = arith.index_cast %add3A_849 : i32 to index
        %get3A_853 = arith.constant 64 : index
        %get3A_854 = tpu.vector_load %arg6[%get3A_851, %get3A_852, %get3A_853] {strides = array<i32>} : memref<2x256x128xi32, #tpu.memory_space<vmem>>, vector<16xi32>,
        %bitcast3A_855 = vector.bitcast %get3A_854 : vector<16xi32> to vector<32xbf16>
        %add3A_856 = arith.constant 15 : i32
        %add3A_857 = arith.addi %mul3A_142, %add3A_856 : i32
        %get3A_858 = arith.constant 1 : i32
        %get3A_859 = arith.index_cast %get3A_858 : i32 to index
        %get3A_860 = arith.index_cast %add3A_857 : i32 to index
        %get3A_861 = arith.constant 64 : index
        %get3A_862 = tpu.vector_load %arg6[%get3A_859, %get3A_860, %get3A_861] {strides = array<i32>} : memref<2x256x128xi32, #tpu.memory_space<vmem>>, vector<16xi32>,
        %bitcast3A_863 = vector.bitcast %get3A_862 : vector<16xi32> to vector<32xbf16>
        %add3A_864 = arith.addf %bitcast3A_743, %bitcast3A_751 : vector<32xbf16>
        %add3A_865 = arith.addf %bitcast3A_759, %bitcast3A_767 : vector<32xbf16>
        %add3A_866 = arith.addf %bitcast3A_775, %bitcast3A_783 : vector<32xbf16>
        %add3A_867 = arith.addf %bitcast3A_791, %bitcast3A_799 : vector<32xbf16>
        %add3A_868 = arith.addf %bitcast3A_807, %bitcast3A_815 : vector<32xbf16>
        %add3A_869 = arith.addf %bitcast3A_823, %bitcast3A_831 : vector<32xbf16>
        %add3A_870 = arith.addf %bitcast3A_839, %bitcast3A_847 : vector<32xbf16>
        %add3A_871 = arith.addf %bitcast3A_855, %bitcast3A_863 : vector<32xbf16>
        %add3A_872 = arith.addf %add3A_864, %add3A_865 : vector<32xbf16>
        %add3A_873 = arith.addf %add3A_866, %add3A_867 : vector<32xbf16>
        %add3A_874 = arith.addf %add3A_868, %add3A_869 : vector<32xbf16>
        %add3A_875 = arith.addf %add3A_870, %add3A_871 : vector<32xbf16>
        %add3A_876 = arith.addf %add3A_872, %add3A_873 : vector<32xbf16>
        %add3A_877 = arith.addf %add3A_874, %add3A_875 : vector<32xbf16>
        %add3A_878 = arith.addf %add3A_876, %add3A_877 : vector<32xbf16>
        %bitcast3A_879 = vector.bitcast %add3A_878 : vector<32xbf16> to vector<16xi32>
        %swap3A_880 = arith.constant 1 : i32
        %swap3A_881 = arith.index_cast %swap3A_880 : i32 to index
        %swap3A_882 = arith.index_cast %scan3A_139 : i32 to index
        %swap3A_883 = arith.constant 64 : index
        %swap3A_884 = tpu.vector_load %arg7[%swap3A_881, %swap3A_882, %swap3A_883] {strides = array<i32>} : memref<2x16x128xi32, #tpu.memory_space<vmem>>, vector<16xi32>,
        tpu.vector_store %arg7[%swap3A_881, %swap3A_882, %swap3A_883], %bitcast3A_879 {strides = array<i32>} : memref<2x16x128xi32, #tpu.memory_space<vmem>>, vector<16xi32>,
        %add3A_885 = arith.constant 0 : i32
        %add3A_886 = arith.addi %mul3A_142, %add3A_885 : i32
        %get3A_887 = arith.constant 1 : i32
        %get3A_888 = arith.index_cast %get3A_887 : i32 to index
        %get3A_889 = arith.index_cast %add3A_886 : i32 to index
        %get3A_890 = arith.constant 80 : index
        %get3A_891 = tpu.vector_load %arg6[%get3A_888, %get3A_889, %get3A_890] {strides = array<i32>} : memref<2x256x128xi32, #tpu.memory_space<vmem>>, vector<16xi32>,
        %bitcast3A_892 = vector.bitcast %get3A_891 : vector<16xi32> to vector<32xbf16>
        %add3A_893 = arith.constant 1 : i32
        %add3A_894 = arith.addi %mul3A_142, %add3A_893 : i32
        %get3A_895 = arith.constant 1 : i32
        %get3A_896 = arith.index_cast %get3A_895 : i32 to index
        %get3A_897 = arith.index_cast %add3A_894 : i32 to index
        %get3A_898 = arith.constant 80 : index
        %get3A_899 = tpu.vector_load %arg6[%get3A_896, %get3A_897, %get3A_898] {strides = array<i32>} : memref<2x256x128xi32, #tpu.memory_space<vmem>>, vector<16xi32>,
        %bitcast3A_900 = vector.bitcast %get3A_899 : vector<16xi32> to vector<32xbf16>
        %add3A_901 = arith.constant 2 : i32
        %add3A_902 = arith.addi %mul3A_142, %add3A_901 : i32
        %get3A_903 = arith.constant 1 : i32
        %get3A_904 = arith.index_cast %get3A_903 : i32 to index
        %get3A_905 = arith.index_cast %add3A_902 : i32 to index
        %get3A_906 = arith.constant 80 : index
        %get3A_907 = tpu.vector_load %arg6[%get3A_904, %get3A_905, %get3A_906] {strides = array<i32>} : memref<2x256x128xi32, #tpu.memory_space<vmem>>, vector<16xi32>,
        %bitcast3A_908 = vector.bitcast %get3A_907 : vector<16xi32> to vector<32xbf16>
        %add3A_909 = arith.constant 3 : i32
        %add3A_910 = arith.addi %mul3A_142, %add3A_909 : i32
        %get3A_911 = arith.constant 1 : i32
        %get3A_912 = arith.index_cast %get3A_911 : i32 to index
        %get3A_913 = arith.index_cast %add3A_910 : i32 to index
        %get3A_914 = arith.constant 80 : index
        %get3A_915 = tpu.vector_load %arg6[%get3A_912, %get3A_913, %get3A_914] {strides = array<i32>} : memref<2x256x128xi32, #tpu.memory_space<vmem>>, vector<16xi32>,
        %bitcast3A_916 = vector.bitcast %get3A_915 : vector<16xi32> to vector<32xbf16>
        %add3A_917 = arith.constant 4 : i32
        %add3A_918 = arith.addi %mul3A_142, %add3A_917 : i32
        %get3A_919 = arith.constant 1 : i32
        %get3A_920 = arith.index_cast %get3A_919 : i32 to index
        %get3A_921 = arith.index_cast %add3A_918 : i32 to index
        %get3A_922 = arith.constant 80 : index
        %get3A_923 = tpu.vector_load %arg6[%get3A_920, %get3A_921, %get3A_922] {strides = array<i32>} : memref<2x256x128xi32, #tpu.memory_space<vmem>>, vector<16xi32>,
        %bitcast3A_924 = vector.bitcast %get3A_923 : vector<16xi32> to vector<32xbf16>
        %add3A_925 = arith.constant 5 : i32
        %add3A_926 = arith.addi %mul3A_142, %add3A_925 : i32
        %get3A_927 = arith.constant 1 : i32
        %get3A_928 = arith.index_cast %get3A_927 : i32 to index
        %get3A_929 = arith.index_cast %add3A_926 : i32 to index
        %get3A_930 = arith.constant 80 : index
        %get3A_931 = tpu.vector_load %arg6[%get3A_928, %get3A_929, %get3A_930] {strides = array<i32>} : memref<2x256x128xi32, #tpu.memory_space<vmem>>, vector<16xi32>,
        %bitcast3A_932 = vector.bitcast %get3A_931 : vector<16xi32> to vector<32xbf16>
        %add3A_933 = arith.constant 6 : i32
        %add3A_934 = arith.addi %mul3A_142, %add3A_933 : i32
        %get3A_935 = arith.constant 1 : i32
        %get3A_936 = arith.index_cast %get3A_935 : i32 to index
        %get3A_937 = arith.index_cast %add3A_934 : i32 to index
        %get3A_938 = arith.constant 80 : index
        %get3A_939 = tpu.vector_load %arg6[%get3A_936, %get3A_937, %get3A_938] {strides = array<i32>} : memref<2x256x128xi32, #tpu.memory_space<vmem>>, vector<16xi32>,
        %bitcast3A_940 = vector.bitcast %get3A_939 : vector<16xi32> to vector<32xbf16>
        %add3A_941 = arith.constant 7 : i32
        %add3A_942 = arith.addi %mul3A_142, %add3A_941 : i32
        %get3A_943 = arith.constant 1 : i32
        %get3A_944 = arith.index_cast %get3A_943 : i32 to index
        %get3A_945 = arith.index_cast %add3A_942 : i32 to index
        %get3A_946 = arith.constant 80 : index
        %get3A_947 = tpu.vector_load %arg6[%get3A_944, %get3A_945, %get3A_946] {strides = array<i32>} : memref<2x256x128xi32, #tpu.memory_space<vmem>>, vector<16xi32>,
        %bitcast3A_948 = vector.bitcast %get3A_947 : vector<16xi32> to vector<32xbf16>
        %add3A_949 = arith.constant 8 : i32
        %add3A_950 = arith.addi %mul3A_142, %add3A_949 : i32
        %get3A_951 = arith.constant 1 : i32
        %get3A_952 = arith.index_cast %get3A_951 : i32 to index
        %get3A_953 = arith.index_cast %add3A_950 : i32 to index
        %get3A_954 = arith.constant 80 : index
        %get3A_955 = tpu.vector_load %arg6[%get3A_952, %get3A_953, %get3A_954] {strides = array<i32>} : memref<2x256x128xi32, #tpu.memory_space<vmem>>, vector<16xi32>,
        %bitcast3A_956 = vector.bitcast %get3A_955 : vector<16xi32> to vector<32xbf16>
        %add3A_957 = arith.constant 9 : i32
        %add3A_958 = arith.addi %mul3A_142, %add3A_957 : i32
        %get3A_959 = arith.constant 1 : i32
        %get3A_960 = arith.index_cast %get3A_959 : i32 to index
        %get3A_961 = arith.index_cast %add3A_958 : i32 to index
        %get3A_962 = arith.constant 80 : index
        %get3A_963 = tpu.vector_load %arg6[%get3A_960, %get3A_961, %get3A_962] {strides = array<i32>} : memref<2x256x128xi32, #tpu.memory_space<vmem>>, vector<16xi32>,
        %bitcast3A_964 = vector.bitcast %get3A_963 : vector<16xi32> to vector<32xbf16>
        %add3A_965 = arith.constant 10 : i32
        %add3A_966 = arith.addi %mul3A_142, %add3A_965 : i32
        %get3A_967 = arith.constant 1 : i32
        %get3A_968 = arith.index_cast %get3A_967 : i32 to index
        %get3A_969 = arith.index_cast %add3A_966 : i32 to index
        %get3A_970 = arith.constant 80 : index
        %get3A_971 = tpu.vector_load %arg6[%get3A_968, %get3A_969, %get3A_970] {strides = array<i32>} : memref<2x256x128xi32, #tpu.memory_space<vmem>>, vector<16xi32>,
        %bitcast3A_972 = vector.bitcast %get3A_971 : vector<16xi32> to vector<32xbf16>
        %add3A_973 = arith.constant 11 : i32
        %add3A_974 = arith.addi %mul3A_142, %add3A_973 : i32
        %get3A_975 = arith.constant 1 : i32
        %get3A_976 = arith.index_cast %get3A_975 : i32 to index
        %get3A_977 = arith.index_cast %add3A_974 : i32 to index
        %get3A_978 = arith.constant 80 : index
        %get3A_979 = tpu.vector_load %arg6[%get3A_976, %get3A_977, %get3A_978] {strides = array<i32>} : memref<2x256x128xi32, #tpu.memory_space<vmem>>, vector<16xi32>,
        %bitcast3A_980 = vector.bitcast %get3A_979 : vector<16xi32> to vector<32xbf16>
        %add3A_981 = arith.constant 12 : i32
        %add3A_982 = arith.addi %mul3A_142, %add3A_981 : i32
        %get3A_983 = arith.constant 1 : i32
        %get3A_984 = arith.index_cast %get3A_983 : i32 to index
        %get3A_985 = arith.index_cast %add3A_982 : i32 to index
        %get3A_986 = arith.constant 80 : index
        %get3A_987 = tpu.vector_load %arg6[%get3A_984, %get3A_985, %get3A_986] {strides = array<i32>} : memref<2x256x128xi32, #tpu.memory_space<vmem>>, vector<16xi32>,
        %bitcast3A_988 = vector.bitcast %get3A_987 : vector<16xi32> to vector<32xbf16>
        %add3A_989 = arith.constant 13 : i32
        %add3A_990 = arith.addi %mul3A_142, %add3A_989 : i32
        %get3A_991 = arith.constant 1 : i32
        %get3A_992 = arith.index_cast %get3A_991 : i32 to index
        %get3A_993 = arith.index_cast %add3A_990 : i32 to index
        %get3A_994 = arith.constant 80 : index
        %get3A_995 = tpu.vector_load %arg6[%get3A_992, %get3A_993, %get3A_994] {strides = array<i32>} : memref<2x256x128xi32, #tpu.memory_space<vmem>>, vector<16xi32>,
        %bitcast3A_996 = vector.bitcast %get3A_995 : vector<16xi32> to vector<32xbf16>
        %add3A_997 = arith.constant 14 : i32
        %add3A_998 = arith.addi %mul3A_142, %add3A_997 : i32
        %get3A_999 = arith.constant 1 : i32
        %get3A_1000 = arith.index_cast %get3A_999 : i32 to index
        %get3A_1001 = arith.index_cast %add3A_998 : i32 to index
        %get3A_1002 = arith.constant 80 : index
        %get3A_1003 = tpu.vector_load %arg6[%get3A_1000, %get3A_1001, %get3A_1002] {strides = array<i32>} : memref<2x256x128xi32, #tpu.memory_space<vmem>>, vector<16xi32>,
        %bitcast3A_1004 = vector.bitcast %get3A_1003 : vector<16xi32> to vector<32xbf16>
        %add3A_1005 = arith.constant 15 : i32
        %add3A_1006 = arith.addi %mul3A_142, %add3A_1005 : i32
        %get3A_1007 = arith.constant 1 : i32
        %get3A_1008 = arith.index_cast %get3A_1007 : i32 to index
        %get3A_1009 = arith.index_cast %add3A_1006 : i32 to index
        %get3A_1010 = arith.constant 80 : index
        %get3A_1011 = tpu.vector_load %arg6[%get3A_1008, %get3A_1009, %get3A_1010] {strides = array<i32>} : memref<2x256x128xi32, #tpu.memory_space<vmem>>, vector<16xi32>,
        %bitcast3A_1012 = vector.bitcast %get3A_1011 : vector<16xi32> to vector<32xbf16>
        %add3A_1013 = arith.addf %bitcast3A_892, %bitcast3A_900 : vector<32xbf16>
        %add3A_1014 = arith.addf %bitcast3A_908, %bitcast3A_916 : vector<32xbf16>
        %add3A_1015 = arith.addf %bitcast3A_924, %bitcast3A_932 : vector<32xbf16>
        %add3A_1016 = arith.addf %bitcast3A_940, %bitcast3A_948 : vector<32xbf16>
        %add3A_1017 = arith.addf %bitcast3A_956, %bitcast3A_964 : vector<32xbf16>
        %add3A_1018 = arith.addf %bitcast3A_972, %bitcast3A_980 : vector<32xbf16>
        %add3A_1019 = arith.addf %bitcast3A_988, %bitcast3A_996 : vector<32xbf16>
        %add3A_1020 = arith.addf %bitcast3A_1004, %bitcast3A_1012 : vector<32xbf16>
        %add3A_1021 = arith.addf %add3A_1013, %add3A_1014 : vector<32xbf16>
        %add3A_1022 = arith.addf %add3A_1015, %add3A_1016 : vector<32xbf16>
        %add3A_1023 = arith.addf %add3A_1017, %add3A_1018 : vector<32xbf16>
        %add3A_1024 = arith.addf %add3A_1019, %add3A_1020 : vector<32xbf16>
        %add3A_1025 = arith.addf %add3A_1021, %add3A_1022 : vector<32xbf16>
        %add3A_1026 = arith.addf %add3A_1023, %add3A_1024 : vector<32xbf16>
        %add3A_1027 = arith.addf %add3A_1025, %add3A_1026 : vector<32xbf16>
        %bitcast3A_1028 = vector.bitcast %add3A_1027 : vector<32xbf16> to vector<16xi32>
        %swap3A_1029 = arith.constant 1 : i32
        %swap3A_1030 = arith.index_cast %swap3A_1029 : i32 to index
        %swap3A_1031 = arith.index_cast %scan3A_139 : i32 to index
        %swap3A_1032 = arith.constant 80 : index
        %swap3A_1033 = tpu.vector_load %arg7[%swap3A_1030, %swap3A_1031, %swap3A_1032] {strides = array<i32>} : memref<2x16x128xi32, #tpu.memory_space<vmem>>, vector<16xi32>,
        tpu.vector_store %arg7[%swap3A_1030, %swap3A_1031, %swap3A_1032], %bitcast3A_1028 {strides = array<i32>} : memref<2x16x128xi32, #tpu.memory_space<vmem>>, vector<16xi32>,
        %add3A_1034 = arith.constant 0 : i32
        %add3A_1035 = arith.addi %mul3A_142, %add3A_1034 : i32
        %get3A_1036 = arith.constant 1 : i32
        %get3A_1037 = arith.index_cast %get3A_1036 : i32 to index
        %get3A_1038 = arith.index_cast %add3A_1035 : i32 to index
        %get3A_1039 = arith.constant 96 : index
        %get3A_1040 = tpu.vector_load %arg6[%get3A_1037, %get3A_1038, %get3A_1039] {strides = array<i32>} : memref<2x256x128xi32, #tpu.memory_space<vmem>>, vector<16xi32>,
        %bitcast3A_1041 = vector.bitcast %get3A_1040 : vector<16xi32> to vector<32xbf16>
        %add3A_1042 = arith.constant 1 : i32
        %add3A_1043 = arith.addi %mul3A_142, %add3A_1042 : i32
        %get3A_1044 = arith.constant 1 : i32
        %get3A_1045 = arith.index_cast %get3A_1044 : i32 to index
        %get3A_1046 = arith.index_cast %add3A_1043 : i32 to index
        %get3A_1047 = arith.constant 96 : index
        %get3A_1048 = tpu.vector_load %arg6[%get3A_1045, %get3A_1046, %get3A_1047] {strides = array<i32>} : memref<2x256x128xi32, #tpu.memory_space<vmem>>, vector<16xi32>,
        %bitcast3A_1049 = vector.bitcast %get3A_1048 : vector<16xi32> to vector<32xbf16>
        %add3A_1050 = arith.constant 2 : i32
        %add3A_1051 = arith.addi %mul3A_142, %add3A_1050 : i32
        %get3A_1052 = arith.constant 1 : i32
        %get3A_1053 = arith.index_cast %get3A_1052 : i32 to index
        %get3A_1054 = arith.index_cast %add3A_1051 : i32 to index
        %get3A_1055 = arith.constant 96 : index
        %get3A_1056 = tpu.vector_load %arg6[%get3A_1053, %get3A_1054, %get3A_1055] {strides = array<i32>} : memref<2x256x128xi32, #tpu.memory_space<vmem>>, vector<16xi32>,
        %bitcast3A_1057 = vector.bitcast %get3A_1056 : vector<16xi32> to vector<32xbf16>
        %add3A_1058 = arith.constant 3 : i32
        %add3A_1059 = arith.addi %mul3A_142, %add3A_1058 : i32
        %get3A_1060 = arith.constant 1 : i32
        %get3A_1061 = arith.index_cast %get3A_1060 : i32 to index
        %get3A_1062 = arith.index_cast %add3A_1059 : i32 to index
        %get3A_1063 = arith.constant 96 : index
        %get3A_1064 = tpu.vector_load %arg6[%get3A_1061, %get3A_1062, %get3A_1063] {strides = array<i32>} : memref<2x256x128xi32, #tpu.memory_space<vmem>>, vector<16xi32>,
        %bitcast3A_1065 = vector.bitcast %get3A_1064 : vector<16xi32> to vector<32xbf16>
        %add3A_1066 = arith.constant 4 : i32
        %add3A_1067 = arith.addi %mul3A_142, %add3A_1066 : i32
        %get3A_1068 = arith.constant 1 : i32
        %get3A_1069 = arith.index_cast %get3A_1068 : i32 to index
        %get3A_1070 = arith.index_cast %add3A_1067 : i32 to index
        %get3A_1071 = arith.constant 96 : index
        %get3A_1072 = tpu.vector_load %arg6[%get3A_1069, %get3A_1070, %get3A_1071] {strides = array<i32>} : memref<2x256x128xi32, #tpu.memory_space<vmem>>, vector<16xi32>,
        %bitcast3A_1073 = vector.bitcast %get3A_1072 : vector<16xi32> to vector<32xbf16>
        %add3A_1074 = arith.constant 5 : i32
        %add3A_1075 = arith.addi %mul3A_142, %add3A_1074 : i32
        %get3A_1076 = arith.constant 1 : i32
        %get3A_1077 = arith.index_cast %get3A_1076 : i32 to index
        %get3A_1078 = arith.index_cast %add3A_1075 : i32 to index
        %get3A_1079 = arith.constant 96 : index
        %get3A_1080 = tpu.vector_load %arg6[%get3A_1077, %get3A_1078, %get3A_1079] {strides = array<i32>} : memref<2x256x128xi32, #tpu.memory_space<vmem>>, vector<16xi32>,
        %bitcast3A_1081 = vector.bitcast %get3A_1080 : vector<16xi32> to vector<32xbf16>
        %add3A_1082 = arith.constant 6 : i32
        %add3A_1083 = arith.addi %mul3A_142, %add3A_1082 : i32
        %get3A_1084 = arith.constant 1 : i32
        %get3A_1085 = arith.index_cast %get3A_1084 : i32 to index
        %get3A_1086 = arith.index_cast %add3A_1083 : i32 to index
        %get3A_1087 = arith.constant 96 : index
        %get3A_1088 = tpu.vector_load %arg6[%get3A_1085, %get3A_1086, %get3A_1087] {strides = array<i32>} : memref<2x256x128xi32, #tpu.memory_space<vmem>>, vector<16xi32>,
        %bitcast3A_1089 = vector.bitcast %get3A_1088 : vector<16xi32> to vector<32xbf16>
        %add3A_1090 = arith.constant 7 : i32
        %add3A_1091 = arith.addi %mul3A_142, %add3A_1090 : i32
        %get3A_1092 = arith.constant 1 : i32
        %get3A_1093 = arith.index_cast %get3A_1092 : i32 to index
        %get3A_1094 = arith.index_cast %add3A_1091 : i32 to index
        %get3A_1095 = arith.constant 96 : index
        %get3A_1096 = tpu.vector_load %arg6[%get3A_1093, %get3A_1094, %get3A_1095] {strides = array<i32>} : memref<2x256x128xi32, #tpu.memory_space<vmem>>, vector<16xi32>,
        %bitcast3A_1097 = vector.bitcast %get3A_1096 : vector<16xi32> to vector<32xbf16>
        %add3A_1098 = arith.constant 8 : i32
        %add3A_1099 = arith.addi %mul3A_142, %add3A_1098 : i32
        %get3A_1100 = arith.constant 1 : i32
        %get3A_1101 = arith.index_cast %get3A_1100 : i32 to index
        %get3A_1102 = arith.index_cast %add3A_1099 : i32 to index
        %get3A_1103 = arith.constant 96 : index
        %get3A_1104 = tpu.vector_load %arg6[%get3A_1101, %get3A_1102, %get3A_1103] {strides = array<i32>} : memref<2x256x128xi32, #tpu.memory_space<vmem>>, vector<16xi32>,
        %bitcast3A_1105 = vector.bitcast %get3A_1104 : vector<16xi32> to vector<32xbf16>
        %add3A_1106 = arith.constant 9 : i32
        %add3A_1107 = arith.addi %mul3A_142, %add3A_1106 : i32
        %get3A_1108 = arith.constant 1 : i32
        %get3A_1109 = arith.index_cast %get3A_1108 : i32 to index
        %get3A_1110 = arith.index_cast %add3A_1107 : i32 to index
        %get3A_1111 = arith.constant 96 : index
        %get3A_1112 = tpu.vector_load %arg6[%get3A_1109, %get3A_1110, %get3A_1111] {strides = array<i32>} : memref<2x256x128xi32, #tpu.memory_space<vmem>>, vector<16xi32>,
        %bitcast3A_1113 = vector.bitcast %get3A_1112 : vector<16xi32> to vector<32xbf16>
        %add3A_1114 = arith.constant 10 : i32
        %add3A_1115 = arith.addi %mul3A_142, %add3A_1114 : i32
        %get3A_1116 = arith.constant 1 : i32
        %get3A_1117 = arith.index_cast %get3A_1116 : i32 to index
        %get3A_1118 = arith.index_cast %add3A_1115 : i32 to index
        %get3A_1119 = arith.constant 96 : index
        %get3A_1120 = tpu.vector_load %arg6[%get3A_1117, %get3A_1118, %get3A_1119] {strides = array<i32>} : memref<2x256x128xi32, #tpu.memory_space<vmem>>, vector<16xi32>,
        %bitcast3A_1121 = vector.bitcast %get3A_1120 : vector<16xi32> to vector<32xbf16>
        %add3A_1122 = arith.constant 11 : i32
        %add3A_1123 = arith.addi %mul3A_142, %add3A_1122 : i32
        %get3A_1124 = arith.constant 1 : i32
        %get3A_1125 = arith.index_cast %get3A_1124 : i32 to index
        %get3A_1126 = arith.index_cast %add3A_1123 : i32 to index
        %get3A_1127 = arith.constant 96 : index
        %get3A_1128 = tpu.vector_load %arg6[%get3A_1125, %get3A_1126, %get3A_1127] {strides = array<i32>} : memref<2x256x128xi32, #tpu.memory_space<vmem>>, vector<16xi32>,
        %bitcast3A_1129 = vector.bitcast %get3A_1128 : vector<16xi32> to vector<32xbf16>
        %add3A_1130 = arith.constant 12 : i32
        %add3A_1131 = arith.addi %mul3A_142, %add3A_1130 : i32
        %get3A_1132 = arith.constant 1 : i32
        %get3A_1133 = arith.index_cast %get3A_1132 : i32 to index
        %get3A_1134 = arith.index_cast %add3A_1131 : i32 to index
        %get3A_1135 = arith.constant 96 : index
        %get3A_1136 = tpu.vector_load %arg6[%get3A_1133, %get3A_1134, %get3A_1135] {strides = array<i32>} : memref<2x256x128xi32, #tpu.memory_space<vmem>>, vector<16xi32>,
        %bitcast3A_1137 = vector.bitcast %get3A_1136 : vector<16xi32> to vector<32xbf16>
        %add3A_1138 = arith.constant 13 : i32
        %add3A_1139 = arith.addi %mul3A_142, %add3A_1138 : i32
        %get3A_1140 = arith.constant 1 : i32
        %get3A_1141 = arith.index_cast %get3A_1140 : i32 to index
        %get3A_1142 = arith.index_cast %add3A_1139 : i32 to index
        %get3A_1143 = arith.constant 96 : index
        %get3A_1144 = tpu.vector_load %arg6[%get3A_1141, %get3A_1142, %get3A_1143] {strides = array<i32>} : memref<2x256x128xi32, #tpu.memory_space<vmem>>, vector<16xi32>,
        %bitcast3A_1145 = vector.bitcast %get3A_1144 : vector<16xi32> to vector<32xbf16>
        %add3A_1146 = arith.constant 14 : i32
        %add3A_1147 = arith.addi %mul3A_142, %add3A_1146 : i32
        %get3A_1148 = arith.constant 1 : i32
        %get3A_1149 = arith.index_cast %get3A_1148 : i32 to index
        %get3A_1150 = arith.index_cast %add3A_1147 : i32 to index
        %get3A_1151 = arith.constant 96 : index
        %get3A_1152 = tpu.vector_load %arg6[%get3A_1149, %get3A_1150, %get3A_1151] {strides = array<i32>} : memref<2x256x128xi32, #tpu.memory_space<vmem>>, vector<16xi32>,
        %bitcast3A_1153 = vector.bitcast %get3A_1152 : vector<16xi32> to vector<32xbf16>
        %add3A_1154 = arith.constant 15 : i32
        %add3A_1155 = arith.addi %mul3A_142, %add3A_1154 : i32
        %get3A_1156 = arith.constant 1 : i32
        %get3A_1157 = arith.index_cast %get3A_1156 : i32 to index
        %get3A_1158 = arith.index_cast %add3A_1155 : i32 to index
        %get3A_1159 = arith.constant 96 : index
        %get3A_1160 = tpu.vector_load %arg6[%get3A_1157, %get3A_1158, %get3A_1159] {strides = array<i32>} : memref<2x256x128xi32, #tpu.memory_space<vmem>>, vector<16xi32>,
        %bitcast3A_1161 = vector.bitcast %get3A_1160 : vector<16xi32> to vector<32xbf16>
        %add3A_1162 = arith.addf %bitcast3A_1041, %bitcast3A_1049 : vector<32xbf16>
        %add3A_1163 = arith.addf %bitcast3A_1057, %bitcast3A_1065 : vector<32xbf16>
        %add3A_1164 = arith.addf %bitcast3A_1073, %bitcast3A_1081 : vector<32xbf16>
        %add3A_1165 = arith.addf %bitcast3A_1089, %bitcast3A_1097 : vector<32xbf16>
        %add3A_1166 = arith.addf %bitcast3A_1105, %bitcast3A_1113 : vector<32xbf16>
        %add3A_1167 = arith.addf %bitcast3A_1121, %bitcast3A_1129 : vector<32xbf16>
        %add3A_1168 = arith.addf %bitcast3A_1137, %bitcast3A_1145 : vector<32xbf16>
        %add3A_1169 = arith.addf %bitcast3A_1153, %bitcast3A_1161 : vector<32xbf16>
        %add3A_1170 = arith.addf %add3A_1162, %add3A_1163 : vector<32xbf16>
        %add3A_1171 = arith.addf %add3A_1164, %add3A_1165 : vector<32xbf16>
        %add3A_1172 = arith.addf %add3A_1166, %add3A_1167 : vector<32xbf16>
        %add3A_1173 = arith.addf %add3A_1168, %add3A_1169 : vector<32xbf16>
        %add3A_1174 = arith.addf %add3A_1170, %add3A_1171 : vector<32xbf16>
        %add3A_1175 = arith.addf %add3A_1172, %add3A_1173 : vector<32xbf16>
        %add3A_1176 = arith.addf %add3A_1174, %add3A_1175 : vector<32xbf16>
        %bitcast3A_1177 = vector.bitcast %add3A_1176 : vector<32xbf16> to vector<16xi32>
        %swap3A_1178 = arith.constant 1 : i32
        %swap3A_1179 = arith.index_cast %swap3A_1178 : i32 to index
        %swap3A_1180 = arith.index_cast %scan3A_139 : i32 to index
        %swap3A_1181 = arith.constant 96 : index
        %swap3A_1182 = tpu.vector_load %arg7[%swap3A_1179, %swap3A_1180, %swap3A_1181] {strides = array<i32>} : memref<2x16x128xi32, #tpu.memory_space<vmem>>, vector<16xi32>,
        tpu.vector_store %arg7[%swap3A_1179, %swap3A_1180, %swap3A_1181], %bitcast3A_1177 {strides = array<i32>} : memref<2x16x128xi32, #tpu.memory_space<vmem>>, vector<16xi32>,
        %add3A_1183 = arith.constant 0 : i32
        %add3A_1184 = arith.addi %mul3A_142, %add3A_1183 : i32
        %get3A_1185 = arith.constant 1 : i32
        %get3A_1186 = arith.index_cast %get3A_1185 : i32 to index
        %get3A_1187 = arith.index_cast %add3A_1184 : i32 to index
        %get3A_1188 = arith.constant 112 : index
        %get3A_1189 = tpu.vector_load %arg6[%get3A_1186, %get3A_1187, %get3A_1188] {strides = array<i32>} : memref<2x256x128xi32, #tpu.memory_space<vmem>>, vector<16xi32>,
        %bitcast3A_1190 = vector.bitcast %get3A_1189 : vector<16xi32> to vector<32xbf16>
        %add3A_1191 = arith.constant 1 : i32
        %add3A_1192 = arith.addi %mul3A_142, %add3A_1191 : i32
        %get3A_1193 = arith.constant 1 : i32
        %get3A_1194 = arith.index_cast %get3A_1193 : i32 to index
        %get3A_1195 = arith.index_cast %add3A_1192 : i32 to index
        %get3A_1196 = arith.constant 112 : index
        %get3A_1197 = tpu.vector_load %arg6[%get3A_1194, %get3A_1195, %get3A_1196] {strides = array<i32>} : memref<2x256x128xi32, #tpu.memory_space<vmem>>, vector<16xi32>,
        %bitcast3A_1198 = vector.bitcast %get3A_1197 : vector<16xi32> to vector<32xbf16>
        %add3A_1199 = arith.constant 2 : i32
        %add3A_1200 = arith.addi %mul3A_142, %add3A_1199 : i32
        %get3A_1201 = arith.constant 1 : i32
        %get3A_1202 = arith.index_cast %get3A_1201 : i32 to index
        %get3A_1203 = arith.index_cast %add3A_1200 : i32 to index
        %get3A_1204 = arith.constant 112 : index
        %get3A_1205 = tpu.vector_load %arg6[%get3A_1202, %get3A_1203, %get3A_1204] {strides = array<i32>} : memref<2x256x128xi32, #tpu.memory_space<vmem>>, vector<16xi32>,
        %bitcast3A_1206 = vector.bitcast %get3A_1205 : vector<16xi32> to vector<32xbf16>
        %add3A_1207 = arith.constant 3 : i32
        %add3A_1208 = arith.addi %mul3A_142, %add3A_1207 : i32
        %get3A_1209 = arith.constant 1 : i32
        %get3A_1210 = arith.index_cast %get3A_1209 : i32 to index
        %get3A_1211 = arith.index_cast %add3A_1208 : i32 to index
        %get3A_1212 = arith.constant 112 : index
        %get3A_1213 = tpu.vector_load %arg6[%get3A_1210, %get3A_1211, %get3A_1212] {strides = array<i32>} : memref<2x256x128xi32, #tpu.memory_space<vmem>>, vector<16xi32>,
        %bitcast3A_1214 = vector.bitcast %get3A_1213 : vector<16xi32> to vector<32xbf16>
        %add3A_1215 = arith.constant 4 : i32
        %add3A_1216 = arith.addi %mul3A_142, %add3A_1215 : i32
        %get3A_1217 = arith.constant 1 : i32
        %get3A_1218 = arith.index_cast %get3A_1217 : i32 to index
        %get3A_1219 = arith.index_cast %add3A_1216 : i32 to index
        %get3A_1220 = arith.constant 112 : index
        %get3A_1221 = tpu.vector_load %arg6[%get3A_1218, %get3A_1219, %get3A_1220] {strides = array<i32>} : memref<2x256x128xi32, #tpu.memory_space<vmem>>, vector<16xi32>,
        %bitcast3A_1222 = vector.bitcast %get3A_1221 : vector<16xi32> to vector<32xbf16>
        %add3A_1223 = arith.constant 5 : i32
        %add3A_1224 = arith.addi %mul3A_142, %add3A_1223 : i32
        %get3A_1225 = arith.constant 1 : i32
        %get3A_1226 = arith.index_cast %get3A_1225 : i32 to index
        %get3A_1227 = arith.index_cast %add3A_1224 : i32 to index
        %get3A_1228 = arith.constant 112 : index
        %get3A_1229 = tpu.vector_load %arg6[%get3A_1226, %get3A_1227, %get3A_1228] {strides = array<i32>} : memref<2x256x128xi32, #tpu.memory_space<vmem>>, vector<16xi32>,
        %bitcast3A_1230 = vector.bitcast %get3A_1229 : vector<16xi32> to vector<32xbf16>
        %add3A_1231 = arith.constant 6 : i32
        %add3A_1232 = arith.addi %mul3A_142, %add3A_1231 : i32
        %get3A_1233 = arith.constant 1 : i32
        %get3A_1234 = arith.index_cast %get3A_1233 : i32 to index
        %get3A_1235 = arith.index_cast %add3A_1232 : i32 to index
        %get3A_1236 = arith.constant 112 : index
        %get3A_1237 = tpu.vector_load %arg6[%get3A_1234, %get3A_1235, %get3A_1236] {strides = array<i32>} : memref<2x256x128xi32, #tpu.memory_space<vmem>>, vector<16xi32>,
        %bitcast3A_1238 = vector.bitcast %get3A_1237 : vector<16xi32> to vector<32xbf16>
        %add3A_1239 = arith.constant 7 : i32
        %add3A_1240 = arith.addi %mul3A_142, %add3A_1239 : i32
        %get3A_1241 = arith.constant 1 : i32
        %get3A_1242 = arith.index_cast %get3A_1241 : i32 to index
        %get3A_1243 = arith.index_cast %add3A_1240 : i32 to index
        %get3A_1244 = arith.constant 112 : index
        %get3A_1245 = tpu.vector_load %arg6[%get3A_1242, %get3A_1243, %get3A_1244] {strides = array<i32>} : memref<2x256x128xi32, #tpu.memory_space<vmem>>, vector<16xi32>,
        %bitcast3A_1246 = vector.bitcast %get3A_1245 : vector<16xi32> to vector<32xbf16>
        %add3A_1247 = arith.constant 8 : i32
        %add3A_1248 = arith.addi %mul3A_142, %add3A_1247 : i32
        %get3A_1249 = arith.constant 1 : i32
        %get3A_1250 = arith.index_cast %get3A_1249 : i32 to index
        %get3A_1251 = arith.index_cast %add3A_1248 : i32 to index
        %get3A_1252 = arith.constant 112 : index
        %get3A_1253 = tpu.vector_load %arg6[%get3A_1250, %get3A_1251, %get3A_1252] {strides = array<i32>} : memref<2x256x128xi32, #tpu.memory_space<vmem>>, vector<16xi32>,
        %bitcast3A_1254 = vector.bitcast %get3A_1253 : vector<16xi32> to vector<32xbf16>
        %add3A_1255 = arith.constant 9 : i32
        %add3A_1256 = arith.addi %mul3A_142, %add3A_1255 : i32
        %get3A_1257 = arith.constant 1 : i32
        %get3A_1258 = arith.index_cast %get3A_1257 : i32 to index
        %get3A_1259 = arith.index_cast %add3A_1256 : i32 to index
        %get3A_1260 = arith.constant 112 : index
        %get3A_1261 = tpu.vector_load %arg6[%get3A_1258, %get3A_1259, %get3A_1260] {strides = array<i32>} : memref<2x256x128xi32, #tpu.memory_space<vmem>>, vector<16xi32>,
        %bitcast3A_1262 = vector.bitcast %get3A_1261 : vector<16xi32> to vector<32xbf16>
        %add3A_1263 = arith.constant 10 : i32
        %add3A_1264 = arith.addi %mul3A_142, %add3A_1263 : i32
        %get3A_1265 = arith.constant 1 : i32
        %get3A_1266 = arith.index_cast %get3A_1265 : i32 to index
        %get3A_1267 = arith.index_cast %add3A_1264 : i32 to index
        %get3A_1268 = arith.constant 112 : index
        %get3A_1269 = tpu.vector_load %arg6[%get3A_1266, %get3A_1267, %get3A_1268] {strides = array<i32>} : memref<2x256x128xi32, #tpu.memory_space<vmem>>, vector<16xi32>,
        %bitcast3A_1270 = vector.bitcast %get3A_1269 : vector<16xi32> to vector<32xbf16>
        %add3A_1271 = arith.constant 11 : i32
        %add3A_1272 = arith.addi %mul3A_142, %add3A_1271 : i32
        %get3A_1273 = arith.constant 1 : i32
        %get3A_1274 = arith.index_cast %get3A_1273 : i32 to index
        %get3A_1275 = arith.index_cast %add3A_1272 : i32 to index
        %get3A_1276 = arith.constant 112 : index
        %get3A_1277 = tpu.vector_load %arg6[%get3A_1274, %get3A_1275, %get3A_1276] {strides = array<i32>} : memref<2x256x128xi32, #tpu.memory_space<vmem>>, vector<16xi32>,
        %bitcast3A_1278 = vector.bitcast %get3A_1277 : vector<16xi32> to vector<32xbf16>
        %add3A_1279 = arith.constant 12 : i32
        %add3A_1280 = arith.addi %mul3A_142, %add3A_1279 : i32
        %get3A_1281 = arith.constant 1 : i32
        %get3A_1282 = arith.index_cast %get3A_1281 : i32 to index
        %get3A_1283 = arith.index_cast %add3A_1280 : i32 to index
        %get3A_1284 = arith.constant 112 : index
        %get3A_1285 = tpu.vector_load %arg6[%get3A_1282, %get3A_1283, %get3A_1284] {strides = array<i32>} : memref<2x256x128xi32, #tpu.memory_space<vmem>>, vector<16xi32>,
        %bitcast3A_1286 = vector.bitcast %get3A_1285 : vector<16xi32> to vector<32xbf16>
        %add3A_1287 = arith.constant 13 : i32
        %add3A_1288 = arith.addi %mul3A_142, %add3A_1287 : i32
        %get3A_1289 = arith.constant 1 : i32
        %get3A_1290 = arith.index_cast %get3A_1289 : i32 to index
        %get3A_1291 = arith.index_cast %add3A_1288 : i32 to index
        %get3A_1292 = arith.constant 112 : index
        %get3A_1293 = tpu.vector_load %arg6[%get3A_1290, %get3A_1291, %get3A_1292] {strides = array<i32>} : memref<2x256x128xi32, #tpu.memory_space<vmem>>, vector<16xi32>,
        %bitcast3A_1294 = vector.bitcast %get3A_1293 : vector<16xi32> to vector<32xbf16>
        %add3A_1295 = arith.constant 14 : i32
        %add3A_1296 = arith.addi %mul3A_142, %add3A_1295 : i32
        %get3A_1297 = arith.constant 1 : i32
        %get3A_1298 = arith.index_cast %get3A_1297 : i32 to index
        %get3A_1299 = arith.index_cast %add3A_1296 : i32 to index
        %get3A_1300 = arith.constant 112 : index
        %get3A_1301 = tpu.vector_load %arg6[%get3A_1298, %get3A_1299, %get3A_1300] {strides = array<i32>} : memref<2x256x128xi32, #tpu.memory_space<vmem>>, vector<16xi32>,
        %bitcast3A_1302 = vector.bitcast %get3A_1301 : vector<16xi32> to vector<32xbf16>
        %add3A_1303 = arith.constant 15 : i32
        %add3A_1304 = arith.addi %mul3A_142, %add3A_1303 : i32
        %get3A_1305 = arith.constant 1 : i32
        %get3A_1306 = arith.index_cast %get3A_1305 : i32 to index
        %get3A_1307 = arith.index_cast %add3A_1304 : i32 to index
        %get3A_1308 = arith.constant 112 : index
        %get3A_1309 = tpu.vector_load %arg6[%get3A_1306, %get3A_1307, %get3A_1308] {strides = array<i32>} : memref<2x256x128xi32, #tpu.memory_space<vmem>>, vector<16xi32>,
        %bitcast3A_1310 = vector.bitcast %get3A_1309 : vector<16xi32> to vector<32xbf16>
        %add3A_1311 = arith.addf %bitcast3A_1190, %bitcast3A_1198 : vector<32xbf16>
        %add3A_1312 = arith.addf %bitcast3A_1206, %bitcast3A_1214 : vector<32xbf16>
        %add3A_1313 = arith.addf %bitcast3A_1222, %bitcast3A_1230 : vector<32xbf16>
        %add3A_1314 = arith.addf %bitcast3A_1238, %bitcast3A_1246 : vector<32xbf16>
        %add3A_1315 = arith.addf %bitcast3A_1254, %bitcast3A_1262 : vector<32xbf16>
        %add3A_1316 = arith.addf %bitcast3A_1270, %bitcast3A_1278 : vector<32xbf16>
        %add3A_1317 = arith.addf %bitcast3A_1286, %bitcast3A_1294 : vector<32xbf16>
        %add3A_1318 = arith.addf %bitcast3A_1302, %bitcast3A_1310 : vector<32xbf16>
        %add3A_1319 = arith.addf %add3A_1311, %add3A_1312 : vector<32xbf16>
        %add3A_1320 = arith.addf %add3A_1313, %add3A_1314 : vector<32xbf16>
        %add3A_1321 = arith.addf %add3A_1315, %add3A_1316 : vector<32xbf16>
        %add3A_1322 = arith.addf %add3A_1317, %add3A_1318 : vector<32xbf16>
        %add3A_1323 = arith.addf %add3A_1319, %add3A_1320 : vector<32xbf16>
        %add3A_1324 = arith.addf %add3A_1321, %add3A_1322 : vector<32xbf16>
        %add3A_1325 = arith.addf %add3A_1323, %add3A_1324 : vector<32xbf16>
        %bitcast3A_1326 = vector.bitcast %add3A_1325 : vector<32xbf16> to vector<16xi32>
        %swap3A_1327 = arith.constant 1 : i32
        %swap3A_1328 = arith.index_cast %swap3A_1327 : i32 to index
        %swap3A_1329 = arith.index_cast %scan3A_139 : i32 to index
        %swap3A_1330 = arith.constant 112 : index
        %swap3A_1331 = tpu.vector_load %arg7[%swap3A_1328, %swap3A_1329, %swap3A_1330] {strides = array<i32>} : memref<2x16x128xi32, #tpu.memory_space<vmem>>, vector<16xi32>,
        tpu.vector_store %arg7[%swap3A_1328, %swap3A_1329, %swap3A_1330], %bitcast3A_1326 {strides = array<i32>} : memref<2x16x128xi32, #tpu.memory_space<vmem>>, vector<16xi32>,
        %scan3A_1332 = arith.constant 0 : i32
        scf.yield %scan3A_1332 : i32
      }
      %scan3A_115 = arith.constant 16 : i32
      %mul3A_116 = arith.constant 16 : i32
      %mul3A_117 = arith.muli %add3A_93, %mul3A_116 : i32
      %add3A_118 = arith.addi %select_n3A, %mul3A_117 : i32
      %dma_start3A_119 = arith.constant 1 : i32
      %dma_start3A_120 = arith.constant 0 : i32
      %dma_start3A_121 = arith.constant 0 : i32
      %dma_start3A_122 = tpu.memref_slice %arg7[%dma_start3A_119, %dma_start3A_120, %dma_start3A_121] : memref<2x16x128xi32, #tpu.memory_space<vmem>> -> memref<1x16x128xi32, #tpu.memory_space<vmem>>
      %dma_start3A_123 = tpu.memref_squeeze %dma_start3A_122 : memref<1x16x128xi32, #tpu.memory_space<vmem>> -> memref<16x128xi32, #tpu.memory_space<vmem>>
      %dma_start3A_124 = arith.constant 0 : i32
      %dma_start3A_125 = tpu.memref_slice %arg4[%add3A_118, %dma_start3A_124] : memref<10240x128xi32, #tpu.memory_space<hbm>> -> memref<16x128xi32, #tpu.memory_space<hbm>>
      %dma_start3A_126 = arith.constant 0 : i32
      %dma_start3A_127 = tpu.memref_slice %arg4[%add3A_118, %dma_start3A_126] : memref<10240x128xi32, #tpu.memory_space<hbm>> -> memref<16x128xi32, #tpu.memory_space<hbm>>
      %dma_start3A_128 = arith.constant 0 : i32
      %dma_start3A_129 = arith.constant 0 : i32
      %dma_start3A_130 = tpu.memref_slice %arg7[%dma_start3A_119, %dma_start3A_128, %dma_start3A_129] : memref<2x16x128xi32, #tpu.memory_space<vmem>> -> memref<1x16x128xi32, #tpu.memory_space<vmem>>
      %dma_start3A_131 = tpu.memref_squeeze %dma_start3A_130 : memref<1x16x128xi32, #tpu.memory_space<vmem>> -> memref<16x128xi32, #tpu.memory_space<vmem>>
      tpu.enqueue_dma source(%dma_start3A_131 : memref<16x128xi32, #tpu.memory_space<vmem>>) target(%dma_start3A_127 : memref<16x128xi32, #tpu.memory_space<hbm>>) target_semaphore(%arg11 : memref<!tpu.dma_semaphore, #tpu.memory_space<semaphore_mem>>)
      %add3A_132 = arith.constant 2 : i32
      %add3A_133 = arith.addi %add3A_93, %add3A_132 : i32
      %lt3A_134 = arith.cmpi slt, %add3A_133, %select_n3A_6 : i32
      %convert_element_type3A_135 = arith.extui %lt3A_134 : i1 to i32
      %cond3A_136 = arith.constant 0 : i32
      %cond3A_137 = arith.cmpi ne, %convert_element_type3A_135, %cond3A_136 : i32
      scf.if %cond3A_137 {
        %mul3A_139 = arith.constant 256 : i32
        %mul3A_140 = arith.muli %add3A_133, %mul3A_139 : i32
        %dma_start3A_141 = arith.constant 1 : i32
        %dma_start3A_142 = arith.constant 0 : i32
        %dma_start3A_143 = arith.constant 0 : i32
        %dma_start3A_144 = tpu.memref_slice %arg6[%dma_start3A_141, %dma_start3A_142, %dma_start3A_143] : memref<2x256x128xi32, #tpu.memory_space<vmem>> -> memref<1x256x128xi32, #tpu.memory_space<vmem>>
        %dma_start3A_145 = tpu.memref_squeeze %dma_start3A_144 : memref<1x256x128xi32, #tpu.memory_space<vmem>> -> memref<256x128xi32, #tpu.memory_space<vmem>>
        %dma_start3A_146 = tpu.memref_slice %arg5[%mul3A_140] : memref<8192xi32, #tpu.memory_space<vmem>> -> memref<256xi32, #tpu.memory_space<vmem>>
        %dma_start3A_147 = arith.constant 0 : i32
        %dma_start3A_148 = arith.constant 0 : i32
        %dma_start3A_149 = tpu.memref_slice %arg2[%dma_start3A_147, %dma_start3A_148] : memref<10240x128xi32, #tpu.memory_space<hbm>> -> memref<10240x128xi32, #tpu.memory_space<hbm>>
        tpu.enqueue_indirect_dma source(%dma_start3A_149 : memref<10240x128xi32, #tpu.memory_space<hbm>>) target(%dma_start3A_145 : memref<256x128xi32, #tpu.memory_space<vmem>>) offsets(%dma_start3A_146 : memref<256xi32, #tpu.memory_space<vmem>>) semaphore(%arg9 : memref<!tpu.dma_semaphore, #tpu.memory_space<semaphore_mem>>)
      } else {
      }
      %while3A_138 = arith.constant 0 : i32
      scf.yield %while3A_138 : i32
    }
    %gt3A_40 = arith.constant 0 : i32
    %gt3A_41 = arith.cmpi sgt, %select_n3A_6, %gt3A_40 : i32
    %convert_element_type3A_42 = arith.extui %gt3A_41 : i1 to i32
    %cond3A_43 = arith.constant 0 : i32
    %cond3A_44 = arith.cmpi ne, %convert_element_type3A_42, %cond3A_43 : i32
    scf.if %cond3A_44 {
      %dma_wait3A = arith.constant 0 : i32
      %dma_wait3A_45 = arith.constant 0 : i32
      %dma_wait3A_46 = arith.constant 0 : i32
      %dma_wait3A_47 = tpu.memref_slice %arg7[%dma_wait3A, %dma_wait3A_45, %dma_wait3A_46] : memref<2x16x128xi32, #tpu.memory_space<vmem>> -> memref<1x16x128xi32, #tpu.memory_space<vmem>>
      %dma_wait3A_48 = tpu.memref_squeeze %dma_wait3A_47 : memref<1x16x128xi32, #tpu.memory_space<vmem>> -> memref<16x128xi32, #tpu.memory_space<vmem>>
      %dma_wait3A_49 = arith.constant 0 : i32
      %dma_wait3A_50 = tpu.memref_slice %arg4[%select_n3A, %dma_wait3A_49] : memref<10240x128xi32, #tpu.memory_space<hbm>> -> memref<16x128xi32, #tpu.memory_space<hbm>>
      %dma_wait3A_51 = arith.constant 0 : i32
      %dma_wait3A_52 = tpu.memref_slice %arg4[%select_n3A, %dma_wait3A_51] : memref<10240x128xi32, #tpu.memory_space<hbm>> -> memref<16x128xi32, #tpu.memory_space<hbm>>
      %dma_wait3A_53 = arith.constant 0 : i32
      %dma_wait3A_54 = arith.constant 0 : i32
      %dma_wait3A_55 = tpu.memref_slice %arg7[%dma_wait3A, %dma_wait3A_53, %dma_wait3A_54] : memref<2x16x128xi32, #tpu.memory_space<vmem>> -> memref<1x16x128xi32, #tpu.memory_space<vmem>>
      %dma_wait3A_56 = tpu.memref_squeeze %dma_wait3A_55 : memref<1x16x128xi32, #tpu.memory_space<vmem>> -> memref<16x128xi32, #tpu.memory_space<vmem>>
      tpu.wait_dma2 semaphore(%arg10 : memref<!tpu.dma_semaphore, #tpu.memory_space<semaphore_mem>>) src(%dma_wait3A_56 : memref<16x128xi32, #tpu.memory_space<vmem>>) dst(%dma_wait3A_52 : memref<16x128xi32, #tpu.memory_space<hbm>>)
      %dma_wait3A_57 = arith.constant 1 : i32
      %dma_wait3A_58 = arith.constant 0 : i32
      %dma_wait3A_59 = arith.constant 0 : i32
      %dma_wait3A_60 = tpu.memref_slice %arg7[%dma_wait3A_57, %dma_wait3A_58, %dma_wait3A_59] : memref<2x16x128xi32, #tpu.memory_space<vmem>> -> memref<1x16x128xi32, #tpu.memory_space<vmem>>
      %dma_wait3A_61 = tpu.memref_squeeze %dma_wait3A_60 : memref<1x16x128xi32, #tpu.memory_space<vmem>> -> memref<16x128xi32, #tpu.memory_space<vmem>>
      %dma_wait3A_62 = arith.constant 0 : i32
      %dma_wait3A_63 = tpu.memref_slice %arg4[%select_n3A, %dma_wait3A_62] : memref<10240x128xi32, #tpu.memory_space<hbm>> -> memref<16x128xi32, #tpu.memory_space<hbm>>
      %dma_wait3A_64 = arith.constant 0 : i32
      %dma_wait3A_65 = tpu.memref_slice %arg4[%select_n3A, %dma_wait3A_64] : memref<10240x128xi32, #tpu.memory_space<hbm>> -> memref<16x128xi32, #tpu.memory_space<hbm>>
      %dma_wait3A_66 = arith.constant 0 : i32
      %dma_wait3A_67 = arith.constant 0 : i32
      %dma_wait3A_68 = tpu.memref_slice %arg7[%dma_wait3A_57, %dma_wait3A_66, %dma_wait3A_67] : memref<2x16x128xi32, #tpu.memory_space<vmem>> -> memref<1x16x128xi32, #tpu.memory_space<vmem>>
      %dma_wait3A_69 = tpu.memref_squeeze %dma_wait3A_68 : memref<1x16x128xi32, #tpu.memory_space<vmem>> -> memref<16x128xi32, #tpu.memory_space<vmem>>
      tpu.wait_dma2 semaphore(%arg11 : memref<!tpu.dma_semaphore, #tpu.memory_space<semaphore_mem>>) src(%dma_wait3A_69 : memref<16x128xi32, #tpu.memory_space<vmem>>) dst(%dma_wait3A_65 : memref<16x128xi32, #tpu.memory_space<hbm>>)
    } else {
    }
    return
  }
}

module attributes {stable_mosaic.version = 14 : i64} {
  func.func @body(%arg0: i32, %arg1: memref<512x256xf32, #tpu.memory_space<vmem>>, %arg2: memref<512x256xbf16, #tpu.memory_space<vmem>>, %arg3: memref<256x256xf32, #tpu.memory_space<vmem>>, %arg4: memref<256x1xf32, #tpu.memory_space<vmem>>, %arg5: memref<256x512xf32, #tpu.memory_space<vmem>>) attributes {dimension_semantics = [#tpu.dimension_semantics<arbitrary>], iteration_bounds = array<i64: 20>, scalar_prefetch = 0 : i64, scratch_operands = 0 : i64, tpu.core_type = #tpu.core_type<tc>, window_params = [{transform_indices = @transform_0, window_bounds = array<i64: 512, 256>}, {transform_indices = @transform_1, window_bounds = array<i64: 512, 256>}, {pipeline_mode = #tpu.pipeline_mode<synchronous>, transform_indices = @transform_2, window_bounds = array<i64: 256, 256>}, {pipeline_mode = #tpu.pipeline_mode<synchronous>, transform_indices = @transform_3, window_bounds = array<i64: 256, 1>}, {transform_indices = @transform_4, window_bounds = array<i64: 256, 512>}]} {
    %get3A = arith.constant 0 : index
    %get3A_0 = arith.constant 0 : index
    %get3A_1 = vector.load %arg1[%get3A, %get3A_0] : memref<512x256xf32, #tpu.memory_space<vmem>>, vector<512x256xf32>
    %get3A_2 = arith.constant 0 : index
    %get3A_3 = arith.constant 0 : index
    %get3A_4 = vector.load %arg2[%get3A_2, %get3A_3] : memref<512x256xbf16, #tpu.memory_space<vmem>>, vector<512x256xbf16>
    %convert_element_type3A = arith.extf %get3A_4 : vector<512x256xbf16> to vector<512x256xf32>
    %add3A = arith.addf %get3A_1, %convert_element_type3A : vector<512x256xf32>
    %get3A_5 = arith.constant 0 : index
    %get3A_6 = arith.constant 0 : index
    %get3A_7 = vector.load %arg3[%get3A_5, %get3A_6] : memref<256x256xf32, #tpu.memory_space<vmem>>, vector<256x256xf32>
    %dot_general3A = arith.constant dense<0.000000e+00> : vector<256x512xf32>
    %dot_general3A_8 = tpu.matmul %get3A_7, %add3A, %dot_general3A {dimension_numbers = #tpu.dot_dimension_numbers<[1], [1], [0], [0], [0, 0, 1, 0], [], []>, transpose_lhs_hint = false} : vector<256x256xf32>, vector<512x256xf32>, vector<256x512xf32> -> vector<256x512xf32>
    %get3A_9 = arith.constant 0 : index
    %get3A_10 = arith.constant 0 : index
    %get3A_11 = vector.load %arg4[%get3A_9, %get3A_10] : memref<256x1xf32, #tpu.memory_space<vmem>>, vector<256x1xf32>
    %add3A_12 = vector.broadcast %get3A_11 : vector<256x1xf32> to vector<256x512xf32>
    %add3A_13 = arith.addf %dot_general3A_8, %add3A_12 : vector<256x512xf32>
    %max3A = arith.constant 0.000000e+00 : f32
    %max3A_14 = vector.broadcast %max3A : f32 to vector<256x512xf32>
    %max3A_15 = arith.maximumf %add3A_13, %max3A_14 : vector<256x512xf32>
    %swap3A = arith.constant 0 : index
    %swap3A_16 = arith.constant 0 : index
    %swap3A_17 = vector.load %arg5[%swap3A, %swap3A_16] : memref<256x512xf32, #tpu.memory_space<vmem>>, vector<256x512xf32>
    tpu.vector_store %arg5[%swap3A, %swap3A_16], %max3A_15 {strides = array<i32>} : memref<256x512xf32, #tpu.memory_space<vmem>>, vector<256x512xf32>,
    return
  }
  func.func @transform_0(%arg0: i32) -> (i32, i32) {
    %c0_i32 = arith.constant 0 : i32
    %c0_i32_0 = arith.constant 0 : i32
    return %arg0, %c0_i32 : i32, i32
  }
  func.func @transform_1(%arg0: i32) -> (i32, i32) {
    %c0_i32 = arith.constant 0 : i32
    %c0_i32_0 = arith.constant 0 : i32
    return %arg0, %c0_i32 : i32, i32
  }
  func.func @transform_2(%arg0: i32) -> (i32, i32) {
    %c0_i32 = arith.constant 0 : i32
    %c0_i32_0 = arith.constant 0 : i32
    %c0_i32_1 = arith.constant 0 : i32
    return %c0_i32, %c0_i32_0 : i32, i32
  }
  func.func @transform_3(%arg0: i32) -> (i32, i32) {
    %c0_i32 = arith.constant 0 : i32
    %c0_i32_0 = arith.constant 0 : i32
    %c0_i32_1 = arith.constant 0 : i32
    return %c0_i32, %c0_i32_0 : i32, i32
  }
  func.func @transform_4(%arg0: i32) -> (i32, i32) {
    %c0_i32 = arith.constant 0 : i32
    %c0_i32_0 = arith.constant 0 : i32
    return %c0_i32, %arg0 : i32, i32
  }
}

</mosaic_0001>

<sc_bundles>
// kernel: kernel.4.cloned.1.call-start
scs
__scs_entry_jumppad:
0x0: {  	(pc) =	sbr.rel $0x88, $3  }
0x1: {  	(tag) =	ssettag $0x0;
	lr =	simm.s32 $0x1  }
0x2: {  	[smem:$0x3F9D] =	sst lr;
	_ =	strace $0xD0000000  }
0x3: {  	_ = 	snop  }
0x4: {  	_ = 	snop  }
0x5: {  	_ = 	snop  }
0x6: {  	_ = 	snop  }
0x7: {  	_ = 	snop  }
__scs_overlays_trampoline_lowered:
0x8: {  	[smem:$0x3FAC] =	sst s0  }
0x9: {  	[smem:$0x3FAD] =	sst s1  }
0xa: {  	[smem:$0x3FAE] =	sst s2  }
0xb: {  	[smem:$0x3FAF] =	sst s3  }
0xc: {  	[smem:$0x3FB0] =	sst s4  }
0xd: {  	[smem:$0x3FB1] =	sst s5  }
0xe: {  	[smem:$0x3FB2] =	sst s6  }
0xf: {  	[smem:$0x3FB3] =	sst s7  }
0x10: {  	[smem:$0x3FB4] =	sst s8  }
0x11: {  	[smem:$0x3FB5] =	sst s9;
	s0 =	simm.s32 @!p0 $0x0  }
0x12: {  	s1 =	sld [smem:$0x3F9B];
	s0 =	simm.s32 @p0 $0x1  }
0x13: {  	[smem:$0x3FB6] =	sst s0;
	s0 =	simm.s32 @!p1 $0x0  }
0x14: {  	s2 =	sld [smem:$0x3F9A];
	s0 =	simm.s32 @p1 $0x1  }
0x15: {  	[smem:$0x3FB7] =	sst s0;
	s0 =	simm.s32 @!p2 $0x0  }
0x16: {  	s3 =	sld [smem:$0x3FDB];
	s0 =	simm.s32 @p2 $0x1  }
0x17: {  	s4 =	simm.s32 $0x1BF5;
	[smem:$0x3FB9] =	sst s0  }
0x18: {  	s0 =	sld [smem:$0x3F9C];
	_ =	swait.ge [sflag:s4], $0x0  }
0x19: {  	s7 =	sld [smem:$0x3F9D]  }
0x1a: {  	s8 =	sadd.s32 $0xFFFFE003, lr  }
0x1b: {  	s9 =	sadd.s32 $0xFFFFFEF7, lr;
	s5 =	simm.s32 $0xFFFFFFFF;
	p2 =	slt.u32 s8, $0xFFFFF086  }
0x1c: {  	p1 =	slt.u32 s9, $0xF7A;
	s5 =	simm.s32 @!p2 $0x0  }
0x1d: {  	s5 =	simm.s32 @p1 $0x1;
	p0 =	seq.s32 s7, s2  }
0x1e: {  	s7 =	smul.u32 @!p0 $0xF7A, s2;
	p2 =	seq.s32 @!p0 s5, $0x0  }
0x1f: {  	s9 =	smul.u32 $0xF7A, s1;
	s8 =	simm.s32 @!p0 $0x1BF5;
	p2 =	por !p2, p0  }
0x20: {  	[sflag:s8] =	ssyncset.s32 @!p0 $0xFFFFF086;
	s6 =	sadd.s32 @!p0 s3, s7;
	s7 =	simm.s32 @!p0 $0x108  }
0x21: {  	s3 =	sadd.s32 s3, s9;
	s6 =	sadd.s32 @!p0 $0x88, s6;
	s7 =	simm.s32 @p2 $0x1082  }
0x22: {  	[simem:s7], [sflag:s8] =	dma.local @!p0 [hbm:s6], $0xF7A  }
0x23: {  	s9 =	sor.u32 $0xD0000000, s2;
	s6 =	simm.s32 $0x108;
	_ =	swait.ge @!p0 [sflag:s8], $0x0  }
0x24: {  	s3 =	sadd.s32 $0x88, s3;
	s6 =	simm.s32 @!p1 $0x1082;
	[sflag:s4] =	ssyncset.s32 $0xFFFFF086  }
0x25: {  	[simem:s6], [sflag:s4] =	dma.local [hbm:s3], $0xF7A  }
0x26: {  	[smem:$0x3F9D] =	sst s1;
	(tag) =	ssettag s2;
	_ =	strace s9  }
0x27: {  	s1 =	sld [smem:$0x3FAD]  }
0x28: {  	s2 =	sld [smem:$0x3FAE]  }
0x29: {  	s4 =	sld [smem:$0x3FB0]  }
0x2a: {  	p0 =	seq.s32 s5, $0x0;
	s5 =	sld [smem:$0x3FB1]  }
0x2b: {  	s6 =	sld [smem:$0x3FB2]  }
0x2c: {  	s7 =	sld [smem:$0x3FB3]  }
0x2d: {  	s3 =	simm.s32 $0x108;
	s8 =	sld [smem:$0x3FB4]  }
0x2e: {  	s3 =	simm.s32 @!p0 $0x1082;
	s9 =	sld [smem:$0x3FB5]  }
0x2f: {  	lr =	sadd.s32 s0, s3;
	s0 =	sld [smem:$0x3FAC]  }
0x30: {  	s3 =	sld [smem:$0x3FAF]  }
0x31: {  	[smem:$0x3FB8] =	sst s10  }
0x32: {  	s10 =	sld [smem:$0x3FB6];
	_ =	sdelay $0x3  }
0x33: {  	p0 =	seq.s32 s10, $0x1;
	s10 =	sld [smem:$0x3FB8];
	_ =	sdelay $0x3  }
0x34: {  	[smem:$0x3FB8] =	sst s10  }
0x35: {  	s10 =	sld [smem:$0x3FB7];
	_ =	sdelay $0x3  }
0x36: {  	p1 =	seq.s32 s10, $0x1;
	s10 =	sld [smem:$0x3FB8];
	_ =	sdelay $0x3  }
0x37: {  	[smem:$0x3FB8] =	sst s10  }
0x38: {  	s10 =	sld [smem:$0x3FB9]  }
0x39: {  	_ = 	snop;
	(pc) =	sbr.ind lr, $3  }
0x3a: {  	_ = 	snop  }
0x3b: {  	_ = 	snop  }
0x3c: {  	p2 =	seq.s32 s10, $0x1;
	s10 =	sld [smem:$0x3FB8]  }
0x3d: {  	_ =	shalt  }
0x3e: {  	_ =	shalt  }
0x3f: {  	_ =	shalt  }
0x40: {  	_ =	shalt  }
0x41: {  	_ =	shalt  }
0x42: {  	_ =	shalt  }
0x43: {  	_ =	shalt  }
0x44: {  	_ =	shalt  }
0x45: {  	_ =	shalt  }
0x46: {  	_ =	shalt  }
0x47: {  	_ =	shalt  }
0x48: {  	_ =	shalt  }
0x49: {  	_ =	shalt  }
0x4a: {  	_ =	shalt  }
0x4b: {  	_ =	shalt  }
0x4c: {  	_ =	shalt  }
0x4d: {  	_ =	shalt  }
0x4e: {  	_ =	shalt  }
0x4f: {  	_ =	shalt  }
0x50: {  	_ =	shalt  }
0x51: {  	_ =	shalt  }
0x52: {  	_ =	shalt  }
0x53: {  	_ =	shalt  }
0x54: {  	_ =	shalt  }
0x55: {  	_ =	shalt  }
0x56: {  	_ =	shalt  }
0x57: {  	_ =	shalt  }
0x58: {  	_ =	shalt  }
0x59: {  	_ =	shalt  }
0x5a: {  	_ =	shalt  }
0x5b: {  	_ =	shalt  }
0x5c: {  	_ =	shalt  }
0x5d: {  	_ =	shalt  }
0x5e: {  	_ =	shalt  }
0x5f: {  	_ =	shalt  }
0x60: {  	_ =	shalt  }
0x61: {  	_ =	shalt  }
0x62: {  	_ =	shalt  }
0x63: {  	_ =	shalt  }
0x64: {  	_ =	shalt  }
0x65: {  	_ =	shalt  }
0x66: {  	_ =	shalt  }
0x67: {  	_ =	shalt  }
0x68: {  	_ =	shalt  }
0x69: {  	_ =	shalt  }
0x6a: {  	_ =	shalt  }
0x6b: {  	_ =	shalt  }
0x6c: {  	_ =	shalt  }
0x6d: {  	_ =	shalt  }
0x6e: {  	_ =	shalt  }
0x6f: {  	_ =	shalt  }
0x70: {  	_ =	shalt  }
0x71: {  	_ =	shalt  }
0x72: {  	_ =	shalt  }
0x73: {  	_ =	shalt  }
0x74: {  	_ =	shalt  }
0x75: {  	_ =	shalt  }
0x76: {  	_ =	shalt  }
0x77: {  	_ =	shalt  }
0x78: {  	_ =	shalt  }
0x79: {  	_ =	shalt  }
0x7a: {  	_ =	shalt  }
0x7b: {  	_ =	shalt  }
0x7c: {  	_ =	shalt  }
0x7d: {  	_ =	shalt  }
0x7e: {  	_ =	shalt  }
0x7f: {  	_ =	shalt  }
0x80: {  	_ =	shalt  }
0x81: {  	_ =	shalt  }
0x82: {  	_ =	shalt  }
0x83: {  	_ =	shalt  }
0x84: {  	_ =	shalt  }
0x85: {  	_ =	shalt  }
0x86: {  	_ =	shalt  }
0x87: {  	_ =	shalt  }
.Lfunc_end0:
.L_simem_size_0:
called_computation_lowered:
.L_overlay_start_0:
0x88: {  	s2 =	sld [smem:$0x3FD9]  }
0x89: {  	s3 =	sld [smem:$0x3FFE];
	_ =	sdelay $0x1  }
0x8a: {  	s1 =	srdreg.scid  }
0x8b: {  	s0 =	sand.u32 $0x1, s1  }
0x8c: {  	s17 =	sshll.u32 s0, $0xA;
	s2 =	sadd.s32 s3, s2  }
0x8d: {  	s2 =	sadd.s32 s2, s17  }
0x8e: {  	[smem:$0x3FC4] =	sst s2  }
0x8f: {  	_ = 	snop  }
0x90: {  	s2 =	sld [smem:$0x3FD0];
	(tm) =	ssettm $0x1  }
0x91: {  	s18 =	sld [smem:$0x3FFB];
	_ =	sdelay $0x3  }
0x92: {  	_ =	strace s18  }
0x93: {  	s3 =	sld [smem:$0x3FFC];
	_ =	sdelay $0x3  }
0x94: {  	_ =	strace s3  }
0x95: {  	s3 =	sld [smem:$0x3FFD];
	_ =	sdelay $0x3  }
0x96: {  	_ =	strace s3  }
0x97: {  	_ =	strace $0x8FFFFFFF  }
0x98: {  	s19 =	sld [smem:$0x3FDB];
	_ =	sdelay $0x1  }
0x99: {  	s4 =	simm.s32 $_scs_section_size  }
0x9a: {  	s5 =	simm.s32 $_size__tile_overlayer_lowered;
	s6 =	simm.s32 $_tile_overlayer_lowered  }
0x9b: {  	s22 =	simm.s32 $0x1BFF;
	s21 =	sshll.u32 s6, $0x1;
	s3 =	sadd.s32 s4, s19  }
0x9c: {  	s7 =	simm.s32 $0x0;
	s20 =	sshll.u32 s5, $0x1;
	s5 =	sadd.s32 s21, s3  }
0x9d: {  	[timem:s7], [sflag:s22] =	dma.local [hbm:s5], s20  }
0x9e: {  	_ =	swait.ge [sflag:s22], s20  }
0x9f: {  	s4 =	ssub.s32 $0x0, s20;
	[sflag:s22] =	ssyncset.done $0x0  }
0xa0: {  	[sflag:s22] =	ssyncadd.s32 s4;
	_ =	sdelay $0x1  }
0xa1: {  	s23 =	simm.s32 $0x1B8B  }
0xa2: {  	_ =	swait.ge [sflag:s23], $0x1  }
0xa3: {  	[sflag:s23] =	ssyncset.done $0x0  }
0xa4: {  	s25 =	simm.s32 $0x1B8E;
	s24 =	sld [smem:$0x3FFE];
	[sflag:s23] =	ssyncadd.s32 $0xFFFFFFFF  }
0xa5: {  	s26 =	simm.s32 $execute0_lowered;
	[smem:$0x3FD2] =	sst s25  }
0xa6: {  	s5 =	sshll.u32 s26, $0x1;
	_ =	strace $0x80000046;
	[dreg:$0x1] =	wrdreg $0xFFFFFFFF  }
0xa7: {  	s28 =	simm.s32 $_size_execute0_lowered;
	s3 =	sadd.s32 s3, s5;
	[dreg:$0x0] =	wrdreg $0x0  }
0xa8: {  	s5 =	sshll.u32 s28, $0x1;
	[dreg:$0x2] =	wrdreg s3  }
0xa9: {  	[dreg:$0x3] =	wrdreg s5  }
0xaa: {  	[dreg:$0x4] =	wrdreg $0xC0  }
0xab: {  	_ =	task [dreg:s7], $0x5FFFF  }
0xac: {  	[dreg:$0x1] =	wrdreg $0xFFFFFFFF  }
0xad: {  	[dreg:$0x0] =	wrdreg $0x60  }
0xae: {  	[dreg:$0x2] =	wrdreg s2  }
0xaf: {  	[dreg:$0x3] =	wrdreg s24  }
0xb0: {  	[dreg:$0x4] =	wrdreg $0x9  }
0xb1: {  	_ =	task.clear_ibuf [dreg:s7], $0x5FFFF;
	_ =	strace $0x90000046  }
0xb2: {  	s29 =	simm.s32 $0x9;
	_ =	strace $0x80000048  }
0xb3: {  	_ =	swait.ge [sflag:s29], $0x1  }
0xb4: {  	[sflag:s29] =	ssyncadd.s32 $0xFFFFFFFF  }
0xb5: {  	_ =	strace $0x90000048  }
0xb6: {  	_ =	sfence  }
0xb7: {  	s30 =	sld [smem:$0x0];
	_ =	sdelay $0x2  }
0xb8: {  	s31 =	sshll.u32 s1, $0xD;
	s1 =	sshrl.u32 s1, $0x2  }
0xb9: {  	s3 =	sand.u32 $0x4000, s31;
	s1 =	sadd.s32 s1, s30  }
0xba: {  	s0 =	sor.u32 s3, s0;
	s1 =	sshll.u32 s1, $0x11  }
0xbb: {  	s0 =	sor.u32 s1, s0  }
0xbc: {  	s0 =	sadd.s32 $0x8F2B, s0  }
0xbd: {  	[sflag:s0] =	ssyncadd.remote.s32 $0x1  }
0xbe: {  	_ =	sfence.sel $0xFFFF  }
0xbf: {  	[dreg:$0x0] =	wrdreg $0xFFFFFFFF;
	(pc) =	sbr.abs _section_cstart, $3  }
0xc0: {  	[dreg:$0x1] =	wrdreg $0xFFFFFFFF  }
0xc1: {  	_ =	task.clear_ibuf [dreg:s7], $0x2FFFF;
	_ =	strace $0x9FFFFFFF  }
0xc2: {  	(tm) =	ssettm $0x7FFFFFFF  }
0xc3: {  	_ =	shalt  }
tec
execute0_lowered:
.L_overlay_start_1:
0x0: {  	(tag) =	ssettag $0x1  }
0x1: {  	s2 =	rddreg [dreg:$0x0]  }
0x2: {  	s5 =	rddreg [dreg:$0x1]  }
0x3: {  	s0 =	rddreg [dreg:$0x2];
	s4 =	srdreg.scid  }
0x4: {  	s1 =	stileid.u32;
	s3 =	simm.s32 $0x0;
	s11 =	simm.s32 $0x5  }
0x5: {  	s12 =	simm.s32 $0x100;
	s13 =	simm.s32 $0x2000;
	s14 =	simm.s32 $0xA000  }
0x6: {  	s15 =	simm.s32 $0x1;
	s16 =	simm.s32 $0x12000;
	s17 =	simm.s32 $0x2  }
0x7: {  	s18 =	simm.s32 $0x12800;
	s19 =	simm.s32 $0x3;
	s20 =	simm.s32 $0x4  }
0x8: {  	s21 =	simm.s32 $0x0;
	s4 =	sand.u32 $0x1, s4;
	s6 =	sshll.u32 s1, $0x7  }
0x9: {  	s7 =	sshll.u32 s1, $0x9;
	[smem:$0x7FF] =	sst s3;
	p0 =	seq.s32 s4, $0x0  }
0xa: {  	s8 =	sor.u32 $0x2000, s6;
	_ =	strace $0x80000047;
	s31 =	ssub.s32 $0x2, s4  }
0xb: {  	s4 =	simm.s32 $0x20;
	s8 =	smov.u32 @p0 s7;
	s9 =	sshrl.u32 s31, $0x1  }
0xc: {  	s4 =	simm.s32 @!p0 $0x8;
	s30 =	sshll.u32 s8, $0x1;
	s9 =	ssub.s32 s31, s9  }
0xd: {  	s10 =	sshll.u32 s8, $0x4;
	s6 =	sadd.s32 s30, s5;
	s5 =	sadd.s32 $0x5A00, s5  }
0xe: {  	s7 =	sshrl.u32 s4, $0x1;
	s8 =	sshll.u32 s8, $0x7;
	s10 =	sadd.s32 s10, s5  }
0xf: {  	s9 =	smax.u32 s9, $0x1;
	s6 =	sadd.s32 $0x600, s6;
	s10 =	sadd.s32 $0x100, s10  }
.LBB2_1:
0x10: {  	[tilespmem:s3], [sflag:$0x5] =	stream.linear.gather [hbm4b:s6+s3], $0x2000, $0x38;
	[tilespmem:$0x13000] =	vst v63  }
0x11: {  	_ =	swait.ge [sflag:s11], $0x2000  }
0x12: {  	[sflag:s11] =	ssyncset.done $0x0  }
0x13: {  	[sflag:s11] =	ssyncadd.s32 $0xFFFFE000  }
0x14: {  	[tilespmem:s13], [sflag:$0x1] =	stream.indirect.gather [hbm4b:s2+s12], $0x80, s3, s12, $0xb8;
	[tilespmem:$0x13000] =	vst v63  }
0x15: {  	s22 =	simm.s32 $0x0  }
0x16: {  	[tilespmem:s14], [sflag:$0x2] =	stream.indirect.gather [hbm4b:s2+s12], $0x80, s12, s12, $0xb8;
	[tilespmem:$0x13000] =	vst v63  }
.LBB2_2:
0x17: {  	_ =	swait.ge [sflag:s15], $0x8000  }
0x18: {  	p0 =	seq.s32 s22, $0x0;
	[sflag:s15] =	ssyncset.done $0x0  }
0x19: {  	s24 =	simm.s32 @!p0 $0x3;
	[sflag:s15] =	ssyncadd.s32 $0xFFFF8000  }
0x1a: {  	_ =	swait.ge @!p0 [sflag:s24], $0x800  }
0x1b: {  	s23 =	sshll.u32 s22, $0x1;
	[sflag:s24] =	ssyncset.done @!p0 $0x0  }
0x1c: {  	s25 =	simm.s32 $0x2400;
	[sflag:s24] =	ssyncadd.s32 @!p0 $0xFFFFF800;
	s24 =	simm.s32 $0x0  }
.LBB2_3:
0x1d: {  	v0 =	vld [tilespmem:s25+$0xFFFFFC00]  }
0x1e: {  	v1 =	vld [tilespmem:s25+$0xFFFFFC80]  }
0x1f: {  	v2 =	vld [tilespmem:s25+$0xFFFFFD00]  }
0x20: {  	v3 =	vld [tilespmem:s25+$0xFFFFFD80]  }
0x21: {  	v4 =	vld [tilespmem:s25+$0xFFFFFE00]  }
0x22: {  	v5 =	vld [tilespmem:s25+$0xFFFFFE80]  }
0x23: {  	v6 =	vld [tilespmem:s25+$0xFFFFFF00]  }
0x24: {  	v7 =	vld [tilespmem:s25+$0xFFFFFF80]  }
0x25: {  	v8 =	vld [tilespmem:s25+$0x0]  }
0x26: {  	v9 =	vld [tilespmem:s25+$0x80]  }
0x27: {  	v10 =	vld [tilespmem:s25+$0x100]  }
0x28: {  	v11 =	vld [tilespmem:s25+$0x180]  }
0x29: {  	v12 =	vld [tilespmem:s25+$0x200]  }
0x2a: {  	v13 =	vld [tilespmem:s25+$0x280]  }
0x2b: {  	v14 =	vld [tilespmem:s25+$0x300]  }
0x2c: {  	v15 =	vld [tilespmem:s25+$0x380];
	_ =	sdelay $0x1  }
0x2d: {  	v0 =	vadd.bf16 v1, v0;
	v61 =	vadd.bf16 v3, v2  }
0x2e: {  	v62 =	vadd.bf16 v5, v4;
	v63 =	vadd.bf16 v7, v6  }
0x2f: {  	v9 =	vadd.bf16 v9, v8;
	v11 =	vadd.bf16 v11, v10  }
0x30: {  	v16 =	vadd.bf16 v13, v12;
	v17 =	vadd.bf16 v15, v14  }
0x31: {  	v0 =	vadd.bf16 v61, v0;
	v18 =	vadd.bf16 v63, v62  }
0x32: {  	v19 =	vadd.bf16 v11, v9;
	v20 =	vadd.bf16 v17, v16;
	_ =	sdelay $0x1  }
0x33: {  	v0 =	vadd.bf16 v18, v0;
	v21 =	vadd.bf16 v20, v19;
	_ =	sdelay $0x1  }
0x34: {  	v0 =	vadd.bf16 v21, v0  }
0x35: {  	s26 =	sshra.s32 s24, $0x2  }
0x36: {  	[tilespmem:s26+$0x12000] =	vst v0  }
0x37: {  	v0 =	vld [tilespmem:s25+$0xFFFFFC10]  }
0x38: {  	v22 =	vld [tilespmem:s25+$0xFFFFFC90]  }
0x39: {  	v23 =	vld [tilespmem:s25+$0xFFFFFD10]  }
0x3a: {  	v24 =	vld [tilespmem:s25+$0xFFFFFD90]  }
0x3b: {  	v25 =	vld [tilespmem:s25+$0xFFFFFE10]  }
0x3c: {  	v26 =	vld [tilespmem:s25+$0xFFFFFE90]  }
0x3d: {  	v27 =	vld [tilespmem:s25+$0xFFFFFF10]  }
0x3e: {  	v28 =	vld [tilespmem:s25+$0xFFFFFF90]  }
0x3f: {  	v29 =	vld [tilespmem:s25+$0x10]  }
0x40: {  	v30 =	vld [tilespmem:s25+$0x90]  }
0x41: {  	v31 =	vld [tilespmem:s25+$0x110]  }
0x42: {  	v32 =	vld [tilespmem:s25+$0x190]  }
0x43: {  	v33 =	vld [tilespmem:s25+$0x210]  }
0x44: {  	v34 =	vld [tilespmem:s25+$0x290]  }
0x45: {  	v35 =	vld [tilespmem:s25+$0x310]  }
0x46: {  	v36 =	vld [tilespmem:s25+$0x390];
	_ =	sdelay $0x1  }
0x47: {  	v0 =	vadd.bf16 v22, v0;
	v37 =	vadd.bf16 v24, v23  }
0x48: {  	v38 =	vadd.bf16 v26, v25;
	v39 =	vadd.bf16 v28, v27  }
0x49: {  	v40 =	vadd.bf16 v30, v29;
	v41 =	vadd.bf16 v32, v31  }
0x4a: {  	v42 =	vadd.bf16 v34, v33;
	v43 =	vadd.bf16 v36, v35  }
0x4b: {  	v0 =	vadd.bf16 v37, v0;
	v44 =	vadd.bf16 v39, v38  }
0x4c: {  	v45 =	vadd.bf16 v41, v40;
	v46 =	vadd.bf16 v43, v42;
	_ =	sdelay $0x1  }
0x4d: {  	v0 =	vadd.bf16 v44, v0;
	v47 =	vadd.bf16 v46, v45;
	_ =	sdelay $0x1  }
0x4e: {  	v0 =	vadd.bf16 v47, v0;
	_ =	sdelay $0x1  }
0x4f: {  	[tilespmem:s26+$0x12010] =	vst v0  }
0x50: {  	v0 =	vld [tilespmem:s25+$0xFFFFFC20]  }
0x51: {  	v48 =	vld [tilespmem:s25+$0xFFFFFCA0]  }
0x52: {  	v49 =	vld [tilespmem:s25+$0xFFFFFD20]  }
0x53: {  	v50 =	vld [tilespmem:s25+$0xFFFFFDA0]  }
0x54: {  	v51 =	vld [tilespmem:s25+$0xFFFFFE20]  }
0x55: {  	v52 =	vld [tilespmem:s25+$0xFFFFFEA0]  }
0x56: {  	v53 =	vld [tilespmem:s25+$0xFFFFFF20]  }
0x57: {  	v54 =	vld [tilespmem:s25+$0xFFFFFFA0]  }
0x58: {  	v55 =	vld [tilespmem:s25+$0x20]  }
0x59: {  	v56 =	vld [tilespmem:s25+$0xA0]  }
0x5a: {  	v57 =	vld [tilespmem:s25+$0x120]  }
0x5b: {  	v58 =	vld [tilespmem:s25+$0x1A0]  }
0x5c: {  	v59 =	vld [tilespmem:s25+$0x220]  }
0x5d: {  	v60 =	vld [tilespmem:s25+$0x2A0]  }
0x5e: {  	v61 =	vld [tilespmem:s25+$0x320]  }
0x5f: {  	v62 =	vld [tilespmem:s25+$0x3A0];
	_ =	sdelay $0x1  }
0x60: {  	v0 =	vadd.bf16 v48, v0;
	v63 =	vadd.bf16 v50, v49  }
0x61: {  	v16 =	vadd.bf16 v52, v51;
	v17 =	vadd.bf16 v54, v53  }
0x62: {  	v18 =	vadd.bf16 v56, v55;
	v19 =	vadd.bf16 v58, v57  }
0x63: {  	v20 =	vadd.bf16 v60, v59;
	v21 =	vadd.bf16 v62, v61  }
0x64: {  	v0 =	vadd.bf16 v63, v0;
	v22 =	vadd.bf16 v17, v16  }
0x65: {  	v23 =	vadd.bf16 v19, v18;
	v24 =	vadd.bf16 v21, v20;
	_ =	sdelay $0x1  }
0x66: {  	v0 =	vadd.bf16 v22, v0;
	v25 =	vadd.bf16 v24, v23;
	_ =	sdelay $0x1  }
0x67: {  	v0 =	vadd.bf16 v25, v0;
	_ =	sdelay $0x1  }
0x68: {  	[tilespmem:s26+$0x12020] =	vst v0  }
0x69: {  	v0 =	vld [tilespmem:s25+$0xFFFFFC30]  }
0x6a: {  	v26 =	vld [tilespmem:s25+$0xFFFFFCB0]  }
0x6b: {  	v27 =	vld [tilespmem:s25+$0xFFFFFD30]  }
0x6c: {  	v28 =	vld [tilespmem:s25+$0xFFFFFDB0]  }
0x6d: {  	v29 =	vld [tilespmem:s25+$0xFFFFFE30]  }
0x6e: {  	v30 =	vld [tilespmem:s25+$0xFFFFFEB0]  }
0x6f: {  	v31 =	vld [tilespmem:s25+$0xFFFFFF30]  }
0x70: {  	v32 =	vld [tilespmem:s25+$0xFFFFFFB0]  }
0x71: {  	v33 =	vld [tilespmem:s25+$0x30]  }
0x72: {  	v34 =	vld [tilespmem:s25+$0xB0]  }
0x73: {  	v35 =	vld [tilespmem:s25+$0x130]  }
0x74: {  	v36 =	vld [tilespmem:s25+$0x1B0]  }
0x75: {  	v37 =	vld [tilespmem:s25+$0x230]  }
0x76: {  	v38 =	vld [tilespmem:s25+$0x2B0]  }
0x77: {  	v39 =	vld [tilespmem:s25+$0x330]  }
0x78: {  	v40 =	vld [tilespmem:s25+$0x3B0];
	_ =	sdelay $0x1  }
0x79: {  	v0 =	vadd.bf16 v26, v0;
	v41 =	vadd.bf16 v28, v27  }
0x7a: {  	v42 =	vadd.bf16 v30, v29;
	v43 =	vadd.bf16 v32, v31  }
0x7b: {  	v44 =	vadd.bf16 v34, v33;
	v45 =	vadd.bf16 v36, v35  }
0x7c: {  	v46 =	vadd.bf16 v38, v37;
	v47 =	vadd.bf16 v40, v39  }
0x7d: {  	v0 =	vadd.bf16 v41, v0;
	v48 =	vadd.bf16 v43, v42  }
0x7e: {  	v49 =	vadd.bf16 v45, v44;
	v50 =	vadd.bf16 v47, v46;
	_ =	sdelay $0x1  }
0x7f: {  	v0 =	vadd.bf16 v48, v0;
	v51 =	vadd.bf16 v50, v49;
	_ =	sdelay $0x1  }
0x80: {  	v0 =	vadd.bf16 v51, v0;
	_ =	sdelay $0x1  }
0x81: {  	[tilespmem:s26+$0x12030] =	vst v0  }
0x82: {  	v0 =	vld [tilespmem:s25+$0xFFFFFC40]  }
0x83: {  	v52 =	vld [tilespmem:s25+$0xFFFFFCC0]  }
0x84: {  	v53 =	vld [tilespmem:s25+$0xFFFFFD40]  }
0x85: {  	v54 =	vld [tilespmem:s25+$0xFFFFFDC0]  }
0x86: {  	v55 =	vld [tilespmem:s25+$0xFFFFFE40]  }
0x87: {  	v56 =	vld [tilespmem:s25+$0xFFFFFEC0]  }
0x88: {  	v57 =	vld [tilespmem:s25+$0xFFFFFF40]  }
0x89: {  	v58 =	vld [tilespmem:s25+$0xFFFFFFC0]  }
0x8a: {  	v59 =	vld [tilespmem:s25+$0x40]  }
0x8b: {  	v60 =	vld [tilespmem:s25+$0xC0]  }
0x8c: {  	v61 =	vld [tilespmem:s25+$0x140]  }
0x8d: {  	v62 =	vld [tilespmem:s25+$0x1C0]  }
0x8e: {  	v63 =	vld [tilespmem:s25+$0x240]  }
0x8f: {  	v18 =	vld [tilespmem:s25+$0x2C0]  }
0x90: {  	v19 =	vld [tilespmem:s25+$0x340]  }
0x91: {  	v20 =	vld [tilespmem:s25+$0x3C0];
	_ =	sdelay $0x1  }
0x92: {  	v0 =	vadd.bf16 v52, v0;
	v21 =	vadd.bf16 v54, v53  }
0x93: {  	v22 =	vadd.bf16 v56, v55;
	v23 =	vadd.bf16 v58, v57  }
0x94: {  	v24 =	vadd.bf16 v60, v59;
	v25 =	vadd.bf16 v62, v61  }
0x95: {  	v26 =	vadd.bf16 v18, v63;
	v27 =	vadd.bf16 v20, v19  }
0x96: {  	v0 =	vadd.bf16 v21, v0;
	v28 =	vadd.bf16 v23, v22  }
0x97: {  	v29 =	vadd.bf16 v25, v24;
	v30 =	vadd.bf16 v27, v26;
	_ =	sdelay $0x1  }
0x98: {  	v0 =	vadd.bf16 v28, v0;
	v31 =	vadd.bf16 v30, v29;
	_ =	sdelay $0x1  }
0x99: {  	v0 =	vadd.bf16 v31, v0;
	_ =	sdelay $0x1  }
0x9a: {  	[tilespmem:s26+$0x12040] =	vst v0  }
0x9b: {  	v0 =	vld [tilespmem:s25+$0xFFFFFC50]  }
0x9c: {  	v32 =	vld [tilespmem:s25+$0xFFFFFCD0]  }
0x9d: {  	v33 =	vld [tilespmem:s25+$0xFFFFFD50]  }
0x9e: {  	v34 =	vld [tilespmem:s25+$0xFFFFFDD0]  }
0x9f: {  	v35 =	vld [tilespmem:s25+$0xFFFFFE50]  }
0xa0: {  	v36 =	vld [tilespmem:s25+$0xFFFFFED0]  }
0xa1: {  	v37 =	vld [tilespmem:s25+$0xFFFFFF50]  }
0xa2: {  	v38 =	vld [tilespmem:s25+$0xFFFFFFD0]  }
0xa3: {  	v39 =	vld [tilespmem:s25+$0x50]  }
0xa4: {  	v40 =	vld [tilespmem:s25+$0xD0]  }
0xa5: {  	v41 =	vld [tilespmem:s25+$0x150]  }
0xa6: {  	v42 =	vld [tilespmem:s25+$0x1D0]  }
0xa7: {  	v43 =	vld [tilespmem:s25+$0x250]  }
0xa8: {  	v44 =	vld [tilespmem:s25+$0x2D0]  }
0xa9: {  	v45 =	vld [tilespmem:s25+$0x350]  }
0xaa: {  	v46 =	vld [tilespmem:s25+$0x3D0];
	_ =	sdelay $0x1  }
0xab: {  	v0 =	vadd.bf16 v32, v0;
	v47 =	vadd.bf16 v34, v33  }
0xac: {  	v48 =	vadd.bf16 v36, v35;
	v49 =	vadd.bf16 v38, v37  }
0xad: {  	v50 =	vadd.bf16 v40, v39;
	v51 =	vadd.bf16 v42, v41  }
0xae: {  	v52 =	vadd.bf16 v44, v43;
	v53 =	vadd.bf16 v46, v45  }
0xaf: {  	v0 =	vadd.bf16 v47, v0;
	v54 =	vadd.bf16 v49, v48  }
0xb0: {  	v55 =	vadd.bf16 v51, v50;
	v56 =	vadd.bf16 v53, v52;
	_ =	sdelay $0x1  }
0xb1: {  	v0 =	vadd.bf16 v54, v0;
	v57 =	vadd.bf16 v56, v55;
	_ =	sdelay $0x1  }
0xb2: {  	v0 =	vadd.bf16 v57, v0;
	_ =	sdelay $0x1  }
0xb3: {  	[tilespmem:s26+$0x12050] =	vst v0  }
0xb4: {  	v0 =	vld [tilespmem:s25+$0xFFFFFC60]  }
0xb5: {  	v58 =	vld [tilespmem:s25+$0xFFFFFCE0]  }
0xb6: {  	v59 =	vld [tilespmem:s25+$0xFFFFFD60]  }
0xb7: {  	v60 =	vld [tilespmem:s25+$0xFFFFFDE0]  }
0xb8: {  	v61 =	vld [tilespmem:s25+$0xFFFFFE60]  }
0xb9: {  	v62 =	vld [tilespmem:s25+$0xFFFFFEE0]  }
0xba: {  	v63 =	vld [tilespmem:s25+$0xFFFFFF60]  }
0xbb: {  	v18 =	vld [tilespmem:s25+$0xFFFFFFE0]  }
0xbc: {  	v19 =	vld [tilespmem:s25+$0x60]  }
0xbd: {  	v20 =	vld [tilespmem:s25+$0xE0]  }
0xbe: {  	v21 =	vld [tilespmem:s25+$0x160]  }
0xbf: {  	v22 =	vld [tilespmem:s25+$0x1E0]  }
0xc0: {  	v23 =	vld [tilespmem:s25+$0x260]  }
0xc1: {  	v24 =	vld [tilespmem:s25+$0x2E0]  }
0xc2: {  	v25 =	vld [tilespmem:s25+$0x360]  }
0xc3: {  	v26 =	vld [tilespmem:s25+$0x3E0];
	_ =	sdelay $0x1  }
0xc4: {  	v0 =	vadd.bf16 v58, v0;
	v27 =	vadd.bf16 v60, v59  }
0xc5: {  	v28 =	vadd.bf16 v62, v61;
	v29 =	vadd.bf16 v18, v63  }
0xc6: {  	v30 =	vadd.bf16 v20, v19;
	v31 =	vadd.bf16 v22, v21  }
0xc7: {  	v32 =	vadd.bf16 v24, v23;
	v33 =	vadd.bf16 v26, v25  }
0xc8: {  	v0 =	vadd.bf16 v27, v0;
	v34 =	vadd.bf16 v29, v28  }
0xc9: {  	v35 =	vadd.bf16 v31, v30;
	v36 =	vadd.bf16 v33, v32;
	_ =	sdelay $0x1  }
0xca: {  	v0 =	vadd.bf16 v34, v0;
	v37 =	vadd.bf16 v36, v35;
	_ =	sdelay $0x1  }
0xcb: {  	v0 =	vadd.bf16 v37, v0;
	_ =	sdelay $0x1  }
0xcc: {  	[tilespmem:s26+$0x12060] =	vst v0  }
0xcd: {  	v0 =	vld [tilespmem:s25+$0xFFFFFC70]  }
0xce: {  	v38 =	vld [tilespmem:s25+$0xFFFFFCF0]  }
0xcf: {  	v39 =	vld [tilespmem:s25+$0xFFFFFD70]  }
0xd0: {  	v40 =	vld [tilespmem:s25+$0xFFFFFDF0]  }
0xd1: {  	v41 =	vld [tilespmem:s25+$0xFFFFFE70]  }
0xd2: {  	v42 =	vld [tilespmem:s25+$0xFFFFFEF0]  }
0xd3: {  	v43 =	vld [tilespmem:s25+$0xFFFFFF70]  }
0xd4: {  	v44 =	vld [tilespmem:s25+$0xFFFFFFF0]  }
0xd5: {  	v45 =	vld [tilespmem:s25+$0x70]  }
0xd6: {  	v46 =	vld [tilespmem:s25+$0xF0]  }
0xd7: {  	v47 =	vld [tilespmem:s25+$0x170]  }
0xd8: {  	v48 =	vld [tilespmem:s25+$0x1F0]  }
0xd9: {  	v49 =	vld [tilespmem:s25+$0x270]  }
0xda: {  	v50 =	vld [tilespmem:s25+$0x2F0]  }
0xdb: {  	v51 =	vld [tilespmem:s25+$0x370]  }
0xdc: {  	v52 =	vld [tilespmem:s25+$0x3F0];
	_ =	sdelay $0x1  }
0xdd: {  	v0 =	vadd.bf16 v38, v0;
	v53 =	vadd.bf16 v40, v39  }
0xde: {  	v54 =	vadd.bf16 v42, v41;
	v55 =	vadd.bf16 v44, v43  }
0xdf: {  	v56 =	vadd.bf16 v46, v45;
	v57 =	vadd.bf16 v48, v47  }
0xe0: {  	v58 =	vadd.bf16 v50, v49;
	v59 =	vadd.bf16 v52, v51  }
0xe1: {  	v0 =	vadd.bf16 v53, v0;
	v60 =	vadd.bf16 v55, v54  }
0xe2: {  	v61 =	vadd.bf16 v57, v56;
	v62 =	vadd.bf16 v59, v58  }
0xe3: {  	p1 =	sne.s32 s24, $0x1E00  }
.Ltmp0:
0xe4: {  	v0 =	vadd.bf16 v60, v0;
	v63 =	vadd.bf16 v62, v61;
	(pc) =	sbr.rel @p1 .LBB2_3-.Ltmp0, $3  }
0xe5: {  	_ = 	snop  }
0xe6: {  	v0 =	vadd.bf16 v63, v0;
	_ =	sdelay $0x1  }
0xe7: {  	s24 =	sadd.s32 $0x200, s24;
	s25 =	sadd.s32 $0x800, s25;
	[tilespmem:s26+$0x12070] =	vst v0  }
0xe8: {  	s24 =	sshll.u32 s22, $0xC  }
0xe9: {  	s24 =	sadd.s32 s8, s24  }
0xea: {  	s24 =	sshrl.u32 s24, $0x3  }
0xeb: {  	s24 =	sadd.s32 s5, s24  }
0xec: {  	[hbm4b:s24+s3] =	stream.linear.scatter [tilespmem:s16], [sflag:$0x3], $0x800, $0x38;
	[tilespmem:$0x13000] =	vst v63  }
0xed: {  	s24 =	sadd.s32 $0x2, s23  }
0xee: {  	p1 =	sge.u32 s24, s4  }
0xef: {  	s24 =	sshll.u32 @!p1 s24, $0x8  }
0xf0: {  	s25 =	simm.s32 @!p1 $0x100;
	s26 =	simm.s32 @!p1 $0x2000;
	s24 =	sand.u32 @!p1 $0x3FFFFF00, s24  }
0xf1: {  	[tilespmem:s26], [sflag:$0x1] =	stream.indirect.gather @!p1 [hbm4b:s2+s25], $0x80, s24, s25, $0xb8;
	[tilespmem:$0x13000] =	vst v63  }
0xf2: {  	_ =	swait.ge [sflag:s17], $0x8000  }
0xf3: {  	[sflag:s17] =	ssyncset.done $0x0  }
0xf4: {  	s24 =	simm.s32 @!p0 $0x4;
	[sflag:s17] =	ssyncadd.s32 $0xFFFF8000  }
0xf5: {  	_ =	swait.ge @!p0 [sflag:s24], $0x800  }
0xf6: {  	[sflag:s24] =	ssyncset.done @!p0 $0x0  }
0xf7: {  	s25 =	simm.s32 $0x12870;
	[sflag:s24] =	ssyncadd.s32 @!p0 $0xFFFFF800;
	s24 =	simm.s32 $0x0  }
.LBB2_5:
0xf8: {  	s26 =	sshra.s32 s24, $0x2  }
0xf9: {  	v0 =	vld [tilespmem:s26+$0xA000]  }
0xfa: {  	v1 =	vld [tilespmem:s26+$0xA080]  }
0xfb: {  	v2 =	vld [tilespmem:s26+$0xA100]  }
0xfc: {  	v3 =	vld [tilespmem:s26+$0xA180]  }
0xfd: {  	v4 =	vld [tilespmem:s26+$0xA200]  }
0xfe: {  	v5 =	vld [tilespmem:s26+$0xA280]  }
0xff: {  	v6 =	vld [tilespmem:s26+$0xA300]  }
0x100: {  	v7 =	vld [tilespmem:s26+$0xA380]  }
0x101: {  	v8 =	vld [tilespmem:s26+$0xA400]  }
0x102: {  	v9 =	vld [tilespmem:s26+$0xA480]  }
0x103: {  	v10 =	vld [tilespmem:s26+$0xA500]  }
0x104: {  	v11 =	vld [tilespmem:s26+$0xA580]  }
0x105: {  	v12 =	vld [tilespmem:s26+$0xA600]  }
0x106: {  	v13 =	vld [tilespmem:s26+$0xA680]  }
0x107: {  	v14 =	vld [tilespmem:s26+$0xA700]  }
0x108: {  	v15 =	vld [tilespmem:s26+$0xA780];
	_ =	sdelay $0x1  }
0x109: {  	v0 =	vadd.bf16 v1, v0;
	v61 =	vadd.bf16 v3, v2  }
0x10a: {  	v62 =	vadd.bf16 v5, v4;
	v63 =	vadd.bf16 v7, v6  }
0x10b: {  	v9 =	vadd.bf16 v9, v8;
	v11 =	vadd.bf16 v11, v10  }
0x10c: {  	v16 =	vadd.bf16 v13, v12;
	v17 =	vadd.bf16 v15, v14  }
0x10d: {  	v0 =	vadd.bf16 v61, v0;
	v18 =	vadd.bf16 v63, v62  }
0x10e: {  	v19 =	vadd.bf16 v11, v9;
	v20 =	vadd.bf16 v17, v16;
	_ =	sdelay $0x1  }
0x10f: {  	v0 =	vadd.bf16 v18, v0;
	v21 =	vadd.bf16 v20, v19;
	_ =	sdelay $0x1  }
0x110: {  	v0 =	vadd.bf16 v21, v0;
	_ =	sdelay $0x1  }
0x111: {  	[tilespmem:s25+$0xFFFFFF90] =	vst v0  }
0x112: {  	v0 =	vld [tilespmem:s26+$0xA010]  }
0x113: {  	v22 =	vld [tilespmem:s26+$0xA090]  }
0x114: {  	v23 =	vld [tilespmem:s26+$0xA110]  }
0x115: {  	v24 =	vld [tilespmem:s26+$0xA190]  }
0x116: {  	v25 =	vld [tilespmem:s26+$0xA210]  }
0x117: {  	v26 =	vld [tilespmem:s26+$0xA290]  }
0x118: {  	v27 =	vld [tilespmem:s26+$0xA310]  }
0x119: {  	v28 =	vld [tilespmem:s26+$0xA390]  }
0x11a: {  	v29 =	vld [tilespmem:s26+$0xA410]  }
0x11b: {  	v30 =	vld [tilespmem:s26+$0xA490]  }
0x11c: {  	v31 =	vld [tilespmem:s26+$0xA510]  }
0x11d: {  	v32 =	vld [tilespmem:s26+$0xA590]  }
0x11e: {  	v33 =	vld [tilespmem:s26+$0xA610]  }
0x11f: {  	v34 =	vld [tilespmem:s26+$0xA690]  }
0x120: {  	v35 =	vld [tilespmem:s26+$0xA710]  }
0x121: {  	v36 =	vld [tilespmem:s26+$0xA790];
	_ =	sdelay $0x1  }
0x122: {  	v0 =	vadd.bf16 v22, v0;
	v37 =	vadd.bf16 v24, v23  }
0x123: {  	v38 =	vadd.bf16 v26, v25;
	v39 =	vadd.bf16 v28, v27  }
0x124: {  	v40 =	vadd.bf16 v30, v29;
	v41 =	vadd.bf16 v32, v31  }
0x125: {  	v42 =	vadd.bf16 v34, v33;
	v43 =	vadd.bf16 v36, v35  }
0x126: {  	v0 =	vadd.bf16 v37, v0;
	v44 =	vadd.bf16 v39, v38  }
0x127: {  	v45 =	vadd.bf16 v41, v40;
	v46 =	vadd.bf16 v43, v42;
	_ =	sdelay $0x1  }
0x128: {  	v0 =	vadd.bf16 v44, v0;
	v47 =	vadd.bf16 v46, v45;
	_ =	sdelay $0x1  }
0x129: {  	v0 =	vadd.bf16 v47, v0;
	_ =	sdelay $0x1  }
0x12a: {  	[tilespmem:s25+$0xFFFFFFA0] =	vst v0  }
0x12b: {  	v0 =	vld [tilespmem:s26+$0xA020]  }
0x12c: {  	v48 =	vld [tilespmem:s26+$0xA0A0]  }
0x12d: {  	v49 =	vld [tilespmem:s26+$0xA120]  }
0x12e: {  	v50 =	vld [tilespmem:s26+$0xA1A0]  }
0x12f: {  	v51 =	vld [tilespmem:s26+$0xA220]  }
0x130: {  	v52 =	vld [tilespmem:s26+$0xA2A0]  }
0x131: {  	v53 =	vld [tilespmem:s26+$0xA320]  }
0x132: {  	v54 =	vld [tilespmem:s26+$0xA3A0]  }
0x133: {  	v55 =	vld [tilespmem:s26+$0xA420]  }
0x134: {  	v56 =	vld [tilespmem:s26+$0xA4A0]  }
0x135: {  	v57 =	vld [tilespmem:s26+$0xA520]  }
0x136: {  	v58 =	vld [tilespmem:s26+$0xA5A0]  }
0x137: {  	v59 =	vld [tilespmem:s26+$0xA620]  }
0x138: {  	v60 =	vld [tilespmem:s26+$0xA6A0]  }
0x139: {  	v61 =	vld [tilespmem:s26+$0xA720]  }
0x13a: {  	v62 =	vld [tilespmem:s26+$0xA7A0];
	_ =	sdelay $0x1  }
0x13b: {  	v0 =	vadd.bf16 v48, v0;
	v63 =	vadd.bf16 v50, v49  }
0x13c: {  	v16 =	vadd.bf16 v52, v51;
	v17 =	vadd.bf16 v54, v53  }
0x13d: {  	v18 =	vadd.bf16 v56, v55;
	v19 =	vadd.bf16 v58, v57  }
0x13e: {  	v20 =	vadd.bf16 v60, v59;
	v21 =	vadd.bf16 v62, v61  }
0x13f: {  	v0 =	vadd.bf16 v63, v0;
	v22 =	vadd.bf16 v17, v16  }
0x140: {  	v23 =	vadd.bf16 v19, v18;
	v24 =	vadd.bf16 v21, v20;
	_ =	sdelay $0x1  }
0x141: {  	v0 =	vadd.bf16 v22, v0;
	v25 =	vadd.bf16 v24, v23;
	_ =	sdelay $0x1  }
0x142: {  	v0 =	vadd.bf16 v25, v0;
	_ =	sdelay $0x1  }
0x143: {  	[tilespmem:s25+$0xFFFFFFB0] =	vst v0  }
0x144: {  	v0 =	vld [tilespmem:s26+$0xA030]  }
0x145: {  	v26 =	vld [tilespmem:s26+$0xA0B0]  }
0x146: {  	v27 =	vld [tilespmem:s26+$0xA130]  }
0x147: {  	v28 =	vld [tilespmem:s26+$0xA1B0]  }
0x148: {  	v29 =	vld [tilespmem:s26+$0xA230]  }
0x149: {  	v30 =	vld [tilespmem:s26+$0xA2B0]  }
0x14a: {  	v31 =	vld [tilespmem:s26+$0xA330]  }
0x14b: {  	v32 =	vld [tilespmem:s26+$0xA3B0]  }
0x14c: {  	v33 =	vld [tilespmem:s26+$0xA430]  }
0x14d: {  	v34 =	vld [tilespmem:s26+$0xA4B0]  }
0x14e: {  	v35 =	vld [tilespmem:s26+$0xA530]  }
0x14f: {  	v36 =	vld [tilespmem:s26+$0xA5B0]  }
0x150: {  	v37 =	vld [tilespmem:s26+$0xA630]  }
0x151: {  	v38 =	vld [tilespmem:s26+$0xA6B0]  }
0x152: {  	v39 =	vld [tilespmem:s26+$0xA730]  }
0x153: {  	v40 =	vld [tilespmem:s26+$0xA7B0];
	_ =	sdelay $0x1  }
0x154: {  	v0 =	vadd.bf16 v26, v0;
	v41 =	vadd.bf16 v28, v27  }
0x155: {  	v42 =	vadd.bf16 v30, v29;
	v43 =	vadd.bf16 v32, v31  }
0x156: {  	v44 =	vadd.bf16 v34, v33;
	v45 =	vadd.bf16 v36, v35  }
0x157: {  	v46 =	vadd.bf16 v38, v37;
	v47 =	vadd.bf16 v40, v39  }
0x158: {  	v0 =	vadd.bf16 v41, v0;
	v48 =	vadd.bf16 v43, v42  }
0x159: {  	v49 =	vadd.bf16 v45, v44;
	v50 =	vadd.bf16 v47, v46;
	_ =	sdelay $0x1  }
0x15a: {  	v0 =	vadd.bf16 v48, v0;
	v51 =	vadd.bf16 v50, v49;
	_ =	sdelay $0x1  }
0x15b: {  	v0 =	vadd.bf16 v51, v0;
	_ =	sdelay $0x1  }
0x15c: {  	[tilespmem:s25+$0xFFFFFFC0] =	vst v0  }
0x15d: {  	v0 =	vld [tilespmem:s26+$0xA040]  }
0x15e: {  	v52 =	vld [tilespmem:s26+$0xA0C0]  }
0x15f: {  	v53 =	vld [tilespmem:s26+$0xA140]  }
0x160: {  	v54 =	vld [tilespmem:s26+$0xA1C0]  }
0x161: {  	v55 =	vld [tilespmem:s26+$0xA240]  }
0x162: {  	v56 =	vld [tilespmem:s26+$0xA2C0]  }
0x163: {  	v57 =	vld [tilespmem:s26+$0xA340]  }
0x164: {  	v58 =	vld [tilespmem:s26+$0xA3C0]  }
0x165: {  	v59 =	vld [tilespmem:s26+$0xA440]  }
0x166: {  	v60 =	vld [tilespmem:s26+$0xA4C0]  }
0x167: {  	v61 =	vld [tilespmem:s26+$0xA540]  }
0x168: {  	v62 =	vld [tilespmem:s26+$0xA5C0]  }
0x169: {  	v63 =	vld [tilespmem:s26+$0xA640]  }
0x16a: {  	v18 =	vld [tilespmem:s26+$0xA6C0]  }
0x16b: {  	v19 =	vld [tilespmem:s26+$0xA740]  }
0x16c: {  	v20 =	vld [tilespmem:s26+$0xA7C0];
	_ =	sdelay $0x1  }
0x16d: {  	v0 =	vadd.bf16 v52, v0;
	v21 =	vadd.bf16 v54, v53  }
0x16e: {  	v22 =	vadd.bf16 v56, v55;
	v23 =	vadd.bf16 v58, v57  }
0x16f: {  	v24 =	vadd.bf16 v60, v59;
	v25 =	vadd.bf16 v62, v61  }
0x170: {  	v26 =	vadd.bf16 v18, v63;
	v27 =	vadd.bf16 v20, v19  }
0x171: {  	v0 =	vadd.bf16 v21, v0;
	v28 =	vadd.bf16 v23, v22  }
0x172: {  	v29 =	vadd.bf16 v25, v24;
	v30 =	vadd.bf16 v27, v26;
	_ =	sdelay $0x1  }
0x173: {  	v0 =	vadd.bf16 v28, v0;
	v31 =	vadd.bf16 v30, v29;
	_ =	sdelay $0x1  }
0x174: {  	v0 =	vadd.bf16 v31, v0;
	_ =	sdelay $0x1  }
0x175: {  	[tilespmem:s25+$0xFFFFFFD0] =	vst v0  }
0x176: {  	v0 =	vld [tilespmem:s26+$0xA050]  }
0x177: {  	v32 =	vld [tilespmem:s26+$0xA0D0]  }
0x178: {  	v33 =	vld [tilespmem:s26+$0xA150]  }
0x179: {  	v34 =	vld [tilespmem:s26+$0xA1D0]  }
0x17a: {  	v35 =	vld [tilespmem:s26+$0xA250]  }
0x17b: {  	v36 =	vld [tilespmem:s26+$0xA2D0]  }
0x17c: {  	v37 =	vld [tilespmem:s26+$0xA350]  }
0x17d: {  	v38 =	vld [tilespmem:s26+$0xA3D0]  }
0x17e: {  	v39 =	vld [tilespmem:s26+$0xA450]  }
0x17f: {  	v40 =	vld [tilespmem:s26+$0xA4D0]  }
0x180: {  	v41 =	vld [tilespmem:s26+$0xA550]  }
0x181: {  	v42 =	vld [tilespmem:s26+$0xA5D0]  }
0x182: {  	v43 =	vld [tilespmem:s26+$0xA650]  }
0x183: {  	v44 =	vld [tilespmem:s26+$0xA6D0]  }
0x184: {  	v45 =	vld [tilespmem:s26+$0xA750]  }
0x185: {  	v46 =	vld [tilespmem:s26+$0xA7D0];
	_ =	sdelay $0x1  }
0x186: {  	v0 =	vadd.bf16 v32, v0;
	v47 =	vadd.bf16 v34, v33  }
0x187: {  	v48 =	vadd.bf16 v36, v35;
	v49 =	vadd.bf16 v38, v37  }
0x188: {  	v50 =	vadd.bf16 v40, v39;
	v51 =	vadd.bf16 v42, v41  }
0x189: {  	v52 =	vadd.bf16 v44, v43;
	v53 =	vadd.bf16 v46, v45  }
0x18a: {  	v0 =	vadd.bf16 v47, v0;
	v54 =	vadd.bf16 v49, v48  }
0x18b: {  	v55 =	vadd.bf16 v51, v50;
	v56 =	vadd.bf16 v53, v52;
	_ =	sdelay $0x1  }
0x18c: {  	v0 =	vadd.bf16 v54, v0;
	v57 =	vadd.bf16 v56, v55;
	_ =	sdelay $0x1  }
0x18d: {  	v0 =	vadd.bf16 v57, v0;
	_ =	sdelay $0x1  }
0x18e: {  	[tilespmem:s25+$0xFFFFFFE0] =	vst v0  }
0x18f: {  	v0 =	vld [tilespmem:s26+$0xA060]  }
0x190: {  	v58 =	vld [tilespmem:s26+$0xA0E0]  }
0x191: {  	v59 =	vld [tilespmem:s26+$0xA160]  }
0x192: {  	v60 =	vld [tilespmem:s26+$0xA1E0]  }
0x193: {  	v61 =	vld [tilespmem:s26+$0xA260]  }
0x194: {  	v62 =	vld [tilespmem:s26+$0xA2E0]  }
0x195: {  	v63 =	vld [tilespmem:s26+$0xA360]  }
0x196: {  	v18 =	vld [tilespmem:s26+$0xA3E0]  }
0x197: {  	v19 =	vld [tilespmem:s26+$0xA460]  }
0x198: {  	v20 =	vld [tilespmem:s26+$0xA4E0]  }
0x199: {  	v21 =	vld [tilespmem:s26+$0xA560]  }
0x19a: {  	v22 =	vld [tilespmem:s26+$0xA5E0]  }
0x19b: {  	v23 =	vld [tilespmem:s26+$0xA660]  }
0x19c: {  	v24 =	vld [tilespmem:s26+$0xA6E0]  }
0x19d: {  	v25 =	vld [tilespmem:s26+$0xA760]  }
0x19e: {  	v26 =	vld [tilespmem:s26+$0xA7E0];
	_ =	sdelay $0x1  }
0x19f: {  	v0 =	vadd.bf16 v58, v0;
	v27 =	vadd.bf16 v60, v59  }
0x1a0: {  	v28 =	vadd.bf16 v62, v61;
	v29 =	vadd.bf16 v18, v63  }
0x1a1: {  	v30 =	vadd.bf16 v20, v19;
	v31 =	vadd.bf16 v22, v21  }
0x1a2: {  	v32 =	vadd.bf16 v24, v23;
	v33 =	vadd.bf16 v26, v25  }
0x1a3: {  	v0 =	vadd.bf16 v27, v0;
	v34 =	vadd.bf16 v29, v28  }
0x1a4: {  	v35 =	vadd.bf16 v31, v30;
	v36 =	vadd.bf16 v33, v32;
	_ =	sdelay $0x1  }
0x1a5: {  	v0 =	vadd.bf16 v34, v0;
	v37 =	vadd.bf16 v36, v35;
	_ =	sdelay $0x1  }
0x1a6: {  	v0 =	vadd.bf16 v37, v0;
	_ =	sdelay $0x1  }
0x1a7: {  	[tilespmem:s25+$0xFFFFFFF0] =	vst v0  }
0x1a8: {  	v0 =	vld [tilespmem:s26+$0xA070]  }
0x1a9: {  	v38 =	vld [tilespmem:s26+$0xA0F0]  }
0x1aa: {  	v39 =	vld [tilespmem:s26+$0xA170]  }
0x1ab: {  	v40 =	vld [tilespmem:s26+$0xA1F0]  }
0x1ac: {  	v41 =	vld [tilespmem:s26+$0xA270]  }
0x1ad: {  	v42 =	vld [tilespmem:s26+$0xA2F0]  }
0x1ae: {  	v43 =	vld [tilespmem:s26+$0xA370]  }
0x1af: {  	v44 =	vld [tilespmem:s26+$0xA3F0]  }
0x1b0: {  	v45 =	vld [tilespmem:s26+$0xA470]  }
0x1b1: {  	v46 =	vld [tilespmem:s26+$0xA4F0]  }
0x1b2: {  	v47 =	vld [tilespmem:s26+$0xA570]  }
0x1b3: {  	v48 =	vld [tilespmem:s26+$0xA5F0]  }
0x1b4: {  	v49 =	vld [tilespmem:s26+$0xA670]  }
0x1b5: {  	v50 =	vld [tilespmem:s26+$0xA6F0]  }
0x1b6: {  	v51 =	vld [tilespmem:s26+$0xA770]  }
0x1b7: {  	v52 =	vld [tilespmem:s26+$0xA7F0];
	_ =	sdelay $0x1  }
0x1b8: {  	v0 =	vadd.bf16 v38, v0;
	v53 =	vadd.bf16 v40, v39  }
0x1b9: {  	v54 =	vadd.bf16 v42, v41;
	v55 =	vadd.bf16 v44, v43  }
0x1ba: {  	v56 =	vadd.bf16 v46, v45;
	v57 =	vadd.bf16 v48, v47  }
0x1bb: {  	v58 =	vadd.bf16 v50, v49;
	v59 =	vadd.bf16 v52, v51  }
0x1bc: {  	v0 =	vadd.bf16 v53, v0;
	v60 =	vadd.bf16 v55, v54  }
0x1bd: {  	v61 =	vadd.bf16 v57, v56;
	v62 =	vadd.bf16 v59, v58  }
0x1be: {  	p0 =	sne.s32 s24, $0x1E000  }
.Ltmp1:
0x1bf: {  	v0 =	vadd.bf16 v60, v0;
	v63 =	vadd.bf16 v62, v61;
	(pc) =	sbr.rel @p0 .LBB2_5-.Ltmp1, $3  }
0x1c0: {  	_ = 	snop  }
0x1c1: {  	v0 =	vadd.bf16 v63, v0;
	_ =	sdelay $0x1  }
0x1c2: {  	s24 =	sadd.s32 $0x2000, s24;
	[tilespmem:s25+$0x0] =	vst v0;
	s25 =	sadd.s32 $0x80, s25  }
0x1c3: {  	s24 =	sshll.u32 s22, $0x9;
	s23 =	sadd.s32 $0x3, s23  }
0x1c4: {  	s24 =	sadd.s32 s10, s24;
	p0 =	sge.u32 s23, s4  }
0x1c5: {  	[hbm4b:s24+s3] =	stream.linear.scatter [tilespmem:s18], [sflag:$0x4], $0x800, $0x38;
	[tilespmem:$0x13000] =	vst v63  }
0x1c6: {  	s22 =	sadd.s32 $0x1, s22;
	s23 =	sshll.u32 @!p0 s23, $0x8  }
0x1c7: {  	s24 =	simm.s32 @!p0 $0x100;
	s25 =	simm.s32 @!p0 $0xA000;
	s23 =	sand.u32 @!p0 $0x3FFFFF00, s23  }
0x1c8: {  	[tilespmem:s25], [sflag:$0x2] =	stream.indirect.gather @!p0 [hbm4b:s2+s24], $0x80, s23, s24, $0xb8;
	[tilespmem:$0x13000] =	vst v63  }
0x1c9: {  	p0 =	sne.s32 s22, s7  }
.Ltmp2:
0x1ca: {  	_ = 	snop;
	(pc) =	sbr.rel @p0 .LBB2_2-.Ltmp2, $1  }
0x1cb: {  	_ =	sdelay $0x3  }
0x1cc: {  	s21 =	sadd.s32 $0x1, s21  }
0x1cd: {  	_ =	swait.ge [sflag:s19], $0x800;
	p0 =	sne.s32 s21, s9  }
.Ltmp3:
0x1ce: {  	[sflag:s19] =	ssyncset.done $0x0;
	(pc) =	sbr.rel @p0 .LBB2_1-.Ltmp3, $4  }
0x1cf: {  	[sflag:s19] =	ssyncadd.s32 $0xFFFFF800  }
0x1d0: {  	_ =	swait.ge [sflag:s20], $0x800  }
0x1d1: {  	[sflag:s20] =	ssyncset.done $0x0  }
0x1d2: {  	[sflag:s20] =	ssyncadd.s32 $0xFFFFF800  }
0x1d3: {  	_ =	sfence.sel $0x180000  }
0x1d4: {  	[bflag:$0x0] =	sbarrier.arrive $0xFFFF  }
0x1d5: {  	p0 =	sne.s32 s1, $0x0;
	_ =	strace $0x90000047  }
0x1d6: {  	s0 =	sadd.s32 @!p0 $0x100000, s0;
	[bflag:$0x2] =	sbarrier.arrive $0xFFFF  }
0x1d7: {  	[sflag:s0] =	ssyncadd.tile.s32 @!p0 $0x1;
	_ =	shalt  }
.Lfunc_end2:
_tile_overlayer_lowered:
.L_overlay_start_2:
0x1d8: {  	(tag) =	ssettag $0x2  }
0x1d9: {  	s0 =	rddreg [dreg:$0x0];
	s2 =	stileid.u32  }
0x1da: {  	s1 =	rddreg [dreg:$0x1];
	p0 =	sne.s32 s2, $0x0  }
0x1db: {  	s3 =	rddreg [dreg:$0x2];
	[bflag:$0x3] =	sbarrier.arrive $0xFFFF;
	s2 =	simm.s32 @!p0 $0x1C05  }
0x1dc: {  	[timem:s3], [sflag:s2] =	dma.local @!p0 [hbm:s0], s1  }
0x1dd: {  	s0 =	simm.s32 @!p0 $0x5  }
0x1de: {  	_ =	swait.ge @!p0 [sflag:s0], s1  }
0x1df: {  	s1 =	ssub.s32 @!p0 $0x0, s1;
	[sflag:s0] =	ssyncset.done @!p0 $0x0  }
0x1e0: {  	[sflag:s0] =	ssyncadd.s32 @!p0 s1  }
0x1e1: {  	[bflag:$0x3] =	sbarrier.arrive $0xFFFF  }
0x1e2: {  	_ =	shalt  }

</sc_bundles>
